<compile_context>
chip_gen: v7x
topology: tpu7x:2x2x1
jax: 0.10.2.dev20260603
libtpu: 0.0.44.dev20260713+nightly
codegen_flags: <defaults>
</compile_context>

<pallas_src>
import functools

import jax
import jax.numpy as jnp
from jax import lax
from jax.experimental import pallas as pl
from jax.experimental.pallas import tpu as pltpu
from jax.experimental.pallas import tpu_sc as plsc

B, C, D = 64, 768, 576
RN = B * D
NC, NS = 2, 16
NW = NC * NS
CH = 32
RPW = RN // NW
NCH = RPW // CH
NJ = C // 16


@functools.partial(
    pl.kernel,
    mesh=plsc.VectorSubcoreMesh(core_axis_name="c", subcore_axis_name="s"),
    out_type=jax.ShapeDtypeStruct((RN, C), jnp.float32),
    scratch_types=[
        pltpu.VMEM((NCH, CH), jnp.int32),
        pltpu.VMEM((NJ, 16), jnp.int32),
        pltpu.VMEM((CH, 1024), jnp.float32),
        pltpu.VMEM((CH, 1024), jnp.float32),
        pltpu.VMEM((CH, C), jnp.float32),
        pltpu.VMEM((CH, C), jnp.float32),
        pltpu.SemaphoreType.DMA,
        pltpu.SemaphoreType.DMA,
        pltpu.SemaphoreType.DMA,
        pltpu.SemaphoreType.DMA,
    ],
    compiler_params=pltpu.CompilerParams(needs_layout_passes=False),
)
def _sc_permute_lanes(x_hbm, ridx_hbm, pcol_hbm, out_hbm,
                      ridx_v, pcol_v, vb0, vb1, ob0, ob1,
                      gs0, gs1, ss0, ss1):
    wid = lax.axis_index("s") * NC + lax.axis_index("c")
    pltpu.sync_copy(ridx_hbm.at[wid], ridx_v)
    pltpu.sync_copy(pcol_hbm, pcol_v)

    vbufs = (vb0, vb1)
    obufs = (ob0, ob1)
    gsems = (gs0, gs1)
    ssems = (ss0, ss1)

    def start_gather(chunk, b):
        pltpu.async_copy(x_hbm.at[ridx_v.at[chunk]],
                         vbufs[b].at[:, pl.ds(0, C)], gsems[b])

    def start_scatter(chunk, b):
        pltpu.async_copy(obufs[b], out_hbm.at[ridx_v.at[chunk]], ssems[b])

    def drain_g(b):
        pltpu.make_async_copy(x_hbm.at[pl.ds(0, CH)],
                              vbufs[b].at[:, pl.ds(0, C)], gsems[b]).wait()

    def drain_s(b):
        pltpu.make_async_copy(x_hbm.at[pl.ds(0, CH)], obufs[b],
                              ssems[b]).wait()

    def permute(b):
        vb, ob = vbufs[b], obufs[b]
        for half in range(3):
            pcs = [pcol_v[half * 16 + t] for t in range(16)]

            def row_body(r, pcs=pcs, half=half, vb=vb, ob=ob):
                i0 = jnp.full((16,), r, jnp.int32)
                for t in range(16):
                    j = half * 16 + t
                    ob[r, pl.ds(j * 16, 16)] = plsc.load_gather(
                        vb, [i0, pcs[t]])

            plsc.parallel_loop(0, CH, 1)(row_body)

    start_gather(0, 0)
    start_gather(1, 1)

    def step(p, carry):
        for b in range(2):
            cur = 2 * p + b
            drain_g(b)

            @pl.when(cur >= 2)
            def _wait_prev_scatter(b=b):
                drain_s(b)

            permute(b)
            start_scatter(cur, b)

            @pl.when(cur + 2 < NCH)
            def _gather_next(b=b, cur=cur):
                start_gather(cur + 2, b)
        return carry

    lax.fori_loop(0, NCH // 2, step, 0, unroll=False)
    drain_s(0)
    drain_s(1)


def kernel(inp):
    perm = jax.random.permutation(jax.random.key(1), C).astype(jnp.int32)
    pcol = perm.reshape(NJ, 16)
    ridx = jnp.arange(RN, dtype=jnp.int32).reshape(NW, NCH, CH)
    x2d = jnp.transpose(inp, (0, 2, 1)).reshape(RN, C)
    out2d = _sc_permute_lanes(x2d, ridx, pcol)
    return out2d.reshape(B, D, C).transpose(0, 2, 1)

# --- scband reference (transcript-rebuilt; emitter-appended) ---
"""Pipeline reference for scband-permute-channels-75033078661798 (READ-ONLY COPY).

The authoritative reference and input builder live on the scoring server;
editing this copy changes nothing except your own understanding.
"""

import jax, jax.numpy as jnp
import numpy as np


def setup_inputs(seed: int = 0) -> dict:
    key = jax.random.key(seed)
    inp = jax.random.normal(key, (64, 768, 576), dtype=jnp.float32)
    return {"inp": inp}


def reference(inp):
    # probability=1.0 -> augmentation is always applied.
    # torch.randperm(inp.shape[1]) -> deterministic jax permutation with fixed key.
    perm = jax.random.permutation(jax.random.key(1), inp.shape[1])
    # gather along channel axis (axis=1): inp[:, permute, :]
    out = jnp.take(inp, perm, axis=1)
    return out

if __name__ == "__main__":
    import jax
    _d = setup_inputs()
    print(jax.jit(kernel)(*tuple(_d.values())))

</pallas_src>

<mosaic_0001>
#map = affine_map<(d0, d1) -> (0, 0)>
#map1 = affine_map<(d0, d1) -> (0, 0, 0)>
module attributes {stable_mosaic.version = 14 : i64} {
  func.func @_sc_permute_lanes(%arg0: i32, %arg1: i32, %arg2: memref<36864x768xf32, #tpu.memory_space<hbm>>, %arg3: memref<32x36x32xi32, #tpu.memory_space<hbm>>, %arg4: memref<48x16xi32, #tpu.memory_space<hbm>>, %arg5: memref<36864x768xf32, #tpu.memory_space<hbm>>, %arg6: memref<36x32xi32, #tpu.memory_space<vmem>>, %arg7: memref<48x16xi32, #tpu.memory_space<vmem>>, %arg8: memref<32x1024xf32, #tpu.memory_space<vmem>>, %arg9: memref<32x1024xf32, #tpu.memory_space<vmem>>, %arg10: memref<32x768xf32, #tpu.memory_space<vmem>>, %arg11: memref<32x768xf32, #tpu.memory_space<vmem>>, %arg12: memref<!tpu.dma_semaphore, #tpu.memory_space<semaphore_mem>>, %arg13: memref<!tpu.dma_semaphore, #tpu.memory_space<semaphore_mem>>, %arg14: memref<!tpu.dma_semaphore, #tpu.memory_space<semaphore_mem>>, %arg15: memref<!tpu.dma_semaphore, #tpu.memory_space<semaphore_mem>>) attributes {dimension_semantics = [#tpu.dimension_semantics<core_parallel>, #tpu.dimension_semantics<subcore_parallel>], iteration_bounds = array<i64: 2, 16>, scalar_prefetch = 0 : i64, scratch_operands = 10 : i64, tpu.core_type = #tpu.core_type<sc_vector_subcore>, window_params = [{transform_indices = #map}, {transform_indices = #map1}, {transform_indices = #map}, {transform_indices = #map}]} {
    %mul3A = arith.constant 2 : i32
    %mul3A_0 = arith.muli %arg1, %mul3A : i32
    %add3A = arith.addi %mul3A_0, %arg0 : i32
    "tpu.region"() ({
      %run_scoped3A = tpu.sem_alloc : memref<!tpu.dma_semaphore, #tpu.memory_space<semaphore_mem>>
      %dma_start3A_36 = arith.constant 0 : i32
      %dma_start3A_37 = arith.constant 0 : i32
      %dma_start3A_38 = tpu.memref_slice %arg3[%add3A, %dma_start3A_36, %dma_start3A_37] : memref<32x36x32xi32, #tpu.memory_space<hbm>> -> memref<1x36x32xi32, #tpu.memory_space<hbm>>
      %dma_start3A_39 = tpu.memref_squeeze %dma_start3A_38 : memref<1x36x32xi32, #tpu.memory_space<hbm>> -> memref<36x32xi32, #tpu.memory_space<hbm>>
      %dma_start3A_40 = arith.constant 0 : i32
      %dma_start3A_41 = arith.constant 0 : i32
      %dma_start3A_42 = tpu.memref_slice %arg3[%add3A, %dma_start3A_40, %dma_start3A_41] : memref<32x36x32xi32, #tpu.memory_space<hbm>> -> memref<1x36x32xi32, #tpu.memory_space<hbm>>
      %dma_start3A_43 = tpu.memref_squeeze %dma_start3A_42 : memref<1x36x32xi32, #tpu.memory_space<hbm>> -> memref<36x32xi32, #tpu.memory_space<hbm>>
      tpu.enqueue_dma source(%dma_start3A_43 : memref<36x32xi32, #tpu.memory_space<hbm>>) target(%arg6 : memref<36x32xi32, #tpu.memory_space<vmem>>) target_semaphore(%run_scoped3A : memref<!tpu.dma_semaphore, #tpu.memory_space<semaphore_mem>>)
      %dma_wait3A_44 = arith.constant 0 : i32
      %dma_wait3A_45 = arith.constant 0 : i32
      %dma_wait3A_46 = tpu.memref_slice %arg3[%add3A, %dma_wait3A_44, %dma_wait3A_45] : memref<32x36x32xi32, #tpu.memory_space<hbm>> -> memref<1x36x32xi32, #tpu.memory_space<hbm>>
      %dma_wait3A_47 = tpu.memref_squeeze %dma_wait3A_46 : memref<1x36x32xi32, #tpu.memory_space<hbm>> -> memref<36x32xi32, #tpu.memory_space<hbm>>
      %dma_wait3A_48 = arith.constant 0 : i32
      %dma_wait3A_49 = arith.constant 0 : i32
      %dma_wait3A_50 = tpu.memref_slice %arg3[%add3A, %dma_wait3A_48, %dma_wait3A_49] : memref<32x36x32xi32, #tpu.memory_space<hbm>> -> memref<1x36x32xi32, #tpu.memory_space<hbm>>
      %dma_wait3A_51 = tpu.memref_squeeze %dma_wait3A_50 : memref<1x36x32xi32, #tpu.memory_space<hbm>> -> memref<36x32xi32, #tpu.memory_space<hbm>>
      tpu.wait_dma2 semaphore(%run_scoped3A : memref<!tpu.dma_semaphore, #tpu.memory_space<semaphore_mem>>) src(%dma_wait3A_51 : memref<36x32xi32, #tpu.memory_space<hbm>>) dst(%arg6 : memref<36x32xi32, #tpu.memory_space<vmem>>)
      tpu.yield
    }) : () -> ()
    "tpu.region"() ({
      %run_scoped3A = tpu.sem_alloc : memref<!tpu.dma_semaphore, #tpu.memory_space<semaphore_mem>>
      tpu.enqueue_dma source(%arg4 : memref<48x16xi32, #tpu.memory_space<hbm>>) target(%arg7 : memref<48x16xi32, #tpu.memory_space<vmem>>) target_semaphore(%run_scoped3A : memref<!tpu.dma_semaphore, #tpu.memory_space<semaphore_mem>>)
      tpu.wait_dma2 semaphore(%run_scoped3A : memref<!tpu.dma_semaphore, #tpu.memory_space<semaphore_mem>>) src(%arg4 : memref<48x16xi32, #tpu.memory_space<hbm>>) dst(%arg7 : memref<48x16xi32, #tpu.memory_space<vmem>>)
      tpu.yield
    }) : () -> ()
    %dma_start3A = arith.constant 0 : i32
    %dma_start3A_1 = arith.constant 0 : i32
    %dma_start3A_2 = arith.constant 0 : i32
    %dma_start3A_3 = tpu.memref_slice %arg8[%dma_start3A_1, %dma_start3A_2] : memref<32x1024xf32, #tpu.memory_space<vmem>> -> memref<32x768xf32, #tpu.memory_space<vmem>>
    %dma_start3A_4 = arith.constant 0 : i32
    %dma_start3A_5 = tpu.memref_slice %arg6[%dma_start3A, %dma_start3A_4] : memref<36x32xi32, #tpu.memory_space<vmem>> -> memref<1x32xi32, #tpu.memory_space<vmem>>
    %dma_start3A_6 = tpu.memref_squeeze %dma_start3A_5 : memref<1x32xi32, #tpu.memory_space<vmem>> -> memref<32xi32, #tpu.memory_space<vmem>>
    %dma_start3A_7 = arith.constant 0 : i32
    %dma_start3A_8 = arith.constant 0 : i32
    %dma_start3A_9 = tpu.memref_slice %arg2[%dma_start3A_7, %dma_start3A_8] : memref<36864x768xf32, #tpu.memory_space<hbm>> -> memref<36864x768xf32, #tpu.memory_space<hbm>>
    tpu.enqueue_indirect_dma source(%dma_start3A_9 : memref<36864x768xf32, #tpu.memory_space<hbm>>) target(%dma_start3A_3 : memref<32x768xf32, #tpu.memory_space<vmem>>) offsets(%dma_start3A_6 : memref<32xi32, #tpu.memory_space<vmem>>) semaphore(%arg12 : memref<!tpu.dma_semaphore, #tpu.memory_space<semaphore_mem>>)
    %dma_start3A_10 = arith.constant 1 : i32
    %dma_start3A_11 = arith.constant 0 : i32
    %dma_start3A_12 = arith.constant 0 : i32
    %dma_start3A_13 = tpu.memref_slice %arg9[%dma_start3A_11, %dma_start3A_12] : memref<32x1024xf32, #tpu.memory_space<vmem>> -> memref<32x768xf32, #tpu.memory_space<vmem>>
    %dma_start3A_14 = arith.constant 0 : i32
    %dma_start3A_15 = tpu.memref_slice %arg6[%dma_start3A_10, %dma_start3A_14] : memref<36x32xi32, #tpu.memory_space<vmem>> -> memref<1x32xi32, #tpu.memory_space<vmem>>
    %dma_start3A_16 = tpu.memref_squeeze %dma_start3A_15 : memref<1x32xi32, #tpu.memory_space<vmem>> -> memref<32xi32, #tpu.memory_space<vmem>>
    %dma_start3A_17 = arith.constant 0 : i32
    %dma_start3A_18 = arith.constant 0 : i32
    %dma_start3A_19 = tpu.memref_slice %arg2[%dma_start3A_17, %dma_start3A_18] : memref<36864x768xf32, #tpu.memory_space<hbm>> -> memref<36864x768xf32, #tpu.memory_space<hbm>>
    tpu.enqueue_indirect_dma source(%dma_start3A_19 : memref<36864x768xf32, #tpu.memory_space<hbm>>) target(%dma_start3A_13 : memref<32x768xf32, #tpu.memory_space<vmem>>) offsets(%dma_start3A_16 : memref<32xi32, #tpu.memory_space<vmem>>) semaphore(%arg13 : memref<!tpu.dma_semaphore, #tpu.memory_space<semaphore_mem>>)
    %scan3A = arith.constant 0 : i32
    %scan3A_20 = arith.constant 0 : i32
    %scan3A_21 = arith.constant 18 : i32
    %scan3A_22 = arith.addi %scan3A_20, %scan3A_21 : i32
    %scan3A_23 = arith.constant 1 : i32
    scf.for %scan3A_36 = %scan3A_20 to %scan3A_22 step %scan3A_23  : i32 {
      %mul3A_37 = arith.constant 2 : i32
      %mul3A_38 = arith.muli %mul3A_37, %scan3A_36 : i32
      %add3A_39 = arith.constant 0 : i32
      %add3A_40 = arith.addi %mul3A_38, %add3A_39 : i32
      %dma_wait3A_41 = arith.constant 0 : i32
      %dma_wait3A_42 = arith.constant 0 : i32
      %dma_wait3A_43 = tpu.memref_slice %arg8[%dma_wait3A_41, %dma_wait3A_42] : memref<32x1024xf32, #tpu.memory_space<vmem>> -> memref<32x768xf32, #tpu.memory_space<vmem>>
      %dma_wait3A_44 = arith.constant 0 : i32
      %dma_wait3A_45 = arith.constant 0 : i32
      %dma_wait3A_46 = tpu.memref_slice %arg2[%dma_wait3A_44, %dma_wait3A_45] : memref<36864x768xf32, #tpu.memory_space<hbm>> -> memref<32x768xf32, #tpu.memory_space<hbm>>
      %dma_wait3A_47 = arith.constant 0 : i32
      %dma_wait3A_48 = arith.constant 0 : i32
      %dma_wait3A_49 = tpu.memref_slice %arg8[%dma_wait3A_47, %dma_wait3A_48] : memref<32x1024xf32, #tpu.memory_space<vmem>> -> memref<32x768xf32, #tpu.memory_space<vmem>>
      %dma_wait3A_50 = arith.constant 0 : i32
      %dma_wait3A_51 = arith.constant 0 : i32
      %dma_wait3A_52 = tpu.memref_slice %arg2[%dma_wait3A_50, %dma_wait3A_51] : memref<36864x768xf32, #tpu.memory_space<hbm>> -> memref<32x768xf32, #tpu.memory_space<hbm>>
      tpu.wait_dma2 semaphore(%arg12 : memref<!tpu.dma_semaphore, #tpu.memory_space<semaphore_mem>>) src(%dma_wait3A_52 : memref<32x768xf32, #tpu.memory_space<hbm>>) dst(%dma_wait3A_49 : memref<32x768xf32, #tpu.memory_space<vmem>>)
      %ge3A = arith.constant 2 : i32
      %ge3A_53 = arith.cmpi sge, %add3A_40, %ge3A : i32
      %convert_element_type3A = arith.extui %ge3A_53 : i1 to i32
      %cond3A = arith.constant 0 : i32
      %cond3A_54 = arith.cmpi ne, %convert_element_type3A, %cond3A : i32
      scf.if %cond3A_54 {
        %dma_wait3A_501 = arith.constant 0 : i32
        %dma_wait3A_502 = arith.constant 0 : i32
        %dma_wait3A_503 = tpu.memref_slice %arg2[%dma_wait3A_501, %dma_wait3A_502] : memref<36864x768xf32, #tpu.memory_space<hbm>> -> memref<32x768xf32, #tpu.memory_space<hbm>>
        %dma_wait3A_504 = arith.constant 0 : i32
        %dma_wait3A_505 = arith.constant 0 : i32
        %dma_wait3A_506 = tpu.memref_slice %arg2[%dma_wait3A_504, %dma_wait3A_505] : memref<36864x768xf32, #tpu.memory_space<hbm>> -> memref<32x768xf32, #tpu.memory_space<hbm>>
        tpu.wait_dma2 semaphore(%arg14 : memref<!tpu.dma_semaphore, #tpu.memory_space<semaphore_mem>>) src(%dma_wait3A_506 : memref<32x768xf32, #tpu.memory_space<hbm>>) dst(%arg10 : memref<32x768xf32, #tpu.memory_space<vmem>>)
      } else {
      }
      %get3A = arith.constant 0 : i32
      %get3A_55 = arith.index_cast %get3A : i32 to index
      %get3A_56 = arith.constant 0 : index
      %get3A_57 = tpu.vector_load %arg7[%get3A_55, %get3A_56] {strides = array<i32>} : memref<48x16xi32, #tpu.memory_space<vmem>>, vector<16xi32>,
      %get3A_58 = arith.constant 1 : i32
      %get3A_59 = arith.index_cast %get3A_58 : i32 to index
      %get3A_60 = arith.constant 0 : index
      %get3A_61 = tpu.vector_load %arg7[%get3A_59, %get3A_60] {strides = array<i32>} : memref<48x16xi32, #tpu.memory_space<vmem>>, vector<16xi32>,
      %get3A_62 = arith.constant 2 : i32
      %get3A_63 = arith.index_cast %get3A_62 : i32 to index
      %get3A_64 = arith.constant 0 : index
      %get3A_65 = tpu.vector_load %arg7[%get3A_63, %get3A_64] {strides = array<i32>} : memref<48x16xi32, #tpu.memory_space<vmem>>, vector<16xi32>,
      %get3A_66 = arith.constant 3 : i32
      %get3A_67 = arith.index_cast %get3A_66 : i32 to index
      %get3A_68 = arith.constant 0 : index
      %get3A_69 = tpu.vector_load %arg7[%get3A_67, %get3A_68] {strides = array<i32>} : memref<48x16xi32, #tpu.memory_space<vmem>>, vector<16xi32>,
      %get3A_70 = arith.constant 4 : i32
      %get3A_71 = arith.index_cast %get3A_70 : i32 to index
      %get3A_72 = arith.constant 0 : index
      %get3A_73 = tpu.vector_load %arg7[%get3A_71, %get3A_72] {strides = array<i32>} : memref<48x16xi32, #tpu.memory_space<vmem>>, vector<16xi32>,
      %get3A_74 = arith.constant 5 : i32
      %get3A_75 = arith.index_cast %get3A_74 : i32 to index
      %get3A_76 = arith.constant 0 : index
      %get3A_77 = tpu.vector_load %arg7[%get3A_75, %get3A_76] {strides = array<i32>} : memref<48x16xi32, #tpu.memory_space<vmem>>, vector<16xi32>,
      %get3A_78 = arith.constant 6 : i32
      %get3A_79 = arith.index_cast %get3A_78 : i32 to index
      %get3A_80 = arith.constant 0 : index
      %get3A_81 = tpu.vector_load %arg7[%get3A_79, %get3A_80] {strides = array<i32>} : memref<48x16xi32, #tpu.memory_space<vmem>>, vector<16xi32>,
      %get3A_82 = arith.constant 7 : i32
      %get3A_83 = arith.index_cast %get3A_82 : i32 to index
      %get3A_84 = arith.constant 0 : index
      %get3A_85 = tpu.vector_load %arg7[%get3A_83, %get3A_84] {strides = array<i32>} : memref<48x16xi32, #tpu.memory_space<vmem>>, vector<16xi32>,
      %get3A_86 = arith.constant 8 : i32
      %get3A_87 = arith.index_cast %get3A_86 : i32 to index
      %get3A_88 = arith.constant 0 : index
      %get3A_89 = tpu.vector_load %arg7[%get3A_87, %get3A_88] {strides = array<i32>} : memref<48x16xi32, #tpu.memory_space<vmem>>, vector<16xi32>,
      %get3A_90 = arith.constant 9 : i32
      %get3A_91 = arith.index_cast %get3A_90 : i32 to index
      %get3A_92 = arith.constant 0 : index
      %get3A_93 = tpu.vector_load %arg7[%get3A_91, %get3A_92] {strides = array<i32>} : memref<48x16xi32, #tpu.memory_space<vmem>>, vector<16xi32>,
      %get3A_94 = arith.constant 10 : i32
      %get3A_95 = arith.index_cast %get3A_94 : i32 to index
      %get3A_96 = arith.constant 0 : index
      %get3A_97 = tpu.vector_load %arg7[%get3A_95, %get3A_96] {strides = array<i32>} : memref<48x16xi32, #tpu.memory_space<vmem>>, vector<16xi32>,
      %get3A_98 = arith.constant 11 : i32
      %get3A_99 = arith.index_cast %get3A_98 : i32 to index
      %get3A_100 = arith.constant 0 : index
      %get3A_101 = tpu.vector_load %arg7[%get3A_99, %get3A_100] {strides = array<i32>} : memref<48x16xi32, #tpu.memory_space<vmem>>, vector<16xi32>,
      %get3A_102 = arith.constant 12 : i32
      %get3A_103 = arith.index_cast %get3A_102 : i32 to index
      %get3A_104 = arith.constant 0 : index
      %get3A_105 = tpu.vector_load %arg7[%get3A_103, %get3A_104] {strides = array<i32>} : memref<48x16xi32, #tpu.memory_space<vmem>>, vector<16xi32>,
      %get3A_106 = arith.constant 13 : i32
      %get3A_107 = arith.index_cast %get3A_106 : i32 to index
      %get3A_108 = arith.constant 0 : index
      %get3A_109 = tpu.vector_load %arg7[%get3A_107, %get3A_108] {strides = array<i32>} : memref<48x16xi32, #tpu.memory_space<vmem>>, vector<16xi32>,
      %get3A_110 = arith.constant 14 : i32
      %get3A_111 = arith.index_cast %get3A_110 : i32 to index
      %get3A_112 = arith.constant 0 : index
      %get3A_113 = tpu.vector_load %arg7[%get3A_111, %get3A_112] {strides = array<i32>} : memref<48x16xi32, #tpu.memory_space<vmem>>, vector<16xi32>,
      %get3A_114 = arith.constant 15 : i32
      %get3A_115 = arith.index_cast %get3A_114 : i32 to index
      %get3A_116 = arith.constant 0 : index
      %get3A_117 = tpu.vector_load %arg7[%get3A_115, %get3A_116] {strides = array<i32>} : memref<48x16xi32, #tpu.memory_space<vmem>>, vector<16xi32>,
      %parallel_loop3A = arith.constant 0 : i32
      %parallel_loop3A_118 = arith.constant 32 : i32
      %parallel_loop3A_119 = arith.constant 1 : i32
      scf.for %parallel_loop3A_501 = %parallel_loop3A to %parallel_loop3A_118 step %parallel_loop3A_119  : i32 {
        %parallel_loop3A_502 = vector.broadcast %parallel_loop3A_501 : i32 to vector<16xi32>
        %parallel_loop3A_503 = tpu.vector_load_idx %arg8[%parallel_loop3A_502, %get3A_57] : memref<32x1024xf32, #tpu.memory_space<vmem>>[vector<16xi32>, vector<16xi32>], vector<16xf32>,
        %parallel_loop3A_504 = arith.index_cast %parallel_loop3A_501 : i32 to index
        %parallel_loop3A_505 = arith.constant 0 : index
        %parallel_loop3A_506 = tpu.vector_load %arg10[%parallel_loop3A_504, %parallel_loop3A_505] {strides = array<i32>} : memref<32x768xf32, #tpu.memory_space<vmem>>, vector<16xf32>,
        tpu.vector_store %arg10[%parallel_loop3A_504, %parallel_loop3A_505], %parallel_loop3A_503 {strides = array<i32>} : memref<32x768xf32, #tpu.memory_space<vmem>>, vector<16xf32>,
        %parallel_loop3A_507 = tpu.vector_load_idx %arg8[%parallel_loop3A_502, %get3A_61] : memref<32x1024xf32, #tpu.memory_space<vmem>>[vector<16xi32>, vector<16xi32>], vector<16xf32>,
        %parallel_loop3A_508 = arith.index_cast %parallel_loop3A_501 : i32 to index
        %parallel_loop3A_509 = arith.constant 16 : index
        %parallel_loop3A_510 = tpu.vector_load %arg10[%parallel_loop3A_508, %parallel_loop3A_509] {strides = array<i32>} : memref<32x768xf32, #tpu.memory_space<vmem>>, vector<16xf32>,
        tpu.vector_store %arg10[%parallel_loop3A_508, %parallel_loop3A_509], %parallel_loop3A_507 {strides = array<i32>} : memref<32x768xf32, #tpu.memory_space<vmem>>, vector<16xf32>,
        %parallel_loop3A_511 = tpu.vector_load_idx %arg8[%parallel_loop3A_502, %get3A_65] : memref<32x1024xf32, #tpu.memory_space<vmem>>[vector<16xi32>, vector<16xi32>], vector<16xf32>,
        %parallel_loop3A_512 = arith.index_cast %parallel_loop3A_501 : i32 to index
        %parallel_loop3A_513 = arith.constant 32 : index
        %parallel_loop3A_514 = tpu.vector_load %arg10[%parallel_loop3A_512, %parallel_loop3A_513] {strides = array<i32>} : memref<32x768xf32, #tpu.memory_space<vmem>>, vector<16xf32>,
        tpu.vector_store %arg10[%parallel_loop3A_512, %parallel_loop3A_513], %parallel_loop3A_511 {strides = array<i32>} : memref<32x768xf32, #tpu.memory_space<vmem>>, vector<16xf32>,
        %parallel_loop3A_515 = tpu.vector_load_idx %arg8[%parallel_loop3A_502, %get3A_69] : memref<32x1024xf32, #tpu.memory_space<vmem>>[vector<16xi32>, vector<16xi32>], vector<16xf32>,
        %parallel_loop3A_516 = arith.index_cast %parallel_loop3A_501 : i32 to index
        %parallel_loop3A_517 = arith.constant 48 : index
        %parallel_loop3A_518 = tpu.vector_load %arg10[%parallel_loop3A_516, %parallel_loop3A_517] {strides = array<i32>} : memref<32x768xf32, #tpu.memory_space<vmem>>, vector<16xf32>,
        tpu.vector_store %arg10[%parallel_loop3A_516, %parallel_loop3A_517], %parallel_loop3A_515 {strides = array<i32>} : memref<32x768xf32, #tpu.memory_space<vmem>>, vector<16xf32>,
        %parallel_loop3A_519 = tpu.vector_load_idx %arg8[%parallel_loop3A_502, %get3A_73] : memref<32x1024xf32, #tpu.memory_space<vmem>>[vector<16xi32>, vector<16xi32>], vector<16xf32>,
        %parallel_loop3A_520 = arith.index_cast %parallel_loop3A_501 : i32 to index
        %parallel_loop3A_521 = arith.constant 64 : index
        %parallel_loop3A_522 = tpu.vector_load %arg10[%parallel_loop3A_520, %parallel_loop3A_521] {strides = array<i32>} : memref<32x768xf32, #tpu.memory_space<vmem>>, vector<16xf32>,
        tpu.vector_store %arg10[%parallel_loop3A_520, %parallel_loop3A_521], %parallel_loop3A_519 {strides = array<i32>} : memref<32x768xf32, #tpu.memory_space<vmem>>, vector<16xf32>,
        %parallel_loop3A_523 = tpu.vector_load_idx %arg8[%parallel_loop3A_502, %get3A_77] : memref<32x1024xf32, #tpu.memory_space<vmem>>[vector<16xi32>, vector<16xi32>], vector<16xf32>,
        %parallel_loop3A_524 = arith.index_cast %parallel_loop3A_501 : i32 to index
        %parallel_loop3A_525 = arith.constant 80 : index
        %parallel_loop3A_526 = tpu.vector_load %arg10[%parallel_loop3A_524, %parallel_loop3A_525] {strides = array<i32>} : memref<32x768xf32, #tpu.memory_space<vmem>>, vector<16xf32>,
        tpu.vector_store %arg10[%parallel_loop3A_524, %parallel_loop3A_525], %parallel_loop3A_523 {strides = array<i32>} : memref<32x768xf32, #tpu.memory_space<vmem>>, vector<16xf32>,
        %parallel_loop3A_527 = tpu.vector_load_idx %arg8[%parallel_loop3A_502, %get3A_81] : memref<32x1024xf32, #tpu.memory_space<vmem>>[vector<16xi32>, vector<16xi32>], vector<16xf32>,
        %parallel_loop3A_528 = arith.index_cast %parallel_loop3A_501 : i32 to index
        %parallel_loop3A_529 = arith.constant 96 : index
        %parallel_loop3A_530 = tpu.vector_load %arg10[%parallel_loop3A_528, %parallel_loop3A_529] {strides = array<i32>} : memref<32x768xf32, #tpu.memory_space<vmem>>, vector<16xf32>,
        tpu.vector_store %arg10[%parallel_loop3A_528, %parallel_loop3A_529], %parallel_loop3A_527 {strides = array<i32>} : memref<32x768xf32, #tpu.memory_space<vmem>>, vector<16xf32>,
        %parallel_loop3A_531 = tpu.vector_load_idx %arg8[%parallel_loop3A_502, %get3A_85] : memref<32x1024xf32, #tpu.memory_space<vmem>>[vector<16xi32>, vector<16xi32>], vector<16xf32>,
        %parallel_loop3A_532 = arith.index_cast %parallel_loop3A_501 : i32 to index
        %parallel_loop3A_533 = arith.constant 112 : index
        %parallel_loop3A_534 = tpu.vector_load %arg10[%parallel_loop3A_532, %parallel_loop3A_533] {strides = array<i32>} : memref<32x768xf32, #tpu.memory_space<vmem>>, vector<16xf32>,
        tpu.vector_store %arg10[%parallel_loop3A_532, %parallel_loop3A_533], %parallel_loop3A_531 {strides = array<i32>} : memref<32x768xf32, #tpu.memory_space<vmem>>, vector<16xf32>,
        %parallel_loop3A_535 = tpu.vector_load_idx %arg8[%parallel_loop3A_502, %get3A_89] : memref<32x1024xf32, #tpu.memory_space<vmem>>[vector<16xi32>, vector<16xi32>], vector<16xf32>,
        %parallel_loop3A_536 = arith.index_cast %parallel_loop3A_501 : i32 to index
        %parallel_loop3A_537 = arith.constant 128 : index
        %parallel_loop3A_538 = tpu.vector_load %arg10[%parallel_loop3A_536, %parallel_loop3A_537] {strides = array<i32>} : memref<32x768xf32, #tpu.memory_space<vmem>>, vector<16xf32>,
        tpu.vector_store %arg10[%parallel_loop3A_536, %parallel_loop3A_537], %parallel_loop3A_535 {strides = array<i32>} : memref<32x768xf32, #tpu.memory_space<vmem>>, vector<16xf32>,
        %parallel_loop3A_539 = tpu.vector_load_idx %arg8[%parallel_loop3A_502, %get3A_93] : memref<32x1024xf32, #tpu.memory_space<vmem>>[vector<16xi32>, vector<16xi32>], vector<16xf32>,
        %parallel_loop3A_540 = arith.index_cast %parallel_loop3A_501 : i32 to index
        %parallel_loop3A_541 = arith.constant 144 : index
        %parallel_loop3A_542 = tpu.vector_load %arg10[%parallel_loop3A_540, %parallel_loop3A_541] {strides = array<i32>} : memref<32x768xf32, #tpu.memory_space<vmem>>, vector<16xf32>,
        tpu.vector_store %arg10[%parallel_loop3A_540, %parallel_loop3A_541], %parallel_loop3A_539 {strides = array<i32>} : memref<32x768xf32, #tpu.memory_space<vmem>>, vector<16xf32>,
        %parallel_loop3A_543 = tpu.vector_load_idx %arg8[%parallel_loop3A_502, %get3A_97] : memref<32x1024xf32, #tpu.memory_space<vmem>>[vector<16xi32>, vector<16xi32>], vector<16xf32>,
        %parallel_loop3A_544 = arith.index_cast %parallel_loop3A_501 : i32 to index
        %parallel_loop3A_545 = arith.constant 160 : index
        %parallel_loop3A_546 = tpu.vector_load %arg10[%parallel_loop3A_544, %parallel_loop3A_545] {strides = array<i32>} : memref<32x768xf32, #tpu.memory_space<vmem>>, vector<16xf32>,
        tpu.vector_store %arg10[%parallel_loop3A_544, %parallel_loop3A_545], %parallel_loop3A_543 {strides = array<i32>} : memref<32x768xf32, #tpu.memory_space<vmem>>, vector<16xf32>,
        %parallel_loop3A_547 = tpu.vector_load_idx %arg8[%parallel_loop3A_502, %get3A_101] : memref<32x1024xf32, #tpu.memory_space<vmem>>[vector<16xi32>, vector<16xi32>], vector<16xf32>,
        %parallel_loop3A_548 = arith.index_cast %parallel_loop3A_501 : i32 to index
        %parallel_loop3A_549 = arith.constant 176 : index
        %parallel_loop3A_550 = tpu.vector_load %arg10[%parallel_loop3A_548, %parallel_loop3A_549] {strides = array<i32>} : memref<32x768xf32, #tpu.memory_space<vmem>>, vector<16xf32>,
        tpu.vector_store %arg10[%parallel_loop3A_548, %parallel_loop3A_549], %parallel_loop3A_547 {strides = array<i32>} : memref<32x768xf32, #tpu.memory_space<vmem>>, vector<16xf32>,
        %parallel_loop3A_551 = tpu.vector_load_idx %arg8[%parallel_loop3A_502, %get3A_105] : memref<32x1024xf32, #tpu.memory_space<vmem>>[vector<16xi32>, vector<16xi32>], vector<16xf32>,
        %parallel_loop3A_552 = arith.index_cast %parallel_loop3A_501 : i32 to index
        %parallel_loop3A_553 = arith.constant 192 : index
        %parallel_loop3A_554 = tpu.vector_load %arg10[%parallel_loop3A_552, %parallel_loop3A_553] {strides = array<i32>} : memref<32x768xf32, #tpu.memory_space<vmem>>, vector<16xf32>,
        tpu.vector_store %arg10[%parallel_loop3A_552, %parallel_loop3A_553], %parallel_loop3A_551 {strides = array<i32>} : memref<32x768xf32, #tpu.memory_space<vmem>>, vector<16xf32>,
        %parallel_loop3A_555 = tpu.vector_load_idx %arg8[%parallel_loop3A_502, %get3A_109] : memref<32x1024xf32, #tpu.memory_space<vmem>>[vector<16xi32>, vector<16xi32>], vector<16xf32>,
        %parallel_loop3A_556 = arith.index_cast %parallel_loop3A_501 : i32 to index
        %parallel_loop3A_557 = arith.constant 208 : index
        %parallel_loop3A_558 = tpu.vector_load %arg10[%parallel_loop3A_556, %parallel_loop3A_557] {strides = array<i32>} : memref<32x768xf32, #tpu.memory_space<vmem>>, vector<16xf32>,
        tpu.vector_store %arg10[%parallel_loop3A_556, %parallel_loop3A_557], %parallel_loop3A_555 {strides = array<i32>} : memref<32x768xf32, #tpu.memory_space<vmem>>, vector<16xf32>,
        %parallel_loop3A_559 = tpu.vector_load_idx %arg8[%parallel_loop3A_502, %get3A_113] : memref<32x1024xf32, #tpu.memory_space<vmem>>[vector<16xi32>, vector<16xi32>], vector<16xf32>,
        %parallel_loop3A_560 = arith.index_cast %parallel_loop3A_501 : i32 to index
        %parallel_loop3A_561 = arith.constant 224 : index
        %parallel_loop3A_562 = tpu.vector_load %arg10[%parallel_loop3A_560, %parallel_loop3A_561] {strides = array<i32>} : memref<32x768xf32, #tpu.memory_space<vmem>>, vector<16xf32>,
        tpu.vector_store %arg10[%parallel_loop3A_560, %parallel_loop3A_561], %parallel_loop3A_559 {strides = array<i32>} : memref<32x768xf32, #tpu.memory_space<vmem>>, vector<16xf32>,
        %parallel_loop3A_563 = tpu.vector_load_idx %arg8[%parallel_loop3A_502, %get3A_117] : memref<32x1024xf32, #tpu.memory_space<vmem>>[vector<16xi32>, vector<16xi32>], vector<16xf32>,
        %parallel_loop3A_564 = arith.index_cast %parallel_loop3A_501 : i32 to index
        %parallel_loop3A_565 = arith.constant 240 : index
        %parallel_loop3A_566 = tpu.vector_load %arg10[%parallel_loop3A_564, %parallel_loop3A_565] {strides = array<i32>} : memref<32x768xf32, #tpu.memory_space<vmem>>, vector<16xf32>,
        tpu.vector_store %arg10[%parallel_loop3A_564, %parallel_loop3A_565], %parallel_loop3A_563 {strides = array<i32>} : memref<32x768xf32, #tpu.memory_space<vmem>>, vector<16xf32>,
      } {sc.loop_unroll_factor = 1 : i64, sc.parallel_access}
      %get3A_120 = arith.constant 16 : i32
      %get3A_121 = arith.index_cast %get3A_120 : i32 to index
      %get3A_122 = arith.constant 0 : index
      %get3A_123 = tpu.vector_load %arg7[%get3A_121, %get3A_122] {strides = array<i32>} : memref<48x16xi32, #tpu.memory_space<vmem>>, vector<16xi32>,
      %get3A_124 = arith.constant 17 : i32
      %get3A_125 = arith.index_cast %get3A_124 : i32 to index
      %get3A_126 = arith.constant 0 : index
      %get3A_127 = tpu.vector_load %arg7[%get3A_125, %get3A_126] {strides = array<i32>} : memref<48x16xi32, #tpu.memory_space<vmem>>, vector<16xi32>,
      %get3A_128 = arith.constant 18 : i32
      %get3A_129 = arith.index_cast %get3A_128 : i32 to index
      %get3A_130 = arith.constant 0 : index
      %get3A_131 = tpu.vector_load %arg7[%get3A_129, %get3A_130] {strides = array<i32>} : memref<48x16xi32, #tpu.memory_space<vmem>>, vector<16xi32>,
      %get3A_132 = arith.constant 19 : i32
      %get3A_133 = arith.index_cast %get3A_132 : i32 to index
      %get3A_134 = arith.constant 0 : index
      %get3A_135 = tpu.vector_load %arg7[%get3A_133, %get3A_134] {strides = array<i32>} : memref<48x16xi32, #tpu.memory_space<vmem>>, vector<16xi32>,
      %get3A_136 = arith.constant 20 : i32
      %get3A_137 = arith.index_cast %get3A_136 : i32 to index
      %get3A_138 = arith.constant 0 : index
      %get3A_139 = tpu.vector_load %arg7[%get3A_137, %get3A_138] {strides = array<i32>} : memref<48x16xi32, #tpu.memory_space<vmem>>, vector<16xi32>,
      %get3A_140 = arith.constant 21 : i32
      %get3A_141 = arith.index_cast %get3A_140 : i32 to index
      %get3A_142 = arith.constant 0 : index
      %get3A_143 = tpu.vector_load %arg7[%get3A_141, %get3A_142] {strides = array<i32>} : memref<48x16xi32, #tpu.memory_space<vmem>>, vector<16xi32>,
      %get3A_144 = arith.constant 22 : i32
      %get3A_145 = arith.index_cast %get3A_144 : i32 to index
      %get3A_146 = arith.constant 0 : index
      %get3A_147 = tpu.vector_load %arg7[%get3A_145, %get3A_146] {strides = array<i32>} : memref<48x16xi32, #tpu.memory_space<vmem>>, vector<16xi32>,
      %get3A_148 = arith.constant 23 : i32
      %get3A_149 = arith.index_cast %get3A_148 : i32 to index
      %get3A_150 = arith.constant 0 : index
      %get3A_151 = tpu.vector_load %arg7[%get3A_149, %get3A_150] {strides = array<i32>} : memref<48x16xi32, #tpu.memory_space<vmem>>, vector<16xi32>,
      %get3A_152 = arith.constant 24 : i32
      %get3A_153 = arith.index_cast %get3A_152 : i32 to index
      %get3A_154 = arith.constant 0 : index
      %get3A_155 = tpu.vector_load %arg7[%get3A_153, %get3A_154] {strides = array<i32>} : memref<48x16xi32, #tpu.memory_space<vmem>>, vector<16xi32>,
      %get3A_156 = arith.constant 25 : i32
      %get3A_157 = arith.index_cast %get3A_156 : i32 to index
      %get3A_158 = arith.constant 0 : index
      %get3A_159 = tpu.vector_load %arg7[%get3A_157, %get3A_158] {strides = array<i32>} : memref<48x16xi32, #tpu.memory_space<vmem>>, vector<16xi32>,
      %get3A_160 = arith.constant 26 : i32
      %get3A_161 = arith.index_cast %get3A_160 : i32 to index
      %get3A_162 = arith.constant 0 : index
      %get3A_163 = tpu.vector_load %arg7[%get3A_161, %get3A_162] {strides = array<i32>} : memref<48x16xi32, #tpu.memory_space<vmem>>, vector<16xi32>,
      %get3A_164 = arith.constant 27 : i32
      %get3A_165 = arith.index_cast %get3A_164 : i32 to index
      %get3A_166 = arith.constant 0 : index
      %get3A_167 = tpu.vector_load %arg7[%get3A_165, %get3A_166] {strides = array<i32>} : memref<48x16xi32, #tpu.memory_space<vmem>>, vector<16xi32>,
      %get3A_168 = arith.constant 28 : i32
      %get3A_169 = arith.index_cast %get3A_168 : i32 to index
      %get3A_170 = arith.constant 0 : index
      %get3A_171 = tpu.vector_load %arg7[%get3A_169, %get3A_170] {strides = array<i32>} : memref<48x16xi32, #tpu.memory_space<vmem>>, vector<16xi32>,
      %get3A_172 = arith.constant 29 : i32
      %get3A_173 = arith.index_cast %get3A_172 : i32 to index
      %get3A_174 = arith.constant 0 : index
      %get3A_175 = tpu.vector_load %arg7[%get3A_173, %get3A_174] {strides = array<i32>} : memref<48x16xi32, #tpu.memory_space<vmem>>, vector<16xi32>,
      %get3A_176 = arith.constant 30 : i32
      %get3A_177 = arith.index_cast %get3A_176 : i32 to index
      %get3A_178 = arith.constant 0 : index
      %get3A_179 = tpu.vector_load %arg7[%get3A_177, %get3A_178] {strides = array<i32>} : memref<48x16xi32, #tpu.memory_space<vmem>>, vector<16xi32>,
      %get3A_180 = arith.constant 31 : i32
      %get3A_181 = arith.index_cast %get3A_180 : i32 to index
      %get3A_182 = arith.constant 0 : index
      %get3A_183 = tpu.vector_load %arg7[%get3A_181, %get3A_182] {strides = array<i32>} : memref<48x16xi32, #tpu.memory_space<vmem>>, vector<16xi32>,
      %parallel_loop3A_184 = arith.constant 0 : i32
      %parallel_loop3A_185 = arith.constant 32 : i32
      %parallel_loop3A_186 = arith.constant 1 : i32
      scf.for %parallel_loop3A_501 = %parallel_loop3A_184 to %parallel_loop3A_185 step %parallel_loop3A_186  : i32 {
        %parallel_loop3A_502 = vector.broadcast %parallel_loop3A_501 : i32 to vector<16xi32>
        %parallel_loop3A_503 = tpu.vector_load_idx %arg8[%parallel_loop3A_502, %get3A_123] : memref<32x1024xf32, #tpu.memory_space<vmem>>[vector<16xi32>, vector<16xi32>], vector<16xf32>,
        %parallel_loop3A_504 = arith.index_cast %parallel_loop3A_501 : i32 to index
        %parallel_loop3A_505 = arith.constant 256 : index
        %parallel_loop3A_506 = tpu.vector_load %arg10[%parallel_loop3A_504, %parallel_loop3A_505] {strides = array<i32>} : memref<32x768xf32, #tpu.memory_space<vmem>>, vector<16xf32>,
        tpu.vector_store %arg10[%parallel_loop3A_504, %parallel_loop3A_505], %parallel_loop3A_503 {strides = array<i32>} : memref<32x768xf32, #tpu.memory_space<vmem>>, vector<16xf32>,
        %parallel_loop3A_507 = tpu.vector_load_idx %arg8[%parallel_loop3A_502, %get3A_127] : memref<32x1024xf32, #tpu.memory_space<vmem>>[vector<16xi32>, vector<16xi32>], vector<16xf32>,
        %parallel_loop3A_508 = arith.index_cast %parallel_loop3A_501 : i32 to index
        %parallel_loop3A_509 = arith.constant 272 : index
        %parallel_loop3A_510 = tpu.vector_load %arg10[%parallel_loop3A_508, %parallel_loop3A_509] {strides = array<i32>} : memref<32x768xf32, #tpu.memory_space<vmem>>, vector<16xf32>,
        tpu.vector_store %arg10[%parallel_loop3A_508, %parallel_loop3A_509], %parallel_loop3A_507 {strides = array<i32>} : memref<32x768xf32, #tpu.memory_space<vmem>>, vector<16xf32>,
        %parallel_loop3A_511 = tpu.vector_load_idx %arg8[%parallel_loop3A_502, %get3A_131] : memref<32x1024xf32, #tpu.memory_space<vmem>>[vector<16xi32>, vector<16xi32>], vector<16xf32>,
        %parallel_loop3A_512 = arith.index_cast %parallel_loop3A_501 : i32 to index
        %parallel_loop3A_513 = arith.constant 288 : index
        %parallel_loop3A_514 = tpu.vector_load %arg10[%parallel_loop3A_512, %parallel_loop3A_513] {strides = array<i32>} : memref<32x768xf32, #tpu.memory_space<vmem>>, vector<16xf32>,
        tpu.vector_store %arg10[%parallel_loop3A_512, %parallel_loop3A_513], %parallel_loop3A_511 {strides = array<i32>} : memref<32x768xf32, #tpu.memory_space<vmem>>, vector<16xf32>,
        %parallel_loop3A_515 = tpu.vector_load_idx %arg8[%parallel_loop3A_502, %get3A_135] : memref<32x1024xf32, #tpu.memory_space<vmem>>[vector<16xi32>, vector<16xi32>], vector<16xf32>,
        %parallel_loop3A_516 = arith.index_cast %parallel_loop3A_501 : i32 to index
        %parallel_loop3A_517 = arith.constant 304 : index
        %parallel_loop3A_518 = tpu.vector_load %arg10[%parallel_loop3A_516, %parallel_loop3A_517] {strides = array<i32>} : memref<32x768xf32, #tpu.memory_space<vmem>>, vector<16xf32>,
        tpu.vector_store %arg10[%parallel_loop3A_516, %parallel_loop3A_517], %parallel_loop3A_515 {strides = array<i32>} : memref<32x768xf32, #tpu.memory_space<vmem>>, vector<16xf32>,
        %parallel_loop3A_519 = tpu.vector_load_idx %arg8[%parallel_loop3A_502, %get3A_139] : memref<32x1024xf32, #tpu.memory_space<vmem>>[vector<16xi32>, vector<16xi32>], vector<16xf32>,
        %parallel_loop3A_520 = arith.index_cast %parallel_loop3A_501 : i32 to index
        %parallel_loop3A_521 = arith.constant 320 : index
        %parallel_loop3A_522 = tpu.vector_load %arg10[%parallel_loop3A_520, %parallel_loop3A_521] {strides = array<i32>} : memref<32x768xf32, #tpu.memory_space<vmem>>, vector<16xf32>,
        tpu.vector_store %arg10[%parallel_loop3A_520, %parallel_loop3A_521], %parallel_loop3A_519 {strides = array<i32>} : memref<32x768xf32, #tpu.memory_space<vmem>>, vector<16xf32>,
        %parallel_loop3A_523 = tpu.vector_load_idx %arg8[%parallel_loop3A_502, %get3A_143] : memref<32x1024xf32, #tpu.memory_space<vmem>>[vector<16xi32>, vector<16xi32>], vector<16xf32>,
        %parallel_loop3A_524 = arith.index_cast %parallel_loop3A_501 : i32 to index
        %parallel_loop3A_525 = arith.constant 336 : index
        %parallel_loop3A_526 = tpu.vector_load %arg10[%parallel_loop3A_524, %parallel_loop3A_525] {strides = array<i32>} : memref<32x768xf32, #tpu.memory_space<vmem>>, vector<16xf32>,
        tpu.vector_store %arg10[%parallel_loop3A_524, %parallel_loop3A_525], %parallel_loop3A_523 {strides = array<i32>} : memref<32x768xf32, #tpu.memory_space<vmem>>, vector<16xf32>,
        %parallel_loop3A_527 = tpu.vector_load_idx %arg8[%parallel_loop3A_502, %get3A_147] : memref<32x1024xf32, #tpu.memory_space<vmem>>[vector<16xi32>, vector<16xi32>], vector<16xf32>,
        %parallel_loop3A_528 = arith.index_cast %parallel_loop3A_501 : i32 to index
        %parallel_loop3A_529 = arith.constant 352 : index
        %parallel_loop3A_530 = tpu.vector_load %arg10[%parallel_loop3A_528, %parallel_loop3A_529] {strides = array<i32>} : memref<32x768xf32, #tpu.memory_space<vmem>>, vector<16xf32>,
        tpu.vector_store %arg10[%parallel_loop3A_528, %parallel_loop3A_529], %parallel_loop3A_527 {strides = array<i32>} : memref<32x768xf32, #tpu.memory_space<vmem>>, vector<16xf32>,
        %parallel_loop3A_531 = tpu.vector_load_idx %arg8[%parallel_loop3A_502, %get3A_151] : memref<32x1024xf32, #tpu.memory_space<vmem>>[vector<16xi32>, vector<16xi32>], vector<16xf32>,
        %parallel_loop3A_532 = arith.index_cast %parallel_loop3A_501 : i32 to index
        %parallel_loop3A_533 = arith.constant 368 : index
        %parallel_loop3A_534 = tpu.vector_load %arg10[%parallel_loop3A_532, %parallel_loop3A_533] {strides = array<i32>} : memref<32x768xf32, #tpu.memory_space<vmem>>, vector<16xf32>,
        tpu.vector_store %arg10[%parallel_loop3A_532, %parallel_loop3A_533], %parallel_loop3A_531 {strides = array<i32>} : memref<32x768xf32, #tpu.memory_space<vmem>>, vector<16xf32>,
        %parallel_loop3A_535 = tpu.vector_load_idx %arg8[%parallel_loop3A_502, %get3A_155] : memref<32x1024xf32, #tpu.memory_space<vmem>>[vector<16xi32>, vector<16xi32>], vector<16xf32>,
        %parallel_loop3A_536 = arith.index_cast %parallel_loop3A_501 : i32 to index
        %parallel_loop3A_537 = arith.constant 384 : index
        %parallel_loop3A_538 = tpu.vector_load %arg10[%parallel_loop3A_536, %parallel_loop3A_537] {strides = array<i32>} : memref<32x768xf32, #tpu.memory_space<vmem>>, vector<16xf32>,
        tpu.vector_store %arg10[%parallel_loop3A_536, %parallel_loop3A_537], %parallel_loop3A_535 {strides = array<i32>} : memref<32x768xf32, #tpu.memory_space<vmem>>, vector<16xf32>,
        %parallel_loop3A_539 = tpu.vector_load_idx %arg8[%parallel_loop3A_502, %get3A_159] : memref<32x1024xf32, #tpu.memory_space<vmem>>[vector<16xi32>, vector<16xi32>], vector<16xf32>,
        %parallel_loop3A_540 = arith.index_cast %parallel_loop3A_501 : i32 to index
        %parallel_loop3A_541 = arith.constant 400 : index
        %parallel_loop3A_542 = tpu.vector_load %arg10[%parallel_loop3A_540, %parallel_loop3A_541] {strides = array<i32>} : memref<32x768xf32, #tpu.memory_space<vmem>>, vector<16xf32>,
        tpu.vector_store %arg10[%parallel_loop3A_540, %parallel_loop3A_541], %parallel_loop3A_539 {strides = array<i32>} : memref<32x768xf32, #tpu.memory_space<vmem>>, vector<16xf32>,
        %parallel_loop3A_543 = tpu.vector_load_idx %arg8[%parallel_loop3A_502, %get3A_163] : memref<32x1024xf32, #tpu.memory_space<vmem>>[vector<16xi32>, vector<16xi32>], vector<16xf32>,
        %parallel_loop3A_544 = arith.index_cast %parallel_loop3A_501 : i32 to index
        %parallel_loop3A_545 = arith.constant 416 : index
        %parallel_loop3A_546 = tpu.vector_load %arg10[%parallel_loop3A_544, %parallel_loop3A_545] {strides = array<i32>} : memref<32x768xf32, #tpu.memory_space<vmem>>, vector<16xf32>,
        tpu.vector_store %arg10[%parallel_loop3A_544, %parallel_loop3A_545], %parallel_loop3A_543 {strides = array<i32>} : memref<32x768xf32, #tpu.memory_space<vmem>>, vector<16xf32>,
        %parallel_loop3A_547 = tpu.vector_load_idx %arg8[%parallel_loop3A_502, %get3A_167] : memref<32x1024xf32, #tpu.memory_space<vmem>>[vector<16xi32>, vector<16xi32>], vector<16xf32>,
        %parallel_loop3A_548 = arith.index_cast %parallel_loop3A_501 : i32 to index
        %parallel_loop3A_549 = arith.constant 432 : index
        %parallel_loop3A_550 = tpu.vector_load %arg10[%parallel_loop3A_548, %parallel_loop3A_549] {strides = array<i32>} : memref<32x768xf32, #tpu.memory_space<vmem>>, vector<16xf32>,
        tpu.vector_store %arg10[%parallel_loop3A_548, %parallel_loop3A_549], %parallel_loop3A_547 {strides = array<i32>} : memref<32x768xf32, #tpu.memory_space<vmem>>, vector<16xf32>,
        %parallel_loop3A_551 = tpu.vector_load_idx %arg8[%parallel_loop3A_502, %get3A_171] : memref<32x1024xf32, #tpu.memory_space<vmem>>[vector<16xi32>, vector<16xi32>], vector<16xf32>,
        %parallel_loop3A_552 = arith.index_cast %parallel_loop3A_501 : i32 to index
        %parallel_loop3A_553 = arith.constant 448 : index
        %parallel_loop3A_554 = tpu.vector_load %arg10[%parallel_loop3A_552, %parallel_loop3A_553] {strides = array<i32>} : memref<32x768xf32, #tpu.memory_space<vmem>>, vector<16xf32>,
        tpu.vector_store %arg10[%parallel_loop3A_552, %parallel_loop3A_553], %parallel_loop3A_551 {strides = array<i32>} : memref<32x768xf32, #tpu.memory_space<vmem>>, vector<16xf32>,
        %parallel_loop3A_555 = tpu.vector_load_idx %arg8[%parallel_loop3A_502, %get3A_175] : memref<32x1024xf32, #tpu.memory_space<vmem>>[vector<16xi32>, vector<16xi32>], vector<16xf32>,
        %parallel_loop3A_556 = arith.index_cast %parallel_loop3A_501 : i32 to index
        %parallel_loop3A_557 = arith.constant 464 : index
        %parallel_loop3A_558 = tpu.vector_load %arg10[%parallel_loop3A_556, %parallel_loop3A_557] {strides = array<i32>} : memref<32x768xf32, #tpu.memory_space<vmem>>, vector<16xf32>,
        tpu.vector_store %arg10[%parallel_loop3A_556, %parallel_loop3A_557], %parallel_loop3A_555 {strides = array<i32>} : memref<32x768xf32, #tpu.memory_space<vmem>>, vector<16xf32>,
        %parallel_loop3A_559 = tpu.vector_load_idx %arg8[%parallel_loop3A_502, %get3A_179] : memref<32x1024xf32, #tpu.memory_space<vmem>>[vector<16xi32>, vector<16xi32>], vector<16xf32>,
        %parallel_loop3A_560 = arith.index_cast %parallel_loop3A_501 : i32 to index
        %parallel_loop3A_561 = arith.constant 480 : index
        %parallel_loop3A_562 = tpu.vector_load %arg10[%parallel_loop3A_560, %parallel_loop3A_561] {strides = array<i32>} : memref<32x768xf32, #tpu.memory_space<vmem>>, vector<16xf32>,
        tpu.vector_store %arg10[%parallel_loop3A_560, %parallel_loop3A_561], %parallel_loop3A_559 {strides = array<i32>} : memref<32x768xf32, #tpu.memory_space<vmem>>, vector<16xf32>,
        %parallel_loop3A_563 = tpu.vector_load_idx %arg8[%parallel_loop3A_502, %get3A_183] : memref<32x1024xf32, #tpu.memory_space<vmem>>[vector<16xi32>, vector<16xi32>], vector<16xf32>,
        %parallel_loop3A_564 = arith.index_cast %parallel_loop3A_501 : i32 to index
        %parallel_loop3A_565 = arith.constant 496 : index
        %parallel_loop3A_566 = tpu.vector_load %arg10[%parallel_loop3A_564, %parallel_loop3A_565] {strides = array<i32>} : memref<32x768xf32, #tpu.memory_space<vmem>>, vector<16xf32>,
        tpu.vector_store %arg10[%parallel_loop3A_564, %parallel_loop3A_565], %parallel_loop3A_563 {strides = array<i32>} : memref<32x768xf32, #tpu.memory_space<vmem>>, vector<16xf32>,
      } {sc.loop_unroll_factor = 1 : i64, sc.parallel_access}
      %get3A_187 = arith.constant 32 : i32
      %get3A_188 = arith.index_cast %get3A_187 : i32 to index
      %get3A_189 = arith.constant 0 : index
      %get3A_190 = tpu.vector_load %arg7[%get3A_188, %get3A_189] {strides = array<i32>} : memref<48x16xi32, #tpu.memory_space<vmem>>, vector<16xi32>,
      %get3A_191 = arith.constant 33 : i32
      %get3A_192 = arith.index_cast %get3A_191 : i32 to index
      %get3A_193 = arith.constant 0 : index
      %get3A_194 = tpu.vector_load %arg7[%get3A_192, %get3A_193] {strides = array<i32>} : memref<48x16xi32, #tpu.memory_space<vmem>>, vector<16xi32>,
      %get3A_195 = arith.constant 34 : i32
      %get3A_196 = arith.index_cast %get3A_195 : i32 to index
      %get3A_197 = arith.constant 0 : index
      %get3A_198 = tpu.vector_load %arg7[%get3A_196, %get3A_197] {strides = array<i32>} : memref<48x16xi32, #tpu.memory_space<vmem>>, vector<16xi32>,
      %get3A_199 = arith.constant 35 : i32
      %get3A_200 = arith.index_cast %get3A_199 : i32 to index
      %get3A_201 = arith.constant 0 : index
      %get3A_202 = tpu.vector_load %arg7[%get3A_200, %get3A_201] {strides = array<i32>} : memref<48x16xi32, #tpu.memory_space<vmem>>, vector<16xi32>,
      %get3A_203 = arith.constant 36 : i32
      %get3A_204 = arith.index_cast %get3A_203 : i32 to index
      %get3A_205 = arith.constant 0 : index
      %get3A_206 = tpu.vector_load %arg7[%get3A_204, %get3A_205] {strides = array<i32>} : memref<48x16xi32, #tpu.memory_space<vmem>>, vector<16xi32>,
      %get3A_207 = arith.constant 37 : i32
      %get3A_208 = arith.index_cast %get3A_207 : i32 to index
      %get3A_209 = arith.constant 0 : index
      %get3A_210 = tpu.vector_load %arg7[%get3A_208, %get3A_209] {strides = array<i32>} : memref<48x16xi32, #tpu.memory_space<vmem>>, vector<16xi32>,
      %get3A_211 = arith.constant 38 : i32
      %get3A_212 = arith.index_cast %get3A_211 : i32 to index
      %get3A_213 = arith.constant 0 : index
      %get3A_214 = tpu.vector_load %arg7[%get3A_212, %get3A_213] {strides = array<i32>} : memref<48x16xi32, #tpu.memory_space<vmem>>, vector<16xi32>,
      %get3A_215 = arith.constant 39 : i32
      %get3A_216 = arith.index_cast %get3A_215 : i32 to index
      %get3A_217 = arith.constant 0 : index
      %get3A_218 = tpu.vector_load %arg7[%get3A_216, %get3A_217] {strides = array<i32>} : memref<48x16xi32, #tpu.memory_space<vmem>>, vector<16xi32>,
      %get3A_219 = arith.constant 40 : i32
      %get3A_220 = arith.index_cast %get3A_219 : i32 to index
      %get3A_221 = arith.constant 0 : index
      %get3A_222 = tpu.vector_load %arg7[%get3A_220, %get3A_221] {strides = array<i32>} : memref<48x16xi32, #tpu.memory_space<vmem>>, vector<16xi32>,
      %get3A_223 = arith.constant 41 : i32
      %get3A_224 = arith.index_cast %get3A_223 : i32 to index
      %get3A_225 = arith.constant 0 : index
      %get3A_226 = tpu.vector_load %arg7[%get3A_224, %get3A_225] {strides = array<i32>} : memref<48x16xi32, #tpu.memory_space<vmem>>, vector<16xi32>,
      %get3A_227 = arith.constant 42 : i32
      %get3A_228 = arith.index_cast %get3A_227 : i32 to index
      %get3A_229 = arith.constant 0 : index
      %get3A_230 = tpu.vector_load %arg7[%get3A_228, %get3A_229] {strides = array<i32>} : memref<48x16xi32, #tpu.memory_space<vmem>>, vector<16xi32>,
      %get3A_231 = arith.constant 43 : i32
      %get3A_232 = arith.index_cast %get3A_231 : i32 to index
      %get3A_233 = arith.constant 0 : index
      %get3A_234 = tpu.vector_load %arg7[%get3A_232, %get3A_233] {strides = array<i32>} : memref<48x16xi32, #tpu.memory_space<vmem>>, vector<16xi32>,
      %get3A_235 = arith.constant 44 : i32
      %get3A_236 = arith.index_cast %get3A_235 : i32 to index
      %get3A_237 = arith.constant 0 : index
      %get3A_238 = tpu.vector_load %arg7[%get3A_236, %get3A_237] {strides = array<i32>} : memref<48x16xi32, #tpu.memory_space<vmem>>, vector<16xi32>,
      %get3A_239 = arith.constant 45 : i32
      %get3A_240 = arith.index_cast %get3A_239 : i32 to index
      %get3A_241 = arith.constant 0 : index
      %get3A_242 = tpu.vector_load %arg7[%get3A_240, %get3A_241] {strides = array<i32>} : memref<48x16xi32, #tpu.memory_space<vmem>>, vector<16xi32>,
      %get3A_243 = arith.constant 46 : i32
      %get3A_244 = arith.index_cast %get3A_243 : i32 to index
      %get3A_245 = arith.constant 0 : index
      %get3A_246 = tpu.vector_load %arg7[%get3A_244, %get3A_245] {strides = array<i32>} : memref<48x16xi32, #tpu.memory_space<vmem>>, vector<16xi32>,
      %get3A_247 = arith.constant 47 : i32
      %get3A_248 = arith.index_cast %get3A_247 : i32 to index
      %get3A_249 = arith.constant 0 : index
      %get3A_250 = tpu.vector_load %arg7[%get3A_248, %get3A_249] {strides = array<i32>} : memref<48x16xi32, #tpu.memory_space<vmem>>, vector<16xi32>,
      %parallel_loop3A_251 = arith.constant 0 : i32
      %parallel_loop3A_252 = arith.constant 32 : i32
      %parallel_loop3A_253 = arith.constant 1 : i32
      scf.for %parallel_loop3A_501 = %parallel_loop3A_251 to %parallel_loop3A_252 step %parallel_loop3A_253  : i32 {
        %parallel_loop3A_502 = vector.broadcast %parallel_loop3A_501 : i32 to vector<16xi32>
        %parallel_loop3A_503 = tpu.vector_load_idx %arg8[%parallel_loop3A_502, %get3A_190] : memref<32x1024xf32, #tpu.memory_space<vmem>>[vector<16xi32>, vector<16xi32>], vector<16xf32>,
        %parallel_loop3A_504 = arith.index_cast %parallel_loop3A_501 : i32 to index
        %parallel_loop3A_505 = arith.constant 512 : index
        %parallel_loop3A_506 = tpu.vector_load %arg10[%parallel_loop3A_504, %parallel_loop3A_505] {strides = array<i32>} : memref<32x768xf32, #tpu.memory_space<vmem>>, vector<16xf32>,
        tpu.vector_store %arg10[%parallel_loop3A_504, %parallel_loop3A_505], %parallel_loop3A_503 {strides = array<i32>} : memref<32x768xf32, #tpu.memory_space<vmem>>, vector<16xf32>,
        %parallel_loop3A_507 = tpu.vector_load_idx %arg8[%parallel_loop3A_502, %get3A_194] : memref<32x1024xf32, #tpu.memory_space<vmem>>[vector<16xi32>, vector<16xi32>], vector<16xf32>,
        %parallel_loop3A_508 = arith.index_cast %parallel_loop3A_501 : i32 to index
        %parallel_loop3A_509 = arith.constant 528 : index
        %parallel_loop3A_510 = tpu.vector_load %arg10[%parallel_loop3A_508, %parallel_loop3A_509] {strides = array<i32>} : memref<32x768xf32, #tpu.memory_space<vmem>>, vector<16xf32>,
        tpu.vector_store %arg10[%parallel_loop3A_508, %parallel_loop3A_509], %parallel_loop3A_507 {strides = array<i32>} : memref<32x768xf32, #tpu.memory_space<vmem>>, vector<16xf32>,
        %parallel_loop3A_511 = tpu.vector_load_idx %arg8[%parallel_loop3A_502, %get3A_198] : memref<32x1024xf32, #tpu.memory_space<vmem>>[vector<16xi32>, vector<16xi32>], vector<16xf32>,
        %parallel_loop3A_512 = arith.index_cast %parallel_loop3A_501 : i32 to index
        %parallel_loop3A_513 = arith.constant 544 : index
        %parallel_loop3A_514 = tpu.vector_load %arg10[%parallel_loop3A_512, %parallel_loop3A_513] {strides = array<i32>} : memref<32x768xf32, #tpu.memory_space<vmem>>, vector<16xf32>,
        tpu.vector_store %arg10[%parallel_loop3A_512, %parallel_loop3A_513], %parallel_loop3A_511 {strides = array<i32>} : memref<32x768xf32, #tpu.memory_space<vmem>>, vector<16xf32>,
        %parallel_loop3A_515 = tpu.vector_load_idx %arg8[%parallel_loop3A_502, %get3A_202] : memref<32x1024xf32, #tpu.memory_space<vmem>>[vector<16xi32>, vector<16xi32>], vector<16xf32>,
        %parallel_loop3A_516 = arith.index_cast %parallel_loop3A_501 : i32 to index
        %parallel_loop3A_517 = arith.constant 560 : index
        %parallel_loop3A_518 = tpu.vector_load %arg10[%parallel_loop3A_516, %parallel_loop3A_517] {strides = array<i32>} : memref<32x768xf32, #tpu.memory_space<vmem>>, vector<16xf32>,
        tpu.vector_store %arg10[%parallel_loop3A_516, %parallel_loop3A_517], %parallel_loop3A_515 {strides = array<i32>} : memref<32x768xf32, #tpu.memory_space<vmem>>, vector<16xf32>,
        %parallel_loop3A_519 = tpu.vector_load_idx %arg8[%parallel_loop3A_502, %get3A_206] : memref<32x1024xf32, #tpu.memory_space<vmem>>[vector<16xi32>, vector<16xi32>], vector<16xf32>,
        %parallel_loop3A_520 = arith.index_cast %parallel_loop3A_501 : i32 to index
        %parallel_loop3A_521 = arith.constant 576 : index
        %parallel_loop3A_522 = tpu.vector_load %arg10[%parallel_loop3A_520, %parallel_loop3A_521] {strides = array<i32>} : memref<32x768xf32, #tpu.memory_space<vmem>>, vector<16xf32>,
        tpu.vector_store %arg10[%parallel_loop3A_520, %parallel_loop3A_521], %parallel_loop3A_519 {strides = array<i32>} : memref<32x768xf32, #tpu.memory_space<vmem>>, vector<16xf32>,
        %parallel_loop3A_523 = tpu.vector_load_idx %arg8[%parallel_loop3A_502, %get3A_210] : memref<32x1024xf32, #tpu.memory_space<vmem>>[vector<16xi32>, vector<16xi32>], vector<16xf32>,
        %parallel_loop3A_524 = arith.index_cast %parallel_loop3A_501 : i32 to index
        %parallel_loop3A_525 = arith.constant 592 : index
        %parallel_loop3A_526 = tpu.vector_load %arg10[%parallel_loop3A_524, %parallel_loop3A_525] {strides = array<i32>} : memref<32x768xf32, #tpu.memory_space<vmem>>, vector<16xf32>,
        tpu.vector_store %arg10[%parallel_loop3A_524, %parallel_loop3A_525], %parallel_loop3A_523 {strides = array<i32>} : memref<32x768xf32, #tpu.memory_space<vmem>>, vector<16xf32>,
        %parallel_loop3A_527 = tpu.vector_load_idx %arg8[%parallel_loop3A_502, %get3A_214] : memref<32x1024xf32, #tpu.memory_space<vmem>>[vector<16xi32>, vector<16xi32>], vector<16xf32>,
        %parallel_loop3A_528 = arith.index_cast %parallel_loop3A_501 : i32 to index
        %parallel_loop3A_529 = arith.constant 608 : index
        %parallel_loop3A_530 = tpu.vector_load %arg10[%parallel_loop3A_528, %parallel_loop3A_529] {strides = array<i32>} : memref<32x768xf32, #tpu.memory_space<vmem>>, vector<16xf32>,
        tpu.vector_store %arg10[%parallel_loop3A_528, %parallel_loop3A_529], %parallel_loop3A_527 {strides = array<i32>} : memref<32x768xf32, #tpu.memory_space<vmem>>, vector<16xf32>,
        %parallel_loop3A_531 = tpu.vector_load_idx %arg8[%parallel_loop3A_502, %get3A_218] : memref<32x1024xf32, #tpu.memory_space<vmem>>[vector<16xi32>, vector<16xi32>], vector<16xf32>,
        %parallel_loop3A_532 = arith.index_cast %parallel_loop3A_501 : i32 to index
        %parallel_loop3A_533 = arith.constant 624 : index
        %parallel_loop3A_534 = tpu.vector_load %arg10[%parallel_loop3A_532, %parallel_loop3A_533] {strides = array<i32>} : memref<32x768xf32, #tpu.memory_space<vmem>>, vector<16xf32>,
        tpu.vector_store %arg10[%parallel_loop3A_532, %parallel_loop3A_533], %parallel_loop3A_531 {strides = array<i32>} : memref<32x768xf32, #tpu.memory_space<vmem>>, vector<16xf32>,
        %parallel_loop3A_535 = tpu.vector_load_idx %arg8[%parallel_loop3A_502, %get3A_222] : memref<32x1024xf32, #tpu.memory_space<vmem>>[vector<16xi32>, vector<16xi32>], vector<16xf32>,
        %parallel_loop3A_536 = arith.index_cast %parallel_loop3A_501 : i32 to index
        %parallel_loop3A_537 = arith.constant 640 : index
        %parallel_loop3A_538 = tpu.vector_load %arg10[%parallel_loop3A_536, %parallel_loop3A_537] {strides = array<i32>} : memref<32x768xf32, #tpu.memory_space<vmem>>, vector<16xf32>,
        tpu.vector_store %arg10[%parallel_loop3A_536, %parallel_loop3A_537], %parallel_loop3A_535 {strides = array<i32>} : memref<32x768xf32, #tpu.memory_space<vmem>>, vector<16xf32>,
        %parallel_loop3A_539 = tpu.vector_load_idx %arg8[%parallel_loop3A_502, %get3A_226] : memref<32x1024xf32, #tpu.memory_space<vmem>>[vector<16xi32>, vector<16xi32>], vector<16xf32>,
        %parallel_loop3A_540 = arith.index_cast %parallel_loop3A_501 : i32 to index
        %parallel_loop3A_541 = arith.constant 656 : index
        %parallel_loop3A_542 = tpu.vector_load %arg10[%parallel_loop3A_540, %parallel_loop3A_541] {strides = array<i32>} : memref<32x768xf32, #tpu.memory_space<vmem>>, vector<16xf32>,
        tpu.vector_store %arg10[%parallel_loop3A_540, %parallel_loop3A_541], %parallel_loop3A_539 {strides = array<i32>} : memref<32x768xf32, #tpu.memory_space<vmem>>, vector<16xf32>,
        %parallel_loop3A_543 = tpu.vector_load_idx %arg8[%parallel_loop3A_502, %get3A_230] : memref<32x1024xf32, #tpu.memory_space<vmem>>[vector<16xi32>, vector<16xi32>], vector<16xf32>,
        %parallel_loop3A_544 = arith.index_cast %parallel_loop3A_501 : i32 to index
        %parallel_loop3A_545 = arith.constant 672 : index
        %parallel_loop3A_546 = tpu.vector_load %arg10[%parallel_loop3A_544, %parallel_loop3A_545] {strides = array<i32>} : memref<32x768xf32, #tpu.memory_space<vmem>>, vector<16xf32>,
        tpu.vector_store %arg10[%parallel_loop3A_544, %parallel_loop3A_545], %parallel_loop3A_543 {strides = array<i32>} : memref<32x768xf32, #tpu.memory_space<vmem>>, vector<16xf32>,
        %parallel_loop3A_547 = tpu.vector_load_idx %arg8[%parallel_loop3A_502, %get3A_234] : memref<32x1024xf32, #tpu.memory_space<vmem>>[vector<16xi32>, vector<16xi32>], vector<16xf32>,
        %parallel_loop3A_548 = arith.index_cast %parallel_loop3A_501 : i32 to index
        %parallel_loop3A_549 = arith.constant 688 : index
        %parallel_loop3A_550 = tpu.vector_load %arg10[%parallel_loop3A_548, %parallel_loop3A_549] {strides = array<i32>} : memref<32x768xf32, #tpu.memory_space<vmem>>, vector<16xf32>,
        tpu.vector_store %arg10[%parallel_loop3A_548, %parallel_loop3A_549], %parallel_loop3A_547 {strides = array<i32>} : memref<32x768xf32, #tpu.memory_space<vmem>>, vector<16xf32>,
        %parallel_loop3A_551 = tpu.vector_load_idx %arg8[%parallel_loop3A_502, %get3A_238] : memref<32x1024xf32, #tpu.memory_space<vmem>>[vector<16xi32>, vector<16xi32>], vector<16xf32>,
        %parallel_loop3A_552 = arith.index_cast %parallel_loop3A_501 : i32 to index
        %parallel_loop3A_553 = arith.constant 704 : index
        %parallel_loop3A_554 = tpu.vector_load %arg10[%parallel_loop3A_552, %parallel_loop3A_553] {strides = array<i32>} : memref<32x768xf32, #tpu.memory_space<vmem>>, vector<16xf32>,
        tpu.vector_store %arg10[%parallel_loop3A_552, %parallel_loop3A_553], %parallel_loop3A_551 {strides = array<i32>} : memref<32x768xf32, #tpu.memory_space<vmem>>, vector<16xf32>,
        %parallel_loop3A_555 = tpu.vector_load_idx %arg8[%parallel_loop3A_502, %get3A_242] : memref<32x1024xf32, #tpu.memory_space<vmem>>[vector<16xi32>, vector<16xi32>], vector<16xf32>,
        %parallel_loop3A_556 = arith.index_cast %parallel_loop3A_501 : i32 to index
        %parallel_loop3A_557 = arith.constant 720 : index
        %parallel_loop3A_558 = tpu.vector_load %arg10[%parallel_loop3A_556, %parallel_loop3A_557] {strides = array<i32>} : memref<32x768xf32, #tpu.memory_space<vmem>>, vector<16xf32>,
        tpu.vector_store %arg10[%parallel_loop3A_556, %parallel_loop3A_557], %parallel_loop3A_555 {strides = array<i32>} : memref<32x768xf32, #tpu.memory_space<vmem>>, vector<16xf32>,
        %parallel_loop3A_559 = tpu.vector_load_idx %arg8[%parallel_loop3A_502, %get3A_246] : memref<32x1024xf32, #tpu.memory_space<vmem>>[vector<16xi32>, vector<16xi32>], vector<16xf32>,
        %parallel_loop3A_560 = arith.index_cast %parallel_loop3A_501 : i32 to index
        %parallel_loop3A_561 = arith.constant 736 : index
        %parallel_loop3A_562 = tpu.vector_load %arg10[%parallel_loop3A_560, %parallel_loop3A_561] {strides = array<i32>} : memref<32x768xf32, #tpu.memory_space<vmem>>, vector<16xf32>,
        tpu.vector_store %arg10[%parallel_loop3A_560, %parallel_loop3A_561], %parallel_loop3A_559 {strides = array<i32>} : memref<32x768xf32, #tpu.memory_space<vmem>>, vector<16xf32>,
        %parallel_loop3A_563 = tpu.vector_load_idx %arg8[%parallel_loop3A_502, %get3A_250] : memref<32x1024xf32, #tpu.memory_space<vmem>>[vector<16xi32>, vector<16xi32>], vector<16xf32>,
        %parallel_loop3A_564 = arith.index_cast %parallel_loop3A_501 : i32 to index
        %parallel_loop3A_565 = arith.constant 752 : index
        %parallel_loop3A_566 = tpu.vector_load %arg10[%parallel_loop3A_564, %parallel_loop3A_565] {strides = array<i32>} : memref<32x768xf32, #tpu.memory_space<vmem>>, vector<16xf32>,
        tpu.vector_store %arg10[%parallel_loop3A_564, %parallel_loop3A_565], %parallel_loop3A_563 {strides = array<i32>} : memref<32x768xf32, #tpu.memory_space<vmem>>, vector<16xf32>,
      } {sc.loop_unroll_factor = 1 : i64, sc.parallel_access}
      %dma_start3A_254 = arith.constant 0 : i32
      %dma_start3A_255 = tpu.memref_slice %arg6[%add3A_40, %dma_start3A_254] : memref<36x32xi32, #tpu.memory_space<vmem>> -> memref<1x32xi32, #tpu.memory_space<vmem>>
      %dma_start3A_256 = tpu.memref_squeeze %dma_start3A_255 : memref<1x32xi32, #tpu.memory_space<vmem>> -> memref<32xi32, #tpu.memory_space<vmem>>
      %dma_start3A_257 = arith.constant 0 : i32
      %dma_start3A_258 = arith.constant 0 : i32
      %dma_start3A_259 = tpu.memref_slice %arg5[%dma_start3A_257, %dma_start3A_258] : memref<36864x768xf32, #tpu.memory_space<hbm>> -> memref<36864x768xf32, #tpu.memory_space<hbm>>
      tpu.enqueue_indirect_dma source(%arg10 : memref<32x768xf32, #tpu.memory_space<vmem>>) target(%dma_start3A_259 : memref<36864x768xf32, #tpu.memory_space<hbm>>) offsets(%dma_start3A_256 : memref<32xi32, #tpu.memory_space<vmem>>) semaphore(%arg14 : memref<!tpu.dma_semaphore, #tpu.memory_space<semaphore_mem>>)
      %add3A_260 = arith.constant 2 : i32
      %add3A_261 = arith.addi %add3A_40, %add3A_260 : i32
      %lt3A = arith.constant 36 : i32
      %lt3A_262 = arith.cmpi slt, %add3A_261, %lt3A : i32
      %convert_element_type3A_263 = arith.extui %lt3A_262 : i1 to i32
      %cond3A_264 = arith.constant 0 : i32
      %cond3A_265 = arith.cmpi ne, %convert_element_type3A_263, %cond3A_264 : i32
      scf.if %cond3A_265 {
        %add3A_501 = arith.constant 2 : i32
        %add3A_502 = arith.addi %add3A_40, %add3A_501 : i32
        %dma_start3A_503 = arith.constant 0 : i32
        %dma_start3A_504 = arith.constant 0 : i32
        %dma_start3A_505 = tpu.memref_slice %arg8[%dma_start3A_503, %dma_start3A_504] : memref<32x1024xf32, #tpu.memory_space<vmem>> -> memref<32x768xf32, #tpu.memory_space<vmem>>
        %dma_start3A_506 = arith.constant 0 : i32
        %dma_start3A_507 = tpu.memref_slice %arg6[%add3A_502, %dma_start3A_506] : memref<36x32xi32, #tpu.memory_space<vmem>> -> memref<1x32xi32, #tpu.memory_space<vmem>>
        %dma_start3A_508 = tpu.memref_squeeze %dma_start3A_507 : memref<1x32xi32, #tpu.memory_space<vmem>> -> memref<32xi32, #tpu.memory_space<vmem>>
        %dma_start3A_509 = arith.constant 0 : i32
        %dma_start3A_510 = arith.constant 0 : i32
        %dma_start3A_511 = tpu.memref_slice %arg2[%dma_start3A_509, %dma_start3A_510] : memref<36864x768xf32, #tpu.memory_space<hbm>> -> memref<36864x768xf32, #tpu.memory_space<hbm>>
        tpu.enqueue_indirect_dma source(%dma_start3A_511 : memref<36864x768xf32, #tpu.memory_space<hbm>>) target(%dma_start3A_505 : memref<32x768xf32, #tpu.memory_space<vmem>>) offsets(%dma_start3A_508 : memref<32xi32, #tpu.memory_space<vmem>>) semaphore(%arg12 : memref<!tpu.dma_semaphore, #tpu.memory_space<semaphore_mem>>)
      } else {
      }
      %mul3A_266 = arith.constant 2 : i32
      %mul3A_267 = arith.muli %mul3A_266, %scan3A_36 : i32
      %add3A_268 = arith.constant 1 : i32
      %add3A_269 = arith.addi %mul3A_267, %add3A_268 : i32
      %dma_wait3A_270 = arith.constant 0 : i32
      %dma_wait3A_271 = arith.constant 0 : i32
      %dma_wait3A_272 = tpu.memref_slice %arg9[%dma_wait3A_270, %dma_wait3A_271] : memref<32x1024xf32, #tpu.memory_space<vmem>> -> memref<32x768xf32, #tpu.memory_space<vmem>>
      %dma_wait3A_273 = arith.constant 0 : i32
      %dma_wait3A_274 = arith.constant 0 : i32
      %dma_wait3A_275 = tpu.memref_slice %arg2[%dma_wait3A_273, %dma_wait3A_274] : memref<36864x768xf32, #tpu.memory_space<hbm>> -> memref<32x768xf32, #tpu.memory_space<hbm>>
      %dma_wait3A_276 = arith.constant 0 : i32
      %dma_wait3A_277 = arith.constant 0 : i32
      %dma_wait3A_278 = tpu.memref_slice %arg9[%dma_wait3A_276, %dma_wait3A_277] : memref<32x1024xf32, #tpu.memory_space<vmem>> -> memref<32x768xf32, #tpu.memory_space<vmem>>
      %dma_wait3A_279 = arith.constant 0 : i32
      %dma_wait3A_280 = arith.constant 0 : i32
      %dma_wait3A_281 = tpu.memref_slice %arg2[%dma_wait3A_279, %dma_wait3A_280] : memref<36864x768xf32, #tpu.memory_space<hbm>> -> memref<32x768xf32, #tpu.memory_space<hbm>>
      tpu.wait_dma2 semaphore(%arg13 : memref<!tpu.dma_semaphore, #tpu.memory_space<semaphore_mem>>) src(%dma_wait3A_281 : memref<32x768xf32, #tpu.memory_space<hbm>>) dst(%dma_wait3A_278 : memref<32x768xf32, #tpu.memory_space<vmem>>)
      %ge3A_282 = arith.constant 2 : i32
      %ge3A_283 = arith.cmpi sge, %add3A_269, %ge3A_282 : i32
      %convert_element_type3A_284 = arith.extui %ge3A_283 : i1 to i32
      %cond3A_285 = arith.constant 0 : i32
      %cond3A_286 = arith.cmpi ne, %convert_element_type3A_284, %cond3A_285 : i32
      scf.if %cond3A_286 {
        %dma_wait3A_501 = arith.constant 0 : i32
        %dma_wait3A_502 = arith.constant 0 : i32
        %dma_wait3A_503 = tpu.memref_slice %arg2[%dma_wait3A_501, %dma_wait3A_502] : memref<36864x768xf32, #tpu.memory_space<hbm>> -> memref<32x768xf32, #tpu.memory_space<hbm>>
        %dma_wait3A_504 = arith.constant 0 : i32
        %dma_wait3A_505 = arith.constant 0 : i32
        %dma_wait3A_506 = tpu.memref_slice %arg2[%dma_wait3A_504, %dma_wait3A_505] : memref<36864x768xf32, #tpu.memory_space<hbm>> -> memref<32x768xf32, #tpu.memory_space<hbm>>
        tpu.wait_dma2 semaphore(%arg15 : memref<!tpu.dma_semaphore, #tpu.memory_space<semaphore_mem>>) src(%dma_wait3A_506 : memref<32x768xf32, #tpu.memory_space<hbm>>) dst(%arg11 : memref<32x768xf32, #tpu.memory_space<vmem>>)
      } else {
      }
      %get3A_287 = arith.constant 0 : i32
      %get3A_288 = arith.index_cast %get3A_287 : i32 to index
      %get3A_289 = arith.constant 0 : index
      %get3A_290 = tpu.vector_load %arg7[%get3A_288, %get3A_289] {strides = array<i32>} : memref<48x16xi32, #tpu.memory_space<vmem>>, vector<16xi32>,
      %get3A_291 = arith.constant 1 : i32
      %get3A_292 = arith.index_cast %get3A_291 : i32 to index
      %get3A_293 = arith.constant 0 : index
      %get3A_294 = tpu.vector_load %arg7[%get3A_292, %get3A_293] {strides = array<i32>} : memref<48x16xi32, #tpu.memory_space<vmem>>, vector<16xi32>,
      %get3A_295 = arith.constant 2 : i32
      %get3A_296 = arith.index_cast %get3A_295 : i32 to index
      %get3A_297 = arith.constant 0 : index
      %get3A_298 = tpu.vector_load %arg7[%get3A_296, %get3A_297] {strides = array<i32>} : memref<48x16xi32, #tpu.memory_space<vmem>>, vector<16xi32>,
      %get3A_299 = arith.constant 3 : i32
      %get3A_300 = arith.index_cast %get3A_299 : i32 to index
      %get3A_301 = arith.constant 0 : index
      %get3A_302 = tpu.vector_load %arg7[%get3A_300, %get3A_301] {strides = array<i32>} : memref<48x16xi32, #tpu.memory_space<vmem>>, vector<16xi32>,
      %get3A_303 = arith.constant 4 : i32
      %get3A_304 = arith.index_cast %get3A_303 : i32 to index
      %get3A_305 = arith.constant 0 : index
      %get3A_306 = tpu.vector_load %arg7[%get3A_304, %get3A_305] {strides = array<i32>} : memref<48x16xi32, #tpu.memory_space<vmem>>, vector<16xi32>,
      %get3A_307 = arith.constant 5 : i32
      %get3A_308 = arith.index_cast %get3A_307 : i32 to index
      %get3A_309 = arith.constant 0 : index
      %get3A_310 = tpu.vector_load %arg7[%get3A_308, %get3A_309] {strides = array<i32>} : memref<48x16xi32, #tpu.memory_space<vmem>>, vector<16xi32>,
      %get3A_311 = arith.constant 6 : i32
      %get3A_312 = arith.index_cast %get3A_311 : i32 to index
      %get3A_313 = arith.constant 0 : index
      %get3A_314 = tpu.vector_load %arg7[%get3A_312, %get3A_313] {strides = array<i32>} : memref<48x16xi32, #tpu.memory_space<vmem>>, vector<16xi32>,
      %get3A_315 = arith.constant 7 : i32
      %get3A_316 = arith.index_cast %get3A_315 : i32 to index
      %get3A_317 = arith.constant 0 : index
      %get3A_318 = tpu.vector_load %arg7[%get3A_316, %get3A_317] {strides = array<i32>} : memref<48x16xi32, #tpu.memory_space<vmem>>, vector<16xi32>,
      %get3A_319 = arith.constant 8 : i32
      %get3A_320 = arith.index_cast %get3A_319 : i32 to index
      %get3A_321 = arith.constant 0 : index
      %get3A_322 = tpu.vector_load %arg7[%get3A_320, %get3A_321] {strides = array<i32>} : memref<48x16xi32, #tpu.memory_space<vmem>>, vector<16xi32>,
      %get3A_323 = arith.constant 9 : i32
      %get3A_324 = arith.index_cast %get3A_323 : i32 to index
      %get3A_325 = arith.constant 0 : index
      %get3A_326 = tpu.vector_load %arg7[%get3A_324, %get3A_325] {strides = array<i32>} : memref<48x16xi32, #tpu.memory_space<vmem>>, vector<16xi32>,
      %get3A_327 = arith.constant 10 : i32
      %get3A_328 = arith.index_cast %get3A_327 : i32 to index
      %get3A_329 = arith.constant 0 : index
      %get3A_330 = tpu.vector_load %arg7[%get3A_328, %get3A_329] {strides = array<i32>} : memref<48x16xi32, #tpu.memory_space<vmem>>, vector<16xi32>,
      %get3A_331 = arith.constant 11 : i32
      %get3A_332 = arith.index_cast %get3A_331 : i32 to index
      %get3A_333 = arith.constant 0 : index
      %get3A_334 = tpu.vector_load %arg7[%get3A_332, %get3A_333] {strides = array<i32>} : memref<48x16xi32, #tpu.memory_space<vmem>>, vector<16xi32>,
      %get3A_335 = arith.constant 12 : i32
      %get3A_336 = arith.index_cast %get3A_335 : i32 to index
      %get3A_337 = arith.constant 0 : index
      %get3A_338 = tpu.vector_load %arg7[%get3A_336, %get3A_337] {strides = array<i32>} : memref<48x16xi32, #tpu.memory_space<vmem>>, vector<16xi32>,
      %get3A_339 = arith.constant 13 : i32
      %get3A_340 = arith.index_cast %get3A_339 : i32 to index
      %get3A_341 = arith.constant 0 : index
      %get3A_342 = tpu.vector_load %arg7[%get3A_340, %get3A_341] {strides = array<i32>} : memref<48x16xi32, #tpu.memory_space<vmem>>, vector<16xi32>,
      %get3A_343 = arith.constant 14 : i32
      %get3A_344 = arith.index_cast %get3A_343 : i32 to index
      %get3A_345 = arith.constant 0 : index
      %get3A_346 = tpu.vector_load %arg7[%get3A_344, %get3A_345] {strides = array<i32>} : memref<48x16xi32, #tpu.memory_space<vmem>>, vector<16xi32>,
      %get3A_347 = arith.constant 15 : i32
      %get3A_348 = arith.index_cast %get3A_347 : i32 to index
      %get3A_349 = arith.constant 0 : index
      %get3A_350 = tpu.vector_load %arg7[%get3A_348, %get3A_349] {strides = array<i32>} : memref<48x16xi32, #tpu.memory_space<vmem>>, vector<16xi32>,
      %parallel_loop3A_351 = arith.constant 0 : i32
      %parallel_loop3A_352 = arith.constant 32 : i32
      %parallel_loop3A_353 = arith.constant 1 : i32
      scf.for %parallel_loop3A_501 = %parallel_loop3A_351 to %parallel_loop3A_352 step %parallel_loop3A_353  : i32 {
        %parallel_loop3A_502 = vector.broadcast %parallel_loop3A_501 : i32 to vector<16xi32>
        %parallel_loop3A_503 = tpu.vector_load_idx %arg9[%parallel_loop3A_502, %get3A_290] : memref<32x1024xf32, #tpu.memory_space<vmem>>[vector<16xi32>, vector<16xi32>], vector<16xf32>,
        %parallel_loop3A_504 = arith.index_cast %parallel_loop3A_501 : i32 to index
        %parallel_loop3A_505 = arith.constant 0 : index
        %parallel_loop3A_506 = tpu.vector_load %arg11[%parallel_loop3A_504, %parallel_loop3A_505] {strides = array<i32>} : memref<32x768xf32, #tpu.memory_space<vmem>>, vector<16xf32>,
        tpu.vector_store %arg11[%parallel_loop3A_504, %parallel_loop3A_505], %parallel_loop3A_503 {strides = array<i32>} : memref<32x768xf32, #tpu.memory_space<vmem>>, vector<16xf32>,
        %parallel_loop3A_507 = tpu.vector_load_idx %arg9[%parallel_loop3A_502, %get3A_294] : memref<32x1024xf32, #tpu.memory_space<vmem>>[vector<16xi32>, vector<16xi32>], vector<16xf32>,
        %parallel_loop3A_508 = arith.index_cast %parallel_loop3A_501 : i32 to index
        %parallel_loop3A_509 = arith.constant 16 : index
        %parallel_loop3A_510 = tpu.vector_load %arg11[%parallel_loop3A_508, %parallel_loop3A_509] {strides = array<i32>} : memref<32x768xf32, #tpu.memory_space<vmem>>, vector<16xf32>,
        tpu.vector_store %arg11[%parallel_loop3A_508, %parallel_loop3A_509], %parallel_loop3A_507 {strides = array<i32>} : memref<32x768xf32, #tpu.memory_space<vmem>>, vector<16xf32>,
        %parallel_loop3A_511 = tpu.vector_load_idx %arg9[%parallel_loop3A_502, %get3A_298] : memref<32x1024xf32, #tpu.memory_space<vmem>>[vector<16xi32>, vector<16xi32>], vector<16xf32>,
        %parallel_loop3A_512 = arith.index_cast %parallel_loop3A_501 : i32 to index
        %parallel_loop3A_513 = arith.constant 32 : index
        %parallel_loop3A_514 = tpu.vector_load %arg11[%parallel_loop3A_512, %parallel_loop3A_513] {strides = array<i32>} : memref<32x768xf32, #tpu.memory_space<vmem>>, vector<16xf32>,
        tpu.vector_store %arg11[%parallel_loop3A_512, %parallel_loop3A_513], %parallel_loop3A_511 {strides = array<i32>} : memref<32x768xf32, #tpu.memory_space<vmem>>, vector<16xf32>,
        %parallel_loop3A_515 = tpu.vector_load_idx %arg9[%parallel_loop3A_502, %get3A_302] : memref<32x1024xf32, #tpu.memory_space<vmem>>[vector<16xi32>, vector<16xi32>], vector<16xf32>,
        %parallel_loop3A_516 = arith.index_cast %parallel_loop3A_501 : i32 to index
        %parallel_loop3A_517 = arith.constant 48 : index
        %parallel_loop3A_518 = tpu.vector_load %arg11[%parallel_loop3A_516, %parallel_loop3A_517] {strides = array<i32>} : memref<32x768xf32, #tpu.memory_space<vmem>>, vector<16xf32>,
        tpu.vector_store %arg11[%parallel_loop3A_516, %parallel_loop3A_517], %parallel_loop3A_515 {strides = array<i32>} : memref<32x768xf32, #tpu.memory_space<vmem>>, vector<16xf32>,
        %parallel_loop3A_519 = tpu.vector_load_idx %arg9[%parallel_loop3A_502, %get3A_306] : memref<32x1024xf32, #tpu.memory_space<vmem>>[vector<16xi32>, vector<16xi32>], vector<16xf32>,
        %parallel_loop3A_520 = arith.index_cast %parallel_loop3A_501 : i32 to index
        %parallel_loop3A_521 = arith.constant 64 : index
        %parallel_loop3A_522 = tpu.vector_load %arg11[%parallel_loop3A_520, %parallel_loop3A_521] {strides = array<i32>} : memref<32x768xf32, #tpu.memory_space<vmem>>, vector<16xf32>,
        tpu.vector_store %arg11[%parallel_loop3A_520, %parallel_loop3A_521], %parallel_loop3A_519 {strides = array<i32>} : memref<32x768xf32, #tpu.memory_space<vmem>>, vector<16xf32>,
        %parallel_loop3A_523 = tpu.vector_load_idx %arg9[%parallel_loop3A_502, %get3A_310] : memref<32x1024xf32, #tpu.memory_space<vmem>>[vector<16xi32>, vector<16xi32>], vector<16xf32>,
        %parallel_loop3A_524 = arith.index_cast %parallel_loop3A_501 : i32 to index
        %parallel_loop3A_525 = arith.constant 80 : index
        %parallel_loop3A_526 = tpu.vector_load %arg11[%parallel_loop3A_524, %parallel_loop3A_525] {strides = array<i32>} : memref<32x768xf32, #tpu.memory_space<vmem>>, vector<16xf32>,
        tpu.vector_store %arg11[%parallel_loop3A_524, %parallel_loop3A_525], %parallel_loop3A_523 {strides = array<i32>} : memref<32x768xf32, #tpu.memory_space<vmem>>, vector<16xf32>,
        %parallel_loop3A_527 = tpu.vector_load_idx %arg9[%parallel_loop3A_502, %get3A_314] : memref<32x1024xf32, #tpu.memory_space<vmem>>[vector<16xi32>, vector<16xi32>], vector<16xf32>,
        %parallel_loop3A_528 = arith.index_cast %parallel_loop3A_501 : i32 to index
        %parallel_loop3A_529 = arith.constant 96 : index
        %parallel_loop3A_530 = tpu.vector_load %arg11[%parallel_loop3A_528, %parallel_loop3A_529] {strides = array<i32>} : memref<32x768xf32, #tpu.memory_space<vmem>>, vector<16xf32>,
        tpu.vector_store %arg11[%parallel_loop3A_528, %parallel_loop3A_529], %parallel_loop3A_527 {strides = array<i32>} : memref<32x768xf32, #tpu.memory_space<vmem>>, vector<16xf32>,
        %parallel_loop3A_531 = tpu.vector_load_idx %arg9[%parallel_loop3A_502, %get3A_318] : memref<32x1024xf32, #tpu.memory_space<vmem>>[vector<16xi32>, vector<16xi32>], vector<16xf32>,
        %parallel_loop3A_532 = arith.index_cast %parallel_loop3A_501 : i32 to index
        %parallel_loop3A_533 = arith.constant 112 : index
        %parallel_loop3A_534 = tpu.vector_load %arg11[%parallel_loop3A_532, %parallel_loop3A_533] {strides = array<i32>} : memref<32x768xf32, #tpu.memory_space<vmem>>, vector<16xf32>,
        tpu.vector_store %arg11[%parallel_loop3A_532, %parallel_loop3A_533], %parallel_loop3A_531 {strides = array<i32>} : memref<32x768xf32, #tpu.memory_space<vmem>>, vector<16xf32>,
        %parallel_loop3A_535 = tpu.vector_load_idx %arg9[%parallel_loop3A_502, %get3A_322] : memref<32x1024xf32, #tpu.memory_space<vmem>>[vector<16xi32>, vector<16xi32>], vector<16xf32>,
        %parallel_loop3A_536 = arith.index_cast %parallel_loop3A_501 : i32 to index
        %parallel_loop3A_537 = arith.constant 128 : index
        %parallel_loop3A_538 = tpu.vector_load %arg11[%parallel_loop3A_536, %parallel_loop3A_537] {strides = array<i32>} : memref<32x768xf32, #tpu.memory_space<vmem>>, vector<16xf32>,
        tpu.vector_store %arg11[%parallel_loop3A_536, %parallel_loop3A_537], %parallel_loop3A_535 {strides = array<i32>} : memref<32x768xf32, #tpu.memory_space<vmem>>, vector<16xf32>,
        %parallel_loop3A_539 = tpu.vector_load_idx %arg9[%parallel_loop3A_502, %get3A_326] : memref<32x1024xf32, #tpu.memory_space<vmem>>[vector<16xi32>, vector<16xi32>], vector<16xf32>,
        %parallel_loop3A_540 = arith.index_cast %parallel_loop3A_501 : i32 to index
        %parallel_loop3A_541 = arith.constant 144 : index
        %parallel_loop3A_542 = tpu.vector_load %arg11[%parallel_loop3A_540, %parallel_loop3A_541] {strides = array<i32>} : memref<32x768xf32, #tpu.memory_space<vmem>>, vector<16xf32>,
        tpu.vector_store %arg11[%parallel_loop3A_540, %parallel_loop3A_541], %parallel_loop3A_539 {strides = array<i32>} : memref<32x768xf32, #tpu.memory_space<vmem>>, vector<16xf32>,
        %parallel_loop3A_543 = tpu.vector_load_idx %arg9[%parallel_loop3A_502, %get3A_330] : memref<32x1024xf32, #tpu.memory_space<vmem>>[vector<16xi32>, vector<16xi32>], vector<16xf32>,
        %parallel_loop3A_544 = arith.index_cast %parallel_loop3A_501 : i32 to index
        %parallel_loop3A_545 = arith.constant 160 : index
        %parallel_loop3A_546 = tpu.vector_load %arg11[%parallel_loop3A_544, %parallel_loop3A_545] {strides = array<i32>} : memref<32x768xf32, #tpu.memory_space<vmem>>, vector<16xf32>,
        tpu.vector_store %arg11[%parallel_loop3A_544, %parallel_loop3A_545], %parallel_loop3A_543 {strides = array<i32>} : memref<32x768xf32, #tpu.memory_space<vmem>>, vector<16xf32>,
        %parallel_loop3A_547 = tpu.vector_load_idx %arg9[%parallel_loop3A_502, %get3A_334] : memref<32x1024xf32, #tpu.memory_space<vmem>>[vector<16xi32>, vector<16xi32>], vector<16xf32>,
        %parallel_loop3A_548 = arith.index_cast %parallel_loop3A_501 : i32 to index
        %parallel_loop3A_549 = arith.constant 176 : index
        %parallel_loop3A_550 = tpu.vector_load %arg11[%parallel_loop3A_548, %parallel_loop3A_549] {strides = array<i32>} : memref<32x768xf32, #tpu.memory_space<vmem>>, vector<16xf32>,
        tpu.vector_store %arg11[%parallel_loop3A_548, %parallel_loop3A_549], %parallel_loop3A_547 {strides = array<i32>} : memref<32x768xf32, #tpu.memory_space<vmem>>, vector<16xf32>,
        %parallel_loop3A_551 = tpu.vector_load_idx %arg9[%parallel_loop3A_502, %get3A_338] : memref<32x1024xf32, #tpu.memory_space<vmem>>[vector<16xi32>, vector<16xi32>], vector<16xf32>,
        %parallel_loop3A_552 = arith.index_cast %parallel_loop3A_501 : i32 to index
        %parallel_loop3A_553 = arith.constant 192 : index
        %parallel_loop3A_554 = tpu.vector_load %arg11[%parallel_loop3A_552, %parallel_loop3A_553] {strides = array<i32>} : memref<32x768xf32, #tpu.memory_space<vmem>>, vector<16xf32>,
        tpu.vector_store %arg11[%parallel_loop3A_552, %parallel_loop3A_553], %parallel_loop3A_551 {strides = array<i32>} : memref<32x768xf32, #tpu.memory_space<vmem>>, vector<16xf32>,
        %parallel_loop3A_555 = tpu.vector_load_idx %arg9[%parallel_loop3A_502, %get3A_342] : memref<32x1024xf32, #tpu.memory_space<vmem>>[vector<16xi32>, vector<16xi32>], vector<16xf32>,
        %parallel_loop3A_556 = arith.index_cast %parallel_loop3A_501 : i32 to index
        %parallel_loop3A_557 = arith.constant 208 : index
        %parallel_loop3A_558 = tpu.vector_load %arg11[%parallel_loop3A_556, %parallel_loop3A_557] {strides = array<i32>} : memref<32x768xf32, #tpu.memory_space<vmem>>, vector<16xf32>,
        tpu.vector_store %arg11[%parallel_loop3A_556, %parallel_loop3A_557], %parallel_loop3A_555 {strides = array<i32>} : memref<32x768xf32, #tpu.memory_space<vmem>>, vector<16xf32>,
        %parallel_loop3A_559 = tpu.vector_load_idx %arg9[%parallel_loop3A_502, %get3A_346] : memref<32x1024xf32, #tpu.memory_space<vmem>>[vector<16xi32>, vector<16xi32>], vector<16xf32>,
        %parallel_loop3A_560 = arith.index_cast %parallel_loop3A_501 : i32 to index
        %parallel_loop3A_561 = arith.constant 224 : index
        %parallel_loop3A_562 = tpu.vector_load %arg11[%parallel_loop3A_560, %parallel_loop3A_561] {strides = array<i32>} : memref<32x768xf32, #tpu.memory_space<vmem>>, vector<16xf32>,
        tpu.vector_store %arg11[%parallel_loop3A_560, %parallel_loop3A_561], %parallel_loop3A_559 {strides = array<i32>} : memref<32x768xf32, #tpu.memory_space<vmem>>, vector<16xf32>,
        %parallel_loop3A_563 = tpu.vector_load_idx %arg9[%parallel_loop3A_502, %get3A_350] : memref<32x1024xf32, #tpu.memory_space<vmem>>[vector<16xi32>, vector<16xi32>], vector<16xf32>,
        %parallel_loop3A_564 = arith.index_cast %parallel_loop3A_501 : i32 to index
        %parallel_loop3A_565 = arith.constant 240 : index
        %parallel_loop3A_566 = tpu.vector_load %arg11[%parallel_loop3A_564, %parallel_loop3A_565] {strides = array<i32>} : memref<32x768xf32, #tpu.memory_space<vmem>>, vector<16xf32>,
        tpu.vector_store %arg11[%parallel_loop3A_564, %parallel_loop3A_565], %parallel_loop3A_563 {strides = array<i32>} : memref<32x768xf32, #tpu.memory_space<vmem>>, vector<16xf32>,
      } {sc.loop_unroll_factor = 1 : i64, sc.parallel_access}
      %get3A_354 = arith.constant 16 : i32
      %get3A_355 = arith.index_cast %get3A_354 : i32 to index
      %get3A_356 = arith.constant 0 : index
      %get3A_357 = tpu.vector_load %arg7[%get3A_355, %get3A_356] {strides = array<i32>} : memref<48x16xi32, #tpu.memory_space<vmem>>, vector<16xi32>,
      %get3A_358 = arith.constant 17 : i32
      %get3A_359 = arith.index_cast %get3A_358 : i32 to index
      %get3A_360 = arith.constant 0 : index
      %get3A_361 = tpu.vector_load %arg7[%get3A_359, %get3A_360] {strides = array<i32>} : memref<48x16xi32, #tpu.memory_space<vmem>>, vector<16xi32>,
      %get3A_362 = arith.constant 18 : i32
      %get3A_363 = arith.index_cast %get3A_362 : i32 to index
      %get3A_364 = arith.constant 0 : index
      %get3A_365 = tpu.vector_load %arg7[%get3A_363, %get3A_364] {strides = array<i32>} : memref<48x16xi32, #tpu.memory_space<vmem>>, vector<16xi32>,
      %get3A_366 = arith.constant 19 : i32
      %get3A_367 = arith.index_cast %get3A_366 : i32 to index
      %get3A_368 = arith.constant 0 : index
      %get3A_369 = tpu.vector_load %arg7[%get3A_367, %get3A_368] {strides = array<i32>} : memref<48x16xi32, #tpu.memory_space<vmem>>, vector<16xi32>,
      %get3A_370 = arith.constant 20 : i32
      %get3A_371 = arith.index_cast %get3A_370 : i32 to index
      %get3A_372 = arith.constant 0 : index
      %get3A_373 = tpu.vector_load %arg7[%get3A_371, %get3A_372] {strides = array<i32>} : memref<48x16xi32, #tpu.memory_space<vmem>>, vector<16xi32>,
      %get3A_374 = arith.constant 21 : i32
      %get3A_375 = arith.index_cast %get3A_374 : i32 to index
      %get3A_376 = arith.constant 0 : index
      %get3A_377 = tpu.vector_load %arg7[%get3A_375, %get3A_376] {strides = array<i32>} : memref<48x16xi32, #tpu.memory_space<vmem>>, vector<16xi32>,
      %get3A_378 = arith.constant 22 : i32
      %get3A_379 = arith.index_cast %get3A_378 : i32 to index
      %get3A_380 = arith.constant 0 : index
      %get3A_381 = tpu.vector_load %arg7[%get3A_379, %get3A_380] {strides = array<i32>} : memref<48x16xi32, #tpu.memory_space<vmem>>, vector<16xi32>,
      %get3A_382 = arith.constant 23 : i32
      %get3A_383 = arith.index_cast %get3A_382 : i32 to index
      %get3A_384 = arith.constant 0 : index
      %get3A_385 = tpu.vector_load %arg7[%get3A_383, %get3A_384] {strides = array<i32>} : memref<48x16xi32, #tpu.memory_space<vmem>>, vector<16xi32>,
      %get3A_386 = arith.constant 24 : i32
      %get3A_387 = arith.index_cast %get3A_386 : i32 to index
      %get3A_388 = arith.constant 0 : index
      %get3A_389 = tpu.vector_load %arg7[%get3A_387, %get3A_388] {strides = array<i32>} : memref<48x16xi32, #tpu.memory_space<vmem>>, vector<16xi32>,
      %get3A_390 = arith.constant 25 : i32
      %get3A_391 = arith.index_cast %get3A_390 : i32 to index
      %get3A_392 = arith.constant 0 : index
      %get3A_393 = tpu.vector_load %arg7[%get3A_391, %get3A_392] {strides = array<i32>} : memref<48x16xi32, #tpu.memory_space<vmem>>, vector<16xi32>,
      %get3A_394 = arith.constant 26 : i32
      %get3A_395 = arith.index_cast %get3A_394 : i32 to index
      %get3A_396 = arith.constant 0 : index
      %get3A_397 = tpu.vector_load %arg7[%get3A_395, %get3A_396] {strides = array<i32>} : memref<48x16xi32, #tpu.memory_space<vmem>>, vector<16xi32>,
      %get3A_398 = arith.constant 27 : i32
      %get3A_399 = arith.index_cast %get3A_398 : i32 to index
      %get3A_400 = arith.constant 0 : index
      %get3A_401 = tpu.vector_load %arg7[%get3A_399, %get3A_400] {strides = array<i32>} : memref<48x16xi32, #tpu.memory_space<vmem>>, vector<16xi32>,
      %get3A_402 = arith.constant 28 : i32
      %get3A_403 = arith.index_cast %get3A_402 : i32 to index
      %get3A_404 = arith.constant 0 : index
      %get3A_405 = tpu.vector_load %arg7[%get3A_403, %get3A_404] {strides = array<i32>} : memref<48x16xi32, #tpu.memory_space<vmem>>, vector<16xi32>,
      %get3A_406 = arith.constant 29 : i32
      %get3A_407 = arith.index_cast %get3A_406 : i32 to index
      %get3A_408 = arith.constant 0 : index
      %get3A_409 = tpu.vector_load %arg7[%get3A_407, %get3A_408] {strides = array<i32>} : memref<48x16xi32, #tpu.memory_space<vmem>>, vector<16xi32>,
      %get3A_410 = arith.constant 30 : i32
      %get3A_411 = arith.index_cast %get3A_410 : i32 to index
      %get3A_412 = arith.constant 0 : index
      %get3A_413 = tpu.vector_load %arg7[%get3A_411, %get3A_412] {strides = array<i32>} : memref<48x16xi32, #tpu.memory_space<vmem>>, vector<16xi32>,
      %get3A_414 = arith.constant 31 : i32
      %get3A_415 = arith.index_cast %get3A_414 : i32 to index
      %get3A_416 = arith.constant 0 : index
      %get3A_417 = tpu.vector_load %arg7[%get3A_415, %get3A_416] {strides = array<i32>} : memref<48x16xi32, #tpu.memory_space<vmem>>, vector<16xi32>,
      %parallel_loop3A_418 = arith.constant 0 : i32
      %parallel_loop3A_419 = arith.constant 32 : i32
      %parallel_loop3A_420 = arith.constant 1 : i32
      scf.for %parallel_loop3A_501 = %parallel_loop3A_418 to %parallel_loop3A_419 step %parallel_loop3A_420  : i32 {
        %parallel_loop3A_502 = vector.broadcast %parallel_loop3A_501 : i32 to vector<16xi32>
        %parallel_loop3A_503 = tpu.vector_load_idx %arg9[%parallel_loop3A_502, %get3A_357] : memref<32x1024xf32, #tpu.memory_space<vmem>>[vector<16xi32>, vector<16xi32>], vector<16xf32>,
        %parallel_loop3A_504 = arith.index_cast %parallel_loop3A_501 : i32 to index
        %parallel_loop3A_505 = arith.constant 256 : index
        %parallel_loop3A_506 = tpu.vector_load %arg11[%parallel_loop3A_504, %parallel_loop3A_505] {strides = array<i32>} : memref<32x768xf32, #tpu.memory_space<vmem>>, vector<16xf32>,
        tpu.vector_store %arg11[%parallel_loop3A_504, %parallel_loop3A_505], %parallel_loop3A_503 {strides = array<i32>} : memref<32x768xf32, #tpu.memory_space<vmem>>, vector<16xf32>,
        %parallel_loop3A_507 = tpu.vector_load_idx %arg9[%parallel_loop3A_502, %get3A_361] : memref<32x1024xf32, #tpu.memory_space<vmem>>[vector<16xi32>, vector<16xi32>], vector<16xf32>,
        %parallel_loop3A_508 = arith.index_cast %parallel_loop3A_501 : i32 to index
        %parallel_loop3A_509 = arith.constant 272 : index
        %parallel_loop3A_510 = tpu.vector_load %arg11[%parallel_loop3A_508, %parallel_loop3A_509] {strides = array<i32>} : memref<32x768xf32, #tpu.memory_space<vmem>>, vector<16xf32>,
        tpu.vector_store %arg11[%parallel_loop3A_508, %parallel_loop3A_509], %parallel_loop3A_507 {strides = array<i32>} : memref<32x768xf32, #tpu.memory_space<vmem>>, vector<16xf32>,
        %parallel_loop3A_511 = tpu.vector_load_idx %arg9[%parallel_loop3A_502, %get3A_365] : memref<32x1024xf32, #tpu.memory_space<vmem>>[vector<16xi32>, vector<16xi32>], vector<16xf32>,
        %parallel_loop3A_512 = arith.index_cast %parallel_loop3A_501 : i32 to index
        %parallel_loop3A_513 = arith.constant 288 : index
        %parallel_loop3A_514 = tpu.vector_load %arg11[%parallel_loop3A_512, %parallel_loop3A_513] {strides = array<i32>} : memref<32x768xf32, #tpu.memory_space<vmem>>, vector<16xf32>,
        tpu.vector_store %arg11[%parallel_loop3A_512, %parallel_loop3A_513], %parallel_loop3A_511 {strides = array<i32>} : memref<32x768xf32, #tpu.memory_space<vmem>>, vector<16xf32>,
        %parallel_loop3A_515 = tpu.vector_load_idx %arg9[%parallel_loop3A_502, %get3A_369] : memref<32x1024xf32, #tpu.memory_space<vmem>>[vector<16xi32>, vector<16xi32>], vector<16xf32>,
        %parallel_loop3A_516 = arith.index_cast %parallel_loop3A_501 : i32 to index
        %parallel_loop3A_517 = arith.constant 304 : index
        %parallel_loop3A_518 = tpu.vector_load %arg11[%parallel_loop3A_516, %parallel_loop3A_517] {strides = array<i32>} : memref<32x768xf32, #tpu.memory_space<vmem>>, vector<16xf32>,
        tpu.vector_store %arg11[%parallel_loop3A_516, %parallel_loop3A_517], %parallel_loop3A_515 {strides = array<i32>} : memref<32x768xf32, #tpu.memory_space<vmem>>, vector<16xf32>,
        %parallel_loop3A_519 = tpu.vector_load_idx %arg9[%parallel_loop3A_502, %get3A_373] : memref<32x1024xf32, #tpu.memory_space<vmem>>[vector<16xi32>, vector<16xi32>], vector<16xf32>,
        %parallel_loop3A_520 = arith.index_cast %parallel_loop3A_501 : i32 to index
        %parallel_loop3A_521 = arith.constant 320 : index
        %parallel_loop3A_522 = tpu.vector_load %arg11[%parallel_loop3A_520, %parallel_loop3A_521] {strides = array<i32>} : memref<32x768xf32, #tpu.memory_space<vmem>>, vector<16xf32>,
        tpu.vector_store %arg11[%parallel_loop3A_520, %parallel_loop3A_521], %parallel_loop3A_519 {strides = array<i32>} : memref<32x768xf32, #tpu.memory_space<vmem>>, vector<16xf32>,
        %parallel_loop3A_523 = tpu.vector_load_idx %arg9[%parallel_loop3A_502, %get3A_377] : memref<32x1024xf32, #tpu.memory_space<vmem>>[vector<16xi32>, vector<16xi32>], vector<16xf32>,
        %parallel_loop3A_524 = arith.index_cast %parallel_loop3A_501 : i32 to index
        %parallel_loop3A_525 = arith.constant 336 : index
        %parallel_loop3A_526 = tpu.vector_load %arg11[%parallel_loop3A_524, %parallel_loop3A_525] {strides = array<i32>} : memref<32x768xf32, #tpu.memory_space<vmem>>, vector<16xf32>,
        tpu.vector_store %arg11[%parallel_loop3A_524, %parallel_loop3A_525], %parallel_loop3A_523 {strides = array<i32>} : memref<32x768xf32, #tpu.memory_space<vmem>>, vector<16xf32>,
        %parallel_loop3A_527 = tpu.vector_load_idx %arg9[%parallel_loop3A_502, %get3A_381] : memref<32x1024xf32, #tpu.memory_space<vmem>>[vector<16xi32>, vector<16xi32>], vector<16xf32>,
        %parallel_loop3A_528 = arith.index_cast %parallel_loop3A_501 : i32 to index
        %parallel_loop3A_529 = arith.constant 352 : index
        %parallel_loop3A_530 = tpu.vector_load %arg11[%parallel_loop3A_528, %parallel_loop3A_529] {strides = array<i32>} : memref<32x768xf32, #tpu.memory_space<vmem>>, vector<16xf32>,
        tpu.vector_store %arg11[%parallel_loop3A_528, %parallel_loop3A_529], %parallel_loop3A_527 {strides = array<i32>} : memref<32x768xf32, #tpu.memory_space<vmem>>, vector<16xf32>,
        %parallel_loop3A_531 = tpu.vector_load_idx %arg9[%parallel_loop3A_502, %get3A_385] : memref<32x1024xf32, #tpu.memory_space<vmem>>[vector<16xi32>, vector<16xi32>], vector<16xf32>,
        %parallel_loop3A_532 = arith.index_cast %parallel_loop3A_501 : i32 to index
        %parallel_loop3A_533 = arith.constant 368 : index
        %parallel_loop3A_534 = tpu.vector_load %arg11[%parallel_loop3A_532, %parallel_loop3A_533] {strides = array<i32>} : memref<32x768xf32, #tpu.memory_space<vmem>>, vector<16xf32>,
        tpu.vector_store %arg11[%parallel_loop3A_532, %parallel_loop3A_533], %parallel_loop3A_531 {strides = array<i32>} : memref<32x768xf32, #tpu.memory_space<vmem>>, vector<16xf32>,
        %parallel_loop3A_535 = tpu.vector_load_idx %arg9[%parallel_loop3A_502, %get3A_389] : memref<32x1024xf32, #tpu.memory_space<vmem>>[vector<16xi32>, vector<16xi32>], vector<16xf32>,
        %parallel_loop3A_536 = arith.index_cast %parallel_loop3A_501 : i32 to index
        %parallel_loop3A_537 = arith.constant 384 : index
        %parallel_loop3A_538 = tpu.vector_load %arg11[%parallel_loop3A_536, %parallel_loop3A_537] {strides = array<i32>} : memref<32x768xf32, #tpu.memory_space<vmem>>, vector<16xf32>,
        tpu.vector_store %arg11[%parallel_loop3A_536, %parallel_loop3A_537], %parallel_loop3A_535 {strides = array<i32>} : memref<32x768xf32, #tpu.memory_space<vmem>>, vector<16xf32>,
        %parallel_loop3A_539 = tpu.vector_load_idx %arg9[%parallel_loop3A_502, %get3A_393] : memref<32x1024xf32, #tpu.memory_space<vmem>>[vector<16xi32>, vector<16xi32>], vector<16xf32>,
        %parallel_loop3A_540 = arith.index_cast %parallel_loop3A_501 : i32 to index
        %parallel_loop3A_541 = arith.constant 400 : index
        %parallel_loop3A_542 = tpu.vector_load %arg11[%parallel_loop3A_540, %parallel_loop3A_541] {strides = array<i32>} : memref<32x768xf32, #tpu.memory_space<vmem>>, vector<16xf32>,
        tpu.vector_store %arg11[%parallel_loop3A_540, %parallel_loop3A_541], %parallel_loop3A_539 {strides = array<i32>} : memref<32x768xf32, #tpu.memory_space<vmem>>, vector<16xf32>,
        %parallel_loop3A_543 = tpu.vector_load_idx %arg9[%parallel_loop3A_502, %get3A_397] : memref<32x1024xf32, #tpu.memory_space<vmem>>[vector<16xi32>, vector<16xi32>], vector<16xf32>,
        %parallel_loop3A_544 = arith.index_cast %parallel_loop3A_501 : i32 to index
        %parallel_loop3A_545 = arith.constant 416 : index
        %parallel_loop3A_546 = tpu.vector_load %arg11[%parallel_loop3A_544, %parallel_loop3A_545] {strides = array<i32>} : memref<32x768xf32, #tpu.memory_space<vmem>>, vector<16xf32>,
        tpu.vector_store %arg11[%parallel_loop3A_544, %parallel_loop3A_545], %parallel_loop3A_543 {strides = array<i32>} : memref<32x768xf32, #tpu.memory_space<vmem>>, vector<16xf32>,
        %parallel_loop3A_547 = tpu.vector_load_idx %arg9[%parallel_loop3A_502, %get3A_401] : memref<32x1024xf32, #tpu.memory_space<vmem>>[vector<16xi32>, vector<16xi32>], vector<16xf32>,
        %parallel_loop3A_548 = arith.index_cast %parallel_loop3A_501 : i32 to index
        %parallel_loop3A_549 = arith.constant 432 : index
        %parallel_loop3A_550 = tpu.vector_load %arg11[%parallel_loop3A_548, %parallel_loop3A_549] {strides = array<i32>} : memref<32x768xf32, #tpu.memory_space<vmem>>, vector<16xf32>,
        tpu.vector_store %arg11[%parallel_loop3A_548, %parallel_loop3A_549], %parallel_loop3A_547 {strides = array<i32>} : memref<32x768xf32, #tpu.memory_space<vmem>>, vector<16xf32>,
        %parallel_loop3A_551 = tpu.vector_load_idx %arg9[%parallel_loop3A_502, %get3A_405] : memref<32x1024xf32, #tpu.memory_space<vmem>>[vector<16xi32>, vector<16xi32>], vector<16xf32>,
        %parallel_loop3A_552 = arith.index_cast %parallel_loop3A_501 : i32 to index
        %parallel_loop3A_553 = arith.constant 448 : index
        %parallel_loop3A_554 = tpu.vector_load %arg11[%parallel_loop3A_552, %parallel_loop3A_553] {strides = array<i32>} : memref<32x768xf32, #tpu.memory_space<vmem>>, vector<16xf32>,
        tpu.vector_store %arg11[%parallel_loop3A_552, %parallel_loop3A_553], %parallel_loop3A_551 {strides = array<i32>} : memref<32x768xf32, #tpu.memory_space<vmem>>, vector<16xf32>,
        %parallel_loop3A_555 = tpu.vector_load_idx %arg9[%parallel_loop3A_502, %get3A_409] : memref<32x1024xf32, #tpu.memory_space<vmem>>[vector<16xi32>, vector<16xi32>], vector<16xf32>,
        %parallel_loop3A_556 = arith.index_cast %parallel_loop3A_501 : i32 to index
        %parallel_loop3A_557 = arith.constant 464 : index
        %parallel_loop3A_558 = tpu.vector_load %arg11[%parallel_loop3A_556, %parallel_loop3A_557] {strides = array<i32>} : memref<32x768xf32, #tpu.memory_space<vmem>>, vector<16xf32>,
        tpu.vector_store %arg11[%parallel_loop3A_556, %parallel_loop3A_557], %parallel_loop3A_555 {strides = array<i32>} : memref<32x768xf32, #tpu.memory_space<vmem>>, vector<16xf32>,
        %parallel_loop3A_559 = tpu.vector_load_idx %arg9[%parallel_loop3A_502, %get3A_413] : memref<32x1024xf32, #tpu.memory_space<vmem>>[vector<16xi32>, vector<16xi32>], vector<16xf32>,
        %parallel_loop3A_560 = arith.index_cast %parallel_loop3A_501 : i32 to index
        %parallel_loop3A_561 = arith.constant 480 : index
        %parallel_loop3A_562 = tpu.vector_load %arg11[%parallel_loop3A_560, %parallel_loop3A_561] {strides = array<i32>} : memref<32x768xf32, #tpu.memory_space<vmem>>, vector<16xf32>,
        tpu.vector_store %arg11[%parallel_loop3A_560, %parallel_loop3A_561], %parallel_loop3A_559 {strides = array<i32>} : memref<32x768xf32, #tpu.memory_space<vmem>>, vector<16xf32>,
        %parallel_loop3A_563 = tpu.vector_load_idx %arg9[%parallel_loop3A_502, %get3A_417] : memref<32x1024xf32, #tpu.memory_space<vmem>>[vector<16xi32>, vector<16xi32>], vector<16xf32>,
        %parallel_loop3A_564 = arith.index_cast %parallel_loop3A_501 : i32 to index
        %parallel_loop3A_565 = arith.constant 496 : index
        %parallel_loop3A_566 = tpu.vector_load %arg11[%parallel_loop3A_564, %parallel_loop3A_565] {strides = array<i32>} : memref<32x768xf32, #tpu.memory_space<vmem>>, vector<16xf32>,
        tpu.vector_store %arg11[%parallel_loop3A_564, %parallel_loop3A_565], %parallel_loop3A_563 {strides = array<i32>} : memref<32x768xf32, #tpu.memory_space<vmem>>, vector<16xf32>,
      } {sc.loop_unroll_factor = 1 : i64, sc.parallel_access}
      %get3A_421 = arith.constant 32 : i32
      %get3A_422 = arith.index_cast %get3A_421 : i32 to index
      %get3A_423 = arith.constant 0 : index
      %get3A_424 = tpu.vector_load %arg7[%get3A_422, %get3A_423] {strides = array<i32>} : memref<48x16xi32, #tpu.memory_space<vmem>>, vector<16xi32>,
      %get3A_425 = arith.constant 33 : i32
      %get3A_426 = arith.index_cast %get3A_425 : i32 to index
      %get3A_427 = arith.constant 0 : index
      %get3A_428 = tpu.vector_load %arg7[%get3A_426, %get3A_427] {strides = array<i32>} : memref<48x16xi32, #tpu.memory_space<vmem>>, vector<16xi32>,
      %get3A_429 = arith.constant 34 : i32
      %get3A_430 = arith.index_cast %get3A_429 : i32 to index
      %get3A_431 = arith.constant 0 : index
      %get3A_432 = tpu.vector_load %arg7[%get3A_430, %get3A_431] {strides = array<i32>} : memref<48x16xi32, #tpu.memory_space<vmem>>, vector<16xi32>,
      %get3A_433 = arith.constant 35 : i32
      %get3A_434 = arith.index_cast %get3A_433 : i32 to index
      %get3A_435 = arith.constant 0 : index
      %get3A_436 = tpu.vector_load %arg7[%get3A_434, %get3A_435] {strides = array<i32>} : memref<48x16xi32, #tpu.memory_space<vmem>>, vector<16xi32>,
      %get3A_437 = arith.constant 36 : i32
      %get3A_438 = arith.index_cast %get3A_437 : i32 to index
      %get3A_439 = arith.constant 0 : index
      %get3A_440 = tpu.vector_load %arg7[%get3A_438, %get3A_439] {strides = array<i32>} : memref<48x16xi32, #tpu.memory_space<vmem>>, vector<16xi32>,
      %get3A_441 = arith.constant 37 : i32
      %get3A_442 = arith.index_cast %get3A_441 : i32 to index
      %get3A_443 = arith.constant 0 : index
      %get3A_444 = tpu.vector_load %arg7[%get3A_442, %get3A_443] {strides = array<i32>} : memref<48x16xi32, #tpu.memory_space<vmem>>, vector<16xi32>,
      %get3A_445 = arith.constant 38 : i32
      %get3A_446 = arith.index_cast %get3A_445 : i32 to index
      %get3A_447 = arith.constant 0 : index
      %get3A_448 = tpu.vector_load %arg7[%get3A_446, %get3A_447] {strides = array<i32>} : memref<48x16xi32, #tpu.memory_space<vmem>>, vector<16xi32>,
      %get3A_449 = arith.constant 39 : i32
      %get3A_450 = arith.index_cast %get3A_449 : i32 to index
      %get3A_451 = arith.constant 0 : index
      %get3A_452 = tpu.vector_load %arg7[%get3A_450, %get3A_451] {strides = array<i32>} : memref<48x16xi32, #tpu.memory_space<vmem>>, vector<16xi32>,
      %get3A_453 = arith.constant 40 : i32
      %get3A_454 = arith.index_cast %get3A_453 : i32 to index
      %get3A_455 = arith.constant 0 : index
      %get3A_456 = tpu.vector_load %arg7[%get3A_454, %get3A_455] {strides = array<i32>} : memref<48x16xi32, #tpu.memory_space<vmem>>, vector<16xi32>,
      %get3A_457 = arith.constant 41 : i32
      %get3A_458 = arith.index_cast %get3A_457 : i32 to index
      %get3A_459 = arith.constant 0 : index
      %get3A_460 = tpu.vector_load %arg7[%get3A_458, %get3A_459] {strides = array<i32>} : memref<48x16xi32, #tpu.memory_space<vmem>>, vector<16xi32>,
      %get3A_461 = arith.constant 42 : i32
      %get3A_462 = arith.index_cast %get3A_461 : i32 to index
      %get3A_463 = arith.constant 0 : index
      %get3A_464 = tpu.vector_load %arg7[%get3A_462, %get3A_463] {strides = array<i32>} : memref<48x16xi32, #tpu.memory_space<vmem>>, vector<16xi32>,
      %get3A_465 = arith.constant 43 : i32
      %get3A_466 = arith.index_cast %get3A_465 : i32 to index
      %get3A_467 = arith.constant 0 : index
      %get3A_468 = tpu.vector_load %arg7[%get3A_466, %get3A_467] {strides = array<i32>} : memref<48x16xi32, #tpu.memory_space<vmem>>, vector<16xi32>,
      %get3A_469 = arith.constant 44 : i32
      %get3A_470 = arith.index_cast %get3A_469 : i32 to index
      %get3A_471 = arith.constant 0 : index
      %get3A_472 = tpu.vector_load %arg7[%get3A_470, %get3A_471] {strides = array<i32>} : memref<48x16xi32, #tpu.memory_space<vmem>>, vector<16xi32>,
      %get3A_473 = arith.constant 45 : i32
      %get3A_474 = arith.index_cast %get3A_473 : i32 to index
      %get3A_475 = arith.constant 0 : index
      %get3A_476 = tpu.vector_load %arg7[%get3A_474, %get3A_475] {strides = array<i32>} : memref<48x16xi32, #tpu.memory_space<vmem>>, vector<16xi32>,
      %get3A_477 = arith.constant 46 : i32
      %get3A_478 = arith.index_cast %get3A_477 : i32 to index
      %get3A_479 = arith.constant 0 : index
      %get3A_480 = tpu.vector_load %arg7[%get3A_478, %get3A_479] {strides = array<i32>} : memref<48x16xi32, #tpu.memory_space<vmem>>, vector<16xi32>,
      %get3A_481 = arith.constant 47 : i32
      %get3A_482 = arith.index_cast %get3A_481 : i32 to index
      %get3A_483 = arith.constant 0 : index
      %get3A_484 = tpu.vector_load %arg7[%get3A_482, %get3A_483] {strides = array<i32>} : memref<48x16xi32, #tpu.memory_space<vmem>>, vector<16xi32>,
      %parallel_loop3A_485 = arith.constant 0 : i32
      %parallel_loop3A_486 = arith.constant 32 : i32
      %parallel_loop3A_487 = arith.constant 1 : i32
      scf.for %parallel_loop3A_501 = %parallel_loop3A_485 to %parallel_loop3A_486 step %parallel_loop3A_487  : i32 {
        %parallel_loop3A_502 = vector.broadcast %parallel_loop3A_501 : i32 to vector<16xi32>
        %parallel_loop3A_503 = tpu.vector_load_idx %arg9[%parallel_loop3A_502, %get3A_424] : memref<32x1024xf32, #tpu.memory_space<vmem>>[vector<16xi32>, vector<16xi32>], vector<16xf32>,
        %parallel_loop3A_504 = arith.index_cast %parallel_loop3A_501 : i32 to index
        %parallel_loop3A_505 = arith.constant 512 : index
        %parallel_loop3A_506 = tpu.vector_load %arg11[%parallel_loop3A_504, %parallel_loop3A_505] {strides = array<i32>} : memref<32x768xf32, #tpu.memory_space<vmem>>, vector<16xf32>,
        tpu.vector_store %arg11[%parallel_loop3A_504, %parallel_loop3A_505], %parallel_loop3A_503 {strides = array<i32>} : memref<32x768xf32, #tpu.memory_space<vmem>>, vector<16xf32>,
        %parallel_loop3A_507 = tpu.vector_load_idx %arg9[%parallel_loop3A_502, %get3A_428] : memref<32x1024xf32, #tpu.memory_space<vmem>>[vector<16xi32>, vector<16xi32>], vector<16xf32>,
        %parallel_loop3A_508 = arith.index_cast %parallel_loop3A_501 : i32 to index
        %parallel_loop3A_509 = arith.constant 528 : index
        %parallel_loop3A_510 = tpu.vector_load %arg11[%parallel_loop3A_508, %parallel_loop3A_509] {strides = array<i32>} : memref<32x768xf32, #tpu.memory_space<vmem>>, vector<16xf32>,
        tpu.vector_store %arg11[%parallel_loop3A_508, %parallel_loop3A_509], %parallel_loop3A_507 {strides = array<i32>} : memref<32x768xf32, #tpu.memory_space<vmem>>, vector<16xf32>,
        %parallel_loop3A_511 = tpu.vector_load_idx %arg9[%parallel_loop3A_502, %get3A_432] : memref<32x1024xf32, #tpu.memory_space<vmem>>[vector<16xi32>, vector<16xi32>], vector<16xf32>,
        %parallel_loop3A_512 = arith.index_cast %parallel_loop3A_501 : i32 to index
        %parallel_loop3A_513 = arith.constant 544 : index
        %parallel_loop3A_514 = tpu.vector_load %arg11[%parallel_loop3A_512, %parallel_loop3A_513] {strides = array<i32>} : memref<32x768xf32, #tpu.memory_space<vmem>>, vector<16xf32>,
        tpu.vector_store %arg11[%parallel_loop3A_512, %parallel_loop3A_513], %parallel_loop3A_511 {strides = array<i32>} : memref<32x768xf32, #tpu.memory_space<vmem>>, vector<16xf32>,
        %parallel_loop3A_515 = tpu.vector_load_idx %arg9[%parallel_loop3A_502, %get3A_436] : memref<32x1024xf32, #tpu.memory_space<vmem>>[vector<16xi32>, vector<16xi32>], vector<16xf32>,
        %parallel_loop3A_516 = arith.index_cast %parallel_loop3A_501 : i32 to index
        %parallel_loop3A_517 = arith.constant 560 : index
        %parallel_loop3A_518 = tpu.vector_load %arg11[%parallel_loop3A_516, %parallel_loop3A_517] {strides = array<i32>} : memref<32x768xf32, #tpu.memory_space<vmem>>, vector<16xf32>,
        tpu.vector_store %arg11[%parallel_loop3A_516, %parallel_loop3A_517], %parallel_loop3A_515 {strides = array<i32>} : memref<32x768xf32, #tpu.memory_space<vmem>>, vector<16xf32>,
        %parallel_loop3A_519 = tpu.vector_load_idx %arg9[%parallel_loop3A_502, %get3A_440] : memref<32x1024xf32, #tpu.memory_space<vmem>>[vector<16xi32>, vector<16xi32>], vector<16xf32>,
        %parallel_loop3A_520 = arith.index_cast %parallel_loop3A_501 : i32 to index
        %parallel_loop3A_521 = arith.constant 576 : index
        %parallel_loop3A_522 = tpu.vector_load %arg11[%parallel_loop3A_520, %parallel_loop3A_521] {strides = array<i32>} : memref<32x768xf32, #tpu.memory_space<vmem>>, vector<16xf32>,
        tpu.vector_store %arg11[%parallel_loop3A_520, %parallel_loop3A_521], %parallel_loop3A_519 {strides = array<i32>} : memref<32x768xf32, #tpu.memory_space<vmem>>, vector<16xf32>,
        %parallel_loop3A_523 = tpu.vector_load_idx %arg9[%parallel_loop3A_502, %get3A_444] : memref<32x1024xf32, #tpu.memory_space<vmem>>[vector<16xi32>, vector<16xi32>], vector<16xf32>,
        %parallel_loop3A_524 = arith.index_cast %parallel_loop3A_501 : i32 to index
        %parallel_loop3A_525 = arith.constant 592 : index
        %parallel_loop3A_526 = tpu.vector_load %arg11[%parallel_loop3A_524, %parallel_loop3A_525] {strides = array<i32>} : memref<32x768xf32, #tpu.memory_space<vmem>>, vector<16xf32>,
        tpu.vector_store %arg11[%parallel_loop3A_524, %parallel_loop3A_525], %parallel_loop3A_523 {strides = array<i32>} : memref<32x768xf32, #tpu.memory_space<vmem>>, vector<16xf32>,
        %parallel_loop3A_527 = tpu.vector_load_idx %arg9[%parallel_loop3A_502, %get3A_448] : memref<32x1024xf32, #tpu.memory_space<vmem>>[vector<16xi32>, vector<16xi32>], vector<16xf32>,
        %parallel_loop3A_528 = arith.index_cast %parallel_loop3A_501 : i32 to index
        %parallel_loop3A_529 = arith.constant 608 : index
        %parallel_loop3A_530 = tpu.vector_load %arg11[%parallel_loop3A_528, %parallel_loop3A_529] {strides = array<i32>} : memref<32x768xf32, #tpu.memory_space<vmem>>, vector<16xf32>,
        tpu.vector_store %arg11[%parallel_loop3A_528, %parallel_loop3A_529], %parallel_loop3A_527 {strides = array<i32>} : memref<32x768xf32, #tpu.memory_space<vmem>>, vector<16xf32>,
        %parallel_loop3A_531 = tpu.vector_load_idx %arg9[%parallel_loop3A_502, %get3A_452] : memref<32x1024xf32, #tpu.memory_space<vmem>>[vector<16xi32>, vector<16xi32>], vector<16xf32>,
        %parallel_loop3A_532 = arith.index_cast %parallel_loop3A_501 : i32 to index
        %parallel_loop3A_533 = arith.constant 624 : index
        %parallel_loop3A_534 = tpu.vector_load %arg11[%parallel_loop3A_532, %parallel_loop3A_533] {strides = array<i32>} : memref<32x768xf32, #tpu.memory_space<vmem>>, vector<16xf32>,
        tpu.vector_store %arg11[%parallel_loop3A_532, %parallel_loop3A_533], %parallel_loop3A_531 {strides = array<i32>} : memref<32x768xf32, #tpu.memory_space<vmem>>, vector<16xf32>,
        %parallel_loop3A_535 = tpu.vector_load_idx %arg9[%parallel_loop3A_502, %get3A_456] : memref<32x1024xf32, #tpu.memory_space<vmem>>[vector<16xi32>, vector<16xi32>], vector<16xf32>,
        %parallel_loop3A_536 = arith.index_cast %parallel_loop3A_501 : i32 to index
        %parallel_loop3A_537 = arith.constant 640 : index
        %parallel_loop3A_538 = tpu.vector_load %arg11[%parallel_loop3A_536, %parallel_loop3A_537] {strides = array<i32>} : memref<32x768xf32, #tpu.memory_space<vmem>>, vector<16xf32>,
        tpu.vector_store %arg11[%parallel_loop3A_536, %parallel_loop3A_537], %parallel_loop3A_535 {strides = array<i32>} : memref<32x768xf32, #tpu.memory_space<vmem>>, vector<16xf32>,
        %parallel_loop3A_539 = tpu.vector_load_idx %arg9[%parallel_loop3A_502, %get3A_460] : memref<32x1024xf32, #tpu.memory_space<vmem>>[vector<16xi32>, vector<16xi32>], vector<16xf32>,
        %parallel_loop3A_540 = arith.index_cast %parallel_loop3A_501 : i32 to index
        %parallel_loop3A_541 = arith.constant 656 : index
        %parallel_loop3A_542 = tpu.vector_load %arg11[%parallel_loop3A_540, %parallel_loop3A_541] {strides = array<i32>} : memref<32x768xf32, #tpu.memory_space<vmem>>, vector<16xf32>,
        tpu.vector_store %arg11[%parallel_loop3A_540, %parallel_loop3A_541], %parallel_loop3A_539 {strides = array<i32>} : memref<32x768xf32, #tpu.memory_space<vmem>>, vector<16xf32>,
        %parallel_loop3A_543 = tpu.vector_load_idx %arg9[%parallel_loop3A_502, %get3A_464] : memref<32x1024xf32, #tpu.memory_space<vmem>>[vector<16xi32>, vector<16xi32>], vector<16xf32>,
        %parallel_loop3A_544 = arith.index_cast %parallel_loop3A_501 : i32 to index
        %parallel_loop3A_545 = arith.constant 672 : index
        %parallel_loop3A_546 = tpu.vector_load %arg11[%parallel_loop3A_544, %parallel_loop3A_545] {strides = array<i32>} : memref<32x768xf32, #tpu.memory_space<vmem>>, vector<16xf32>,
        tpu.vector_store %arg11[%parallel_loop3A_544, %parallel_loop3A_545], %parallel_loop3A_543 {strides = array<i32>} : memref<32x768xf32, #tpu.memory_space<vmem>>, vector<16xf32>,
        %parallel_loop3A_547 = tpu.vector_load_idx %arg9[%parallel_loop3A_502, %get3A_468] : memref<32x1024xf32, #tpu.memory_space<vmem>>[vector<16xi32>, vector<16xi32>], vector<16xf32>,
        %parallel_loop3A_548 = arith.index_cast %parallel_loop3A_501 : i32 to index
        %parallel_loop3A_549 = arith.constant 688 : index
        %parallel_loop3A_550 = tpu.vector_load %arg11[%parallel_loop3A_548, %parallel_loop3A_549] {strides = array<i32>} : memref<32x768xf32, #tpu.memory_space<vmem>>, vector<16xf32>,
        tpu.vector_store %arg11[%parallel_loop3A_548, %parallel_loop3A_549], %parallel_loop3A_547 {strides = array<i32>} : memref<32x768xf32, #tpu.memory_space<vmem>>, vector<16xf32>,
        %parallel_loop3A_551 = tpu.vector_load_idx %arg9[%parallel_loop3A_502, %get3A_472] : memref<32x1024xf32, #tpu.memory_space<vmem>>[vector<16xi32>, vector<16xi32>], vector<16xf32>,
        %parallel_loop3A_552 = arith.index_cast %parallel_loop3A_501 : i32 to index
        %parallel_loop3A_553 = arith.constant 704 : index
        %parallel_loop3A_554 = tpu.vector_load %arg11[%parallel_loop3A_552, %parallel_loop3A_553] {strides = array<i32>} : memref<32x768xf32, #tpu.memory_space<vmem>>, vector<16xf32>,
        tpu.vector_store %arg11[%parallel_loop3A_552, %parallel_loop3A_553], %parallel_loop3A_551 {strides = array<i32>} : memref<32x768xf32, #tpu.memory_space<vmem>>, vector<16xf32>,
        %parallel_loop3A_555 = tpu.vector_load_idx %arg9[%parallel_loop3A_502, %get3A_476] : memref<32x1024xf32, #tpu.memory_space<vmem>>[vector<16xi32>, vector<16xi32>], vector<16xf32>,
        %parallel_loop3A_556 = arith.index_cast %parallel_loop3A_501 : i32 to index
        %parallel_loop3A_557 = arith.constant 720 : index
        %parallel_loop3A_558 = tpu.vector_load %arg11[%parallel_loop3A_556, %parallel_loop3A_557] {strides = array<i32>} : memref<32x768xf32, #tpu.memory_space<vmem>>, vector<16xf32>,
        tpu.vector_store %arg11[%parallel_loop3A_556, %parallel_loop3A_557], %parallel_loop3A_555 {strides = array<i32>} : memref<32x768xf32, #tpu.memory_space<vmem>>, vector<16xf32>,
        %parallel_loop3A_559 = tpu.vector_load_idx %arg9[%parallel_loop3A_502, %get3A_480] : memref<32x1024xf32, #tpu.memory_space<vmem>>[vector<16xi32>, vector<16xi32>], vector<16xf32>,
        %parallel_loop3A_560 = arith.index_cast %parallel_loop3A_501 : i32 to index
        %parallel_loop3A_561 = arith.constant 736 : index
        %parallel_loop3A_562 = tpu.vector_load %arg11[%parallel_loop3A_560, %parallel_loop3A_561] {strides = array<i32>} : memref<32x768xf32, #tpu.memory_space<vmem>>, vector<16xf32>,
        tpu.vector_store %arg11[%parallel_loop3A_560, %parallel_loop3A_561], %parallel_loop3A_559 {strides = array<i32>} : memref<32x768xf32, #tpu.memory_space<vmem>>, vector<16xf32>,
        %parallel_loop3A_563 = tpu.vector_load_idx %arg9[%parallel_loop3A_502, %get3A_484] : memref<32x1024xf32, #tpu.memory_space<vmem>>[vector<16xi32>, vector<16xi32>], vector<16xf32>,
        %parallel_loop3A_564 = arith.index_cast %parallel_loop3A_501 : i32 to index
        %parallel_loop3A_565 = arith.constant 752 : index
        %parallel_loop3A_566 = tpu.vector_load %arg11[%parallel_loop3A_564, %parallel_loop3A_565] {strides = array<i32>} : memref<32x768xf32, #tpu.memory_space<vmem>>, vector<16xf32>,
        tpu.vector_store %arg11[%parallel_loop3A_564, %parallel_loop3A_565], %parallel_loop3A_563 {strides = array<i32>} : memref<32x768xf32, #tpu.memory_space<vmem>>, vector<16xf32>,
      } {sc.loop_unroll_factor = 1 : i64, sc.parallel_access}
      %dma_start3A_488 = arith.constant 0 : i32
      %dma_start3A_489 = tpu.memref_slice %arg6[%add3A_269, %dma_start3A_488] : memref<36x32xi32, #tpu.memory_space<vmem>> -> memref<1x32xi32, #tpu.memory_space<vmem>>
      %dma_start3A_490 = tpu.memref_squeeze %dma_start3A_489 : memref<1x32xi32, #tpu.memory_space<vmem>> -> memref<32xi32, #tpu.memory_space<vmem>>
      %dma_start3A_491 = arith.constant 0 : i32
      %dma_start3A_492 = arith.constant 0 : i32
      %dma_start3A_493 = tpu.memref_slice %arg5[%dma_start3A_491, %dma_start3A_492] : memref<36864x768xf32, #tpu.memory_space<hbm>> -> memref<36864x768xf32, #tpu.memory_space<hbm>>
      tpu.enqueue_indirect_dma source(%arg11 : memref<32x768xf32, #tpu.memory_space<vmem>>) target(%dma_start3A_493 : memref<36864x768xf32, #tpu.memory_space<hbm>>) offsets(%dma_start3A_490 : memref<32xi32, #tpu.memory_space<vmem>>) semaphore(%arg15 : memref<!tpu.dma_semaphore, #tpu.memory_space<semaphore_mem>>)
      %add3A_494 = arith.constant 2 : i32
      %add3A_495 = arith.addi %add3A_269, %add3A_494 : i32
      %lt3A_496 = arith.constant 36 : i32
      %lt3A_497 = arith.cmpi slt, %add3A_495, %lt3A_496 : i32
      %convert_element_type3A_498 = arith.extui %lt3A_497 : i1 to i32
      %cond3A_499 = arith.constant 0 : i32
      %cond3A_500 = arith.cmpi ne, %convert_element_type3A_498, %cond3A_499 : i32
      scf.if %cond3A_500 {
        %add3A_501 = arith.constant 2 : i32
        %add3A_502 = arith.addi %add3A_269, %add3A_501 : i32
        %dma_start3A_503 = arith.constant 0 : i32
        %dma_start3A_504 = arith.constant 0 : i32
        %dma_start3A_505 = tpu.memref_slice %arg9[%dma_start3A_503, %dma_start3A_504] : memref<32x1024xf32, #tpu.memory_space<vmem>> -> memref<32x768xf32, #tpu.memory_space<vmem>>
        %dma_start3A_506 = arith.constant 0 : i32
        %dma_start3A_507 = tpu.memref_slice %arg6[%add3A_502, %dma_start3A_506] : memref<36x32xi32, #tpu.memory_space<vmem>> -> memref<1x32xi32, #tpu.memory_space<vmem>>
        %dma_start3A_508 = tpu.memref_squeeze %dma_start3A_507 : memref<1x32xi32, #tpu.memory_space<vmem>> -> memref<32xi32, #tpu.memory_space<vmem>>
        %dma_start3A_509 = arith.constant 0 : i32
        %dma_start3A_510 = arith.constant 0 : i32
        %dma_start3A_511 = tpu.memref_slice %arg2[%dma_start3A_509, %dma_start3A_510] : memref<36864x768xf32, #tpu.memory_space<hbm>> -> memref<36864x768xf32, #tpu.memory_space<hbm>>
        tpu.enqueue_indirect_dma source(%dma_start3A_511 : memref<36864x768xf32, #tpu.memory_space<hbm>>) target(%dma_start3A_505 : memref<32x768xf32, #tpu.memory_space<vmem>>) offsets(%dma_start3A_508 : memref<32xi32, #tpu.memory_space<vmem>>) semaphore(%arg13 : memref<!tpu.dma_semaphore, #tpu.memory_space<semaphore_mem>>)
      } else {
      }
    }
    %scan3A_24 = arith.constant 18 : i32
    %dma_wait3A = arith.constant 0 : i32
    %dma_wait3A_25 = arith.constant 0 : i32
    %dma_wait3A_26 = tpu.memref_slice %arg2[%dma_wait3A, %dma_wait3A_25] : memref<36864x768xf32, #tpu.memory_space<hbm>> -> memref<32x768xf32, #tpu.memory_space<hbm>>
    %dma_wait3A_27 = arith.constant 0 : i32
    %dma_wait3A_28 = arith.constant 0 : i32
    %dma_wait3A_29 = tpu.memref_slice %arg2[%dma_wait3A_27, %dma_wait3A_28] : memref<36864x768xf32, #tpu.memory_space<hbm>> -> memref<32x768xf32, #tpu.memory_space<hbm>>
    tpu.wait_dma2 semaphore(%arg14 : memref<!tpu.dma_semaphore, #tpu.memory_space<semaphore_mem>>) src(%dma_wait3A_29 : memref<32x768xf32, #tpu.memory_space<hbm>>) dst(%arg10 : memref<32x768xf32, #tpu.memory_space<vmem>>)
    %dma_wait3A_30 = arith.constant 0 : i32
    %dma_wait3A_31 = arith.constant 0 : i32
    %dma_wait3A_32 = tpu.memref_slice %arg2[%dma_wait3A_30, %dma_wait3A_31] : memref<36864x768xf32, #tpu.memory_space<hbm>> -> memref<32x768xf32, #tpu.memory_space<hbm>>
    %dma_wait3A_33 = arith.constant 0 : i32
    %dma_wait3A_34 = arith.constant 0 : i32
    %dma_wait3A_35 = tpu.memref_slice %arg2[%dma_wait3A_33, %dma_wait3A_34] : memref<36864x768xf32, #tpu.memory_space<hbm>> -> memref<32x768xf32, #tpu.memory_space<hbm>>
    tpu.wait_dma2 semaphore(%arg15 : memref<!tpu.dma_semaphore, #tpu.memory_space<semaphore_mem>>) src(%dma_wait3A_35 : memref<32x768xf32, #tpu.memory_space<hbm>>) dst(%arg11 : memref<32x768xf32, #tpu.memory_space<vmem>>)
    return
  }
}

</mosaic_0001>

<sc_bundles>
// kernel: kernel.3.cloned.1.call-start
scs
__scs_entry_jumppad:
0x0: {  	(pc) =	sbr.rel $0x88, $3  }
0x1: {  	(tag) =	ssettag $0x0;
	lr =	simm.s32 $0x1  }
0x2: {  	[smem:$0x3FA0] =	sst lr;
	_ =	strace $0xD0000000  }
0x3: {  	_ = 	snop  }
0x4: {  	_ = 	snop  }
0x5: {  	_ = 	snop  }
0x6: {  	_ = 	snop  }
0x7: {  	_ = 	snop  }
__scs_overlays_trampoline_lowered:
0x8: {  	[smem:$0x3FAF] =	sst s0  }
0x9: {  	[smem:$0x3FB0] =	sst s1  }
0xa: {  	[smem:$0x3FB1] =	sst s2  }
0xb: {  	[smem:$0x3FB2] =	sst s3  }
0xc: {  	[smem:$0x3FB3] =	sst s4  }
0xd: {  	[smem:$0x3FB4] =	sst s5  }
0xe: {  	[smem:$0x3FB5] =	sst s6  }
0xf: {  	[smem:$0x3FB6] =	sst s7  }
0x10: {  	[smem:$0x3FB7] =	sst s8  }
0x11: {  	[smem:$0x3FB8] =	sst s9;
	s0 =	simm.s32 @!p0 $0x0  }
0x12: {  	s1 =	sld [smem:$0x3F9E];
	s0 =	simm.s32 @p0 $0x1  }
0x13: {  	[smem:$0x3FB9] =	sst s0;
	s0 =	simm.s32 @!p1 $0x0  }
0x14: {  	s2 =	sld [smem:$0x3F9D];
	s0 =	simm.s32 @p1 $0x1  }
0x15: {  	[smem:$0x3FBA] =	sst s0;
	s0 =	simm.s32 @!p2 $0x0  }
0x16: {  	s3 =	sld [smem:$0x3FDB];
	s0 =	simm.s32 @p2 $0x1  }
0x17: {  	s4 =	simm.s32 $0x1BF5;
	[smem:$0x3FBC] =	sst s0  }
0x18: {  	s0 =	sld [smem:$0x3F9F];
	_ =	swait.ge [sflag:s4], $0x0  }
0x19: {  	s7 =	sld [smem:$0x3FA0]  }
0x1a: {  	s8 =	sadd.s32 $0xFFFFE003, lr  }
0x1b: {  	s9 =	sadd.s32 $0xFFFFFEF7, lr;
	s5 =	simm.s32 $0xFFFFFFFF;
	p2 =	slt.u32 s8, $0xFFFFF086  }
0x1c: {  	p1 =	slt.u32 s9, $0xF7A;
	s5 =	simm.s32 @!p2 $0x0  }
0x1d: {  	s5 =	simm.s32 @p1 $0x1;
	p0 =	seq.s32 s7, s2  }
0x1e: {  	s7 =	smul.u32 @!p0 $0xF7A, s2;
	p2 =	seq.s32 @!p0 s5, $0x0  }
0x1f: {  	s9 =	smul.u32 $0xF7A, s1;
	s8 =	simm.s32 @!p0 $0x1BF5;
	p2 =	por !p2, p0  }
0x20: {  	[sflag:s8] =	ssyncset.s32 @!p0 $0xFFFFF086;
	s6 =	sadd.s32 @!p0 s3, s7;
	s7 =	simm.s32 @!p0 $0x108  }
0x21: {  	s3 =	sadd.s32 s3, s9;
	s6 =	sadd.s32 @!p0 $0x88, s6;
	s7 =	simm.s32 @p2 $0x1082  }
0x22: {  	[simem:s7], [sflag:s8] =	dma.local @!p0 [hbm:s6], $0xF7A  }
0x23: {  	s9 =	sor.u32 $0xD0000000, s2;
	s6 =	simm.s32 $0x108;
	_ =	swait.ge @!p0 [sflag:s8], $0x0  }
0x24: {  	s3 =	sadd.s32 $0x88, s3;
	s6 =	simm.s32 @!p1 $0x1082;
	[sflag:s4] =	ssyncset.s32 $0xFFFFF086  }
0x25: {  	[simem:s6], [sflag:s4] =	dma.local [hbm:s3], $0xF7A  }
0x26: {  	[smem:$0x3FA0] =	sst s1;
	(tag) =	ssettag s2;
	_ =	strace s9  }
0x27: {  	s1 =	sld [smem:$0x3FB0]  }
0x28: {  	s2 =	sld [smem:$0x3FB1]  }
0x29: {  	s4 =	sld [smem:$0x3FB3]  }
0x2a: {  	p0 =	seq.s32 s5, $0x0;
	s5 =	sld [smem:$0x3FB4]  }
0x2b: {  	s6 =	sld [smem:$0x3FB5]  }
0x2c: {  	s7 =	sld [smem:$0x3FB6]  }
0x2d: {  	s3 =	simm.s32 $0x108;
	s8 =	sld [smem:$0x3FB7]  }
0x2e: {  	s3 =	simm.s32 @!p0 $0x1082;
	s9 =	sld [smem:$0x3FB8]  }
0x2f: {  	lr =	sadd.s32 s0, s3;
	s0 =	sld [smem:$0x3FAF]  }
0x30: {  	s3 =	sld [smem:$0x3FB2]  }
0x31: {  	[smem:$0x3FBB] =	sst s10  }
0x32: {  	s10 =	sld [smem:$0x3FB9];
	_ =	sdelay $0x3  }
0x33: {  	p0 =	seq.s32 s10, $0x1;
	s10 =	sld [smem:$0x3FBB];
	_ =	sdelay $0x3  }
0x34: {  	[smem:$0x3FBB] =	sst s10  }
0x35: {  	s10 =	sld [smem:$0x3FBA];
	_ =	sdelay $0x3  }
0x36: {  	p1 =	seq.s32 s10, $0x1;
	s10 =	sld [smem:$0x3FBB];
	_ =	sdelay $0x3  }
0x37: {  	[smem:$0x3FBB] =	sst s10  }
0x38: {  	s10 =	sld [smem:$0x3FBC]  }
0x39: {  	_ = 	snop;
	(pc) =	sbr.ind lr, $3  }
0x3a: {  	_ = 	snop  }
0x3b: {  	_ = 	snop  }
0x3c: {  	p2 =	seq.s32 s10, $0x1;
	s10 =	sld [smem:$0x3FBB]  }
0x3d: {  	_ =	shalt  }
0x3e: {  	_ =	shalt  }
0x3f: {  	_ =	shalt  }
0x40: {  	_ =	shalt  }
0x41: {  	_ =	shalt  }
0x42: {  	_ =	shalt  }
0x43: {  	_ =	shalt  }
0x44: {  	_ =	shalt  }
0x45: {  	_ =	shalt  }
0x46: {  	_ =	shalt  }
0x47: {  	_ =	shalt  }
0x48: {  	_ =	shalt  }
0x49: {  	_ =	shalt  }
0x4a: {  	_ =	shalt  }
0x4b: {  	_ =	shalt  }
0x4c: {  	_ =	shalt  }
0x4d: {  	_ =	shalt  }
0x4e: {  	_ =	shalt  }
0x4f: {  	_ =	shalt  }
0x50: {  	_ =	shalt  }
0x51: {  	_ =	shalt  }
0x52: {  	_ =	shalt  }
0x53: {  	_ =	shalt  }
0x54: {  	_ =	shalt  }
0x55: {  	_ =	shalt  }
0x56: {  	_ =	shalt  }
0x57: {  	_ =	shalt  }
0x58: {  	_ =	shalt  }
0x59: {  	_ =	shalt  }
0x5a: {  	_ =	shalt  }
0x5b: {  	_ =	shalt  }
0x5c: {  	_ =	shalt  }
0x5d: {  	_ =	shalt  }
0x5e: {  	_ =	shalt  }
0x5f: {  	_ =	shalt  }
0x60: {  	_ =	shalt  }
0x61: {  	_ =	shalt  }
0x62: {  	_ =	shalt  }
0x63: {  	_ =	shalt  }
0x64: {  	_ =	shalt  }
0x65: {  	_ =	shalt  }
0x66: {  	_ =	shalt  }
0x67: {  	_ =	shalt  }
0x68: {  	_ =	shalt  }
0x69: {  	_ =	shalt  }
0x6a: {  	_ =	shalt  }
0x6b: {  	_ =	shalt  }
0x6c: {  	_ =	shalt  }
0x6d: {  	_ =	shalt  }
0x6e: {  	_ =	shalt  }
0x6f: {  	_ =	shalt  }
0x70: {  	_ =	shalt  }
0x71: {  	_ =	shalt  }
0x72: {  	_ =	shalt  }
0x73: {  	_ =	shalt  }
0x74: {  	_ =	shalt  }
0x75: {  	_ =	shalt  }
0x76: {  	_ =	shalt  }
0x77: {  	_ =	shalt  }
0x78: {  	_ =	shalt  }
0x79: {  	_ =	shalt  }
0x7a: {  	_ =	shalt  }
0x7b: {  	_ =	shalt  }
0x7c: {  	_ =	shalt  }
0x7d: {  	_ =	shalt  }
0x7e: {  	_ =	shalt  }
0x7f: {  	_ =	shalt  }
0x80: {  	_ =	shalt  }
0x81: {  	_ =	shalt  }
0x82: {  	_ =	shalt  }
0x83: {  	_ =	shalt  }
0x84: {  	_ =	shalt  }
0x85: {  	_ =	shalt  }
0x86: {  	_ =	shalt  }
0x87: {  	_ =	shalt  }
.Lfunc_end0:
.L_simem_size_0:
called_computation_lowered:
.L_overlay_start_0:
0x88: {  	s2 =	sld [smem:$0x3FD9]  }
0x89: {  	s3 =	sld [smem:$0x3FFE];
	_ =	sdelay $0x1  }
0x8a: {  	s1 =	srdreg.scid  }
0x8b: {  	s0 =	sand.u32 $0x1, s1  }
0x8c: {  	s17 =	sshll.u32 s0, $0xA;
	s2 =	sadd.s32 s3, s2  }
0x8d: {  	s2 =	sadd.s32 s2, s17  }
0x8e: {  	[smem:$0x3FC7] =	sst s2  }
0x8f: {  	_ = 	snop  }
0x90: {  	s2 =	sld [smem:$0x3FC9]  }
0x91: {  	s18 =	sld [smem:$0x3FD0];
	(tm) =	ssettm $0x1  }
0x92: {  	s4 =	sld [smem:$0x3FFB];
	_ =	sdelay $0x3  }
0x93: {  	_ =	strace s4  }
0x94: {  	s4 =	sld [smem:$0x3FFC];
	_ =	sdelay $0x3  }
0x95: {  	_ =	strace s4  }
0x96: {  	s4 =	sld [smem:$0x3FFD];
	_ =	sdelay $0x3  }
0x97: {  	_ =	strace s4  }
0x98: {  	_ =	strace $0x8FFFFFFF  }
0x99: {  	s19 =	sld [smem:$0x3FDB];
	_ =	sdelay $0x1  }
0x9a: {  	s5 =	simm.s32 $_scs_section_size  }
0x9b: {  	s6 =	simm.s32 $_size__tile_overlayer_lowered;
	s7 =	simm.s32 $_tile_overlayer_lowered  }
0x9c: {  	s22 =	simm.s32 $0x1BFF;
	s21 =	sshll.u32 s7, $0x1;
	s4 =	sadd.s32 s5, s19  }
0x9d: {  	s8 =	simm.s32 $0x0;
	s20 =	sshll.u32 s6, $0x1;
	s6 =	sadd.s32 s21, s4  }
0x9e: {  	[timem:s8], [sflag:s22] =	dma.local [hbm:s6], s20  }
0x9f: {  	_ =	swait.ge [sflag:s22], s20  }
0xa0: {  	s5 =	ssub.s32 $0x0, s20;
	[sflag:s22] =	ssyncset.done $0x0  }
0xa1: {  	[sflag:s22] =	ssyncadd.s32 s5;
	_ =	sdelay $0x1  }
0xa2: {  	s23 =	simm.s32 $0x1B8B  }
0xa3: {  	_ =	swait.ge [sflag:s23], $0x1  }
0xa4: {  	[sflag:s23] =	ssyncset.done $0x0  }
0xa5: {  	s25 =	simm.s32 $0x1B8E;
	s24 =	sld [smem:$0x3FFE];
	[sflag:s23] =	ssyncadd.s32 $0xFFFFFFFF  }
0xa6: {  	s26 =	simm.s32 $execute0_lowered;
	[smem:$0x3FD2] =	sst s25  }
0xa7: {  	s6 =	sshll.u32 s26, $0x1;
	_ =	strace $0x80000046;
	[dreg:$0x1] =	wrdreg $0xFFFFFFFF  }
0xa8: {  	s28 =	simm.s32 $_size_execute0_lowered;
	s4 =	sadd.s32 s4, s6;
	[dreg:$0x0] =	wrdreg $0x0  }
0xa9: {  	s6 =	sshll.u32 s28, $0x1;
	[dreg:$0x2] =	wrdreg s4  }
0xaa: {  	[dreg:$0x3] =	wrdreg s6  }
0xab: {  	[dreg:$0x4] =	wrdreg $0xC0  }
0xac: {  	_ =	task [dreg:s8], $0x5FFFF  }
0xad: {  	[dreg:$0x1] =	wrdreg $0xFFFFFFFF  }
0xae: {  	[dreg:$0x0] =	wrdreg $0x60  }
0xaf: {  	[dreg:$0x2] =	wrdreg s2  }
0xb0: {  	[dreg:$0x3] =	wrdreg s24  }
0xb1: {  	[dreg:$0x4] =	wrdreg s18  }
0xb2: {  	[dreg:$0x5] =	wrdreg $0x9  }
0xb3: {  	_ =	task.clear_ibuf [dreg:s8], $0x6FFFF;
	_ =	strace $0x90000046  }
0xb4: {  	s29 =	simm.s32 $0x9;
	_ =	strace $0x80000048  }
0xb5: {  	_ =	swait.ge [sflag:s29], $0x1  }
0xb6: {  	[sflag:s29] =	ssyncadd.s32 $0xFFFFFFFF  }
0xb7: {  	_ =	strace $0x90000048  }
0xb8: {  	_ =	sfence  }
0xb9: {  	s30 =	sld [smem:$0x0];
	_ =	sdelay $0x2  }
0xba: {  	s31 =	sshll.u32 s1, $0xD;
	s1 =	sshrl.u32 s1, $0x2  }
0xbb: {  	s3 =	sand.u32 $0x4000, s31;
	s1 =	sadd.s32 s1, s30  }
0xbc: {  	s0 =	sor.u32 s3, s0;
	s1 =	sshll.u32 s1, $0x11  }
0xbd: {  	s0 =	sor.u32 s1, s0  }
0xbe: {  	s0 =	sadd.s32 $0x8F2B, s0  }
0xbf: {  	[sflag:s0] =	ssyncadd.remote.s32 $0x1  }
0xc0: {  	_ =	sfence.sel $0xFFFF  }
0xc1: {  	[dreg:$0x0] =	wrdreg $0xFFFFFFFF;
	(pc) =	sbr.abs _section_cstart, $3  }
0xc2: {  	[dreg:$0x1] =	wrdreg $0xFFFFFFFF  }
0xc3: {  	_ =	task.clear_ibuf [dreg:s8], $0x2FFFF;
	_ =	strace $0x9FFFFFFF  }
0xc4: {  	(tm) =	ssettm $0x7FFFFFFF  }
0xc5: {  	_ =	shalt  }
tec
execute0_lowered:
.L_overlay_start_1:
0x0: {  	(tag) =	ssettag $0x1  }
0x1: {  	s1 =	rddreg [dreg:$0x0]  }
0x2: {  	s0 =	rddreg [dreg:$0x1]  }
0x3: {  	s2 =	srdreg.scid;
	s4 =	stileid.u32  }
0x4: {  	s3 =	rddreg [dreg:$0x2];
	s14 =	simm.s32 $0x2C00;
	s26 =	simm.s32 $0xAC00  }
0x5: {  	s15 =	simm.s32 $0x1;
	s30 =	simm.s32 $0x2;
	s31 =	simm.s32 $0x4  }
0x6: {  	s19 =	simm.s32 $0x1DC00;
	s2 =	sand.u32 $0x1, s2;
	s5 =	sshll.u32 s4, $0x1  }
0x7: {  	s20 =	simm.s32 $0x1E400;
	s4 =	simm.s32 $0x0;
	s5 =	sor.u32 s2, s5  }
0x8: {  	s7 =	sadd.s32 $0x5000, s0;
	s8 =	sadd.s32 $0x200, s1;
	s5 =	smul.u32 $0x280, s5  }
.Ltmp0:
0x9: {  	[smem:$0x7FF] =	sst s4;
	s2 =	ssub.s32 $0x2, s2;
	(pc) =	sbr.rel .LBB2_1-.Ltmp0, $4  }
0xa: {  	s9 =	sadd.s32 $0x100, s3;
	_ =	strace $0x80000047;
	s6 =	sshrl.u32 s2, $0x1  }
0xb: {  	v2 =	vlaneseq.u32;
	[dreg:$0x4] =	wrdreg s7;
	s2 =	ssub.s32 s2, s6;
	s0 =	sadd.s32 s0, s5  }
0xc: {  	vm0 =	vmmov $0xffff;
	s10 =	sadd.s32 $0x200, s3;
	v1 =	vshrl.u32 v2, $0x3;
	s29 =	smax.u32 s2, $0x1;
	[dreg:$0x5] =	wrdreg s0  }
0xd: {  	v0 =	vand.u32 $0x7, v2;
	v2 =	vor.u32 $0x8, v2;
	v1 =	vmul.u32 $0x8, v1;
	s7 =	sadd.s32 $0x100, s1;
	s2 =	simm.s32 $0x0;
	[dreg:$0x6] =	wrdreg s29  }
.LBB2_20:
0xe: {  	s0 =	simm.s32 $0x3  }
0xf: {  	_ =	swait.ge [sflag:s0], $0x6000  }
0x10: {  	[sflag:s0] =	ssyncset.done $0x0  }
0x11: {  	[sflag:s0] =	ssyncadd.s32 $0xFFFFA000  }
0x12: {  	_ =	swait.ge [sflag:s31], $0x6000  }
0x13: {  	s2 =	rddreg [dreg:$0x7]  }
0x14: {  	s29 =	rddreg [dreg:$0x6];
	s2 =	sadd.s32 $0x1, s2  }
0x15: {  	p0 =	sne.s32 s2, s29  }
.Ltmp1:
0x16: {  	_ = 	snop;
	(pc) =	sbr.rel @!p0 .LBB2_21-.Ltmp1, $3  }
0x17: {  	_ =	sdelay $0x1  }
0x18: {  	[sflag:s31] =	ssyncset.done $0x0  }
0x19: {  	[sflag:s31] =	ssyncadd.s32 $0xFFFFA000  }
.LBB2_1:
0x1a: {  	[dreg:$0x7] =	wrdreg s2  }
0x1b: {  	s0 =	rddreg [dreg:$0x5];
	s18 =	simm.s32 $0x5  }
0x1c: {  	[tilespmem:s4], [sflag:$0x5] =	stream.linear.gather [hbm4b:s0+s4], $0x1200, $0x38;
	[tilespmem:$0x1EC00] =	vst v63  }
0x1d: {  	_ =	swait.ge [sflag:s18], $0x1200  }
0x1e: {  	[sflag:s18] =	ssyncset.done $0x0  }
0x1f: {  	s5 =	simm.s32 $0x1400;
	s21 =	rddreg [dreg:$0x4];
	[sflag:s18] =	ssyncadd.s32 $0xFFFFEE00  }
0x20: {  	[tilespmem:s5], [sflag:$0x5] =	stream.linear.gather [hbm4b:s21+s4], $0x1800, $0x38;
	[tilespmem:$0x1EC00] =	vst v63  }
0x21: {  	_ =	swait.ge [sflag:s18], $0x1800  }
0x22: {  	[sflag:s18] =	ssyncset.done $0x0  }
0x23: {  	[sflag:s18] =	ssyncadd.s32 $0xFFFFE800  }
0x24: {  	v3 =	vld [tilespmem:$0x0];
	_ =	sdelay $0x4  }
0x25: {  	v4 =	vshrl.u32 v3, $0x3  }
0x26: {  	v4 =	vmul.u32 $0x30, v4  }
0x27: {  	v3 =	vand.u32 $0x7, v3  }
0x28: {  	v3 =	vor.u32 v3, v4  }
0x29: {  	v4 =	vperm.xlane v3, v0;
	_ =	sdelay $0x1  }
0x2a: {  	v4 =	vadd.s32 v1, v4;
	_ =	sdelay $0x3  }
0x2b: {  	v3 =	vperm.xlane v3, v2  }
0x2c: {  	[tilespmem:s14], [sflag:$0x1] =	stream.indirect_vreg.gather [hbm4b:s1+s4], $0x80, v4, vm0, $0xb8;
	[tilespmem:$0x1EC00] =	vst v63  }
0x2d: {  	s22 =	simm.s32 $0x3400;
	v3 =	vadd.s32 v1, v3  }
0x2e: {  	[tilespmem:s22], [sflag:$0x1] =	stream.indirect_vreg.gather [hbm4b:s7+s4], $0x80, v4, vm0, $0xb8;
	[tilespmem:$0x1EC00] =	vst v63  }
0x2f: {  	s23 =	simm.s32 $0x3C00  }
0x30: {  	[tilespmem:s23], [sflag:$0x1] =	stream.indirect_vreg.gather [hbm4b:s8+s4], $0x80, v4, vm0, $0xb8;
	[tilespmem:$0x1EC00] =	vst v63  }
0x31: {  	s24 =	simm.s32 $0x4C00  }
0x32: {  	[tilespmem:s24], [sflag:$0x1] =	stream.indirect_vreg.gather [hbm4b:s1+s4], $0x80, v3, vm0, $0xb8;
	[tilespmem:$0x1EC00] =	vst v63  }
0x33: {  	s25 =	simm.s32 $0x5400  }
0x34: {  	[tilespmem:s25], [sflag:$0x1] =	stream.indirect_vreg.gather [hbm4b:s7+s4], $0x80, v3, vm0, $0xb8;
	[tilespmem:$0x1EC00] =	vst v63  }
0x35: {  	s28 =	simm.s32 $0x5C00  }
0x36: {  	[tilespmem:s28], [sflag:$0x1] =	stream.indirect_vreg.gather [hbm4b:s8+s4], $0x80, v3, vm0, $0xb8;
	[tilespmem:$0x1EC00] =	vst v63  }
0x37: {  	v3 =	vld [tilespmem:$0x10];
	_ =	sdelay $0x4  }
0x38: {  	v61 =	vshrl.u32 v3, $0x3  }
0x39: {  	v4 =	vmul.u32 $0x30, v61  }
0x3a: {  	v3 =	vand.u32 $0x7, v3  }
0x3b: {  	v3 =	vor.u32 v3, v4  }
0x3c: {  	v4 =	vperm.xlane v3, v0;
	_ =	sdelay $0x1  }
0x3d: {  	v4 =	vadd.s32 v1, v4;
	_ =	sdelay $0x3  }
0x3e: {  	s29 =	simm.s32 $0x6C00;
	v3 =	vperm.xlane v3, v2  }
0x3f: {  	[tilespmem:s29], [sflag:$0x1] =	stream.indirect_vreg.gather [hbm4b:s1+s4], $0x80, v4, vm0, $0xb8;
	[tilespmem:$0x1EC00] =	vst v63  }
0x40: {  	s2 =	simm.s32 $0x7400;
	v3 =	vadd.s32 v1, v3  }
0x41: {  	[tilespmem:s2], [sflag:$0x1] =	stream.indirect_vreg.gather [hbm4b:s7+s4], $0x80, v4, vm0, $0xb8;
	[tilespmem:$0x1EC00] =	vst v63  }
0x42: {  	s5 =	simm.s32 $0x7C00  }
0x43: {  	[tilespmem:s5], [sflag:$0x1] =	stream.indirect_vreg.gather [hbm4b:s8+s4], $0x80, v4, vm0, $0xb8;
	[tilespmem:$0x1EC00] =	vst v63  }
0x44: {  	s6 =	simm.s32 $0x8C00  }
0x45: {  	[tilespmem:s6], [sflag:$0x1] =	stream.indirect_vreg.gather [hbm4b:s1+s4], $0x80, v3, vm0, $0xb8;
	[tilespmem:$0x1EC00] =	vst v63  }
0x46: {  	s11 =	simm.s32 $0x9400  }
0x47: {  	[tilespmem:s11], [sflag:$0x1] =	stream.indirect_vreg.gather [hbm4b:s7+s4], $0x80, v3, vm0, $0xb8;
	[tilespmem:$0x1EC00] =	vst v63  }
0x48: {  	s12 =	simm.s32 $0x9C00  }
0x49: {  	[tilespmem:s12], [sflag:$0x1] =	stream.indirect_vreg.gather [hbm4b:s8+s4], $0x80, v3, vm0, $0xb8;
	[tilespmem:$0x1EC00] =	vst v63  }
0x4a: {  	v3 =	vld [tilespmem:$0x80];
	_ =	sdelay $0x4  }
0x4b: {  	v62 =	vshrl.u32 v3, $0x3  }
0x4c: {  	v4 =	vmul.u32 $0x30, v62  }
0x4d: {  	v3 =	vand.u32 $0x7, v3  }
0x4e: {  	v3 =	vor.u32 v3, v4  }
0x4f: {  	v4 =	vperm.xlane v3, v0;
	_ =	sdelay $0x1  }
0x50: {  	v4 =	vadd.s32 v1, v4;
	_ =	sdelay $0x3  }
0x51: {  	v3 =	vperm.xlane v3, v2  }
0x52: {  	[tilespmem:s26], [sflag:$0x2] =	stream.indirect_vreg.gather [hbm4b:s1+s4], $0x80, v4, vm0, $0xb8;
	[tilespmem:$0x1EC00] =	vst v63  }
0x53: {  	s13 =	simm.s32 $0xB400;
	v3 =	vadd.s32 v1, v3  }
0x54: {  	[tilespmem:s13], [sflag:$0x2] =	stream.indirect_vreg.gather [hbm4b:s7+s4], $0x80, v4, vm0, $0xb8;
	[tilespmem:$0x1EC00] =	vst v63  }
0x55: {  	s16 =	simm.s32 $0xBC00  }
0x56: {  	[tilespmem:s16], [sflag:$0x2] =	stream.indirect_vreg.gather [hbm4b:s8+s4], $0x80, v4, vm0, $0xb8;
	[tilespmem:$0x1EC00] =	vst v63  }
0x57: {  	s17 =	simm.s32 $0xCC00  }
0x58: {  	[tilespmem:s17], [sflag:$0x2] =	stream.indirect_vreg.gather [hbm4b:s1+s4], $0x80, v3, vm0, $0xb8;
	[tilespmem:$0x1EC00] =	vst v63  }
0x59: {  	s18 =	simm.s32 $0xD400  }
0x5a: {  	[tilespmem:s18], [sflag:$0x2] =	stream.indirect_vreg.gather [hbm4b:s7+s4], $0x80, v3, vm0, $0xb8;
	[tilespmem:$0x1EC00] =	vst v63  }
0x5b: {  	s21 =	simm.s32 $0xDC00  }
0x5c: {  	[tilespmem:s21], [sflag:$0x2] =	stream.indirect_vreg.gather [hbm4b:s8+s4], $0x80, v3, vm0, $0xb8;
	[tilespmem:$0x1EC00] =	vst v63  }
0x5d: {  	v3 =	vld [tilespmem:$0x90];
	_ =	sdelay $0x4  }
0x5e: {  	v63 =	vshrl.u32 v3, $0x3  }
0x5f: {  	v4 =	vmul.u32 $0x30, v63  }
0x60: {  	v3 =	vand.u32 $0x7, v3  }
0x61: {  	v3 =	vor.u32 v3, v4  }
0x62: {  	v4 =	vperm.xlane v3, v0;
	_ =	sdelay $0x1  }
0x63: {  	v4 =	vadd.s32 v1, v4;
	_ =	sdelay $0x3  }
0x64: {  	s22 =	simm.s32 $0xEC00;
	v3 =	vperm.xlane v3, v2  }
0x65: {  	[tilespmem:s22], [sflag:$0x2] =	stream.indirect_vreg.gather [hbm4b:s1+s4], $0x80, v4, vm0, $0xb8;
	[tilespmem:$0x1EC00] =	vst v63  }
0x66: {  	s23 =	simm.s32 $0xF400;
	v3 =	vadd.s32 v1, v3  }
0x67: {  	[tilespmem:s23], [sflag:$0x2] =	stream.indirect_vreg.gather [hbm4b:s7+s4], $0x80, v4, vm0, $0xb8;
	[tilespmem:$0x1EC00] =	vst v63  }
0x68: {  	s24 =	simm.s32 $0xFC00  }
0x69: {  	[tilespmem:s24], [sflag:$0x2] =	stream.indirect_vreg.gather [hbm4b:s8+s4], $0x80, v4, vm0, $0xb8;
	[tilespmem:$0x1EC00] =	vst v63  }
0x6a: {  	s25 =	simm.s32 $0x10C00  }
0x6b: {  	[tilespmem:s25], [sflag:$0x2] =	stream.indirect_vreg.gather [hbm4b:s1+s4], $0x80, v3, vm0, $0xb8;
	[tilespmem:$0x1EC00] =	vst v63  }
0x6c: {  	s28 =	simm.s32 $0x11400  }
0x6d: {  	[tilespmem:s28], [sflag:$0x2] =	stream.indirect_vreg.gather [hbm4b:s7+s4], $0x80, v3, vm0, $0xb8;
	[tilespmem:$0x1EC00] =	vst v63  }
0x6e: {  	s29 =	simm.s32 $0x11C00;
	s21 =	simm.s32 $0x0  }
0x6f: {  	[tilespmem:s29], [sflag:$0x2] =	stream.indirect_vreg.gather [hbm4b:s8+s4], $0x80, v3, vm0, $0xb8;
	[tilespmem:$0x1EC00] =	vst v63  }
.LBB2_2:
0x70: {  	_ =	swait.ge [sflag:s15], $0x6000  }
0x71: {  	p0 =	seq.s32 s21, $0x0;
	[sflag:s15] =	ssyncset.done $0x0  }
0x72: {  	s0 =	simm.s32 @!p0 $0x3;
	[sflag:s15] =	ssyncadd.s32 $0xFFFFA000  }
0x73: {  	_ =	swait.ge @!p0 [sflag:s0], $0x6000  }
0x74: {  	[sflag:s0] =	ssyncset.done @!p0 $0x0  }
0x75: {  	[sflag:s0] =	ssyncadd.s32 @!p0 $0xFFFFA000  }
0x76: {  	v3 =	vld [tilespmem:$0x1400];
	_ =	sdelay $0x3  }
0x77: {  	s5 =	simm.s32 $0x0;
	v4 =	vld [tilespmem:$0x1480]  }
0x78: {  	v8 =	vmov s5;
	v5 =	vld [tilespmem:$0x1500];
	v6 =	vshll.u32 v3, $0x3  }
0x79: {  	v9 =	vshll.u32 v8, $0xA;
	v7 =	vld [tilespmem:$0x1580];
	v3 =	vand.u32 $0x7F, v3;
	v6 =	vand.u32 $0xFFFFFC00, v6  }
0x7a: {  	v32 =	vand.u32 $0x6000, v9;
	v19 =	vld [tilespmem:$0x1600];
	v11 =	vor.u32 v3, v6;
	v3 =	vshll.u32 v8, $0x7  }
0x7b: {  	v20 =	vld [tilespmem:$0x1680];
	v31 =	vand.u32 $0x380, v3;
	v3 =	vadd.s32 v11, v32  }
0x7c: {  	v23 =	vld [tilespmem:$0x1780];
	v3 =	vor.u32 v31, v3  }
0x7d: {  	v18 =	vld [tilespmem:$0x1800]  }
0x7e: {  	v16 =	vld [tilespmem:$0x1880];
	v6 =	vshll.u32 v4, $0x3  }
0x7f: {  	v10 =	vld [tilespmem:$0x1900];
	v4 =	vand.u32 $0x7F, v4;
	v6 =	vand.u32 $0xFFFFFC00, v6  }
0x80: {  	v9 =	vld [tilespmem:$0x1980];
	v13 =	vor.u32 v4, v6  }
0x81: {  	s2 =	simm.s32 $0x0;
	v4 =	vadd.s32 v13, v32;
	v3 =	vld.idx.msk [tilespmem:v3+s14+$0x0], $0xffff  }
0x82: {  	s2 =	smul.u32 $0x6000, s2;
	v14 =	vld [tilespmem:$0x1A00];
	v4 =	vor.u32 v31, v4  }
0x83: {  	v12 =	vld [tilespmem:$0x1A80]  }
0x84: {  	s2 =	sshra.s32 s2, $0x2;
	s0 =	sand.u32 $0x380, s5;
	v25 =	vld [tilespmem:$0x1B00];
	v6 =	vshll.u32 v5, $0x3  }
0x85: {  	s5 =	simm.s32 $0x1;
	v30 =	vld [tilespmem:$0x1B80];
	s0 =	sor.u32 s0, s2;
	v5 =	vand.u32 $0x7F, v5;
	v6 =	vand.u32 $0xFFFFFC00, v6  }
0x86: {  	v8 =	vld [tilespmem:$0x1700];
	v15 =	vor.u32 v5, v6;
	v5 =	vmov s5;
	[tilespmem:s0+$0x12C00] =	vst v3  }
0x87: {  	v17 =	vadd.s32 v15, v32;
	v3 =	vld.idx.msk [tilespmem:v4+s14+$0x0], $0xffff;
	v4 =	vshll.u32 v5, $0xA  }
0x88: {  	v5 =	vshll.u32 v5, $0x7;
	v6 =	vand.u32 $0x6000, v4;
	v4 =	vor.u32 v31, v17  }
0x89: {  	v5 =	vand.u32 $0x380, v5;
	v17 =	vadd.s32 v11, v6  }
0x8a: {  	v21 =	vshll.u32 v7, $0x3;
	v22 =	vor.u32 v5, v17  }
0x8b: {  	s28 =	sadd.s32 $0x12C00, s0;
	v7 =	vand.u32 $0x7F, v7;
	v17 =	vand.u32 $0xFFFFFC00, v21  }
0x8c: {  	v17 =	vor.u32 v7, v17;
	[tilespmem:s28+$0x10] =	vst v3  }
0x8d: {  	v3 =	vld.idx.msk [tilespmem:v4+s14+$0x0], $0xffff;
	v4 =	vadd.s32 v17, v32  }
0x8e: {  	v4 =	vor.u32 v31, v4  }
0x8f: {  	s6 =	simm.s32 $0x0;
	v21 =	vadd.s32 v13, v6;
	v7 =	vld.idx.msk [tilespmem:v22+s14+$0x0], $0xffff  }
0x90: {  	s0 =	smul.u32 $0x6000, s6;
	v21 =	vor.u32 v5, v21;
	v22 =	vshll.u32 v19, $0x3  }
0x91: {  	s11 =	simm.s32 $0x80;
	v19 =	vand.u32 $0x7F, v19;
	v22 =	vand.u32 $0xFFFFFC00, v22  }
0x92: {  	s2 =	sand.u32 $0x380, s11;
	s0 =	sshra.s32 s0, $0x2;
	v19 =	vor.u32 v19, v22;
	[tilespmem:s28+$0x20] =	vst v3  }
0x93: {  	s12 =	simm.s32 $0x2;
	s0 =	sor.u32 s2, s0;
	v3 =	vadd.s32 v19, v32;
	v22 =	vld.idx.msk [tilespmem:v4+s14+$0x0], $0xffff  }
0x94: {  	v24 =	vand.u32 $0x7F, v20;
	v4 =	vmov s12;
	[tilespmem:s0+$0x12C00] =	vst v7;
	v7 =	vor.u32 v31, v3  }
0x95: {  	v26 =	vadd.s32 v15, v6;
	v3 =	vshll.u32 v20, $0x3;
	v20 =	vld.idx.msk [tilespmem:v21+s14+$0x0], $0xffff;
	v21 =	vshll.u32 v4, $0xA  }
0x96: {  	v26 =	vor.u32 v5, v26;
	v27 =	vshll.u32 v4, $0x7;
	v4 =	vand.u32 $0x6000, v21  }
0x97: {  	v21 =	vand.u32 $0xFFFFFC00, v3;
	v3 =	vand.u32 $0x380, v27;
	v27 =	vadd.s32 v11, v4  }
0x98: {  	v21 =	vor.u32 v24, v21;
	v24 =	vor.u32 v3, v27;
	[tilespmem:s28+$0x30] =	vst v22  }
0x99: {  	s24 =	sadd.s32 $0x12C00, s0;
	v22 =	vadd.s32 v21, v32;
	v7 =	vld.idx.msk [tilespmem:v7+s14+$0x0], $0xffff  }
0x9a: {  	[tilespmem:s24+$0x10] =	vst v20;
	v20 =	vor.u32 v31, v22  }
0x9b: {  	v22 =	vadd.s32 v17, v6;
	v26 =	vld.idx.msk [tilespmem:v26+s14+$0x0], $0xffff  }
0x9c: {  	v27 =	vshll.u32 v8, $0x3;
	v28 =	vor.u32 v5, v22  }
0x9d: {  	s13 =	simm.s32 $0x0;
	v8 =	vand.u32 $0x7F, v8;
	v22 =	vand.u32 $0xFFFFFC00, v27;
	v27 =	vld.idx.msk [tilespmem:v24+s14+$0x0], $0xffff;
	v24 =	vadd.s32 v13, v4  }
0x9e: {  	s0 =	smul.u32 $0x6000, s13;
	v22 =	vor.u32 v8, v22;
	v8 =	vor.u32 v3, v24;
	[tilespmem:s28+$0x40] =	vst v7  }
0x9f: {  	s16 =	simm.s32 $0x100;
	v7 =	vadd.s32 v22, v32;
	v20 =	vld.idx.msk [tilespmem:v20+s14+$0x0], $0xffff  }
0xa0: {  	s17 =	simm.s32 $0x3;
	s2 =	sand.u32 $0x380, s16;
	s0 =	sshra.s32 s0, $0x2;
	v24 =	vand.u32 $0x7F, v23;
	v23 =	vshll.u32 v23, $0x3;
	[tilespmem:s24+$0x20] =	vst v26;
	v26 =	vor.u32 v31, v7  }
0xa1: {  	v29 =	vadd.s32 v19, v6;
	s0 =	sor.u32 s2, s0;
	v7 =	vand.u32 $0xFFFFFC00, v23;
	v23 =	vld.idx.msk [tilespmem:v28+s14+$0x0], $0xffff;
	v28 =	vmov s17  }
0xa2: {  	v24 =	vor.u32 v24, v7;
	[tilespmem:s0+$0x12C00] =	vst v27;
	v27 =	vor.u32 v5, v29;
	v7 =	vshll.u32 v28, $0xA  }
0xa3: {  	v28 =	vshll.u32 v28, $0x7;
	v29 =	vld.idx.msk [tilespmem:v8+s14+$0x0], $0xffff;
	v8 =	vadd.s32 v15, v4;
	v7 =	vand.u32 $0x6000, v7  }
0xa4: {  	v33 =	vor.u32 v3, v8;
	[tilespmem:s28+$0x50] =	vst v20;
	v8 =	vand.u32 $0x380, v28;
	v20 =	vadd.s32 v11, v7  }
0xa5: {  	v28 =	vld.idx.msk [tilespmem:v26+s14+$0x0], $0xffff;
	v20 =	vor.u32 v8, v20;
	v26 =	vadd.s32 v24, v32  }
0xa6: {  	s25 =	simm.s32 $0x4;
	[tilespmem:s24+$0x30] =	vst v23;
	v23 =	vor.u32 v31, v26  }
0xa7: {  	v55 =	vmov s25;
	s23 =	sadd.s32 $0x12C00, s0;
	v34 =	vadd.s32 v21, v6;
	v26 =	vshll.u32 v18, $0x3;
	v27 =	vld.idx.msk [tilespmem:v27+s14+$0x0], $0xffff  }
0xa8: {  	v18 =	vand.u32 $0x7F, v18;
	v26 =	vand.u32 $0xFFFFFC00, v26;
	[tilespmem:s23+$0x10] =	vst v29;
	v29 =	vor.u32 v5, v34  }
0xa9: {  	v53 =	vadd.s32 v17, v4;
	v26 =	vor.u32 v18, v26;
	v18 =	vand.u32 $0x7F, v16;
	v33 =	vld.idx.msk [tilespmem:v33+s14+$0x0], $0xffff  }
0xaa: {  	s18 =	simm.s32 $0x0;
	v16 =	vshll.u32 v16, $0x3;
	v34 =	vor.u32 v3, v53;
	v20 =	vld.idx.msk [tilespmem:v20+s14+$0x0], $0xffff;
	[tilespmem:s28+$0x60] =	vst v28;
	v28 =	vadd.s32 v13, v7  }
0xab: {  	s0 =	smul.u32 $0x6000, s18;
	v16 =	vand.u32 $0xFFFFFC00, v16;
	v36 =	vadd.s32 v26, v32;
	v35 =	vld.idx.msk [tilespmem:v23+s14+$0x0], $0xffff;
	v28 =	vor.u32 v8, v28  }
0xac: {  	s22 =	simm.s32 $0x180;
	v54 =	vand.u32 $0x7F, v9;
	v23 =	vor.u32 v18, v16;
	v18 =	vor.u32 v31, v36;
	[tilespmem:s24+$0x40] =	vst v27  }
0xad: {  	s2 =	sand.u32 $0x380, s22;
	s0 =	sshra.s32 s0, $0x2;
	v16 =	vshll.u32 v10, $0x3;
	v27 =	vand.u32 $0x7F, v10;
	v10 =	vld.idx.msk [tilespmem:v29+s14+$0x0], $0xffff;
	v29 =	vadd.s32 v22, v6  }
0xae: {  	v37 =	vshll.u32 v9, $0x3;
	v9 =	vadd.s32 v19, v4;
	s0 =	sor.u32 s2, s0;
	[tilespmem:s23+$0x20] =	vst v33;
	v29 =	vor.u32 v5, v29  }
0xaf: {  	v58 =	vand.u32 $0x7F, v14;
	v38 =	vor.u32 v3, v9;
	v9 =	vshll.u32 v55, $0xA;
	v34 =	vld.idx.msk [tilespmem:v34+s14+$0x0], $0xffff;
	[tilespmem:s0+$0x12C00] =	vst v20  }
0xb0: {  	v14 =	vshll.u32 v14, $0x3;
	v9 =	vand.u32 $0x6000, v9;
	v56 =	vadd.s32 v15, v7;
	v28 =	vld.idx.msk [tilespmem:v28+s14+$0x0], $0xffff;
	[tilespmem:s28+$0x70] =	vst v35  }
0xb1: {  	v57 =	vadd.s32 v23, v32;
	v33 =	vor.u32 v8, v56;
	v20 =	vshll.u32 v55, $0x7;
	v18 =	vld.idx.msk [tilespmem:v18+s14+$0x0], $0xffff  }
0xb2: {  	v35 =	vor.u32 v31, v57;
	[tilespmem:s24+$0x50] =	vst v10;
	v10 =	vand.u32 $0x380, v20;
	v20 =	vadd.s32 v11, v9  }
0xb3: {  	v40 =	vadd.s32 v24, v6;
	v16 =	vand.u32 $0xFFFFFC00, v16;
	v29 =	vld.idx.msk [tilespmem:v29+s14+$0x0], $0xffff;
	v39 =	vor.u32 v10, v20  }
0xb4: {  	v42 =	vshll.u32 v12, $0x3;
	s25 =	sadd.s32 $0x12C00, s0;
	v27 =	vor.u32 v27, v16;
	v16 =	vor.u32 v5, v40;
	[tilespmem:s23+$0x30] =	vst v34  }
0xb5: {  	v12 =	vand.u32 $0x7F, v12;
	v48 =	vadd.s32 v15, v9;
	v59 =	vld.idx.msk [tilespmem:v38+s14+$0x0], $0xffff;
	[tilespmem:s25+$0x10] =	vst v28;
	v28 =	vadd.s32 v21, v4  }
0xb6: {  	v14 =	vand.u32 $0xFFFFFC00, v14;
	v60 =	vadd.s32 v17, v7;
	v33 =	vld.idx.msk [tilespmem:v33+s14+$0x0], $0xffff;
	v28 =	vor.u32 v3, v28;
	[tilespmem:s28+$0x400] =	vst v18  }
0xb7: {  	v61 =	vor.u32 v8, v60;
	v62 =	vadd.s32 v27, v32;
	v18 =	vor.u32 v58, v14;
	v14 =	vld.idx.msk [tilespmem:v35+s14+$0x0], $0xffff  }
0xb8: {  	v37 =	vand.u32 $0xFFFFFC00, v37;
	s6 =	simm.s32 $0x0;
	v35 =	vor.u32 v31, v62;
	v63 =	vld.idx.msk [tilespmem:v39+s14+$0x0], $0xffff;
	[tilespmem:s24+$0x60] =	vst v29;
	v29 =	vadd.s32 v13, v9  }
0xb9: {  	v51 =	vadd.s32 v24, v4;
	s0 =	smul.u32 $0x6000, s6;
	v43 =	vld.idx.msk [tilespmem:v16+s14+$0x0], $0xffff;
	v29 =	vor.u32 v10, v29;
	v16 =	vadd.s32 v26, v6  }
0xba: {  	s11 =	simm.s32 $0x200;
	v20 =	vor.u32 v54, v37;
	v38 =	vand.u32 $0xFFFFFC00, v42;
	[tilespmem:s23+$0x40] =	vst v59;
	v44 =	vor.u32 v5, v16  }
0xbb: {  	s2 =	sand.u32 $0x380, s11;
	s0 =	sshra.s32 s0, $0x2;
	v16 =	vor.u32 v12, v38;
	v12 =	vadd.s32 v22, v4;
	v28 =	vld.idx.msk [tilespmem:v28+s14+$0x0], $0xffff;
	[tilespmem:s25+$0x20] =	vst v33  }
0xbc: {  	s12 =	simm.s32 $0x5;
	s0 =	sor.u32 s2, s0;
	v45 =	vor.u32 v3, v12;
	v33 =	vld.idx.msk [tilespmem:v61+s14+$0x0], $0xffff;
	[tilespmem:s28+$0x410] =	vst v14;
	v14 =	vadd.s32 v19, v7  }
0xbd: {  	v12 =	vmov s12;
	[tilespmem:s0+$0x12C00] =	vst v63;
	v35 =	vld.idx.msk [tilespmem:v35+s14+$0x0], $0xffff;
	v47 =	vor.u32 v8, v14;
	v14 =	vadd.s32 v20, v32  }
0xbe: {  	v46 =	vshll.u32 v12, $0x7;
	v12 =	vshll.u32 v12, $0xA;
	v29 =	vld.idx.msk [tilespmem:v29+s14+$0x0], $0xffff;
	[tilespmem:s24+$0x70] =	vst v43;
	v49 =	vor.u32 v31, v14  }
0xbf: {  	v41 =	vadd.s32 v23, v6;
	v39 =	vor.u32 v10, v48;
	v12 =	vand.u32 $0x6000, v12;
	v36 =	vld.idx.msk [tilespmem:v44+s14+$0x0], $0xffff  }
0xc0: {  	v50 =	vor.u32 v5, v41;
	v14 =	vand.u32 $0x380, v46;
	[tilespmem:s23+$0x50] =	vst v28;
	v28 =	vadd.s32 v11, v12  }
0xc1: {  	v53 =	vadd.s32 v21, v7;
	v34 =	vld.idx.msk [tilespmem:v45+s14+$0x0], $0xffff;
	v28 =	vor.u32 v14, v28;
	[tilespmem:s25+$0x30] =	vst v33  }
0xc2: {  	v52 =	vand.u32 $0x7F, v25;
	v56 =	vadd.s32 v27, v6;
	s29 =	sadd.s32 $0x12C00, s0;
	v33 =	vor.u32 v3, v51;
	v38 =	vld.idx.msk [tilespmem:v47+s14+$0x0], $0xffff;
	[tilespmem:s28+$0x420] =	vst v35  }
0xc3: {  	v25 =	vshll.u32 v25, $0x3;
	v54 =	vadd.s32 v18, v32;
	v35 =	vor.u32 v8, v53;
	[tilespmem:s29+$0x10] =	vst v29;
	v29 =	vld.idx.msk [tilespmem:v49+s14+$0x0], $0xffff  }
0xc4: {  	v25 =	vand.u32 $0xFFFFFC00, v25;
	v55 =	vadd.s32 v17, v9;
	v40 =	vor.u32 v31, v54;
	v39 =	vld.idx.msk [tilespmem:v39+s14+$0x0], $0xffff;
	[tilespmem:s24+$0x400] =	vst v36  }
0xc5: {  	v25 =	vor.u32 v52, v25;
	v41 =	vor.u32 v5, v56;
	v36 =	vor.u32 v10, v55;
	v37 =	vld.idx.msk [tilespmem:v50+s14+$0x0], $0xffff  }
0xc6: {  	s13 =	simm.s32 $0x0;
	v42 =	vadd.s32 v19, v9;
	v57 =	vadd.s32 v13, v12;
	v28 =	vld.idx.msk [tilespmem:v28+s14+$0x0], $0xffff;
	[tilespmem:s23+$0x60] =	vst v34  }
0xc7: {  	v58 =	vadd.s32 v26, v4;
	s0 =	smul.u32 $0x6000, s13;
	v34 =	vor.u32 v14, v57;
	v33 =	vld.idx.msk [tilespmem:v33+s14+$0x0], $0xffff;
	[tilespmem:s25+$0x40] =	vst v38  }
0xc8: {  	s16 =	simm.s32 $0x280;
	v38 =	vor.u32 v3, v58;
	v35 =	vld.idx.msk [tilespmem:v35+s14+$0x0], $0xffff;
	[tilespmem:s28+$0x430] =	vst v29;
	v29 =	vadd.s32 v22, v7  }
0xc9: {  	s2 =	sand.u32 $0x380, s16;
	s0 =	sshra.s32 s0, $0x2;
	[tilespmem:s29+$0x20] =	vst v39;
	v59 =	vld.idx.msk [tilespmem:v40+s14+$0x0], $0xffff;
	v60 =	vor.u32 v8, v29;
	v29 =	vadd.s32 v16, v32  }
0xca: {  	s17 =	simm.s32 $0x6;
	v42 =	vor.u32 v10, v42;
	s0 =	sor.u32 s2, s0;
	v36 =	vld.idx.msk [tilespmem:v36+s14+$0x0], $0xffff;
	[tilespmem:s24+$0x410] =	vst v37;
	v43 =	vor.u32 v31, v29  }
0xcb: {  	v61 =	vmov s17;
	v63 =	vadd.s32 v15, v12;
	[tilespmem:s0+$0x12C00] =	vst v28;
	v41 =	vld.idx.msk [tilespmem:v41+s14+$0x0], $0xffff;
	v28 =	vadd.s32 v20, v6  }
0xcc: {  	v62 =	vshll.u32 v61, $0xA;
	v48 =	vor.u32 v14, v63;
	v34 =	vld.idx.msk [tilespmem:v34+s14+$0x0], $0xffff;
	[tilespmem:s23+$0x70] =	vst v33;
	v44 =	vor.u32 v5, v28  }
0xcd: {  	v49 =	vadd.s32 v23, v4;
	v29 =	vshll.u32 v61, $0x7;
	v28 =	vand.u32 $0x6000, v62;
	v38 =	vld.idx.msk [tilespmem:v38+s14+$0x0], $0xffff;
	[tilespmem:s25+$0x50] =	vst v35  }
0xce: {  	v29 =	vand.u32 $0x380, v29;
	v50 =	vadd.s32 v11, v28;
	v35 =	vor.u32 v3, v49;
	v40 =	vld.idx.msk [tilespmem:v60+s14+$0x0], $0xffff;
	[tilespmem:s28+$0x440] =	vst v59  }
0xcf: {  	v51 =	vadd.s32 v24, v7;
	v37 =	vor.u32 v29, v50;
	[tilespmem:s29+$0x30] =	vst v36;
	v39 =	vld.idx.msk [tilespmem:v43+s14+$0x0], $0xffff  }
0xd0: {  	v52 =	vand.u32 $0x7F, v30;
	s2 =	sadd.s32 $0x12C00, s0;
	v53 =	vadd.s32 v25, v32;
	v36 =	vor.u32 v8, v51;
	v42 =	vld.idx.msk [tilespmem:v42+s14+$0x0], $0xffff;
	[tilespmem:s24+$0x420] =	vst v41  }
0xd1: {  	v30 =	vshll.u32 v30, $0x3;
	v54 =	vadd.s32 v21, v9;
	v41 =	vor.u32 v31, v53;
	[tilespmem:s2+$0x10] =	vst v34;
	v44 =	vld.idx.msk [tilespmem:v44+s14+$0x0], $0xffff  }
0xd2: {  	v30 =	vand.u32 $0xFFFFFC00, v30;
	v45 =	vor.u32 v10, v54;
	v55 =	vadd.s32 v18, v6;
	v33 =	vld.idx.msk [tilespmem:v48+s14+$0x0], $0xffff;
	[tilespmem:s23+$0x400] =	vst v38  }
0xd3: {  	v30 =	vor.u32 v52, v30;
	v56 =	vadd.s32 v17, v12;
	v57 =	vor.u32 v5, v55;
	v35 =	vld.idx.msk [tilespmem:v35+s14+$0x0], $0xffff  }
0xd4: {  	v47 =	vor.u32 v14, v56;
	v58 =	vadd.s32 v27, v4;
	v46 =	vld.idx.msk [tilespmem:v37+s14+$0x0], $0xffff;
	[tilespmem:s25+$0x60] =	vst v40  }
0xd5: {  	s18 =	simm.s32 $0x0;
	v59 =	vadd.s32 v13, v28;
	v60 =	vor.u32 v3, v58;
	v48 =	vld.idx.msk [tilespmem:v36+s14+$0x0], $0xffff;
	[tilespmem:s28+$0x450] =	vst v39  }
0xd6: {  	s22 =	smul.u32 $0x6000, s18;
	v63 =	vadd.s32 v19, v12;
	v49 =	vor.u32 v29, v59;
	[tilespmem:s29+$0x40] =	vst v42;
	v34 =	vld.idx.msk [tilespmem:v41+s14+$0x0], $0xffff  }
0xd7: {  	v32 =	vadd.s32 v30, v32;
	v61 =	vadd.s32 v26, v7;
	s0 =	simm.s32 $0x300;
	v39 =	vld.idx.msk [tilespmem:v45+s14+$0x0], $0xffff;
	[tilespmem:s24+$0x430] =	vst v44  }
0xd8: {  	s11 =	sshra.s32 s22, $0x2;
	s6 =	sand.u32 $0x380, s0;
	v62 =	vadd.s32 v22, v9;
	v38 =	vor.u32 v8, v61;
	[tilespmem:s2+$0x20] =	vst v33;
	v37 =	vld.idx.msk [tilespmem:v57+s14+$0x0], $0xffff  }
0xd9: {  	s5 =	simm.s32 $0x7;
	s11 =	sor.u32 s6, s11;
	v43 =	vor.u32 v14, v63;
	v33 =	vor.u32 v31, v32;
	v42 =	vld.idx.msk [tilespmem:v47+s14+$0x0], $0xffff;
	[tilespmem:s23+$0x410] =	vst v35  }
0xda: {  	v40 =	vor.u32 v10, v62;
	v31 =	vadd.s32 v16, v6;
	v32 =	vmov s5;
	[tilespmem:s11+$0x12C00] =	vst v46;
	v36 =	vld.idx.msk [tilespmem:v60+s14+$0x0], $0xffff  }
0xdb: {  	s22 =	sshll.u32 s21, $0xA;
	s6 =	simm.s32 $0x8;
	v41 =	vadd.s32 v20, v4;
	v35 =	vor.u32 v5, v31;
	v31 =	vshll.u32 v32, $0x7;
	v44 =	vld.idx.msk [tilespmem:v49+s14+$0x0], $0xffff;
	[tilespmem:s25+$0x70] =	vst v48  }
.LBB2_3:
0xdc: {  	v32 =	vshll.u32 v32, $0xA;
	v45 =	vadd.s32 v15, v28;
	v41 =	vor.u32 v3, v41  }
0xdd: {  	p1 =	sne.s32 s6, $0x1F;
	v38 =	vld.idx.msk [tilespmem:v38+s14+$0x0], $0xffff;
	[tilespmem:s28+$0x460] =	vst v34;
	v46 =	vmovc v12;
	v12 =	vmovc v28;
	v47 =	vmov v5;
	v5 =	vmov v3;
	v3 =	vmov v8  }
0xde: {  	v28 =	vand.u32 $0x6000, v32;
	v32 =	vor.u32 v29, v45;
	[tilespmem:s29+$0x50] =	vst v39;
	v45 =	vadd.s32 v23, v7;
	v33 =	vld.idx.msk [tilespmem:v33+s14+$0x0], $0xffff  }
0xdf: {  	v31 =	vand.u32 $0x380, v31;
	v34 =	vadd.s32 v11, v28;
	v39 =	vld.idx.msk [tilespmem:v40+s14+$0x0], $0xffff;
	v40 =	vor.u32 v3, v45;
	[tilespmem:s24+$0x440] =	vst v37  }
0xe0: {  	v8 =	vmov v10;
	v37 =	vadd.s32 v24, v9;
	v34 =	vor.u32 v31, v34;
	[tilespmem:s2+$0x30] =	vst v42;
	v35 =	vld.idx.msk [tilespmem:v35+s14+$0x0], $0xffff  }
0xe1: {  	s11 =	sadd.s32 $0x12C00, s11;
	v10 =	vmov v14;
	v37 =	vor.u32 v8, v37;
	v42 =	vld.idx.msk [tilespmem:v43+s14+$0x0], $0xffff;
	[tilespmem:s23+$0x420] =	vst v36;
	v36 =	vadd.s32 v25, v6  }
0xe2: {  	v14 =	vmov v29;
	v43 =	vadd.s32 v21, v46;
	[tilespmem:s11+$0x10] =	vst v44;
	v41 =	vld.idx.msk [tilespmem:v41+s14+$0x0], $0xffff;
	v36 =	vor.u32 v47, v36  }
0xe3: {  	v29 =	vmov v31;
	v43 =	vor.u32 v10, v43;
	v32 =	vld.idx.msk [tilespmem:v32+s14+$0x0], $0xffff;
	[tilespmem:s25+$0x400] =	vst v38;
	v38 =	vadd.s32 v18, v4  }
0xe4: {  	v31 =	vadd.s32 v17, v12;
	v44 =	vld.idx.msk [tilespmem:v40+s14+$0x0], $0xffff;
	v40 =	vor.u32 v5, v38;
	[tilespmem:s28+$0x470] =	vst v33;
	s28 =	smov.u32 s24;
	s24 =	smov.u32 s23;
	s23 =	smov.u32 s25  }
0xe5: {  	v31 =	vor.u32 v14, v31;
	v33 =	vadd.s32 v27, v7;
	s25 =	smov.u32 s29;
	v45 =	vld.idx.msk [tilespmem:v34+s14+$0x0], $0xffff;
	[tilespmem:s29+$0x60] =	vst v39;
	s29 =	smov.u32 s2;
	s2 =	smov.u32 s11  }
0xe6: {  	s11 =	sshrl.u32 s5, $0x3;
	v34 =	vadd.s32 v13, v28;
	v49 =	vor.u32 v3, v33;
	s5 =	smov.u32 s6;
	v48 =	vld.idx.msk [tilespmem:v37+s14+$0x0], $0xffff;
	[tilespmem:s28+$0x450] =	vst v35  }
0xe7: {  	v33 =	vadd.s32 v26, v9;
	s11 =	smul.u32 $0x6000, s11;
	v50 =	vor.u32 v29, v34;
	[tilespmem:s29+$0x40] =	vst v42;
	v34 =	vld.idx.msk [tilespmem:v36+s14+$0x0], $0xffff  }
.Ltmp2:
0xe8: {  	s0 =	sadd.s32 $0x80, s0;
	v38 =	vor.u32 v8, v33;
	v33 =	vadd.s32 v30, v6;
	v6 =	vmov v4;
	v39 =	vld.idx.msk [tilespmem:v43+s14+$0x0], $0xffff;
	[tilespmem:s24+$0x430] =	vst v41;
	(pc) =	sbr.rel @p1 .LBB2_3-.Ltmp2, $4  }
0xe9: {  	s12 =	sand.u32 $0x380, s0;
	v4 =	vmov v7;
	v33 =	vor.u32 v47, v33;
	s11 =	sshra.s32 s11, $0x2;
	[tilespmem:s2+$0x20] =	vst v32;
	v32 =	vadd.s32 v22, v46;
	v37 =	vld.idx.msk [tilespmem:v40+s14+$0x0], $0xffff  }
0xea: {  	v7 =	vmov v9;
	s11 =	sor.u32 s12, s11;
	v42 =	vld.idx.msk [tilespmem:v31+s14+$0x0], $0xffff;
	v40 =	vor.u32 v10, v32;
	[tilespmem:s23+$0x410] =	vst v44;
	v31 =	vadd.s32 v16, v6  }
0xeb: {  	v9 =	vmovc v46;
	v41 =	vadd.s32 v19, v12;
	v32 =	vmov s6;
	[tilespmem:s11+$0x12C00] =	vst v45;
	v36 =	vld.idx.msk [tilespmem:v49+s14+$0x0], $0xffff;
	v35 =	vor.u32 v5, v31  }
0xec: {  	v43 =	vor.u32 v14, v41;
	v41 =	vadd.s32 v20, v4;
	s6 =	sadd.s32 $0x1, s6;
	v31 =	vshll.u32 v32, $0x7;
	v44 =	vld.idx.msk [tilespmem:v50+s14+$0x0], $0xffff;
	[tilespmem:s25+$0x70] =	vst v48  }
0xed: {  	v32 =	vshll.u32 v32, $0xA  }
0xee: {  	v32 =	vand.u32 $0x6000, v32  }
0xef: {  	v31 =	vand.u32 $0x380, v31;
	v11 =	vadd.s32 v11, v32  }
0xf0: {  	v11 =	vor.u32 v31, v11;
	_ =	sdelay $0x4  }
0xf1: {  	s5 =	sshrl.u32 s5, $0x3;
	v13 =	vadd.s32 v13, v32;
	v11 =	vld.idx.msk [tilespmem:v11+s14+$0x0], $0xffff  }
0xf2: {  	s5 =	smul.u32 $0x6000, s5;
	v13 =	vor.u32 v31, v13  }
0xf3: {  	s0 =	sadd.s32 $0x80, s0  }
0xf4: {  	s0 =	sand.u32 $0x380, s0;
	s5 =	sshra.s32 s5, $0x2  }
0xf5: {  	s5 =	sor.u32 s0, s5  }
0xf6: {  	v45 =	vadd.s32 v15, v28;
	[tilespmem:s5+$0x12C00] =	vst v11  }
0xf7: {  	v15 =	vadd.s32 v15, v32;
	v11 =	vor.u32 v29, v45;
	v13 =	vld.idx.msk [tilespmem:v13+s14+$0x0], $0xffff  }
0xf8: {  	v15 =	vor.u32 v31, v15;
	_ =	sdelay $0x1  }
0xf9: {  	s18 =	sadd.s32 $0x12C00, s11  }
0xfa: {  	[tilespmem:s18+$0x10] =	vst v44;
	s5 =	sadd.s32 $0x12C00, s5  }
0xfb: {  	v63 =	vadd.s32 v17, v28;
	v11 =	vld.idx.msk [tilespmem:v11+s14+$0x0], $0xffff;
	[tilespmem:s5+$0x10] =	vst v13  }
0xfc: {  	v17 =	vadd.s32 v17, v32;
	v13 =	vor.u32 v29, v63;
	v15 =	vld.idx.msk [tilespmem:v15+s14+$0x0], $0xffff  }
0xfd: {  	v17 =	vor.u32 v31, v17;
	_ =	sdelay $0x2  }
0xfe: {  	[tilespmem:s18+$0x20] =	vst v11  }
0xff: {  	v11 =	vld.idx.msk [tilespmem:v13+s14+$0x0], $0xffff;
	v13 =	vadd.s32 v19, v28;
	[tilespmem:s5+$0x20] =	vst v15  }
0x100: {  	v13 =	vor.u32 v29, v13;
	v15 =	vld.idx.msk [tilespmem:v17+s14+$0x0], $0xffff;
	v17 =	vadd.s32 v19, v32  }
0x101: {  	v17 =	vor.u32 v31, v17;
	_ =	sdelay $0x1  }
0x102: {  	[tilespmem:s2+$0x30] =	vst v42  }
0x103: {  	v48 =	vadd.s32 v21, v12;
	v19 =	vld.idx.msk [tilespmem:v43+s14+$0x0], $0xffff;
	[tilespmem:s18+$0x30] =	vst v11  }
0x104: {  	v49 =	vadd.s32 v21, v28;
	v11 =	vor.u32 v14, v48;
	v13 =	vld.idx.msk [tilespmem:v13+s14+$0x0], $0xffff;
	[tilespmem:s5+$0x30] =	vst v15  }
0x105: {  	v21 =	vadd.s32 v21, v32;
	v15 =	vor.u32 v29, v49;
	v17 =	vld.idx.msk [tilespmem:v17+s14+$0x0], $0xffff  }
0x106: {  	v21 =	vor.u32 v31, v21;
	_ =	sdelay $0x1  }
0x107: {  	[tilespmem:s2+$0x40] =	vst v19  }
0x108: {  	v19 =	vadd.s32 v22, v12;
	v11 =	vld.idx.msk [tilespmem:v11+s14+$0x0], $0xffff;
	[tilespmem:s18+$0x40] =	vst v13  }
0x109: {  	v13 =	vor.u32 v14, v19;
	v19 =	vadd.s32 v22, v28;
	v15 =	vld.idx.msk [tilespmem:v15+s14+$0x0], $0xffff;
	[tilespmem:s5+$0x40] =	vst v17  }
0x10a: {  	v17 =	vor.u32 v29, v19;
	v19 =	vld.idx.msk [tilespmem:v21+s14+$0x0], $0xffff;
	v21 =	vadd.s32 v22, v32  }
0x10b: {  	v21 =	vor.u32 v31, v21  }
0x10c: {  	[tilespmem:s29+$0x50] =	vst v39  }
0x10d: {  	v50 =	vadd.s32 v24, v9;
	v22 =	vld.idx.msk [tilespmem:v40+s14+$0x0], $0xffff;
	[tilespmem:s2+$0x50] =	vst v11  }
0x10e: {  	v51 =	vadd.s32 v24, v12;
	v11 =	vor.u32 v10, v50;
	v13 =	vld.idx.msk [tilespmem:v13+s14+$0x0], $0xffff;
	[tilespmem:s18+$0x50] =	vst v15  }
0x10f: {  	v52 =	vadd.s32 v24, v28;
	v15 =	vor.u32 v14, v51;
	v17 =	vld.idx.msk [tilespmem:v17+s14+$0x0], $0xffff;
	[tilespmem:s5+$0x50] =	vst v19  }
0x110: {  	[tilespmem:s28+$0x460] =	vst v34;
	v24 =	vadd.s32 v24, v32;
	v19 =	vor.u32 v29, v52;
	v21 =	vld.idx.msk [tilespmem:v21+s14+$0x0], $0xffff  }
0x111: {  	[tilespmem:s24+$0x440] =	vst v37;
	v24 =	vor.u32 v31, v24  }
0x112: {  	v53 =	vld.idx.msk [tilespmem:v38+s14+$0x0], $0xffff;
	[tilespmem:s29+$0x60] =	vst v22  }
0x113: {  	v22 =	vadd.s32 v26, v9;
	v11 =	vld.idx.msk [tilespmem:v11+s14+$0x0], $0xffff;
	[tilespmem:s2+$0x60] =	vst v13  }
0x114: {  	v13 =	vor.u32 v10, v22;
	v22 =	vadd.s32 v26, v12;
	v15 =	vld.idx.msk [tilespmem:v15+s14+$0x0], $0xffff;
	[tilespmem:s18+$0x60] =	vst v17  }
0x115: {  	v17 =	vor.u32 v14, v22;
	v22 =	vadd.s32 v26, v28;
	v19 =	vld.idx.msk [tilespmem:v19+s14+$0x0], $0xffff;
	[tilespmem:s5+$0x60] =	vst v21  }
0x116: {  	[tilespmem:s23+$0x420] =	vst v36;
	v21 =	vor.u32 v29, v22;
	v22 =	vld.idx.msk [tilespmem:v24+s14+$0x0], $0xffff;
	v24 =	vadd.s32 v26, v32  }
0x117: {  	v55 =	vadd.s32 v23, v7;
	v35 =	vld.idx.msk [tilespmem:v35+s14+$0x0], $0xffff;
	[tilespmem:s25+$0x400] =	vst v53;
	v24 =	vor.u32 v31, v24  }
0x118: {  	[tilespmem:s29+$0x70] =	vst v11;
	v11 =	vor.u32 v8, v55;
	v26 =	vld.idx.msk [tilespmem:v33+s14+$0x0], $0xffff  }
0x119: {  	v54 =	vor.u32 v3, v41;
	v56 =	vadd.s32 v23, v9;
	v13 =	vld.idx.msk [tilespmem:v13+s14+$0x0], $0xffff;
	[tilespmem:s2+$0x70] =	vst v15  }
0x11a: {  	v57 =	vadd.s32 v23, v12;
	v15 =	vor.u32 v10, v56;
	v17 =	vld.idx.msk [tilespmem:v17+s14+$0x0], $0xffff;
	[tilespmem:s18+$0x70] =	vst v19  }
0x11b: {  	v58 =	vadd.s32 v23, v28;
	v19 =	vor.u32 v14, v57;
	v21 =	vld.idx.msk [tilespmem:v21+s14+$0x0], $0xffff;
	[tilespmem:s5+$0x70] =	vst v22  }
0x11c: {  	v23 =	vadd.s32 v23, v32;
	[tilespmem:s24+$0x450] =	vst v35;
	v22 =	vor.u32 v29, v58;
	v24 =	vld.idx.msk [tilespmem:v24+s14+$0x0], $0xffff  }
0x11d: {  	v59 =	vadd.s32 v27, v7;
	v23 =	vor.u32 v31, v23;
	v11 =	vld.idx.msk [tilespmem:v11+s14+$0x0], $0xffff;
	[tilespmem:s28+$0x470] =	vst v26  }
0x11e: {  	v33 =	vld.idx.msk [tilespmem:v54+s14+$0x0], $0xffff;
	v26 =	vadd.s32 v25, v6;
	[tilespmem:s29+$0x400] =	vst v13;
	v13 =	vor.u32 v8, v59  }
0x11f: {  	v60 =	vadd.s32 v27, v9;
	v26 =	vor.u32 v5, v26;
	v15 =	vld.idx.msk [tilespmem:v15+s14+$0x0], $0xffff;
	[tilespmem:s2+$0x400] =	vst v17  }
0x120: {  	v61 =	vadd.s32 v27, v12;
	v17 =	vor.u32 v10, v60;
	v19 =	vld.idx.msk [tilespmem:v19+s14+$0x0], $0xffff;
	[tilespmem:s18+$0x400] =	vst v21  }
0x121: {  	v62 =	vadd.s32 v27, v28;
	v21 =	vor.u32 v14, v61;
	v22 =	vld.idx.msk [tilespmem:v22+s14+$0x0], $0xffff;
	[tilespmem:s5+$0x400] =	vst v24  }
0x122: {  	v27 =	vadd.s32 v27, v32;
	[tilespmem:s25+$0x410] =	vst v11;
	v24 =	vor.u32 v29, v62;
	v23 =	vld.idx.msk [tilespmem:v23+s14+$0x0], $0xffff  }
0x123: {  	v63 =	vadd.s32 v18, v4;
	[tilespmem:s23+$0x430] =	vst v33;
	v11 =	vor.u32 v31, v27;
	v13 =	vld.idx.msk [tilespmem:v13+s14+$0x0], $0xffff  }
0x124: {  	v36 =	vadd.s32 v20, v7;
	v27 =	vor.u32 v3, v63;
	v26 =	vld.idx.msk [tilespmem:v26+s14+$0x0], $0xffff;
	[tilespmem:s29+$0x410] =	vst v15  }
0x125: {  	v37 =	vadd.s32 v20, v9;
	v15 =	vor.u32 v8, v36;
	v17 =	vld.idx.msk [tilespmem:v17+s14+$0x0], $0xffff;
	[tilespmem:s2+$0x410] =	vst v19  }
0x126: {  	v38 =	vadd.s32 v20, v12;
	v19 =	vor.u32 v10, v37;
	v21 =	vld.idx.msk [tilespmem:v21+s14+$0x0], $0xffff;
	[tilespmem:s18+$0x410] =	vst v22  }
0x127: {  	v39 =	vadd.s32 v20, v28;
	v22 =	vor.u32 v14, v38;
	v24 =	vld.idx.msk [tilespmem:v24+s14+$0x0], $0xffff;
	[tilespmem:s5+$0x410] =	vst v23  }
0x128: {  	v20 =	vadd.s32 v20, v32;
	[tilespmem:s25+$0x420] =	vst v13;
	v23 =	vor.u32 v29, v39;
	v11 =	vld.idx.msk [tilespmem:v11+s14+$0x0], $0xffff  }
0x129: {  	v6 =	vadd.s32 v30, v6;
	v13 =	vor.u32 v31, v20;
	[tilespmem:s24+$0x460] =	vst v26;
	v26 =	vld.idx.msk [tilespmem:v27+s14+$0x0], $0xffff  }
0x12a: {  	v5 =	vor.u32 v5, v6;
	v6 =	vld.idx.msk [tilespmem:v15+s14+$0x0], $0xffff;
	v15 =	vadd.s32 v18, v7;
	[tilespmem:s29+$0x420] =	vst v17  }
0x12b: {  	v15 =	vor.u32 v8, v15;
	v17 =	vld.idx.msk [tilespmem:v19+s14+$0x0], $0xffff;
	v19 =	vadd.s32 v18, v9;
	[tilespmem:s2+$0x420] =	vst v21  }
0x12c: {  	v19 =	vor.u32 v10, v19;
	v21 =	vadd.s32 v18, v12;
	v20 =	vld.idx.msk [tilespmem:v22+s14+$0x0], $0xffff;
	[tilespmem:s18+$0x420] =	vst v24  }
0x12d: {  	v21 =	vor.u32 v14, v21;
	v22 =	vld.idx.msk [tilespmem:v23+s14+$0x0], $0xffff;
	v23 =	vadd.s32 v18, v28;
	[tilespmem:s5+$0x420] =	vst v11  }
0x12e: {  	[tilespmem:s23+$0x440] =	vst v26;
	v18 =	vadd.s32 v18, v32;
	v11 =	vor.u32 v29, v23;
	v13 =	vld.idx.msk [tilespmem:v13+s14+$0x0], $0xffff  }
0x12f: {  	v5 =	vld.idx.msk [tilespmem:v5+s14+$0x0], $0xffff;
	[tilespmem:s25+$0x430] =	vst v6;
	v23 =	vadd.s32 v16, v4;
	v6 =	vor.u32 v31, v18  }
0x130: {  	v15 =	vld.idx.msk [tilespmem:v15+s14+$0x0], $0xffff;
	[tilespmem:s29+$0x430] =	vst v17;
	v18 =	vor.u32 v3, v23;
	v23 =	vadd.s32 v16, v7  }
0x131: {  	v19 =	vld.idx.msk [tilespmem:v19+s14+$0x0], $0xffff;
	v17 =	vor.u32 v8, v23;
	v23 =	vadd.s32 v16, v9;
	[tilespmem:s2+$0x430] =	vst v20  }
0x132: {  	v20 =	vor.u32 v10, v23;
	v21 =	vld.idx.msk [tilespmem:v21+s14+$0x0], $0xffff;
	v23 =	vadd.s32 v16, v12;
	[tilespmem:s18+$0x430] =	vst v22  }
0x133: {  	v22 =	vor.u32 v14, v23;
	v23 =	vadd.s32 v16, v28;
	v11 =	vld.idx.msk [tilespmem:v11+s14+$0x0], $0xffff;
	[tilespmem:s5+$0x430] =	vst v13  }
0x134: {  	[tilespmem:s24+$0x470] =	vst v5;
	v5 =	vor.u32 v29, v23;
	v13 =	vadd.s32 v16, v32;
	v6 =	vld.idx.msk [tilespmem:v6+s14+$0x0], $0xffff  }
0x135: {  	[tilespmem:s25+$0x440] =	vst v15;
	v16 =	vld.idx.msk [tilespmem:v18+s14+$0x0], $0xffff;
	v18 =	vadd.s32 v25, v4;
	v13 =	vor.u32 v31, v13  }
0x136: {  	[tilespmem:s29+$0x440] =	vst v19;
	v15 =	vor.u32 v3, v18;
	v17 =	vld.idx.msk [tilespmem:v17+s14+$0x0], $0xffff;
	v18 =	vadd.s32 v25, v7  }
0x137: {  	v18 =	vor.u32 v8, v18;
	v19 =	vld.idx.msk [tilespmem:v20+s14+$0x0], $0xffff;
	v20 =	vadd.s32 v25, v9;
	[tilespmem:s2+$0x440] =	vst v21  }
0x138: {  	v20 =	vor.u32 v10, v20;
	v21 =	vld.idx.msk [tilespmem:v22+s14+$0x0], $0xffff;
	v22 =	vadd.s32 v25, v12;
	[tilespmem:s18+$0x440] =	vst v11  }
0x139: {  	v11 =	vor.u32 v14, v22;
	v22 =	vadd.s32 v25, v28;
	v5 =	vld.idx.msk [tilespmem:v5+s14+$0x0], $0xffff;
	[tilespmem:s5+$0x440] =	vst v6  }
0x13a: {  	[tilespmem:s23+$0x450] =	vst v16;
	v16 =	vadd.s32 v25, v32;
	v6 =	vor.u32 v29, v22;
	v13 =	vld.idx.msk [tilespmem:v13+s14+$0x0], $0xffff  }
0x13b: {  	v4 =	vadd.s32 v30, v4;
	v15 =	vld.idx.msk [tilespmem:v15+s14+$0x0], $0xffff;
	[tilespmem:s25+$0x450] =	vst v17;
	v16 =	vor.u32 v31, v16  }
0x13c: {  	v3 =	vor.u32 v3, v4;
	v7 =	vadd.s32 v30, v7;
	v4 =	vld.idx.msk [tilespmem:v18+s14+$0x0], $0xffff;
	[tilespmem:s29+$0x450] =	vst v19  }
0x13d: {  	v7 =	vor.u32 v8, v7;
	v9 =	vadd.s32 v30, v9;
	v8 =	vld.idx.msk [tilespmem:v20+s14+$0x0], $0xffff;
	[tilespmem:s2+$0x450] =	vst v21  }
0x13e: {  	v9 =	vor.u32 v10, v9;
	v10 =	vld.idx.msk [tilespmem:v11+s14+$0x0], $0xffff;
	v11 =	vadd.s32 v30, v12;
	[tilespmem:s18+$0x450] =	vst v5  }
0x13f: {  	v5 =	vor.u32 v14, v11;
	v11 =	vadd.s32 v30, v28;
	v6 =	vld.idx.msk [tilespmem:v6+s14+$0x0], $0xffff;
	[tilespmem:s5+$0x450] =	vst v13  }
0x140: {  	[tilespmem:s23+$0x460] =	vst v15;
	v11 =	vor.u32 v29, v11;
	v13 =	vadd.s32 v30, v32;
	v12 =	vld.idx.msk [tilespmem:v16+s14+$0x0], $0xffff  }
0x141: {  	v3 =	vld.idx.msk [tilespmem:v3+s14+$0x0], $0xffff;
	[tilespmem:s25+$0x460] =	vst v4;
	v4 =	vor.u32 v31, v13  }
0x142: {  	v7 =	vld.idx.msk [tilespmem:v7+s14+$0x0], $0xffff;
	[tilespmem:s29+$0x460] =	vst v8  }
0x143: {  	v8 =	vld.idx.msk [tilespmem:v9+s14+$0x0], $0xffff;
	[tilespmem:s2+$0x460] =	vst v10  }
0x144: {  	v5 =	vld.idx.msk [tilespmem:v5+s14+$0x0], $0xffff;
	[tilespmem:s18+$0x460] =	vst v6  }
0x145: {  	v6 =	vld.idx.msk [tilespmem:v11+s14+$0x0], $0xffff;
	[tilespmem:s5+$0x460] =	vst v12  }
0x146: {  	[tilespmem:s23+$0x470] =	vst v3;
	v3 =	vld.idx.msk [tilespmem:v4+s14+$0x0], $0xffff  }
0x147: {  	[tilespmem:s25+$0x470] =	vst v7  }
0x148: {  	[tilespmem:s29+$0x470] =	vst v8  }
0x149: {  	[tilespmem:s2+$0x470] =	vst v5  }
0x14a: {  	[tilespmem:s18+$0x470] =	vst v6  }
0x14b: {  	[tilespmem:s5+$0x470] =	vst v3  }
0x14c: {  	v3 =	vld [tilespmem:$0x1C00];
	_ =	sdelay $0x3  }
0x14d: {  	s6 =	simm.s32 $0x0;
	v4 =	vld [tilespmem:$0x1C80]  }
0x14e: {  	v8 =	vmov s6;
	v5 =	vld [tilespmem:$0x1D00];
	v6 =	vshll.u32 v3, $0x3  }
0x14f: {  	v9 =	vshll.u32 v8, $0xA;
	v7 =	vld [tilespmem:$0x1D80];
	v3 =	vand.u32 $0x7F, v3;
	v6 =	vand.u32 $0xFFFFFC00, v6  }
0x150: {  	v32 =	vand.u32 $0x6000, v9;
	v19 =	vld [tilespmem:$0x1E00];
	v11 =	vor.u32 v3, v6;
	v3 =	vshll.u32 v8, $0x7  }
0x151: {  	v20 =	vld [tilespmem:$0x1E80];
	v31 =	vand.u32 $0x380, v3;
	v3 =	vadd.s32 v11, v32  }
0x152: {  	v23 =	vld [tilespmem:$0x1F80];
	v3 =	vor.u32 v31, v3  }
0x153: {  	v17 =	vld [tilespmem:$0x2000]  }
0x154: {  	v16 =	vld [tilespmem:$0x2080];
	v6 =	vshll.u32 v4, $0x3  }
0x155: {  	v10 =	vld [tilespmem:$0x2100];
	v4 =	vand.u32 $0x7F, v4;
	v6 =	vand.u32 $0xFFFFFC00, v6  }
0x156: {  	v9 =	vld [tilespmem:$0x2180];
	v14 =	vor.u32 v4, v6  }
0x157: {  	s11 =	simm.s32 $0x0;
	v4 =	vadd.s32 v14, v32;
	v3 =	vld.idx.msk [tilespmem:v3+s14+$0x0], $0xffff  }
0x158: {  	s2 =	smul.u32 $0x6000, s11;
	v13 =	vld [tilespmem:$0x2200];
	v4 =	vor.u32 v31, v4  }
0x159: {  	v12 =	vld [tilespmem:$0x2280]  }
0x15a: {  	s0 =	sand.u32 $0x380, s6;
	s2 =	sshra.s32 s2, $0x2;
	v24 =	vld [tilespmem:$0x2300];
	v6 =	vshll.u32 v5, $0x3  }
0x15b: {  	s12 =	simm.s32 $0x1;
	s0 =	sor.u32 s0, s2;
	v30 =	vld [tilespmem:$0x2380];
	v5 =	vand.u32 $0x7F, v5;
	v6 =	vand.u32 $0xFFFFFC00, v6  }
0x15c: {  	v8 =	vld [tilespmem:$0x1F00];
	v15 =	vor.u32 v5, v6;
	v5 =	vmov s12;
	[tilespmem:s0+$0x13400] =	vst v3  }
0x15d: {  	v18 =	vadd.s32 v15, v32;
	v3 =	vld.idx.msk [tilespmem:v4+s14+$0x0], $0xffff;
	v4 =	vshll.u32 v5, $0xA  }
0x15e: {  	v5 =	vshll.u32 v5, $0x7;
	v6 =	vand.u32 $0x6000, v4;
	v4 =	vor.u32 v31, v18  }
0x15f: {  	v5 =	vand.u32 $0x380, v5;
	v18 =	vadd.s32 v11, v6  }
0x160: {  	v21 =	vshll.u32 v7, $0x3;
	v22 =	vor.u32 v5, v18  }
0x161: {  	s6 =	sadd.s32 $0x13400, s0;
	v7 =	vand.u32 $0x7F, v7;
	v18 =	vand.u32 $0xFFFFFC00, v21  }
0x162: {  	v18 =	vor.u32 v7, v18;
	[tilespmem:s6+$0x10] =	vst v3  }
0x163: {  	v3 =	vld.idx.msk [tilespmem:v4+s14+$0x0], $0xffff;
	v4 =	vadd.s32 v18, v32  }
0x164: {  	v4 =	vor.u32 v31, v4  }
0x165: {  	s13 =	simm.s32 $0x0;
	v21 =	vadd.s32 v14, v6;
	v7 =	vld.idx.msk [tilespmem:v22+s14+$0x0], $0xffff  }
0x166: {  	s2 =	smul.u32 $0x6000, s13;
	v21 =	vor.u32 v5, v21;
	v22 =	vshll.u32 v19, $0x3  }
0x167: {  	s16 =	simm.s32 $0x80;
	v19 =	vand.u32 $0x7F, v19;
	v22 =	vand.u32 $0xFFFFFC00, v22  }
0x168: {  	s5 =	sand.u32 $0x380, s16;
	s2 =	sshra.s32 s2, $0x2;
	v19 =	vor.u32 v19, v22;
	[tilespmem:s6+$0x20] =	vst v3  }
0x169: {  	s17 =	simm.s32 $0x2;
	s2 =	sor.u32 s5, s2;
	v3 =	vadd.s32 v19, v32;
	v22 =	vld.idx.msk [tilespmem:v4+s14+$0x0], $0xffff  }
0x16a: {  	v25 =	vand.u32 $0x7F, v20;
	v4 =	vmov s17;
	[tilespmem:s2+$0x13400] =	vst v7;
	v7 =	vor.u32 v31, v3  }
0x16b: {  	v26 =	vadd.s32 v15, v6;
	v3 =	vshll.u32 v20, $0x3;
	v20 =	vld.idx.msk [tilespmem:v21+s14+$0x0], $0xffff;
	v21 =	vshll.u32 v4, $0xA  }
0x16c: {  	v26 =	vor.u32 v5, v26;
	v27 =	vshll.u32 v4, $0x7;
	v4 =	vand.u32 $0x6000, v21  }
0x16d: {  	v21 =	vand.u32 $0xFFFFFC00, v3;
	v3 =	vand.u32 $0x380, v27;
	v27 =	vadd.s32 v11, v4  }
0x16e: {  	v21 =	vor.u32 v25, v21;
	v25 =	vor.u32 v3, v27;
	[tilespmem:s6+$0x30] =	vst v22  }
0x16f: {  	s28 =	sadd.s32 $0x13400, s2;
	v22 =	vadd.s32 v21, v32;
	v7 =	vld.idx.msk [tilespmem:v7+s14+$0x0], $0xffff  }
0x170: {  	[tilespmem:s28+$0x10] =	vst v20;
	v20 =	vor.u32 v31, v22  }
0x171: {  	v22 =	vadd.s32 v18, v6;
	v26 =	vld.idx.msk [tilespmem:v26+s14+$0x0], $0xffff  }
0x172: {  	v27 =	vshll.u32 v8, $0x3;
	v28 =	vor.u32 v5, v22  }
0x173: {  	s18 =	simm.s32 $0x0;
	v8 =	vand.u32 $0x7F, v8;
	v22 =	vand.u32 $0xFFFFFC00, v27;
	v27 =	vld.idx.msk [tilespmem:v25+s14+$0x0], $0xffff;
	v25 =	vadd.s32 v14, v4  }
0x174: {  	s5 =	smul.u32 $0x6000, s18;
	v22 =	vor.u32 v8, v22;
	v8 =	vor.u32 v3, v25;
	[tilespmem:s6+$0x40] =	vst v7  }
0x175: {  	s23 =	simm.s32 $0x100;
	v7 =	vadd.s32 v22, v32;
	v20 =	vld.idx.msk [tilespmem:v20+s14+$0x0], $0xffff  }
0x176: {  	s11 =	sand.u32 $0x380, s23;
	s5 =	sshra.s32 s5, $0x2;
	s12 =	simm.s32 $0x3;
	v25 =	vand.u32 $0x7F, v23;
	v23 =	vshll.u32 v23, $0x3;
	[tilespmem:s28+$0x20] =	vst v26;
	v26 =	vor.u32 v31, v7  }
0x177: {  	s13 =	sor.u32 s11, s5;
	v29 =	vadd.s32 v19, v6;
	v7 =	vand.u32 $0xFFFFFC00, v23;
	v23 =	vld.idx.msk [tilespmem:v28+s14+$0x0], $0xffff;
	v28 =	vmov s12  }
0x178: {  	v25 =	vor.u32 v25, v7;
	[tilespmem:s13+$0x13400] =	vst v27;
	v27 =	vor.u32 v5, v29;
	v7 =	vshll.u32 v28, $0xA  }
0x179: {  	v28 =	vshll.u32 v28, $0x7;
	v29 =	vld.idx.msk [tilespmem:v8+s14+$0x0], $0xffff;
	v8 =	vadd.s32 v15, v4;
	v7 =	vand.u32 $0x6000, v7  }
0x17a: {  	v40 =	vor.u32 v3, v8;
	[tilespmem:s6+$0x50] =	vst v20;
	v8 =	vand.u32 $0x380, v28;
	v20 =	vadd.s32 v11, v7  }
0x17b: {  	s16 =	simm.s32 $0x4;
	v28 =	vld.idx.msk [tilespmem:v26+s14+$0x0], $0xffff;
	v20 =	vor.u32 v8, v20;
	v26 =	vadd.s32 v25, v32  }
0x17c: {  	v45 =	vmov s16;
	v44 =	vand.u32 $0x7F, v9;
	[tilespmem:s28+$0x30] =	vst v23;
	v23 =	vor.u32 v31, v26  }
0x17d: {  	s5 =	sadd.s32 $0x13400, s13;
	v42 =	vadd.s32 v18, v4;
	v41 =	vadd.s32 v21, v6;
	v26 =	vshll.u32 v17, $0x3;
	v27 =	vld.idx.msk [tilespmem:v27+s14+$0x0], $0xffff  }
0x17e: {  	v17 =	vand.u32 $0x7F, v17;
	v26 =	vand.u32 $0xFFFFFC00, v26;
	[tilespmem:s5+$0x10] =	vst v29;
	v29 =	vor.u32 v5, v41  }
0x17f: {  	v46 =	vshll.u32 v9, $0x3;
	v34 =	vor.u32 v3, v42;
	v26 =	vor.u32 v17, v26;
	v33 =	vld.idx.msk [tilespmem:v40+s14+$0x0], $0xffff  }
0x180: {  	s24 =	simm.s32 $0x0;
	v17 =	vand.u32 $0x7F, v16;
	v16 =	vshll.u32 v16, $0x3;
	v20 =	vld.idx.msk [tilespmem:v20+s14+$0x0], $0xffff;
	[tilespmem:s6+$0x60] =	vst v28;
	v28 =	vadd.s32 v14, v7  }
0x181: {  	s11 =	smul.u32 $0x6000, s24;
	v16 =	vand.u32 $0xFFFFFC00, v16;
	v43 =	vadd.s32 v26, v32;
	v35 =	vld.idx.msk [tilespmem:v23+s14+$0x0], $0xffff;
	v28 =	vor.u32 v8, v28  }
0x182: {  	s25 =	simm.s32 $0x180;
	v52 =	vand.u32 $0x7F, v13;
	v23 =	vor.u32 v17, v16;
	v17 =	vor.u32 v31, v43;
	[tilespmem:s28+$0x40] =	vst v27  }
0x183: {  	s11 =	sshra.s32 s11, $0x2;
	s12 =	sand.u32 $0x380, s25;
	v16 =	vshll.u32 v10, $0x3;
	v27 =	vand.u32 $0x7F, v10;
	v10 =	vld.idx.msk [tilespmem:v29+s14+$0x0], $0xffff;
	v29 =	vadd.s32 v22, v6  }
0x184: {  	v13 =	vshll.u32 v13, $0x3;
	v9 =	vadd.s32 v19, v4;
	s23 =	sor.u32 s12, s11;
	[tilespmem:s5+$0x20] =	vst v33;
	v29 =	vor.u32 v5, v29  }
0x185: {  	v58 =	vshll.u32 v12, $0x3;
	v47 =	vor.u32 v3, v9;
	v9 =	vshll.u32 v45, $0xA;
	v34 =	vld.idx.msk [tilespmem:v34+s14+$0x0], $0xffff;
	[tilespmem:s23+$0x13400] =	vst v20  }
0x186: {  	v12 =	vand.u32 $0x7F, v12;
	v9 =	vand.u32 $0x6000, v9;
	v48 =	vadd.s32 v15, v7;
	v28 =	vld.idx.msk [tilespmem:v28+s14+$0x0], $0xffff;
	[tilespmem:s6+$0x70] =	vst v35  }
0x187: {  	v49 =	vadd.s32 v23, v32;
	v33 =	vor.u32 v8, v48;
	v20 =	vshll.u32 v45, $0x7;
	v17 =	vld.idx.msk [tilespmem:v17+s14+$0x0], $0xffff  }
0x188: {  	v35 =	vor.u32 v31, v49;
	[tilespmem:s28+$0x50] =	vst v10;
	v10 =	vand.u32 $0x380, v20;
	v20 =	vadd.s32 v11, v9  }
0x189: {  	v51 =	vadd.s32 v25, v6;
	v16 =	vand.u32 $0xFFFFFC00, v16;
	v29 =	vld.idx.msk [tilespmem:v29+s14+$0x0], $0xffff;
	v50 =	vor.u32 v10, v20  }
0x18a: {  	v54 =	vadd.s32 v18, v7;
	v27 =	vor.u32 v27, v16;
	v16 =	vor.u32 v5, v51;
	s6 =	sadd.s32 $0x13400, s23;
	[tilespmem:s5+$0x30] =	vst v34  }
0x18b: {  	v37 =	vand.u32 $0xFFFFFC00, v46;
	v55 =	vor.u32 v8, v54;
	v53 =	vld.idx.msk [tilespmem:v47+s14+$0x0], $0xffff;
	[tilespmem:s6+$0x10] =	vst v28;
	v28 =	vadd.s32 v21, v4  }
0x18c: {  	v13 =	vand.u32 $0xFFFFFC00, v13;
	v46 =	vadd.s32 v23, v6;
	v33 =	vld.idx.msk [tilespmem:v33+s14+$0x0], $0xffff;
	v28 =	vor.u32 v3, v28;
	[tilespmem:s0+$0x13800] =	vst v17  }
0x18d: {  	v56 =	vadd.s32 v27, v32;
	v48 =	vadd.s32 v25, v4;
	v17 =	vor.u32 v52, v13;
	v13 =	vld.idx.msk [tilespmem:v35+s14+$0x0], $0xffff  }
0x18e: {  	v38 =	vand.u32 $0xFFFFFC00, v58;
	s17 =	simm.s32 $0x0;
	v35 =	vor.u32 v31, v56;
	v57 =	vld.idx.msk [tilespmem:v50+s14+$0x0], $0xffff;
	[tilespmem:s28+$0x60] =	vst v29;
	v29 =	vadd.s32 v14, v9  }
0x18f: {  	s11 =	smul.u32 $0x6000, s17;
	v49 =	vand.u32 $0x7F, v24;
	v59 =	vld.idx.msk [tilespmem:v16+s14+$0x0], $0xffff;
	v29 =	vor.u32 v10, v29;
	v16 =	vadd.s32 v26, v6  }
0x190: {  	s25 =	simm.s32 $0x200;
	v20 =	vor.u32 v44, v37;
	v44 =	vadd.s32 v15, v9;
	[tilespmem:s5+$0x40] =	vst v53;
	v60 =	vor.u32 v5, v16  }
0x191: {  	s16 =	sand.u32 $0x380, s25;
	s25 =	sadd.s32 $0x13800, s0;
	s11 =	sshra.s32 s11, $0x2;
	v24 =	vshll.u32 v24, $0x3;
	v16 =	vor.u32 v12, v38;
	v12 =	vadd.s32 v22, v4;
	v28 =	vld.idx.msk [tilespmem:v28+s14+$0x0], $0xffff;
	[tilespmem:s6+$0x20] =	vst v33  }
0x192: {  	s18 =	simm.s32 $0x5;
	s24 =	sor.u32 s16, s11;
	v24 =	vand.u32 $0xFFFFFC00, v24;
	v61 =	vor.u32 v3, v12;
	v33 =	vld.idx.msk [tilespmem:v55+s14+$0x0], $0xffff;
	[tilespmem:s25+$0x10] =	vst v13;
	v13 =	vadd.s32 v19, v7  }
0x193: {  	v12 =	vmov s18;
	[tilespmem:s24+$0x13400] =	vst v57;
	v35 =	vld.idx.msk [tilespmem:v35+s14+$0x0], $0xffff;
	v63 =	vor.u32 v8, v13;
	v13 =	vadd.s32 v20, v32  }
0x194: {  	v62 =	vshll.u32 v12, $0x7;
	v12 =	vshll.u32 v12, $0xA;
	v29 =	vld.idx.msk [tilespmem:v29+s14+$0x0], $0xffff;
	[tilespmem:s28+$0x70] =	vst v59;
	v45 =	vor.u32 v31, v13  }
0x195: {  	v24 =	vor.u32 v49, v24;
	v39 =	vor.u32 v10, v44;
	v12 =	vand.u32 $0x6000, v12;
	v36 =	vld.idx.msk [tilespmem:v60+s14+$0x0], $0xffff  }
0x196: {  	v47 =	vor.u32 v5, v46;
	v13 =	vand.u32 $0x380, v62;
	[tilespmem:s5+$0x50] =	vst v28;
	v28 =	vadd.s32 v11, v12  }
0x197: {  	v49 =	vadd.s32 v23, v4;
	v34 =	vld.idx.msk [tilespmem:v61+s14+$0x0], $0xffff;
	v28 =	vor.u32 v13, v28;
	[tilespmem:s6+$0x30] =	vst v33  }
0x198: {  	s0 =	sadd.s32 $0x13400, s24;
	v50 =	vadd.s32 v21, v7;
	v33 =	vor.u32 v3, v48;
	v38 =	vld.idx.msk [tilespmem:v63+s14+$0x0], $0xffff;
	[tilespmem:s25+$0x20] =	vst v35  }
0x199: {  	v51 =	vadd.s32 v17, v32;
	v35 =	vor.u32 v8, v50;
	[tilespmem:s0+$0x10] =	vst v29;
	v29 =	vld.idx.msk [tilespmem:v45+s14+$0x0], $0xffff  }
0x19a: {  	v52 =	vadd.s32 v18, v9;
	v40 =	vor.u32 v31, v51;
	v39 =	vld.idx.msk [tilespmem:v39+s14+$0x0], $0xffff;
	[tilespmem:s2+$0x13800] =	vst v36  }
0x19b: {  	v51 =	vadd.s32 v25, v7;
	v53 =	vadd.s32 v27, v6;
	v36 =	vor.u32 v10, v52;
	v37 =	vld.idx.msk [tilespmem:v47+s14+$0x0], $0xffff  }
0x19c: {  	s16 =	simm.s32 $0x0;
	v41 =	vor.u32 v5, v53;
	v54 =	vadd.s32 v14, v12;
	v28 =	vld.idx.msk [tilespmem:v28+s14+$0x0], $0xffff;
	[tilespmem:s5+$0x60] =	vst v34  }
0x19d: {  	s11 =	smul.u32 $0x6000, s16;
	v55 =	vadd.s32 v26, v4;
	v34 =	vor.u32 v13, v54;
	v33 =	vld.idx.msk [tilespmem:v33+s14+$0x0], $0xffff;
	[tilespmem:s6+$0x40] =	vst v38  }
0x19e: {  	s18 =	simm.s32 $0x280;
	v38 =	vor.u32 v3, v55;
	v35 =	vld.idx.msk [tilespmem:v35+s14+$0x0], $0xffff;
	[tilespmem:s25+$0x30] =	vst v29;
	v29 =	vadd.s32 v22, v7  }
0x19f: {  	s11 =	sshra.s32 s11, $0x2;
	s16 =	sand.u32 $0x380, s18;
	s2 =	sadd.s32 $0x13800, s2;
	[tilespmem:s0+$0x20] =	vst v39;
	v56 =	vld.idx.msk [tilespmem:v40+s14+$0x0], $0xffff;
	v57 =	vor.u32 v8, v29;
	v29 =	vadd.s32 v16, v32  }
0x1a0: {  	s17 =	simm.s32 $0x6;
	s29 =	sor.u32 s16, s11;
	v59 =	vadd.s32 v19, v9;
	v36 =	vld.idx.msk [tilespmem:v36+s14+$0x0], $0xffff;
	[tilespmem:s2+$0x10] =	vst v37;
	v60 =	vor.u32 v31, v29  }
0x1a1: {  	v58 =	vmov s17;
	v42 =	vor.u32 v10, v59;
	[tilespmem:s29+$0x13400] =	vst v28;
	v41 =	vld.idx.msk [tilespmem:v41+s14+$0x0], $0xffff;
	v28 =	vadd.s32 v20, v6  }
0x1a2: {  	v62 =	vadd.s32 v15, v12;
	v61 =	vshll.u32 v58, $0xA;
	v34 =	vld.idx.msk [tilespmem:v34+s14+$0x0], $0xffff;
	[tilespmem:s5+$0x70] =	vst v33;
	v63 =	vor.u32 v5, v28  }
0x1a3: {  	v48 =	vor.u32 v13, v62;
	v29 =	vshll.u32 v58, $0x7;
	v28 =	vand.u32 $0x6000, v61;
	v38 =	vld.idx.msk [tilespmem:v38+s14+$0x0], $0xffff;
	[tilespmem:s6+$0x50] =	vst v35  }
0x1a4: {  	v29 =	vand.u32 $0x380, v29;
	v50 =	vadd.s32 v11, v28;
	v35 =	vor.u32 v3, v49;
	v40 =	vld.idx.msk [tilespmem:v57+s14+$0x0], $0xffff;
	[tilespmem:s25+$0x40] =	vst v56  }
0x1a5: {  	v53 =	vadd.s32 v24, v32;
	v37 =	vor.u32 v29, v50;
	[tilespmem:s0+$0x30] =	vst v36;
	v39 =	vld.idx.msk [tilespmem:v60+s14+$0x0], $0xffff  }
0x1a6: {  	v59 =	vadd.s32 v27, v4;
	s5 =	sadd.s32 $0x13400, s29;
	v36 =	vor.u32 v8, v51;
	v42 =	vld.idx.msk [tilespmem:v42+s14+$0x0], $0xffff;
	[tilespmem:s2+$0x20] =	vst v41  }
0x1a7: {  	v54 =	vadd.s32 v21, v9;
	v41 =	vor.u32 v31, v53;
	[tilespmem:s5+$0x10] =	vst v34;
	v44 =	vld.idx.msk [tilespmem:v63+s14+$0x0], $0xffff  }
0x1a8: {  	v55 =	vor.u32 v10, v54;
	v56 =	vadd.s32 v17, v6;
	v33 =	vld.idx.msk [tilespmem:v48+s14+$0x0], $0xffff;
	[tilespmem:s13+$0x13800] =	vst v38  }
0x1a9: {  	v62 =	vadd.s32 v22, v9;
	v57 =	vadd.s32 v18, v12;
	v46 =	vor.u32 v5, v56;
	v58 =	vld.idx.msk [tilespmem:v35+s14+$0x0], $0xffff  }
0x1aa: {  	v52 =	vand.u32 $0x7F, v30;
	v30 =	vshll.u32 v30, $0x3;
	v38 =	vor.u32 v13, v57;
	v37 =	vld.idx.msk [tilespmem:v37+s14+$0x0], $0xffff;
	[tilespmem:s6+$0x60] =	vst v40  }
0x1ab: {  	s16 =	simm.s32 $0x0;
	v30 =	vand.u32 $0xFFFFFC00, v30;
	v60 =	vadd.s32 v14, v28;
	v48 =	vor.u32 v3, v59;
	v47 =	vld.idx.msk [tilespmem:v36+s14+$0x0], $0xffff;
	[tilespmem:s25+$0x50] =	vst v39  }
0x1ac: {  	s17 =	smul.u32 $0x6000, s16;
	v30 =	vor.u32 v52, v30;
	v49 =	vor.u32 v29, v60;
	[tilespmem:s0+$0x40] =	vst v42;
	v34 =	vld.idx.msk [tilespmem:v41+s14+$0x0], $0xffff  }
0x1ad: {  	s11 =	simm.s32 $0x300;
	v32 =	vadd.s32 v30, v32;
	v61 =	vadd.s32 v26, v7;
	v39 =	vld.idx.msk [tilespmem:v55+s14+$0x0], $0xffff;
	[tilespmem:s2+$0x30] =	vst v44  }
0x1ae: {  	s18 =	sand.u32 $0x380, s11;
	s28 =	sadd.s32 $0x13800, s13;
	s17 =	sshra.s32 s17, $0x2;
	v63 =	vadd.s32 v19, v12;
	v35 =	vor.u32 v8, v61;
	[tilespmem:s5+$0x20] =	vst v33;
	v36 =	vld.idx.msk [tilespmem:v46+s14+$0x0], $0xffff  }
0x1af: {  	s12 =	simm.s32 $0x7;
	s13 =	sor.u32 s18, s17;
	v43 =	vor.u32 v13, v63;
	v33 =	vor.u32 v31, v32;
	v42 =	vld.idx.msk [tilespmem:v38+s14+$0x0], $0xffff;
	[tilespmem:s28+$0x10] =	vst v58  }
0x1b0: {  	v40 =	vor.u32 v10, v62;
	v31 =	vadd.s32 v16, v6;
	v32 =	vmov s12;
	[tilespmem:s13+$0x13400] =	vst v37;
	v38 =	vld.idx.msk [tilespmem:v48+s14+$0x0], $0xffff  }
0x1b1: {  	s16 =	simm.s32 $0x8;
	v41 =	vadd.s32 v20, v4;
	v37 =	vor.u32 v5, v31;
	v31 =	vshll.u32 v32, $0x7;
	v44 =	vld.idx.msk [tilespmem:v49+s14+$0x0], $0xffff;
	[tilespmem:s6+$0x70] =	vst v47  }
.LBB2_5:
0x1b2: {  	v32 =	vshll.u32 v32, $0xA;
	v45 =	vadd.s32 v15, v28;
	v41 =	vor.u32 v3, v41  }
0x1b3: {  	p1 =	sne.s32 s16, $0x1F;
	v35 =	vld.idx.msk [tilespmem:v35+s14+$0x0], $0xffff;
	[tilespmem:s25+$0x60] =	vst v34;
	v46 =	vmovc v12;
	v12 =	vmovc v28;
	v47 =	vmov v5;
	v5 =	vmov v3;
	v3 =	vmov v8  }
0x1b4: {  	v28 =	vand.u32 $0x6000, v32;
	v32 =	vor.u32 v29, v45;
	[tilespmem:s0+$0x50] =	vst v39;
	v45 =	vadd.s32 v23, v7;
	v33 =	vld.idx.msk [tilespmem:v33+s14+$0x0], $0xffff  }
0x1b5: {  	v31 =	vand.u32 $0x380, v31;
	v34 =	vadd.s32 v11, v28;
	v39 =	vld.idx.msk [tilespmem:v40+s14+$0x0], $0xffff;
	v40 =	vor.u32 v3, v45;
	[tilespmem:s2+$0x40] =	vst v36  }
0x1b6: {  	v8 =	vmov v10;
	v36 =	vadd.s32 v25, v9;
	v34 =	vor.u32 v31, v34;
	[tilespmem:s5+$0x30] =	vst v42;
	v37 =	vld.idx.msk [tilespmem:v37+s14+$0x0], $0xffff  }
0x1b7: {  	s6 =	sadd.s32 $0x13400, s13;
	v10 =	vmov v13;
	v36 =	vor.u32 v8, v36;
	v42 =	vld.idx.msk [tilespmem:v43+s14+$0x0], $0xffff;
	[tilespmem:s28+$0x20] =	vst v38;
	v38 =	vadd.s32 v24, v6  }
0x1b8: {  	v13 =	vmov v29;
	v43 =	vadd.s32 v21, v46;
	[tilespmem:s6+$0x10] =	vst v44;
	v41 =	vld.idx.msk [tilespmem:v41+s14+$0x0], $0xffff;
	v38 =	vor.u32 v47, v38  }
0x1b9: {  	v29 =	vmov v31;
	v43 =	vor.u32 v10, v43;
	v32 =	vld.idx.msk [tilespmem:v32+s14+$0x0], $0xffff;
	[tilespmem:s23+$0x13800] =	vst v35;
	v35 =	vadd.s32 v17, v4  }
0x1ba: {  	v31 =	vadd.s32 v18, v12;
	v44 =	vld.idx.msk [tilespmem:v40+s14+$0x0], $0xffff;
	v40 =	vor.u32 v5, v35;
	[tilespmem:s25+$0x70] =	vst v33;
	s25 =	smov.u32 s2;
	s2 =	smov.u32 s28  }
0x1bb: {  	v31 =	vor.u32 v13, v31;
	v33 =	vadd.s32 v27, v7;
	v45 =	vld.idx.msk [tilespmem:v34+s14+$0x0], $0xffff;
	[tilespmem:s0+$0x60] =	vst v39  }
0x1bc: {  	s17 =	sshrl.u32 s12, $0x3;
	s12 =	smov.u32 s16;
	v34 =	vadd.s32 v14, v28;
	v49 =	vor.u32 v3, v33;
	v48 =	vld.idx.msk [tilespmem:v36+s14+$0x0], $0xffff;
	[tilespmem:s25+$0x50] =	vst v37  }
0x1bd: {  	s17 =	smul.u32 $0x6000, s17;
	v33 =	vadd.s32 v26, v9;
	v50 =	vor.u32 v29, v34;
	[tilespmem:s5+$0x40] =	vst v42;
	v34 =	vld.idx.msk [tilespmem:v38+s14+$0x0], $0xffff  }
.Ltmp3:
0x1be: {  	s11 =	sadd.s32 $0x80, s11;
	v35 =	vor.u32 v8, v33;
	v33 =	vadd.s32 v30, v6;
	v6 =	vmov v4;
	v39 =	vld.idx.msk [tilespmem:v43+s14+$0x0], $0xffff;
	[tilespmem:s2+$0x30] =	vst v41;
	(pc) =	sbr.rel @p1 .LBB2_5-.Ltmp3, $4  }
0x1bf: {  	s18 =	sand.u32 $0x380, s11;
	s17 =	sshra.s32 s17, $0x2;
	s28 =	sadd.s32 $0x13800, s23;
	v4 =	vmov v7;
	v33 =	vor.u32 v47, v33;
	[tilespmem:s6+$0x20] =	vst v32;
	v32 =	vadd.s32 v22, v46;
	v36 =	vld.idx.msk [tilespmem:v40+s14+$0x0], $0xffff  }
0x1c0: {  	s17 =	sor.u32 s18, s17;
	s23 =	smov.u32 s24;
	s24 =	smov.u32 s29;
	v7 =	vmov v9;
	v42 =	vld.idx.msk [tilespmem:v31+s14+$0x0], $0xffff;
	v40 =	vor.u32 v10, v32;
	[tilespmem:s28+$0x10] =	vst v44;
	v31 =	vadd.s32 v16, v6  }
0x1c1: {  	s29 =	smov.u32 s13;
	s13 =	smov.u32 s17;
	v9 =	vmovc v46;
	v41 =	vadd.s32 v19, v12;
	v32 =	vmov s16;
	[tilespmem:s17+$0x13400] =	vst v45;
	v38 =	vld.idx.msk [tilespmem:v49+s14+$0x0], $0xffff;
	v37 =	vor.u32 v5, v31  }
0x1c2: {  	v43 =	vor.u32 v13, v41;
	v41 =	vadd.s32 v20, v4;
	s16 =	sadd.s32 $0x1, s16;
	v31 =	vshll.u32 v32, $0x7;
	v44 =	vld.idx.msk [tilespmem:v50+s14+$0x0], $0xffff;
	[tilespmem:s0+$0x70] =	vst v48;
	s0 =	smov.u32 s5;
	s5 =	smov.u32 s6  }
0x1c3: {  	v32 =	vshll.u32 v32, $0xA  }
0x1c4: {  	v32 =	vand.u32 $0x6000, v32  }
0x1c5: {  	v31 =	vand.u32 $0x380, v31;
	v11 =	vadd.s32 v11, v32  }
0x1c6: {  	v11 =	vor.u32 v31, v11;
	_ =	sdelay $0x4  }
0x1c7: {  	s6 =	sshrl.u32 s12, $0x3;
	v14 =	vadd.s32 v14, v32;
	v11 =	vld.idx.msk [tilespmem:v11+s14+$0x0], $0xffff  }
0x1c8: {  	s6 =	smul.u32 $0x6000, s6;
	v14 =	vor.u32 v31, v14  }
0x1c9: {  	s11 =	sadd.s32 $0x80, s11  }
0x1ca: {  	s11 =	sand.u32 $0x380, s11;
	s6 =	sshra.s32 s6, $0x2  }
0x1cb: {  	s6 =	sor.u32 s11, s6  }
0x1cc: {  	v45 =	vadd.s32 v15, v28;
	[tilespmem:s6+$0x13400] =	vst v11  }
0x1cd: {  	v15 =	vadd.s32 v15, v32;
	v11 =	vor.u32 v29, v45;
	v14 =	vld.idx.msk [tilespmem:v14+s14+$0x0], $0xffff  }
0x1ce: {  	v15 =	vor.u32 v31, v15;
	_ =	sdelay $0x1  }
0x1cf: {  	s17 =	sadd.s32 $0x13400, s13  }
0x1d0: {  	[tilespmem:s17+$0x10] =	vst v44;
	s11 =	sadd.s32 $0x13400, s6  }
0x1d1: {  	v58 =	vadd.s32 v18, v28;
	v11 =	vld.idx.msk [tilespmem:v11+s14+$0x0], $0xffff;
	[tilespmem:s11+$0x10] =	vst v14  }
0x1d2: {  	v18 =	vadd.s32 v18, v32;
	v14 =	vor.u32 v29, v58;
	v15 =	vld.idx.msk [tilespmem:v15+s14+$0x0], $0xffff  }
0x1d3: {  	v18 =	vor.u32 v31, v18;
	_ =	sdelay $0x2  }
0x1d4: {  	[tilespmem:s17+$0x20] =	vst v11  }
0x1d5: {  	v11 =	vld.idx.msk [tilespmem:v14+s14+$0x0], $0xffff;
	v14 =	vadd.s32 v19, v28;
	[tilespmem:s11+$0x20] =	vst v15  }
0x1d6: {  	v14 =	vor.u32 v29, v14;
	v15 =	vld.idx.msk [tilespmem:v18+s14+$0x0], $0xffff;
	v18 =	vadd.s32 v19, v32  }
0x1d7: {  	v18 =	vor.u32 v31, v18;
	_ =	sdelay $0x1  }
0x1d8: {  	[tilespmem:s5+$0x30] =	vst v42  }
0x1d9: {  	v59 =	vadd.s32 v21, v12;
	v19 =	vld.idx.msk [tilespmem:v43+s14+$0x0], $0xffff;
	[tilespmem:s17+$0x30] =	vst v11  }
0x1da: {  	v60 =	vadd.s32 v21, v28;
	v11 =	vor.u32 v13, v59;
	v14 =	vld.idx.msk [tilespmem:v14+s14+$0x0], $0xffff;
	[tilespmem:s11+$0x30] =	vst v15  }
0x1db: {  	v21 =	vadd.s32 v21, v32;
	v15 =	vor.u32 v29, v60;
	v18 =	vld.idx.msk [tilespmem:v18+s14+$0x0], $0xffff  }
0x1dc: {  	v21 =	vor.u32 v31, v21;
	_ =	sdelay $0x1  }
0x1dd: {  	[tilespmem:s5+$0x40] =	vst v19  }
0x1de: {  	v19 =	vadd.s32 v22, v12;
	v11 =	vld.idx.msk [tilespmem:v11+s14+$0x0], $0xffff;
	[tilespmem:s17+$0x40] =	vst v14  }
0x1df: {  	v14 =	vor.u32 v13, v19;
	v19 =	vadd.s32 v22, v28;
	v15 =	vld.idx.msk [tilespmem:v15+s14+$0x0], $0xffff;
	[tilespmem:s11+$0x40] =	vst v18  }
0x1e0: {  	v18 =	vor.u32 v29, v19;
	v19 =	vld.idx.msk [tilespmem:v21+s14+$0x0], $0xffff;
	v21 =	vadd.s32 v22, v32  }
0x1e1: {  	v21 =	vor.u32 v31, v21  }
0x1e2: {  	[tilespmem:s0+$0x50] =	vst v39  }
0x1e3: {  	v61 =	vadd.s32 v25, v9;
	v22 =	vld.idx.msk [tilespmem:v40+s14+$0x0], $0xffff;
	[tilespmem:s5+$0x50] =	vst v11  }
0x1e4: {  	v62 =	vadd.s32 v25, v12;
	v11 =	vor.u32 v10, v61;
	v14 =	vld.idx.msk [tilespmem:v14+s14+$0x0], $0xffff;
	[tilespmem:s17+$0x50] =	vst v15  }
0x1e5: {  	v63 =	vadd.s32 v25, v28;
	v15 =	vor.u32 v13, v62;
	v18 =	vld.idx.msk [tilespmem:v18+s14+$0x0], $0xffff;
	[tilespmem:s11+$0x50] =	vst v19  }
0x1e6: {  	[tilespmem:s25+$0x60] =	vst v34;
	v25 =	vadd.s32 v25, v32;
	v19 =	vor.u32 v29, v63;
	v21 =	vld.idx.msk [tilespmem:v21+s14+$0x0], $0xffff  }
0x1e7: {  	[tilespmem:s2+$0x40] =	vst v36;
	v25 =	vor.u32 v31, v25  }
0x1e8: {  	v36 =	vld.idx.msk [tilespmem:v35+s14+$0x0], $0xffff;
	[tilespmem:s0+$0x60] =	vst v22  }
0x1e9: {  	v39 =	vor.u32 v3, v41;
	v22 =	vadd.s32 v26, v9;
	v11 =	vld.idx.msk [tilespmem:v11+s14+$0x0], $0xffff;
	[tilespmem:s5+$0x60] =	vst v14  }
0x1ea: {  	v14 =	vor.u32 v10, v22;
	v22 =	vadd.s32 v26, v12;
	v15 =	vld.idx.msk [tilespmem:v15+s14+$0x0], $0xffff;
	[tilespmem:s17+$0x60] =	vst v18  }
0x1eb: {  	v18 =	vor.u32 v13, v22;
	v22 =	vadd.s32 v26, v28;
	v19 =	vld.idx.msk [tilespmem:v19+s14+$0x0], $0xffff;
	[tilespmem:s11+$0x60] =	vst v21  }
0x1ec: {  	[tilespmem:s28+$0x20] =	vst v38;
	v21 =	vor.u32 v29, v22;
	v22 =	vld.idx.msk [tilespmem:v25+s14+$0x0], $0xffff;
	v25 =	vadd.s32 v26, v32  }
0x1ed: {  	v41 =	vld.idx.msk [tilespmem:v37+s14+$0x0], $0xffff;
	[tilespmem:s23+$0x13800] =	vst v36;
	v40 =	vadd.s32 v23, v7;
	v25 =	vor.u32 v31, v25  }
0x1ee: {  	[tilespmem:s0+$0x70] =	vst v11;
	v11 =	vor.u32 v8, v40;
	v26 =	vld.idx.msk [tilespmem:v33+s14+$0x0], $0xffff  }
0x1ef: {  	v42 =	vadd.s32 v23, v9;
	v14 =	vld.idx.msk [tilespmem:v14+s14+$0x0], $0xffff;
	[tilespmem:s5+$0x70] =	vst v15  }
0x1f0: {  	v43 =	vadd.s32 v23, v12;
	v15 =	vor.u32 v10, v42;
	v18 =	vld.idx.msk [tilespmem:v18+s14+$0x0], $0xffff;
	[tilespmem:s17+$0x70] =	vst v19  }
0x1f1: {  	v44 =	vadd.s32 v23, v28;
	v19 =	vor.u32 v13, v43;
	v21 =	vld.idx.msk [tilespmem:v21+s14+$0x0], $0xffff;
	[tilespmem:s11+$0x70] =	vst v22  }
0x1f2: {  	[tilespmem:s2+$0x50] =	vst v41;
	v23 =	vadd.s32 v23, v32;
	v22 =	vor.u32 v29, v44;
	v25 =	vld.idx.msk [tilespmem:v25+s14+$0x0], $0xffff  }
0x1f3: {  	v45 =	vadd.s32 v27, v7;
	v23 =	vor.u32 v31, v23;
	v11 =	vld.idx.msk [tilespmem:v11+s14+$0x0], $0xffff;
	[tilespmem:s25+$0x70] =	vst v26  }
0x1f4: {  	v33 =	vld.idx.msk [tilespmem:v39+s14+$0x0], $0xffff;
	v26 =	vadd.s32 v24, v6;
	[tilespmem:s24+$0x13800] =	vst v14;
	v14 =	vor.u32 v8, v45  }
0x1f5: {  	v46 =	vadd.s32 v27, v9;
	v26 =	vor.u32 v5, v26;
	v15 =	vld.idx.msk [tilespmem:v15+s14+$0x0], $0xffff;
	[tilespmem:s29+$0x13800] =	vst v18  }
0x1f6: {  	v47 =	vadd.s32 v27, v12;
	v18 =	vor.u32 v10, v46;
	v19 =	vld.idx.msk [tilespmem:v19+s14+$0x0], $0xffff;
	[tilespmem:s13+$0x13800] =	vst v21  }
0x1f7: {  	v48 =	vadd.s32 v27, v28;
	s18 =	sadd.s32 $0x13800, s23;
	v21 =	vor.u32 v13, v47;
	v22 =	vld.idx.msk [tilespmem:v22+s14+$0x0], $0xffff;
	[tilespmem:s6+$0x13800] =	vst v25  }
0x1f8: {  	v27 =	vadd.s32 v27, v32;
	[tilespmem:s18+$0x10] =	vst v11;
	v25 =	vor.u32 v29, v48;
	v23 =	vld.idx.msk [tilespmem:v23+s14+$0x0], $0xffff  }
0x1f9: {  	v49 =	vadd.s32 v17, v4;
	s23 =	sadd.s32 $0x13800, s24;
	[tilespmem:s28+$0x30] =	vst v33;
	v11 =	vor.u32 v31, v27;
	v14 =	vld.idx.msk [tilespmem:v14+s14+$0x0], $0xffff  }
0x1fa: {  	v50 =	vadd.s32 v20, v7;
	s24 =	sadd.s32 $0x13800, s29;
	v27 =	vor.u32 v3, v49;
	v26 =	vld.idx.msk [tilespmem:v26+s14+$0x0], $0xffff;
	[tilespmem:s23+$0x10] =	vst v15  }
0x1fb: {  	v51 =	vadd.s32 v20, v9;
	s25 =	sadd.s32 $0x13800, s13;
	v15 =	vor.u32 v8, v50;
	v18 =	vld.idx.msk [tilespmem:v18+s14+$0x0], $0xffff;
	[tilespmem:s24+$0x10] =	vst v19  }
0x1fc: {  	v52 =	vadd.s32 v20, v12;
	s6 =	sadd.s32 $0x13800, s6;
	v19 =	vor.u32 v10, v51;
	v21 =	vld.idx.msk [tilespmem:v21+s14+$0x0], $0xffff;
	[tilespmem:s25+$0x10] =	vst v22  }
0x1fd: {  	v53 =	vadd.s32 v20, v28;
	v22 =	vor.u32 v13, v52;
	v25 =	vld.idx.msk [tilespmem:v25+s14+$0x0], $0xffff;
	[tilespmem:s6+$0x10] =	vst v23  }
0x1fe: {  	v20 =	vadd.s32 v20, v32;
	[tilespmem:s18+$0x20] =	vst v14;
	v23 =	vor.u32 v29, v53;
	v11 =	vld.idx.msk [tilespmem:v11+s14+$0x0], $0xffff  }
0x1ff: {  	v6 =	vadd.s32 v30, v6;
	v14 =	vor.u32 v31, v20;
	[tilespmem:s2+$0x60] =	vst v26;
	v26 =	vld.idx.msk [tilespmem:v27+s14+$0x0], $0xffff  }
0x200: {  	v5 =	vor.u32 v5, v6;
	v6 =	vld.idx.msk [tilespmem:v15+s14+$0x0], $0xffff;
	v15 =	vadd.s32 v17, v7;
	[tilespmem:s23+$0x20] =	vst v18  }
0x201: {  	v15 =	vor.u32 v8, v15;
	v18 =	vld.idx.msk [tilespmem:v19+s14+$0x0], $0xffff;
	v19 =	vadd.s32 v17, v9;
	[tilespmem:s24+$0x20] =	vst v21  }
0x202: {  	v19 =	vor.u32 v10, v19;
	v21 =	vadd.s32 v17, v12;
	v20 =	vld.idx.msk [tilespmem:v22+s14+$0x0], $0xffff;
	[tilespmem:s25+$0x20] =	vst v25  }
0x203: {  	v21 =	vor.u32 v13, v21;
	v22 =	vld.idx.msk [tilespmem:v23+s14+$0x0], $0xffff;
	v23 =	vadd.s32 v17, v28;
	[tilespmem:s6+$0x20] =	vst v11  }
0x204: {  	[tilespmem:s28+$0x40] =	vst v26;
	v17 =	vadd.s32 v17, v32;
	v11 =	vor.u32 v29, v23;
	v14 =	vld.idx.msk [tilespmem:v14+s14+$0x0], $0xffff  }
0x205: {  	v5 =	vld.idx.msk [tilespmem:v5+s14+$0x0], $0xffff;
	[tilespmem:s18+$0x30] =	vst v6;
	v23 =	vadd.s32 v16, v4;
	v6 =	vor.u32 v31, v17  }
0x206: {  	v15 =	vld.idx.msk [tilespmem:v15+s14+$0x0], $0xffff;
	[tilespmem:s23+$0x30] =	vst v18;
	v17 =	vor.u32 v3, v23;
	v23 =	vadd.s32 v16, v7  }
0x207: {  	v19 =	vld.idx.msk [tilespmem:v19+s14+$0x0], $0xffff;
	v18 =	vor.u32 v8, v23;
	v23 =	vadd.s32 v16, v9;
	[tilespmem:s24+$0x30] =	vst v20  }
0x208: {  	v20 =	vor.u32 v10, v23;
	v21 =	vld.idx.msk [tilespmem:v21+s14+$0x0], $0xffff;
	v23 =	vadd.s32 v16, v12;
	[tilespmem:s25+$0x30] =	vst v22  }
0x209: {  	v22 =	vor.u32 v13, v23;
	v23 =	vadd.s32 v16, v28;
	v11 =	vld.idx.msk [tilespmem:v11+s14+$0x0], $0xffff;
	[tilespmem:s6+$0x30] =	vst v14  }
0x20a: {  	[tilespmem:s2+$0x70] =	vst v5;
	v5 =	vor.u32 v29, v23;
	v14 =	vadd.s32 v16, v32;
	v6 =	vld.idx.msk [tilespmem:v6+s14+$0x0], $0xffff  }
0x20b: {  	[tilespmem:s18+$0x40] =	vst v15;
	v16 =	vld.idx.msk [tilespmem:v17+s14+$0x0], $0xffff;
	v17 =	vadd.s32 v24, v4;
	v14 =	vor.u32 v31, v14  }
0x20c: {  	[tilespmem:s23+$0x40] =	vst v19;
	v15 =	vor.u32 v3, v17;
	v17 =	vld.idx.msk [tilespmem:v18+s14+$0x0], $0xffff;
	v18 =	vadd.s32 v24, v7  }
0x20d: {  	v18 =	vor.u32 v8, v18;
	v19 =	vld.idx.msk [tilespmem:v20+s14+$0x0], $0xffff;
	v20 =	vadd.s32 v24, v9;
	[tilespmem:s24+$0x40] =	vst v21  }
0x20e: {  	v20 =	vor.u32 v10, v20;
	v21 =	vld.idx.msk [tilespmem:v22+s14+$0x0], $0xffff;
	v22 =	vadd.s32 v24, v12;
	[tilespmem:s25+$0x40] =	vst v11  }
0x20f: {  	v11 =	vor.u32 v13, v22;
	v22 =	vadd.s32 v24, v28;
	v5 =	vld.idx.msk [tilespmem:v5+s14+$0x0], $0xffff;
	[tilespmem:s6+$0x40] =	vst v6  }
0x210: {  	[tilespmem:s28+$0x50] =	vst v16;
	v16 =	vadd.s32 v24, v32;
	v6 =	vor.u32 v29, v22;
	v14 =	vld.idx.msk [tilespmem:v14+s14+$0x0], $0xffff  }
0x211: {  	v4 =	vadd.s32 v30, v4;
	v15 =	vld.idx.msk [tilespmem:v15+s14+$0x0], $0xffff;
	[tilespmem:s18+$0x50] =	vst v17;
	v16 =	vor.u32 v31, v16  }
0x212: {  	v3 =	vor.u32 v3, v4;
	v7 =	vadd.s32 v30, v7;
	v4 =	vld.idx.msk [tilespmem:v18+s14+$0x0], $0xffff;
	[tilespmem:s23+$0x50] =	vst v19  }
0x213: {  	v7 =	vor.u32 v8, v7;
	v9 =	vadd.s32 v30, v9;
	v8 =	vld.idx.msk [tilespmem:v20+s14+$0x0], $0xffff;
	[tilespmem:s24+$0x50] =	vst v21  }
0x214: {  	v9 =	vor.u32 v10, v9;
	v10 =	vld.idx.msk [tilespmem:v11+s14+$0x0], $0xffff;
	v11 =	vadd.s32 v30, v12;
	[tilespmem:s25+$0x50] =	vst v5  }
0x215: {  	v5 =	vor.u32 v13, v11;
	v11 =	vadd.s32 v30, v28;
	v6 =	vld.idx.msk [tilespmem:v6+s14+$0x0], $0xffff;
	[tilespmem:s6+$0x50] =	vst v14  }
0x216: {  	v13 =	vadd.s32 v30, v32;
	[tilespmem:s28+$0x60] =	vst v15;
	v11 =	vor.u32 v29, v11;
	v12 =	vld.idx.msk [tilespmem:v16+s14+$0x0], $0xffff  }
0x217: {  	v3 =	vld.idx.msk [tilespmem:v3+s14+$0x0], $0xffff;
	[tilespmem:s18+$0x60] =	vst v4;
	v4 =	vor.u32 v31, v13  }
0x218: {  	v7 =	vld.idx.msk [tilespmem:v7+s14+$0x0], $0xffff;
	[tilespmem:s23+$0x60] =	vst v8  }
0x219: {  	v8 =	vld.idx.msk [tilespmem:v9+s14+$0x0], $0xffff;
	[tilespmem:s24+$0x60] =	vst v10  }
0x21a: {  	v5 =	vld.idx.msk [tilespmem:v5+s14+$0x0], $0xffff;
	[tilespmem:s25+$0x60] =	vst v6  }
0x21b: {  	v6 =	vld.idx.msk [tilespmem:v11+s14+$0x0], $0xffff;
	[tilespmem:s6+$0x60] =	vst v12  }
0x21c: {  	[tilespmem:s28+$0x70] =	vst v3;
	v3 =	vld.idx.msk [tilespmem:v4+s14+$0x0], $0xffff  }
0x21d: {  	[tilespmem:s18+$0x70] =	vst v7  }
0x21e: {  	[tilespmem:s23+$0x70] =	vst v8  }
0x21f: {  	[tilespmem:s24+$0x70] =	vst v5  }
0x220: {  	[tilespmem:s25+$0x70] =	vst v6  }
0x221: {  	[tilespmem:s6+$0x70] =	vst v3  }
0x222: {  	v3 =	vld [tilespmem:$0x2400];
	_ =	sdelay $0x3  }
0x223: {  	s11 =	simm.s32 $0x0;
	v4 =	vld [tilespmem:$0x2480]  }
0x224: {  	v8 =	vmov s11;
	v5 =	vld [tilespmem:$0x2500];
	v7 =	vshll.u32 v3, $0x3  }
0x225: {  	v9 =	vshll.u32 v8, $0xA;
	v6 =	vld [tilespmem:$0x2580];
	v3 =	vand.u32 $0x7F, v3;
	v7 =	vand.u32 $0xFFFFFC00, v7  }
0x226: {  	v32 =	vand.u32 $0x6000, v9;
	v19 =	vld [tilespmem:$0x2600];
	v11 =	vor.u32 v3, v7;
	v3 =	vshll.u32 v8, $0x7  }
0x227: {  	v20 =	vld [tilespmem:$0x2680];
	v31 =	vand.u32 $0x380, v3;
	v3 =	vadd.s32 v11, v32  }
0x228: {  	v22 =	vld [tilespmem:$0x2700];
	v3 =	vor.u32 v31, v3  }
0x229: {  	v25 =	vld [tilespmem:$0x2780]  }
0x22a: {  	v17 =	vld [tilespmem:$0x2800];
	v7 =	vshll.u32 v4, $0x3  }
0x22b: {  	v16 =	vld [tilespmem:$0x2880];
	v4 =	vand.u32 $0x7F, v4;
	v7 =	vand.u32 $0xFFFFFC00, v7  }
0x22c: {  	v10 =	vld [tilespmem:$0x2900];
	v14 =	vor.u32 v4, v7  }
0x22d: {  	s12 =	simm.s32 $0x0;
	v4 =	vadd.s32 v14, v32;
	v3 =	vld.idx.msk [tilespmem:v3+s14+$0x0], $0xffff  }
0x22e: {  	s2 =	smul.u32 $0x6000, s12;
	v9 =	vld [tilespmem:$0x2980];
	v4 =	vor.u32 v31, v4  }
0x22f: {  	v13 =	vld [tilespmem:$0x2A00]  }
0x230: {  	s0 =	sand.u32 $0x380, s11;
	s2 =	sshra.s32 s2, $0x2;
	v12 =	vld [tilespmem:$0x2A80];
	v7 =	vshll.u32 v5, $0x3  }
0x231: {  	s13 =	simm.s32 $0x1;
	s0 =	sor.u32 s0, s2;
	v24 =	vld [tilespmem:$0x2B00];
	v5 =	vand.u32 $0x7F, v5;
	v7 =	vand.u32 $0xFFFFFC00, v7  }
0x232: {  	v30 =	vld [tilespmem:$0x2B80];
	v15 =	vor.u32 v5, v7;
	v5 =	vmov s13;
	[tilespmem:s0+$0x13C00] =	vst v3  }
0x233: {  	v7 =	vadd.s32 v15, v32;
	v3 =	vld.idx.msk [tilespmem:v4+s14+$0x0], $0xffff;
	v4 =	vshll.u32 v5, $0xA  }
0x234: {  	v5 =	vshll.u32 v5, $0x7;
	v8 =	vand.u32 $0x6000, v4;
	v4 =	vor.u32 v31, v7  }
0x235: {  	v7 =	vand.u32 $0x380, v5;
	v5 =	vadd.s32 v11, v8  }
0x236: {  	v18 =	vshll.u32 v6, $0x3;
	v5 =	vor.u32 v7, v5  }
0x237: {  	s2 =	sadd.s32 $0x13C00, s0;
	v6 =	vand.u32 $0x7F, v6;
	v18 =	vand.u32 $0xFFFFFC00, v18  }
0x238: {  	v18 =	vor.u32 v6, v18;
	[tilespmem:s2+$0x10] =	vst v3  }
0x239: {  	v3 =	vld.idx.msk [tilespmem:v4+s14+$0x0], $0xffff;
	v4 =	vadd.s32 v18, v32  }
0x23a: {  	v4 =	vor.u32 v31, v4  }
0x23b: {  	s16 =	simm.s32 $0x0;
	v6 =	vadd.s32 v14, v8;
	v5 =	vld.idx.msk [tilespmem:v5+s14+$0x0], $0xffff  }
0x23c: {  	s5 =	smul.u32 $0x6000, s16;
	v21 =	vshll.u32 v19, $0x3;
	v6 =	vor.u32 v7, v6  }
0x23d: {  	s17 =	simm.s32 $0x80;
	v19 =	vand.u32 $0x7F, v19;
	v21 =	vand.u32 $0xFFFFFC00, v21  }
0x23e: {  	s5 =	sshra.s32 s5, $0x2;
	s6 =	sand.u32 $0x380, s17;
	v19 =	vor.u32 v19, v21;
	[tilespmem:s2+$0x20] =	vst v3  }
0x23f: {  	s18 =	simm.s32 $0x2;
	s5 =	sor.u32 s6, s5;
	v3 =	vadd.s32 v19, v32;
	v23 =	vld.idx.msk [tilespmem:v4+s14+$0x0], $0xffff  }
0x240: {  	v21 =	vand.u32 $0x7F, v20;
	v4 =	vmov s18;
	[tilespmem:s5+$0x13C00] =	vst v5;
	v5 =	vor.u32 v31, v3  }
0x241: {  	v26 =	vadd.s32 v15, v8;
	v3 =	vshll.u32 v20, $0x3;
	v20 =	vshll.u32 v4, $0xA;
	v6 =	vld.idx.msk [tilespmem:v6+s14+$0x0], $0xffff  }
0x242: {  	v27 =	vshll.u32 v4, $0x7;
	v4 =	vand.u32 $0x6000, v20;
	v20 =	vor.u32 v7, v26  }
0x243: {  	v26 =	vand.u32 $0xFFFFFC00, v3;
	v3 =	vand.u32 $0x380, v27;
	v27 =	vadd.s32 v11, v4  }
0x244: {  	v21 =	vor.u32 v21, v26;
	v26 =	vor.u32 v3, v27;
	[tilespmem:s2+$0x30] =	vst v23  }
0x245: {  	s28 =	sadd.s32 $0x13C00, s5;
	v23 =	vadd.s32 v21, v32;
	v5 =	vld.idx.msk [tilespmem:v5+s14+$0x0], $0xffff  }
0x246: {  	[tilespmem:s28+$0x10] =	vst v6;
	v6 =	vor.u32 v31, v23  }
0x247: {  	v23 =	vadd.s32 v18, v8;
	v20 =	vld.idx.msk [tilespmem:v20+s14+$0x0], $0xffff  }
0x248: {  	v27 =	vshll.u32 v22, $0x3;
	v28 =	vor.u32 v7, v23  }
0x249: {  	s23 =	simm.s32 $0x0;
	v22 =	vand.u32 $0x7F, v22;
	v23 =	vand.u32 $0xFFFFFC00, v27;
	v27 =	vadd.s32 v14, v4;
	v26 =	vld.idx.msk [tilespmem:v26+s14+$0x0], $0xffff  }
0x24a: {  	s6 =	smul.u32 $0x6000, s23;
	v23 =	vor.u32 v22, v23;
	v22 =	vor.u32 v3, v27;
	[tilespmem:s2+$0x40] =	vst v5  }
0x24b: {  	s24 =	simm.s32 $0x100;
	v5 =	vadd.s32 v23, v32;
	v6 =	vld.idx.msk [tilespmem:v6+s14+$0x0], $0xffff  }
0x24c: {  	s11 =	sand.u32 $0x380, s24;
	s25 =	simm.s32 $0x3;
	s6 =	sshra.s32 s6, $0x2;
	v27 =	vand.u32 $0x7F, v25;
	v25 =	vshll.u32 v25, $0x3;
	[tilespmem:s28+$0x20] =	vst v20;
	v20 =	vor.u32 v31, v5  }
0x24d: {  	v29 =	vmov s25;
	s13 =	sor.u32 s11, s6;
	v54 =	vadd.s32 v19, v8;
	v5 =	vand.u32 $0xFFFFFC00, v25;
	v28 =	vld.idx.msk [tilespmem:v28+s14+$0x0], $0xffff  }
0x24e: {  	v25 =	vor.u32 v27, v5;
	[tilespmem:s13+$0x13C00] =	vst v26;
	v26 =	vor.u32 v7, v54;
	v5 =	vshll.u32 v29, $0xA  }
0x24f: {  	v27 =	vshll.u32 v29, $0x7;
	v29 =	vadd.s32 v15, v4;
	v22 =	vld.idx.msk [tilespmem:v22+s14+$0x0], $0xffff;
	v5 =	vand.u32 $0x6000, v5  }
0x250: {  	v29 =	vor.u32 v3, v29;
	[tilespmem:s2+$0x50] =	vst v6;
	v6 =	vand.u32 $0x380, v27;
	v27 =	vadd.s32 v11, v5  }
0x251: {  	v55 =	vadd.s32 v25, v32;
	v20 =	vld.idx.msk [tilespmem:v20+s14+$0x0], $0xffff;
	v27 =	vor.u32 v6, v27  }
0x252: {  	s16 =	simm.s32 $0x4;
	[tilespmem:s28+$0x30] =	vst v28;
	v28 =	vor.u32 v31, v55  }
0x253: {  	v43 =	vmov s16;
	v56 =	vshll.u32 v17, $0x3;
	s24 =	sadd.s32 $0x13C00, s13;
	v57 =	vld.idx.msk [tilespmem:v26+s14+$0x0], $0xffff;
	v26 =	vadd.s32 v21, v8  }
0x254: {  	v17 =	vand.u32 $0x7F, v17;
	v33 =	vand.u32 $0xFFFFFC00, v56;
	[tilespmem:s24+$0x10] =	vst v22;
	v58 =	vor.u32 v7, v26  }
0x255: {  	v22 =	vadd.s32 v18, v4;
	v26 =	vor.u32 v17, v33;
	v17 =	vand.u32 $0x7F, v16;
	v29 =	vld.idx.msk [tilespmem:v29+s14+$0x0], $0xffff  }
0x256: {  	s11 =	simm.s32 $0x0;
	v16 =	vshll.u32 v16, $0x3;
	v59 =	vor.u32 v3, v22;
	v27 =	vld.idx.msk [tilespmem:v27+s14+$0x0], $0xffff;
	[tilespmem:s2+$0x60] =	vst v20;
	v20 =	vadd.s32 v14, v5  }
0x257: {  	s6 =	smul.u32 $0x6000, s11;
	v16 =	vand.u32 $0xFFFFFC00, v16;
	v60 =	vadd.s32 v26, v32;
	v28 =	vld.idx.msk [tilespmem:v28+s14+$0x0], $0xffff;
	v20 =	vor.u32 v6, v20  }
0x258: {  	s12 =	simm.s32 $0x180;
	v61 =	vand.u32 $0x7F, v10;
	v22 =	vor.u32 v17, v16;
	v17 =	vor.u32 v31, v60;
	[tilespmem:s28+$0x40] =	vst v57  }
0x259: {  	v63 =	vand.u32 $0x7F, v9;
	s11 =	sand.u32 $0x380, s12;
	s6 =	sshra.s32 s6, $0x2;
	v62 =	vadd.s32 v23, v8;
	v16 =	vshll.u32 v10, $0x3;
	v10 =	vld.idx.msk [tilespmem:v58+s14+$0x0], $0xffff  }
0x25a: {  	v44 =	vshll.u32 v9, $0x3;
	s23 =	sor.u32 s11, s6;
	v9 =	vadd.s32 v19, v4;
	[tilespmem:s24+$0x20] =	vst v29;
	v29 =	vor.u32 v7, v62  }
0x25b: {  	v45 =	vor.u32 v3, v9;
	v9 =	vshll.u32 v43, $0xA;
	v33 =	vld.idx.msk [tilespmem:v59+s14+$0x0], $0xffff;
	[tilespmem:s23+$0x13C00] =	vst v27  }
0x25c: {  	v49 =	vand.u32 $0x7F, v13;
	v9 =	vand.u32 $0x6000, v9;
	v38 =	vld.idx.msk [tilespmem:v20+s14+$0x0], $0xffff;
	[tilespmem:s2+$0x70] =	vst v28;
	v20 =	vadd.s32 v15, v5  }
0x25d: {  	v27 =	vshll.u32 v43, $0x7;
	v17 =	vld.idx.msk [tilespmem:v17+s14+$0x0], $0xffff;
	v28 =	vor.u32 v6, v20;
	v20 =	vadd.s32 v22, v32  }
0x25e: {  	[tilespmem:s28+$0x50] =	vst v10;
	v10 =	vand.u32 $0x380, v27;
	v27 =	vadd.s32 v11, v9;
	v46 =	vor.u32 v31, v20  }
0x25f: {  	v48 =	vadd.s32 v25, v8;
	v16 =	vand.u32 $0xFFFFFC00, v16;
	v29 =	vld.idx.msk [tilespmem:v29+s14+$0x0], $0xffff;
	v47 =	vor.u32 v10, v27  }
0x260: {  	v13 =	vshll.u32 v13, $0x3;
	s6 =	sadd.s32 $0x13C00, s23;
	v27 =	vor.u32 v61, v16;
	[tilespmem:s24+$0x30] =	vst v33;
	v16 =	vor.u32 v7, v48  }
0x261: {  	v13 =	vand.u32 $0xFFFFFC00, v13;
	v51 =	vadd.s32 v21, v4;
	v52 =	vadd.s32 v18, v5;
	v50 =	vld.idx.msk [tilespmem:v45+s14+$0x0], $0xffff;
	[tilespmem:s6+$0x10] =	vst v38  }
0x262: {  	v36 =	vor.u32 v3, v51;
	v53 =	vor.u32 v6, v52;
	v55 =	vshll.u32 v12, $0x3;
	v28 =	vld.idx.msk [tilespmem:v28+s14+$0x0], $0xffff;
	[tilespmem:s0+$0x14000] =	vst v17  }
0x263: {  	v52 =	vadd.s32 v26, v4;
	v54 =	vadd.s32 v27, v32;
	v17 =	vor.u32 v49, v13;
	v13 =	vld.idx.msk [tilespmem:v46+s14+$0x0], $0xffff  }
0x264: {  	s17 =	simm.s32 $0x0;
	v12 =	vand.u32 $0x7F, v12;
	v35 =	vor.u32 v31, v54;
	v37 =	vld.idx.msk [tilespmem:v47+s14+$0x0], $0xffff;
	[tilespmem:s28+$0x60] =	vst v29;
	v29 =	vadd.s32 v14, v9  }
0x265: {  	s2 =	smul.u32 $0x6000, s17;
	v38 =	vand.u32 $0xFFFFFC00, v55;
	v56 =	vld.idx.msk [tilespmem:v16+s14+$0x0], $0xffff;
	v29 =	vor.u32 v10, v29;
	v16 =	vadd.s32 v26, v8  }
0x266: {  	s16 =	simm.s32 $0x200;
	s18 =	simm.s32 $0x5;
	[tilespmem:s24+$0x40] =	vst v50;
	v57 =	vor.u32 v7, v16;
	v16 =	vor.u32 v12, v38;
	v12 =	vadd.s32 v23, v4  }
0x267: {  	s25 =	sadd.s32 $0x14000, s0;
	s12 =	sand.u32 $0x380, s16;
	v20 =	vand.u32 $0xFFFFFC00, v44;
	s2 =	sshra.s32 s2, $0x2;
	v36 =	vld.idx.msk [tilespmem:v36+s14+$0x0], $0xffff;
	[tilespmem:s6+$0x20] =	vst v28;
	v58 =	vor.u32 v3, v12;
	v12 =	vmov s18  }
0x268: {  	v20 =	vor.u32 v63, v20;
	s2 =	sor.u32 s12, s2;
	v28 =	vld.idx.msk [tilespmem:v53+s14+$0x0], $0xffff;
	[tilespmem:s25+$0x10] =	vst v13;
	v13 =	vadd.s32 v19, v5;
	v59 =	vshll.u32 v12, $0x7  }
0x269: {  	v12 =	vshll.u32 v12, $0xA;
	[tilespmem:s2+$0x13C00] =	vst v37;
	v35 =	vld.idx.msk [tilespmem:v35+s14+$0x0], $0xffff;
	v60 =	vor.u32 v6, v13;
	v13 =	vadd.s32 v20, v32  }
0x26a: {  	v61 =	vadd.s32 v15, v9;
	v12 =	vand.u32 $0x6000, v12;
	v29 =	vld.idx.msk [tilespmem:v29+s14+$0x0], $0xffff;
	v62 =	vor.u32 v31, v13  }
0x26b: {  	v39 =	vor.u32 v10, v61;
	[tilespmem:s28+$0x70] =	vst v56;
	v13 =	vand.u32 $0x380, v59;
	v44 =	vadd.s32 v11, v12  }
0x26c: {  	v63 =	vadd.s32 v22, v8;
	v34 =	vld.idx.msk [tilespmem:v57+s14+$0x0], $0xffff;
	[tilespmem:s24+$0x50] =	vst v36;
	v36 =	vor.u32 v13, v44  }
0x26d: {  	v45 =	vor.u32 v7, v63;
	v46 =	vand.u32 $0x7F, v24;
	v33 =	vld.idx.msk [tilespmem:v58+s14+$0x0], $0xffff;
	[tilespmem:s6+$0x30] =	vst v28;
	v28 =	vadd.s32 v25, v4  }
0x26e: {  	s0 =	sadd.s32 $0x13C00, s2;
	v24 =	vshll.u32 v24, $0x3;
	v47 =	vadd.s32 v21, v5;
	v38 =	vld.idx.msk [tilespmem:v60+s14+$0x0], $0xffff;
	v28 =	vor.u32 v3, v28;
	[tilespmem:s25+$0x20] =	vst v35  }
0x26f: {  	v48 =	vadd.s32 v17, v32;
	v24 =	vand.u32 $0xFFFFFC00, v24;
	v35 =	vor.u32 v6, v47;
	[tilespmem:s0+$0x10] =	vst v29;
	v29 =	vld.idx.msk [tilespmem:v62+s14+$0x0], $0xffff  }
0x270: {  	v49 =	vadd.s32 v18, v9;
	v40 =	vor.u32 v31, v48;
	v24 =	vor.u32 v46, v24;
	v39 =	vld.idx.msk [tilespmem:v39+s14+$0x0], $0xffff  }
0x271: {  	s17 =	simm.s32 $0x0;
	v51 =	vadd.s32 v14, v12;
	[tilespmem:s5+$0x14000] =	vst v34;
	v34 =	vor.u32 v10, v49;
	v36 =	vld.idx.msk [tilespmem:v36+s14+$0x0], $0xffff  }
0x272: {  	s11 =	smul.u32 $0x6000, s17;
	v50 =	vadd.s32 v27, v8;
	v37 =	vld.idx.msk [tilespmem:v45+s14+$0x0], $0xffff;
	[tilespmem:s24+$0x60] =	vst v33;
	v33 =	vor.u32 v13, v51  }
0x273: {  	s16 =	simm.s32 $0x280;
	v41 =	vor.u32 v7, v50;
	v56 =	vadd.s32 v19, v9;
	v28 =	vld.idx.msk [tilespmem:v28+s14+$0x0], $0xffff;
	[tilespmem:s6+$0x40] =	vst v38  }
0x274: {  	s16 =	sand.u32 $0x380, s16;
	s11 =	sshra.s32 s11, $0x2;
	v38 =	vor.u32 v3, v52;
	v35 =	vld.idx.msk [tilespmem:v35+s14+$0x0], $0xffff;
	[tilespmem:s25+$0x30] =	vst v29;
	v29 =	vadd.s32 v23, v5  }
0x275: {  	s28 =	sor.u32 s16, s11;
	[tilespmem:s0+$0x20] =	vst v39;
	v53 =	vld.idx.msk [tilespmem:v40+s14+$0x0], $0xffff;
	v54 =	vor.u32 v6, v29;
	v29 =	vadd.s32 v16, v32  }
0x276: {  	s29 =	sadd.s32 $0x14000, s5;
	s18 =	simm.s32 $0x6;
	v61 =	vadd.s32 v15, v12;
	[tilespmem:s28+$0x13C00] =	vst v36;
	v34 =	vld.idx.msk [tilespmem:v34+s14+$0x0], $0xffff;
	v57 =	vor.u32 v31, v29  }
0x277: {  	v55 =	vmov s18;
	v59 =	vor.u32 v10, v56;
	v60 =	vadd.s32 v20, v8;
	[tilespmem:s29+$0x10] =	vst v37;
	v33 =	vld.idx.msk [tilespmem:v33+s14+$0x0], $0xffff  }
0x278: {  	v42 =	vor.u32 v7, v60;
	v37 =	vor.u32 v13, v61;
	v58 =	vld.idx.msk [tilespmem:v41+s14+$0x0], $0xffff;
	[tilespmem:s24+$0x70] =	vst v28;
	v28 =	vshll.u32 v55, $0xA  }
0x279: {  	v62 =	vadd.s32 v22, v4;
	v29 =	vshll.u32 v55, $0x7;
	v38 =	vld.idx.msk [tilespmem:v38+s14+$0x0], $0xffff;
	v28 =	vand.u32 $0x6000, v28;
	[tilespmem:s6+$0x50] =	vst v35  }
0x27a: {  	v29 =	vand.u32 $0x380, v29;
	v35 =	vor.u32 v3, v62;
	v63 =	vadd.s32 v11, v28;
	v40 =	vld.idx.msk [tilespmem:v54+s14+$0x0], $0xffff;
	[tilespmem:s25+$0x40] =	vst v53  }
0x27b: {  	v49 =	vadd.s32 v25, v5;
	s5 =	sadd.s32 $0x13C00, s28;
	v48 =	vor.u32 v29, v63;
	[tilespmem:s0+$0x30] =	vst v34;
	v43 =	vld.idx.msk [tilespmem:v57+s14+$0x0], $0xffff  }
0x27c: {  	v50 =	vand.u32 $0x7F, v30;
	v51 =	vadd.s32 v24, v32;
	v34 =	vor.u32 v6, v49;
	[tilespmem:s5+$0x10] =	vst v33;
	v41 =	vld.idx.msk [tilespmem:v59+s14+$0x0], $0xffff  }
0x27d: {  	v30 =	vshll.u32 v30, $0x3;
	v52 =	vadd.s32 v21, v9;
	v36 =	vor.u32 v31, v51;
	[tilespmem:s29+$0x20] =	vst v58;
	v53 =	vld.idx.msk [tilespmem:v37+s14+$0x0], $0xffff  }
0x27e: {  	v30 =	vand.u32 $0xFFFFFC00, v30;
	v55 =	vadd.s32 v18, v12;
	v33 =	vor.u32 v10, v52;
	v42 =	vld.idx.msk [tilespmem:v42+s14+$0x0], $0xffff;
	[tilespmem:s13+$0x14000] =	vst v38  }
0x27f: {  	v30 =	vor.u32 v50, v30;
	v47 =	vor.u32 v13, v55;
	v54 =	vadd.s32 v17, v8;
	v35 =	vld.idx.msk [tilespmem:v35+s14+$0x0], $0xffff  }
0x280: {  	v56 =	vor.u32 v7, v54;
	v57 =	vadd.s32 v27, v4;
	[tilespmem:s6+$0x60] =	vst v40;
	v46 =	vld.idx.msk [tilespmem:v48+s14+$0x0], $0xffff  }
0x281: {  	s16 =	simm.s32 $0x0;
	v58 =	vadd.s32 v14, v28;
	v59 =	vor.u32 v3, v57;
	v48 =	vld.idx.msk [tilespmem:v34+s14+$0x0], $0xffff;
	[tilespmem:s25+$0x50] =	vst v43  }
0x282: {  	s17 =	smul.u32 $0x6000, s16;
	v32 =	vadd.s32 v30, v32;
	v60 =	vor.u32 v29, v58;
	[tilespmem:s0+$0x40] =	vst v41;
	v36 =	vld.idx.msk [tilespmem:v36+s14+$0x0], $0xffff  }
0x283: {  	s11 =	simm.s32 $0x300;
	v61 =	vadd.s32 v26, v5;
	v62 =	vadd.s32 v23, v9;
	[tilespmem:s5+$0x20] =	vst v53;
	v37 =	vld.idx.msk [tilespmem:v33+s14+$0x0], $0xffff  }
0x284: {  	s18 =	sand.u32 $0x380, s11;
	s17 =	sshra.s32 s17, $0x2;
	s24 =	sadd.s32 $0x14000, s13;
	v63 =	vadd.s32 v19, v12;
	v34 =	vor.u32 v6, v61;
	[tilespmem:s29+$0x30] =	vst v42;
	v42 =	vld.idx.msk [tilespmem:v47+s14+$0x0], $0xffff  }
0x285: {  	s12 =	simm.s32 $0x7;
	v38 =	vor.u32 v31, v32;
	s13 =	sor.u32 s18, s17;
	v31 =	vadd.s32 v16, v8;
	v39 =	vld.idx.msk [tilespmem:v56+s14+$0x0], $0xffff;
	[tilespmem:s24+$0x10] =	vst v35  }
0x286: {  	v32 =	vmov s12;
	v40 =	vor.u32 v7, v31;
	v41 =	vor.u32 v10, v62;
	[tilespmem:s13+$0x13C00] =	vst v46;
	v33 =	vld.idx.msk [tilespmem:v59+s14+$0x0], $0xffff  }
0x287: {  	s16 =	simm.s32 $0x8;
	v31 =	vshll.u32 v32, $0x7;
	v43 =	vor.u32 v13, v63;
	v35 =	vadd.s32 v20, v4;
	[tilespmem:s6+$0x70] =	vst v48;
	v44 =	vld.idx.msk [tilespmem:v60+s14+$0x0], $0xffff  }
.LBB2_7:
0x288: {  	v32 =	vshll.u32 v32, $0xA;
	v45 =	vadd.s32 v15, v28;
	v35 =	vor.u32 v3, v35  }
0x289: {  	p1 =	sne.s32 s16, $0x1F;
	v34 =	vld.idx.msk [tilespmem:v34+s14+$0x0], $0xffff;
	[tilespmem:s25+$0x60] =	vst v36;
	v46 =	vmovc v12;
	v12 =	vmovc v28;
	v47 =	vmov v7;
	v7 =	vmov v3;
	v3 =	vmov v6  }
0x28a: {  	v28 =	vand.u32 $0x6000, v32;
	v32 =	vor.u32 v29, v45;
	[tilespmem:s0+$0x50] =	vst v37;
	v45 =	vadd.s32 v22, v5;
	v36 =	vld.idx.msk [tilespmem:v38+s14+$0x0], $0xffff  }
0x28b: {  	v31 =	vand.u32 $0x380, v31;
	v37 =	vadd.s32 v11, v28;
	v38 =	vld.idx.msk [tilespmem:v41+s14+$0x0], $0xffff;
	v41 =	vor.u32 v3, v45;
	[tilespmem:s29+$0x40] =	vst v39  }
0x28c: {  	v6 =	vmov v10;
	v39 =	vadd.s32 v25, v9;
	v37 =	vor.u32 v31, v37;
	[tilespmem:s5+$0x30] =	vst v42;
	v40 =	vld.idx.msk [tilespmem:v40+s14+$0x0], $0xffff  }
0x28d: {  	s6 =	sadd.s32 $0x13C00, s13;
	v10 =	vmov v13;
	v39 =	vor.u32 v6, v39;
	v42 =	vld.idx.msk [tilespmem:v43+s14+$0x0], $0xffff;
	[tilespmem:s24+$0x20] =	vst v33;
	v33 =	vadd.s32 v24, v8  }
0x28e: {  	v13 =	vmov v29;
	v43 =	vadd.s32 v21, v46;
	[tilespmem:s6+$0x10] =	vst v44;
	v35 =	vld.idx.msk [tilespmem:v35+s14+$0x0], $0xffff;
	v33 =	vor.u32 v47, v33  }
0x28f: {  	v29 =	vmov v31;
	v43 =	vor.u32 v10, v43;
	v32 =	vld.idx.msk [tilespmem:v32+s14+$0x0], $0xffff;
	[tilespmem:s23+$0x14000] =	vst v34;
	v34 =	vadd.s32 v17, v4  }
0x290: {  	v31 =	vadd.s32 v18, v12;
	v44 =	vld.idx.msk [tilespmem:v41+s14+$0x0], $0xffff;
	v41 =	vor.u32 v7, v34;
	[tilespmem:s25+$0x70] =	vst v36;
	s25 =	smov.u32 s29;
	s29 =	smov.u32 s24  }
0x291: {  	v31 =	vor.u32 v13, v31;
	v34 =	vadd.s32 v27, v5;
	v45 =	vld.idx.msk [tilespmem:v37+s14+$0x0], $0xffff;
	[tilespmem:s0+$0x60] =	vst v38  }
0x292: {  	s17 =	sshrl.u32 s12, $0x3;
	s12 =	smov.u32 s16;
	v36 =	vadd.s32 v14, v28;
	v49 =	vor.u32 v3, v34;
	v48 =	vld.idx.msk [tilespmem:v39+s14+$0x0], $0xffff;
	[tilespmem:s25+$0x50] =	vst v40  }
0x293: {  	s17 =	smul.u32 $0x6000, s17;
	v50 =	vor.u32 v29, v36;
	v34 =	vadd.s32 v26, v9;
	[tilespmem:s5+$0x40] =	vst v42;
	v36 =	vld.idx.msk [tilespmem:v33+s14+$0x0], $0xffff  }
.Ltmp4:
0x294: {  	s11 =	sadd.s32 $0x80, s11;
	v34 =	vor.u32 v6, v34;
	v33 =	vadd.s32 v30, v8;
	v8 =	vmov v4;
	v37 =	vld.idx.msk [tilespmem:v43+s14+$0x0], $0xffff;
	[tilespmem:s29+$0x30] =	vst v35;
	(pc) =	sbr.rel @p1 .LBB2_7-.Ltmp4, $4  }
0x295: {  	s18 =	sand.u32 $0x380, s11;
	s17 =	sshra.s32 s17, $0x2;
	s24 =	sadd.s32 $0x14000, s23;
	v4 =	vmov v5;
	v38 =	vor.u32 v47, v33;
	[tilespmem:s6+$0x20] =	vst v32;
	v32 =	vadd.s32 v23, v46;
	v39 =	vld.idx.msk [tilespmem:v41+s14+$0x0], $0xffff  }
0x296: {  	s17 =	sor.u32 s18, s17;
	s23 =	smov.u32 s2;
	s2 =	smov.u32 s28;
	v5 =	vmov v9;
	v42 =	vld.idx.msk [tilespmem:v31+s14+$0x0], $0xffff;
	v41 =	vor.u32 v10, v32;
	[tilespmem:s24+$0x10] =	vst v44;
	v31 =	vadd.s32 v16, v8  }
0x297: {  	s28 =	smov.u32 s13;
	s13 =	smov.u32 s17;
	v9 =	vmovc v46;
	v35 =	vadd.s32 v19, v12;
	v32 =	vmov s16;
	[tilespmem:s17+$0x13C00] =	vst v45;
	v33 =	vld.idx.msk [tilespmem:v49+s14+$0x0], $0xffff;
	v40 =	vor.u32 v7, v31  }
0x298: {  	v43 =	vor.u32 v13, v35;
	v35 =	vadd.s32 v20, v4;
	s16 =	sadd.s32 $0x1, s16;
	v31 =	vshll.u32 v32, $0x7;
	v44 =	vld.idx.msk [tilespmem:v50+s14+$0x0], $0xffff;
	[tilespmem:s0+$0x70] =	vst v48;
	s0 =	smov.u32 s5;
	s5 =	smov.u32 s6  }
0x299: {  	v32 =	vshll.u32 v32, $0xA  }
0x29a: {  	v32 =	vand.u32 $0x6000, v32  }
0x29b: {  	v31 =	vand.u32 $0x380, v31;
	v11 =	vadd.s32 v11, v32  }
0x29c: {  	v11 =	vor.u32 v31, v11;
	_ =	sdelay $0x4  }
0x29d: {  	s6 =	sshrl.u32 s12, $0x3;
	v14 =	vadd.s32 v14, v32;
	v11 =	vld.idx.msk [tilespmem:v11+s14+$0x0], $0xffff  }
0x29e: {  	s6 =	smul.u32 $0x6000, s6;
	v14 =	vor.u32 v31, v14  }
0x29f: {  	s11 =	sadd.s32 $0x80, s11  }
0x2a0: {  	s11 =	sand.u32 $0x380, s11;
	s6 =	sshra.s32 s6, $0x2  }
0x2a1: {  	s6 =	sor.u32 s11, s6  }
0x2a2: {  	v45 =	vadd.s32 v15, v28;
	[tilespmem:s6+$0x13C00] =	vst v11  }
0x2a3: {  	v53 =	vor.u32 v29, v45;
	v54 =	vadd.s32 v15, v32;
	v14 =	vld.idx.msk [tilespmem:v14+s14+$0x0], $0xffff  }
0x2a4: {  	v15 =	vor.u32 v31, v54;
	_ =	sdelay $0x1  }
0x2a5: {  	s18 =	sadd.s32 $0x13C00, s13  }
0x2a6: {  	[tilespmem:s18+$0x10] =	vst v44;
	s11 =	sadd.s32 $0x13C00, s6  }
0x2a7: {  	v55 =	vadd.s32 v18, v28;
	v11 =	vld.idx.msk [tilespmem:v53+s14+$0x0], $0xffff;
	[tilespmem:s11+$0x10] =	vst v14  }
0x2a8: {  	v56 =	vor.u32 v29, v55;
	v57 =	vadd.s32 v18, v32;
	v15 =	vld.idx.msk [tilespmem:v15+s14+$0x0], $0xffff  }
0x2a9: {  	v18 =	vor.u32 v31, v57;
	_ =	sdelay $0x2  }
0x2aa: {  	[tilespmem:s18+$0x20] =	vst v11  }
0x2ab: {  	v58 =	vadd.s32 v19, v28;
	v11 =	vld.idx.msk [tilespmem:v56+s14+$0x0], $0xffff;
	[tilespmem:s11+$0x20] =	vst v15  }
0x2ac: {  	v59 =	vadd.s32 v19, v32;
	v14 =	vor.u32 v29, v58;
	v15 =	vld.idx.msk [tilespmem:v18+s14+$0x0], $0xffff  }
0x2ad: {  	v18 =	vor.u32 v31, v59;
	_ =	sdelay $0x1  }
0x2ae: {  	[tilespmem:s5+$0x30] =	vst v42  }
0x2af: {  	v61 =	vadd.s32 v21, v12;
	v60 =	vld.idx.msk [tilespmem:v43+s14+$0x0], $0xffff;
	[tilespmem:s18+$0x30] =	vst v11  }
0x2b0: {  	v63 =	vadd.s32 v21, v28;
	v62 =	vor.u32 v13, v61;
	v14 =	vld.idx.msk [tilespmem:v14+s14+$0x0], $0xffff;
	[tilespmem:s11+$0x30] =	vst v15  }
0x2b1: {  	v45 =	vor.u32 v29, v63;
	v46 =	vadd.s32 v21, v32;
	v18 =	vld.idx.msk [tilespmem:v18+s14+$0x0], $0xffff  }
0x2b2: {  	v21 =	vor.u32 v31, v46;
	_ =	sdelay $0x1  }
0x2b3: {  	[tilespmem:s5+$0x40] =	vst v60  }
0x2b4: {  	v47 =	vadd.s32 v23, v12;
	v11 =	vld.idx.msk [tilespmem:v62+s14+$0x0], $0xffff;
	[tilespmem:s18+$0x40] =	vst v14  }
0x2b5: {  	v49 =	vadd.s32 v23, v28;
	v48 =	vor.u32 v13, v47;
	v15 =	vld.idx.msk [tilespmem:v45+s14+$0x0], $0xffff;
	[tilespmem:s11+$0x40] =	vst v18  }
0x2b6: {  	v50 =	vor.u32 v29, v49;
	v52 =	vadd.s32 v23, v32;
	v51 =	vld.idx.msk [tilespmem:v21+s14+$0x0], $0xffff  }
0x2b7: {  	[tilespmem:s0+$0x50] =	vst v37;
	v21 =	vor.u32 v31, v52  }
0x2b8: {  	v54 =	vadd.s32 v25, v9;
	v53 =	vld.idx.msk [tilespmem:v41+s14+$0x0], $0xffff  }
0x2b9: {  	v55 =	vor.u32 v10, v54;
	[tilespmem:s5+$0x50] =	vst v11  }
0x2ba: {  	v56 =	vadd.s32 v25, v12;
	v14 =	vld.idx.msk [tilespmem:v48+s14+$0x0], $0xffff;
	[tilespmem:s18+$0x50] =	vst v15  }
0x2bb: {  	v58 =	vadd.s32 v25, v28;
	v57 =	vor.u32 v13, v56;
	v18 =	vld.idx.msk [tilespmem:v50+s14+$0x0], $0xffff;
	[tilespmem:s11+$0x50] =	vst v51  }
0x2bc: {  	[tilespmem:s29+$0x40] =	vst v39;
	v60 =	vadd.s32 v25, v32;
	v59 =	vor.u32 v29, v58;
	v21 =	vld.idx.msk [tilespmem:v21+s14+$0x0], $0xffff  }
0x2bd: {  	v61 =	vld.idx.msk [tilespmem:v40+s14+$0x0], $0xffff;
	[tilespmem:s0+$0x60] =	vst v53;
	v25 =	vor.u32 v31, v60;
	v62 =	vadd.s32 v24, v8  }
0x2be: {  	[tilespmem:s25+$0x60] =	vst v36;
	v63 =	vadd.s32 v26, v9;
	v37 =	vor.u32 v7, v62;
	v11 =	vld.idx.msk [tilespmem:v55+s14+$0x0], $0xffff  }
0x2bf: {  	v38 =	vld.idx.msk [tilespmem:v38+s14+$0x0], $0xffff;
	v39 =	vor.u32 v10, v63;
	[tilespmem:s5+$0x60] =	vst v14  }
0x2c0: {  	v40 =	vadd.s32 v26, v12;
	v15 =	vld.idx.msk [tilespmem:v57+s14+$0x0], $0xffff;
	[tilespmem:s18+$0x60] =	vst v18  }
0x2c1: {  	v42 =	vadd.s32 v26, v28;
	v41 =	vor.u32 v13, v40;
	v19 =	vld.idx.msk [tilespmem:v59+s14+$0x0], $0xffff;
	[tilespmem:s11+$0x60] =	vst v21  }
0x2c2: {  	v43 =	vor.u32 v29, v42;
	[tilespmem:s29+$0x50] =	vst v61;
	v45 =	vadd.s32 v26, v32;
	v44 =	vld.idx.msk [tilespmem:v25+s14+$0x0], $0xffff  }
0x2c3: {  	v47 =	vadd.s32 v30, v8;
	v46 =	vld.idx.msk [tilespmem:v37+s14+$0x0], $0xffff;
	[tilespmem:s0+$0x70] =	vst v11;
	v25 =	vor.u32 v31, v45  }
0x2c4: {  	[tilespmem:s25+$0x70] =	vst v38;
	v14 =	vld.idx.msk [tilespmem:v39+s14+$0x0], $0xffff;
	v50 =	vor.u32 v7, v47;
	v52 =	vadd.s32 v22, v9  }
0x2c5: {  	v49 =	vadd.s32 v22, v5;
	v48 =	vld.idx.msk [tilespmem:v34+s14+$0x0], $0xffff;
	[tilespmem:s5+$0x70] =	vst v15;
	v15 =	vor.u32 v10, v52  }
0x2c6: {  	v53 =	vadd.s32 v22, v12;
	v18 =	vld.idx.msk [tilespmem:v41+s14+$0x0], $0xffff;
	v51 =	vor.u32 v6, v49;
	[tilespmem:s18+$0x70] =	vst v19  }
0x2c7: {  	v54 =	vadd.s32 v22, v28;
	v19 =	vor.u32 v13, v53;
	v21 =	vld.idx.msk [tilespmem:v43+s14+$0x0], $0xffff;
	[tilespmem:s11+$0x70] =	vst v44  }
0x2c8: {  	v23 =	vor.u32 v29, v54;
	v55 =	vadd.s32 v22, v32;
	[tilespmem:s29+$0x60] =	vst v46;
	v25 =	vld.idx.msk [tilespmem:v25+s14+$0x0], $0xffff  }
0x2c9: {  	v56 =	vor.u32 v31, v55;
	[tilespmem:s2+$0x14000] =	vst v14;
	v7 =	vld.idx.msk [tilespmem:v50+s14+$0x0], $0xffff  }
0x2ca: {  	[tilespmem:s23+$0x14000] =	vst v48;
	v59 =	vadd.s32 v27, v9;
	v15 =	vld.idx.msk [tilespmem:v15+s14+$0x0], $0xffff  }
0x2cb: {  	v57 =	vadd.s32 v27, v5;
	v60 =	vor.u32 v10, v59;
	[tilespmem:s28+$0x14000] =	vst v18;
	v8 =	vld.idx.msk [tilespmem:v51+s14+$0x0], $0xffff  }
0x2cc: {  	v61 =	vadd.s32 v27, v12;
	v58 =	vor.u32 v6, v57;
	v19 =	vld.idx.msk [tilespmem:v19+s14+$0x0], $0xffff;
	[tilespmem:s13+$0x14000] =	vst v21  }
0x2cd: {  	v62 =	vor.u32 v13, v61;
	v34 =	vadd.s32 v27, v28;
	v63 =	vld.idx.msk [tilespmem:v23+s14+$0x0], $0xffff;
	[tilespmem:s6+$0x14000] =	vst v25  }
0x2ce: {  	s25 =	sadd.s32 $0x14000, s2;
	v37 =	vadd.s32 v27, v32;
	v36 =	vor.u32 v29, v34;
	[tilespmem:s29+$0x70] =	vst v7;
	v11 =	vld.idx.msk [tilespmem:v56+s14+$0x0], $0xffff  }
0x2cf: {  	v38 =	vor.u32 v31, v37;
	s23 =	sadd.s32 $0x14000, s23;
	[tilespmem:s25+$0x10] =	vst v15  }
0x2d0: {  	v42 =	vadd.s32 v20, v9;
	v39 =	vor.u32 v3, v35;
	s28 =	sadd.s32 $0x14000, s28;
	v18 =	vld.idx.msk [tilespmem:v60+s14+$0x0], $0xffff;
	[tilespmem:s23+$0x10] =	vst v8  }
0x2d1: {  	v40 =	vadd.s32 v20, v5;
	s29 =	sadd.s32 $0x14000, s13;
	v43 =	vor.u32 v10, v42;
	v14 =	vld.idx.msk [tilespmem:v58+s14+$0x0], $0xffff;
	[tilespmem:s28+$0x10] =	vst v19  }
0x2d2: {  	v41 =	vor.u32 v6, v40;
	v44 =	vadd.s32 v20, v12;
	v21 =	vld.idx.msk [tilespmem:v62+s14+$0x0], $0xffff;
	[tilespmem:s29+$0x10] =	vst v63;
	s6 =	sadd.s32 $0x14000, s6  }
0x2d3: {  	v46 =	vadd.s32 v20, v28;
	v45 =	vor.u32 v13, v44;
	v7 =	vld.idx.msk [tilespmem:v36+s14+$0x0], $0xffff;
	[tilespmem:s6+$0x10] =	vst v11  }
0x2d4: {  	[tilespmem:s24+$0x20] =	vst v33;
	v48 =	vadd.s32 v20, v32;
	v47 =	vor.u32 v29, v46;
	v8 =	vld.idx.msk [tilespmem:v38+s14+$0x0], $0xffff  }
0x2d5: {  	v50 =	vor.u32 v31, v48;
	v49 =	vadd.s32 v17, v4;
	v23 =	vld.idx.msk [tilespmem:v39+s14+$0x0], $0xffff;
	[tilespmem:s25+$0x20] =	vst v18  }
0x2d6: {  	v54 =	vadd.s32 v17, v9;
	v51 =	vor.u32 v3, v49;
	v19 =	vld.idx.msk [tilespmem:v43+s14+$0x0], $0xffff;
	[tilespmem:s23+$0x20] =	vst v14  }
0x2d7: {  	v55 =	vor.u32 v10, v54;
	v52 =	vadd.s32 v17, v5;
	v15 =	vld.idx.msk [tilespmem:v41+s14+$0x0], $0xffff;
	[tilespmem:s28+$0x20] =	vst v21  }
0x2d8: {  	v53 =	vor.u32 v6, v52;
	v56 =	vadd.s32 v17, v12;
	v22 =	vld.idx.msk [tilespmem:v45+s14+$0x0], $0xffff;
	[tilespmem:s29+$0x20] =	vst v7  }
0x2d9: {  	v58 =	vadd.s32 v17, v28;
	v57 =	vor.u32 v13, v56;
	v11 =	vld.idx.msk [tilespmem:v47+s14+$0x0], $0xffff;
	[tilespmem:s6+$0x20] =	vst v8  }
0x2da: {  	v60 =	vadd.s32 v17, v32;
	v59 =	vor.u32 v29, v58;
	[tilespmem:s24+$0x30] =	vst v23;
	v14 =	vld.idx.msk [tilespmem:v50+s14+$0x0], $0xffff  }
0x2db: {  	v61 =	vadd.s32 v16, v4;
	v62 =	vor.u32 v31, v60;
	v20 =	vld.idx.msk [tilespmem:v51+s14+$0x0], $0xffff;
	[tilespmem:s25+$0x30] =	vst v19  }
0x2dc: {  	v27 =	vadd.s32 v16, v9;
	v63 =	vor.u32 v3, v61;
	v21 =	vld.idx.msk [tilespmem:v55+s14+$0x0], $0xffff;
	[tilespmem:s23+$0x30] =	vst v15  }
0x2dd: {  	v33 =	vor.u32 v10, v27;
	v25 =	vadd.s32 v16, v5;
	v18 =	vld.idx.msk [tilespmem:v53+s14+$0x0], $0xffff;
	[tilespmem:s28+$0x30] =	vst v22  }
0x2de: {  	v34 =	vadd.s32 v16, v12;
	v26 =	vor.u32 v6, v25;
	v7 =	vld.idx.msk [tilespmem:v57+s14+$0x0], $0xffff;
	[tilespmem:s29+$0x30] =	vst v11  }
0x2df: {  	v35 =	vor.u32 v13, v34;
	v36 =	vadd.s32 v16, v28;
	v8 =	vld.idx.msk [tilespmem:v59+s14+$0x0], $0xffff;
	[tilespmem:s6+$0x30] =	vst v14  }
0x2e0: {  	v37 =	vor.u32 v29, v36;
	[tilespmem:s24+$0x40] =	vst v20;
	v38 =	vadd.s32 v16, v32;
	v15 =	vld.idx.msk [tilespmem:v62+s14+$0x0], $0xffff  }
0x2e1: {  	v39 =	vadd.s32 v24, v4;
	v17 =	vld.idx.msk [tilespmem:v63+s14+$0x0], $0xffff;
	v16 =	vor.u32 v31, v38;
	[tilespmem:s25+$0x40] =	vst v21  }
0x2e2: {  	v42 =	vadd.s32 v24, v9;
	v40 =	vor.u32 v3, v39;
	v21 =	vld.idx.msk [tilespmem:v33+s14+$0x0], $0xffff;
	[tilespmem:s23+$0x40] =	vst v18  }
0x2e3: {  	v43 =	vor.u32 v10, v42;
	v41 =	vadd.s32 v24, v5;
	v19 =	vld.idx.msk [tilespmem:v26+s14+$0x0], $0xffff;
	[tilespmem:s28+$0x40] =	vst v7  }
0x2e4: {  	v44 =	vadd.s32 v24, v12;
	v20 =	vor.u32 v6, v41;
	v11 =	vld.idx.msk [tilespmem:v35+s14+$0x0], $0xffff;
	[tilespmem:s29+$0x40] =	vst v8  }
0x2e5: {  	v46 =	vadd.s32 v24, v28;
	v45 =	vor.u32 v13, v44;
	v14 =	vld.idx.msk [tilespmem:v37+s14+$0x0], $0xffff;
	[tilespmem:s6+$0x40] =	vst v15  }
0x2e6: {  	v48 =	vadd.s32 v24, v32;
	v47 =	vor.u32 v29, v46;
	[tilespmem:s24+$0x50] =	vst v17;
	v16 =	vld.idx.msk [tilespmem:v16+s14+$0x0], $0xffff  }
0x2e7: {  	v49 =	vadd.s32 v30, v4;
	v17 =	vor.u32 v31, v48;
	v18 =	vld.idx.msk [tilespmem:v40+s14+$0x0], $0xffff;
	[tilespmem:s25+$0x50] =	vst v21  }
0x2e8: {  	v3 =	vor.u32 v3, v49;
	v53 =	vadd.s32 v30, v9;
	v52 =	vld.idx.msk [tilespmem:v43+s14+$0x0], $0xffff;
	[tilespmem:s23+$0x50] =	vst v19  }
0x2e9: {  	v51 =	vadd.s32 v30, v5;
	v7 =	vor.u32 v10, v53;
	v50 =	vld.idx.msk [tilespmem:v20+s14+$0x0], $0xffff;
	[tilespmem:s28+$0x50] =	vst v11  }
0x2ea: {  	v54 =	vadd.s32 v30, v12;
	v5 =	vor.u32 v6, v51;
	v8 =	vld.idx.msk [tilespmem:v45+s14+$0x0], $0xffff;
	[tilespmem:s29+$0x50] =	vst v14  }
0x2eb: {  	v56 =	vadd.s32 v30, v28;
	v9 =	vor.u32 v13, v54;
	v55 =	vld.idx.msk [tilespmem:v47+s14+$0x0], $0xffff;
	[tilespmem:s6+$0x50] =	vst v16  }
0x2ec: {  	v58 =	vadd.s32 v30, v32;
	[tilespmem:s24+$0x60] =	vst v18;
	v11 =	vor.u32 v29, v56;
	v57 =	vld.idx.msk [tilespmem:v17+s14+$0x0], $0xffff  }
0x2ed: {  	v59 =	vor.u32 v31, v58;
	v3 =	vld.idx.msk [tilespmem:v3+s14+$0x0], $0xffff;
	[tilespmem:s25+$0x60] =	vst v52  }
0x2ee: {  	v6 =	vld.idx.msk [tilespmem:v7+s14+$0x0], $0xffff;
	[tilespmem:s23+$0x60] =	vst v50  }
0x2ef: {  	v5 =	vld.idx.msk [tilespmem:v5+s14+$0x0], $0xffff;
	[tilespmem:s28+$0x60] =	vst v8  }
0x2f0: {  	v60 =	vld.idx.msk [tilespmem:v9+s14+$0x0], $0xffff;
	[tilespmem:s29+$0x60] =	vst v55  }
0x2f1: {  	v61 =	vld.idx.msk [tilespmem:v11+s14+$0x0], $0xffff;
	[tilespmem:s6+$0x60] =	vst v57  }
0x2f2: {  	[tilespmem:s24+$0x70] =	vst v3;
	v3 =	vld.idx.msk [tilespmem:v59+s14+$0x0], $0xffff  }
0x2f3: {  	[tilespmem:s25+$0x70] =	vst v6  }
0x2f4: {  	[tilespmem:s23+$0x70] =	vst v5  }
0x2f5: {  	[tilespmem:s28+$0x70] =	vst v60  }
0x2f6: {  	[tilespmem:s29+$0x70] =	vst v61  }
0x2f7: {  	s22 =	sshrl.u32 s22, $0x2;
	[tilespmem:s6+$0x70] =	vst v3  }
0x2f8: {  	v3 =	vld [tilespmem:s22+$0x0];
	_ =	sdelay $0x4  }
0x2f9: {  	v62 =	vshrl.u32 v3, $0x3  }
0x2fa: {  	v4 =	vmul.u32 $0x30, v62  }
0x2fb: {  	v3 =	vand.u32 $0x7, v3  }
0x2fc: {  	v3 =	vor.u32 v3, v4  }
0x2fd: {  	v4 =	vperm.xlane v3, v0;
	_ =	sdelay $0x1  }
0x2fe: {  	v4 =	vadd.s32 v1, v4;
	_ =	sdelay $0x3  }
0x2ff: {  	s6 =	simm.s32 $0x12C00;
	v3 =	vperm.xlane v3, v2  }
0x300: {  	[hbm4b:s3+s4] =	stream.indirect_vreg.scatter [tilespmem:s6], [sflag:$0x3], $0x80, v4, vm0, $0xb8;
	[tilespmem:$0x1EC00] =	vst v63  }
0x301: {  	s11 =	simm.s32 $0x13400;
	v3 =	vadd.s32 v1, v3  }
0x302: {  	[hbm4b:s9+s4] =	stream.indirect_vreg.scatter [tilespmem:s11], [sflag:$0x3], $0x80, v4, vm0, $0xb8;
	[tilespmem:$0x1EC00] =	vst v63  }
0x303: {  	s12 =	simm.s32 $0x13C00  }
0x304: {  	[hbm4b:s10+s4] =	stream.indirect_vreg.scatter [tilespmem:s12], [sflag:$0x3], $0x80, v4, vm0, $0xb8;
	[tilespmem:$0x1EC00] =	vst v63  }
0x305: {  	s13 =	simm.s32 $0x14400  }
0x306: {  	[hbm4b:s3+s4] =	stream.indirect_vreg.scatter [tilespmem:s13], [sflag:$0x3], $0x80, v3, vm0, $0xb8;
	[tilespmem:$0x1EC00] =	vst v63  }
0x307: {  	s16 =	simm.s32 $0x14C00  }
0x308: {  	[hbm4b:s9+s4] =	stream.indirect_vreg.scatter [tilespmem:s16], [sflag:$0x3], $0x80, v3, vm0, $0xb8;
	[tilespmem:$0x1EC00] =	vst v63  }
0x309: {  	s17 =	simm.s32 $0x15400  }
0x30a: {  	[hbm4b:s10+s4] =	stream.indirect_vreg.scatter [tilespmem:s17], [sflag:$0x3], $0x80, v3, vm0, $0xb8;
	[tilespmem:$0x1EC00] =	vst v63  }
0x30b: {  	v3 =	vld [tilespmem:s22+$0x10];
	_ =	sdelay $0x4  }
0x30c: {  	v63 =	vshrl.u32 v3, $0x3  }
0x30d: {  	v4 =	vmul.u32 $0x30, v63  }
0x30e: {  	v3 =	vand.u32 $0x7, v3  }
0x30f: {  	v3 =	vor.u32 v3, v4  }
0x310: {  	v4 =	vperm.xlane v3, v0;
	_ =	sdelay $0x1  }
0x311: {  	v4 =	vadd.s32 v1, v4;
	_ =	sdelay $0x3  }
0x312: {  	s18 =	simm.s32 $0x15C00;
	v3 =	vperm.xlane v3, v2  }
0x313: {  	[hbm4b:s3+s4] =	stream.indirect_vreg.scatter [tilespmem:s18], [sflag:$0x3], $0x80, v4, vm0, $0xb8;
	[tilespmem:$0x1EC00] =	vst v63  }
0x314: {  	s23 =	simm.s32 $0x16400;
	v3 =	vadd.s32 v1, v3  }
0x315: {  	[hbm4b:s9+s4] =	stream.indirect_vreg.scatter [tilespmem:s23], [sflag:$0x3], $0x80, v4, vm0, $0xb8;
	[tilespmem:$0x1EC00] =	vst v63  }
0x316: {  	s24 =	simm.s32 $0x16C00  }
0x317: {  	[hbm4b:s10+s4] =	stream.indirect_vreg.scatter [tilespmem:s24], [sflag:$0x3], $0x80, v4, vm0, $0xb8;
	[tilespmem:$0x1EC00] =	vst v63  }
0x318: {  	p1 =	sne.s32 s21, $0x11;
	s25 =	simm.s32 $0x17400  }
0x319: {  	[hbm4b:s3+s4] =	stream.indirect_vreg.scatter [tilespmem:s25], [sflag:$0x3], $0x80, v3, vm0, $0xb8;
	[tilespmem:$0x1EC00] =	vst v63  }
.Ltmp5:
0x31a: {  	_ = 	snop;
	(pc) =	sbr.rel @p1 .LBB2_10-.Ltmp5, $4  }
0x31b: {  	s28 =	simm.s32 $0x17C00  }
0x31c: {  	[hbm4b:s9+s4] =	stream.indirect_vreg.scatter [tilespmem:s28], [sflag:$0x3], $0x80, v3, vm0, $0xb8;
	[tilespmem:$0x1EC00] =	vst v63  }
0x31d: {  	s29 =	simm.s32 $0x18400  }
0x31e: {  	[hbm4b:s10+s4] =	stream.indirect_vreg.scatter [tilespmem:s29], [sflag:$0x3], $0x80, v3, vm0, $0xb8;
	[tilespmem:$0x1EC00] =	vst v63  }
.Ltmp6:
0x31f: {  	(pc) =	sbr.rel .LBB2_11-.Ltmp6, $4  }
0x320: {  	_ = 	snop  }
0x321: {  	_ =	swait.ge [sflag:s30], $0x6000  }
0x322: {  	[sflag:s30] =	ssyncset.done $0x0  }
0x323: {  	[sflag:s30] =	ssyncadd.s32 $0xFFFFA000  }
.LBB2_10:
0x324: {  	v3 =	vld [tilespmem:s22+$0x100];
	_ =	sdelay $0x4  }
0x325: {  	v4 =	vshrl.u32 v3, $0x3  }
0x326: {  	v4 =	vmul.u32 $0x30, v4  }
0x327: {  	v3 =	vand.u32 $0x7, v3  }
0x328: {  	v3 =	vor.u32 v3, v4  }
0x329: {  	v4 =	vperm.xlane v3, v0;
	_ =	sdelay $0x1  }
0x32a: {  	v4 =	vadd.s32 v1, v4;
	_ =	sdelay $0x3  }
0x32b: {  	v3 =	vperm.xlane v3, v2  }
0x32c: {  	[tilespmem:s14], [sflag:$0x1] =	stream.indirect_vreg.gather [hbm4b:s1+s4], $0x80, v4, vm0, $0xb8;
	[tilespmem:$0x1EC00] =	vst v63  }
0x32d: {  	s0 =	simm.s32 $0x3400;
	v3 =	vadd.s32 v1, v3  }
0x32e: {  	[tilespmem:s0], [sflag:$0x1] =	stream.indirect_vreg.gather [hbm4b:s7+s4], $0x80, v4, vm0, $0xb8;
	[tilespmem:$0x1EC00] =	vst v63  }
0x32f: {  	s12 =	simm.s32 $0x3C00  }
0x330: {  	[tilespmem:s12], [sflag:$0x1] =	stream.indirect_vreg.gather [hbm4b:s8+s4], $0x80, v4, vm0, $0xb8;
	[tilespmem:$0x1EC00] =	vst v63  }
0x331: {  	s13 =	simm.s32 $0x4C00  }
0x332: {  	[tilespmem:s13], [sflag:$0x1] =	stream.indirect_vreg.gather [hbm4b:s1+s4], $0x80, v3, vm0, $0xb8;
	[tilespmem:$0x1EC00] =	vst v63  }
0x333: {  	s16 =	simm.s32 $0x5400  }
0x334: {  	[tilespmem:s16], [sflag:$0x1] =	stream.indirect_vreg.gather [hbm4b:s7+s4], $0x80, v3, vm0, $0xb8;
	[tilespmem:$0x1EC00] =	vst v63  }
0x335: {  	s17 =	simm.s32 $0x5C00  }
0x336: {  	[tilespmem:s17], [sflag:$0x1] =	stream.indirect_vreg.gather [hbm4b:s8+s4], $0x80, v3, vm0, $0xb8;
	[tilespmem:$0x1EC00] =	vst v63  }
0x337: {  	v3 =	vld [tilespmem:s22+$0x110];
	_ =	sdelay $0x4  }
0x338: {  	v63 =	vshrl.u32 v3, $0x3  }
0x339: {  	v4 =	vmul.u32 $0x30, v63  }
0x33a: {  	v3 =	vand.u32 $0x7, v3  }
0x33b: {  	v3 =	vor.u32 v3, v4  }
0x33c: {  	v4 =	vperm.xlane v3, v0;
	_ =	sdelay $0x1  }
0x33d: {  	v4 =	vadd.s32 v1, v4;
	_ =	sdelay $0x3  }
0x33e: {  	s18 =	simm.s32 $0x6C00;
	v3 =	vperm.xlane v3, v2  }
0x33f: {  	[tilespmem:s18], [sflag:$0x1] =	stream.indirect_vreg.gather [hbm4b:s1+s4], $0x80, v4, vm0, $0xb8;
	[tilespmem:$0x1EC00] =	vst v63  }
0x340: {  	s23 =	simm.s32 $0x7400;
	v3 =	vadd.s32 v1, v3  }
0x341: {  	[tilespmem:s23], [sflag:$0x1] =	stream.indirect_vreg.gather [hbm4b:s7+s4], $0x80, v4, vm0, $0xb8;
	[tilespmem:$0x1EC00] =	vst v63  }
0x342: {  	s24 =	simm.s32 $0x7C00  }
0x343: {  	[tilespmem:s24], [sflag:$0x1] =	stream.indirect_vreg.gather [hbm4b:s8+s4], $0x80, v4, vm0, $0xb8;
	[tilespmem:$0x1EC00] =	vst v63  }
0x344: {  	s25 =	simm.s32 $0x8C00  }
0x345: {  	[tilespmem:s25], [sflag:$0x1] =	stream.indirect_vreg.gather [hbm4b:s1+s4], $0x80, v3, vm0, $0xb8;
	[tilespmem:$0x1EC00] =	vst v63  }
0x346: {  	s28 =	simm.s32 $0x9400  }
0x347: {  	[tilespmem:s28], [sflag:$0x1] =	stream.indirect_vreg.gather [hbm4b:s7+s4], $0x80, v3, vm0, $0xb8;
	[tilespmem:$0x1EC00] =	vst v63  }
.Ltmp7:
0x348: {  	s29 =	simm.s32 $0x9C00;
	(pc) =	sbr.rel @p0 .LBB2_12-.Ltmp7, $4  }
0x349: {  	[tilespmem:s29], [sflag:$0x1] =	stream.indirect_vreg.gather [hbm4b:s8+s4], $0x80, v3, vm0, $0xb8;
	[tilespmem:$0x1EC00] =	vst v63  }
0x34a: {  	_ =	swait.ge [sflag:s30], $0x6000  }
0x34b: {  	[sflag:s30] =	ssyncset.done $0x0  }
0x34c: {  	[sflag:s30] =	ssyncadd.s32 $0xFFFFA000  }
.LBB2_11:
0x34d: {  	_ =	swait.ge [sflag:s31], $0x6000  }
0x34e: {  	[sflag:s31] =	ssyncset.done $0x0  }
0x34f: {  	[sflag:s31] =	ssyncadd.s32 $0xFFFFA000  }
.LBB2_12:
0x350: {  	v3 =	vld [tilespmem:$0x1400];
	_ =	sdelay $0x3  }
0x351: {  	v4 =	vld [tilespmem:$0x1480];
	s0 =	simm.s32 $0x0  }
0x352: {  	v5 =	vld [tilespmem:$0x1500];
	v8 =	vmov s0;
	v6 =	vshll.u32 v3, $0x3  }
0x353: {  	v7 =	vld [tilespmem:$0x1580];
	v9 =	vshll.u32 v8, $0xA;
	v3 =	vand.u32 $0x7F, v3;
	v6 =	vand.u32 $0xFFFFFC00, v6  }
0x354: {  	v19 =	vld [tilespmem:$0x1600];
	v32 =	vand.u32 $0x6000, v9;
	v11 =	vor.u32 v3, v6;
	v3 =	vshll.u32 v8, $0x7  }
0x355: {  	v20 =	vld [tilespmem:$0x1680];
	v31 =	vand.u32 $0x380, v3;
	v3 =	vadd.s32 v11, v32  }
0x356: {  	v23 =	vld [tilespmem:$0x1780];
	v3 =	vor.u32 v31, v3  }
0x357: {  	v18 =	vld [tilespmem:$0x1800]  }
0x358: {  	v16 =	vld [tilespmem:$0x1880];
	v6 =	vshll.u32 v4, $0x3  }
0x359: {  	v10 =	vld [tilespmem:$0x1900];
	v4 =	vand.u32 $0x7F, v4;
	v6 =	vand.u32 $0xFFFFFC00, v6  }
0x35a: {  	v14 =	vld [tilespmem:$0x1A00];
	v13 =	vor.u32 v4, v6  }
0x35b: {  	s2 =	simm.s32 $0x0;
	v4 =	vadd.s32 v13, v32;
	v3 =	vld.idx.msk [tilespmem:v3+s26+$0x0], $0xffff  }
0x35c: {  	v12 =	vld [tilespmem:$0x1A80];
	s2 =	smul.u32 $0x6000, s2;
	v4 =	vor.u32 v31, v4  }
0x35d: {  	v25 =	vld [tilespmem:$0x1B00]  }
0x35e: {  	v30 =	vld [tilespmem:$0x1B80];
	s0 =	sand.u32 $0x380, s0;
	s2 =	sshra.s32 s2, $0x2;
	v6 =	vshll.u32 v5, $0x3  }
0x35f: {  	s5 =	simm.s32 $0x1;
	v9 =	vld [tilespmem:$0x1980];
	s0 =	sor.u32 s0, s2;
	v5 =	vand.u32 $0x7F, v5;
	v6 =	vand.u32 $0xFFFFFC00, v6  }
0x360: {  	v8 =	vld [tilespmem:$0x1700];
	v15 =	vor.u32 v5, v6;
	v5 =	vmov s5;
	[tilespmem:s0+$0x18C00] =	vst v3  }
0x361: {  	v17 =	vadd.s32 v15, v32;
	v3 =	vld.idx.msk [tilespmem:v4+s26+$0x0], $0xffff;
	v4 =	vshll.u32 v5, $0xA  }
0x362: {  	v5 =	vshll.u32 v5, $0x7;
	v6 =	vand.u32 $0x6000, v4;
	v4 =	vor.u32 v31, v17  }
0x363: {  	v5 =	vand.u32 $0x380, v5;
	v17 =	vadd.s32 v11, v6  }
0x364: {  	v21 =	vshll.u32 v7, $0x3;
	v22 =	vor.u32 v5, v17  }
0x365: {  	v7 =	vand.u32 $0x7F, v7;
	s28 =	sadd.s32 $0x18C00, s0;
	v17 =	vand.u32 $0xFFFFFC00, v21  }
0x366: {  	v17 =	vor.u32 v7, v17;
	[tilespmem:s28+$0x10] =	vst v3  }
0x367: {  	v3 =	vld.idx.msk [tilespmem:v4+s26+$0x0], $0xffff;
	v4 =	vadd.s32 v17, v32  }
0x368: {  	v4 =	vor.u32 v31, v4  }
0x369: {  	s5 =	simm.s32 $0x0;
	v21 =	vadd.s32 v13, v6;
	v7 =	vld.idx.msk [tilespmem:v22+s26+$0x0], $0xffff  }
0x36a: {  	s0 =	smul.u32 $0x6000, s5;
	v21 =	vor.u32 v5, v21;
	v22 =	vshll.u32 v19, $0x3  }
0x36b: {  	s6 =	simm.s32 $0x80;
	v19 =	vand.u32 $0x7F, v19;
	v22 =	vand.u32 $0xFFFFFC00, v22  }
0x36c: {  	s2 =	sand.u32 $0x380, s6;
	s0 =	sshra.s32 s0, $0x2;
	v19 =	vor.u32 v19, v22;
	[tilespmem:s28+$0x20] =	vst v3  }
0x36d: {  	s11 =	simm.s32 $0x2;
	s0 =	sor.u32 s2, s0;
	v3 =	vadd.s32 v19, v32;
	v22 =	vld.idx.msk [tilespmem:v4+s26+$0x0], $0xffff  }
0x36e: {  	v24 =	vand.u32 $0x7F, v20;
	v4 =	vmov s11;
	[tilespmem:s0+$0x18C00] =	vst v7;
	v7 =	vor.u32 v31, v3  }
0x36f: {  	v26 =	vadd.s32 v15, v6;
	v3 =	vshll.u32 v20, $0x3;
	v20 =	vld.idx.msk [tilespmem:v21+s26+$0x0], $0xffff;
	v21 =	vshll.u32 v4, $0xA  }
0x370: {  	v26 =	vor.u32 v5, v26;
	v27 =	vshll.u32 v4, $0x7;
	v4 =	vand.u32 $0x6000, v21  }
0x371: {  	v21 =	vand.u32 $0xFFFFFC00, v3;
	v3 =	vand.u32 $0x380, v27;
	v27 =	vadd.s32 v11, v4  }
0x372: {  	v21 =	vor.u32 v24, v21;
	v24 =	vor.u32 v3, v27;
	[tilespmem:s28+$0x30] =	vst v22  }
0x373: {  	s24 =	sadd.s32 $0x18C00, s0;
	v22 =	vadd.s32 v21, v32;
	v7 =	vld.idx.msk [tilespmem:v7+s26+$0x0], $0xffff  }
0x374: {  	[tilespmem:s24+$0x10] =	vst v20;
	v20 =	vor.u32 v31, v22  }
0x375: {  	v22 =	vadd.s32 v17, v6;
	v26 =	vld.idx.msk [tilespmem:v26+s26+$0x0], $0xffff  }
0x376: {  	v27 =	vshll.u32 v8, $0x3;
	v28 =	vor.u32 v5, v22  }
0x377: {  	s12 =	simm.s32 $0x0;
	v8 =	vand.u32 $0x7F, v8;
	v22 =	vand.u32 $0xFFFFFC00, v27;
	v27 =	vld.idx.msk [tilespmem:v24+s26+$0x0], $0xffff;
	v24 =	vadd.s32 v13, v4  }
0x378: {  	s0 =	smul.u32 $0x6000, s12;
	v22 =	vor.u32 v8, v22;
	v8 =	vor.u32 v3, v24;
	[tilespmem:s28+$0x40] =	vst v7  }
0x379: {  	s13 =	simm.s32 $0x100;
	v7 =	vadd.s32 v22, v32;
	v20 =	vld.idx.msk [tilespmem:v20+s26+$0x0], $0xffff  }
0x37a: {  	s16 =	simm.s32 $0x3;
	s2 =	sand.u32 $0x380, s13;
	s0 =	sshra.s32 s0, $0x2;
	v24 =	vand.u32 $0x7F, v23;
	v23 =	vshll.u32 v23, $0x3;
	[tilespmem:s24+$0x20] =	vst v26;
	v26 =	vor.u32 v31, v7  }
0x37b: {  	v29 =	vadd.s32 v19, v6;
	s0 =	sor.u32 s2, s0;
	v7 =	vand.u32 $0xFFFFFC00, v23;
	v23 =	vld.idx.msk [tilespmem:v28+s26+$0x0], $0xffff;
	v28 =	vmov s16  }
0x37c: {  	v24 =	vor.u32 v24, v7;
	[tilespmem:s0+$0x18C00] =	vst v27;
	v27 =	vor.u32 v5, v29;
	v7 =	vshll.u32 v28, $0xA  }
0x37d: {  	v28 =	vshll.u32 v28, $0x7;
	v29 =	vld.idx.msk [tilespmem:v8+s26+$0x0], $0xffff;
	v8 =	vadd.s32 v15, v4;
	v7 =	vand.u32 $0x6000, v7  }
0x37e: {  	v33 =	vor.u32 v3, v8;
	[tilespmem:s28+$0x50] =	vst v20;
	v8 =	vand.u32 $0x380, v28;
	v20 =	vadd.s32 v11, v7  }
0x37f: {  	v28 =	vld.idx.msk [tilespmem:v26+s26+$0x0], $0xffff;
	v20 =	vor.u32 v8, v20;
	v26 =	vadd.s32 v24, v32  }
0x380: {  	s25 =	simm.s32 $0x4;
	[tilespmem:s24+$0x30] =	vst v23;
	v23 =	vor.u32 v31, v26  }
0x381: {  	v55 =	vmov s25;
	s23 =	sadd.s32 $0x18C00, s0;
	v34 =	vadd.s32 v21, v6;
	v26 =	vshll.u32 v18, $0x3;
	v27 =	vld.idx.msk [tilespmem:v27+s26+$0x0], $0xffff  }
0x382: {  	v18 =	vand.u32 $0x7F, v18;
	v26 =	vand.u32 $0xFFFFFC00, v26;
	[tilespmem:s23+$0x10] =	vst v29;
	v29 =	vor.u32 v5, v34  }
0x383: {  	v53 =	vadd.s32 v17, v4;
	v26 =	vor.u32 v18, v26;
	v18 =	vand.u32 $0x7F, v16;
	v33 =	vld.idx.msk [tilespmem:v33+s26+$0x0], $0xffff  }
0x384: {  	s17 =	simm.s32 $0x0;
	v16 =	vshll.u32 v16, $0x3;
	v34 =	vor.u32 v3, v53;
	v20 =	vld.idx.msk [tilespmem:v20+s26+$0x0], $0xffff;
	[tilespmem:s28+$0x60] =	vst v28;
	v28 =	vadd.s32 v13, v7  }
0x385: {  	s0 =	smul.u32 $0x6000, s17;
	v16 =	vand.u32 $0xFFFFFC00, v16;
	v36 =	vadd.s32 v26, v32;
	v35 =	vld.idx.msk [tilespmem:v23+s26+$0x0], $0xffff;
	v28 =	vor.u32 v8, v28  }
0x386: {  	s18 =	simm.s32 $0x180;
	v54 =	vand.u32 $0x7F, v9;
	v23 =	vor.u32 v18, v16;
	v18 =	vor.u32 v31, v36;
	[tilespmem:s24+$0x40] =	vst v27  }
0x387: {  	s2 =	sand.u32 $0x380, s18;
	s0 =	sshra.s32 s0, $0x2;
	v16 =	vshll.u32 v10, $0x3;
	v27 =	vand.u32 $0x7F, v10;
	v10 =	vld.idx.msk [tilespmem:v29+s26+$0x0], $0xffff;
	v29 =	vadd.s32 v22, v6  }
0x388: {  	v37 =	vshll.u32 v9, $0x3;
	v9 =	vadd.s32 v19, v4;
	s0 =	sor.u32 s2, s0;
	[tilespmem:s23+$0x20] =	vst v33;
	v29 =	vor.u32 v5, v29  }
0x389: {  	v58 =	vand.u32 $0x7F, v14;
	v38 =	vor.u32 v3, v9;
	v9 =	vshll.u32 v55, $0xA;
	v34 =	vld.idx.msk [tilespmem:v34+s26+$0x0], $0xffff;
	[tilespmem:s0+$0x18C00] =	vst v20  }
0x38a: {  	v14 =	vshll.u32 v14, $0x3;
	v9 =	vand.u32 $0x6000, v9;
	v56 =	vadd.s32 v15, v7;
	v28 =	vld.idx.msk [tilespmem:v28+s26+$0x0], $0xffff;
	[tilespmem:s28+$0x70] =	vst v35  }
0x38b: {  	v57 =	vadd.s32 v23, v32;
	v33 =	vor.u32 v8, v56;
	v20 =	vshll.u32 v55, $0x7;
	v18 =	vld.idx.msk [tilespmem:v18+s26+$0x0], $0xffff  }
0x38c: {  	v35 =	vor.u32 v31, v57;
	[tilespmem:s24+$0x50] =	vst v10;
	v10 =	vand.u32 $0x380, v20;
	v20 =	vadd.s32 v11, v9  }
0x38d: {  	v40 =	vadd.s32 v24, v6;
	v16 =	vand.u32 $0xFFFFFC00, v16;
	v29 =	vld.idx.msk [tilespmem:v29+s26+$0x0], $0xffff;
	v39 =	vor.u32 v10, v20  }
0x38e: {  	v42 =	vshll.u32 v12, $0x3;
	s25 =	sadd.s32 $0x18C00, s0;
	v27 =	vor.u32 v27, v16;
	v16 =	vor.u32 v5, v40;
	[tilespmem:s23+$0x30] =	vst v34  }
0x38f: {  	v12 =	vand.u32 $0x7F, v12;
	v48 =	vadd.s32 v15, v9;
	v59 =	vld.idx.msk [tilespmem:v38+s26+$0x0], $0xffff;
	[tilespmem:s25+$0x10] =	vst v28;
	v28 =	vadd.s32 v21, v4  }
0x390: {  	v14 =	vand.u32 $0xFFFFFC00, v14;
	v60 =	vadd.s32 v17, v7;
	v33 =	vld.idx.msk [tilespmem:v33+s26+$0x0], $0xffff;
	v28 =	vor.u32 v3, v28;
	[tilespmem:s28+$0x400] =	vst v18  }
0x391: {  	v61 =	vor.u32 v8, v60;
	v62 =	vadd.s32 v27, v32;
	v18 =	vor.u32 v58, v14;
	v14 =	vld.idx.msk [tilespmem:v35+s26+$0x0], $0xffff  }
0x392: {  	v37 =	vand.u32 $0xFFFFFC00, v37;
	s5 =	simm.s32 $0x0;
	v35 =	vor.u32 v31, v62;
	v63 =	vld.idx.msk [tilespmem:v39+s26+$0x0], $0xffff;
	[tilespmem:s24+$0x60] =	vst v29;
	v29 =	vadd.s32 v13, v9  }
0x393: {  	v51 =	vadd.s32 v24, v4;
	s0 =	smul.u32 $0x6000, s5;
	v43 =	vld.idx.msk [tilespmem:v16+s26+$0x0], $0xffff;
	v29 =	vor.u32 v10, v29;
	v16 =	vadd.s32 v26, v6  }
0x394: {  	s6 =	simm.s32 $0x200;
	v20 =	vor.u32 v54, v37;
	v38 =	vand.u32 $0xFFFFFC00, v42;
	[tilespmem:s23+$0x40] =	vst v59;
	v44 =	vor.u32 v5, v16  }
0x395: {  	s2 =	sand.u32 $0x380, s6;
	s0 =	sshra.s32 s0, $0x2;
	v16 =	vor.u32 v12, v38;
	v12 =	vadd.s32 v22, v4;
	v28 =	vld.idx.msk [tilespmem:v28+s26+$0x0], $0xffff;
	[tilespmem:s25+$0x20] =	vst v33  }
0x396: {  	s11 =	simm.s32 $0x5;
	s0 =	sor.u32 s2, s0;
	v45 =	vor.u32 v3, v12;
	v33 =	vld.idx.msk [tilespmem:v61+s26+$0x0], $0xffff;
	[tilespmem:s28+$0x410] =	vst v14;
	v14 =	vadd.s32 v19, v7  }
0x397: {  	v12 =	vmov s11;
	[tilespmem:s0+$0x18C00] =	vst v63;
	v35 =	vld.idx.msk [tilespmem:v35+s26+$0x0], $0xffff;
	v47 =	vor.u32 v8, v14;
	v14 =	vadd.s32 v20, v32  }
0x398: {  	v46 =	vshll.u32 v12, $0x7;
	v12 =	vshll.u32 v12, $0xA;
	v29 =	vld.idx.msk [tilespmem:v29+s26+$0x0], $0xffff;
	[tilespmem:s24+$0x70] =	vst v43;
	v49 =	vor.u32 v31, v14  }
0x399: {  	v41 =	vadd.s32 v23, v6;
	v39 =	vor.u32 v10, v48;
	v12 =	vand.u32 $0x6000, v12;
	v36 =	vld.idx.msk [tilespmem:v44+s26+$0x0], $0xffff  }
0x39a: {  	v50 =	vor.u32 v5, v41;
	v14 =	vand.u32 $0x380, v46;
	[tilespmem:s23+$0x50] =	vst v28;
	v28 =	vadd.s32 v11, v12  }
0x39b: {  	v53 =	vadd.s32 v21, v7;
	v34 =	vld.idx.msk [tilespmem:v45+s26+$0x0], $0xffff;
	v28 =	vor.u32 v14, v28;
	[tilespmem:s25+$0x30] =	vst v33  }
0x39c: {  	v52 =	vand.u32 $0x7F, v25;
	v56 =	vadd.s32 v27, v6;
	s29 =	sadd.s32 $0x18C00, s0;
	v33 =	vor.u32 v3, v51;
	v38 =	vld.idx.msk [tilespmem:v47+s26+$0x0], $0xffff;
	[tilespmem:s28+$0x420] =	vst v35  }
0x39d: {  	v25 =	vshll.u32 v25, $0x3;
	v54 =	vadd.s32 v18, v32;
	v35 =	vor.u32 v8, v53;
	[tilespmem:s29+$0x10] =	vst v29;
	v29 =	vld.idx.msk [tilespmem:v49+s26+$0x0], $0xffff  }
0x39e: {  	v25 =	vand.u32 $0xFFFFFC00, v25;
	v55 =	vadd.s32 v17, v9;
	v40 =	vor.u32 v31, v54;
	v39 =	vld.idx.msk [tilespmem:v39+s26+$0x0], $0xffff;
	[tilespmem:s24+$0x400] =	vst v36  }
0x39f: {  	v25 =	vor.u32 v52, v25;
	v41 =	vor.u32 v5, v56;
	v36 =	vor.u32 v10, v55;
	v37 =	vld.idx.msk [tilespmem:v50+s26+$0x0], $0xffff  }
0x3a0: {  	s12 =	simm.s32 $0x0;
	v42 =	vadd.s32 v19, v9;
	v57 =	vadd.s32 v13, v12;
	v28 =	vld.idx.msk [tilespmem:v28+s26+$0x0], $0xffff;
	[tilespmem:s23+$0x60] =	vst v34  }
0x3a1: {  	v58 =	vadd.s32 v26, v4;
	s0 =	smul.u32 $0x6000, s12;
	v34 =	vor.u32 v14, v57;
	v33 =	vld.idx.msk [tilespmem:v33+s26+$0x0], $0xffff;
	[tilespmem:s25+$0x40] =	vst v38  }
0x3a2: {  	s13 =	simm.s32 $0x280;
	v38 =	vor.u32 v3, v58;
	v35 =	vld.idx.msk [tilespmem:v35+s26+$0x0], $0xffff;
	[tilespmem:s28+$0x430] =	vst v29;
	v29 =	vadd.s32 v22, v7  }
0x3a3: {  	s2 =	sand.u32 $0x380, s13;
	s0 =	sshra.s32 s0, $0x2;
	[tilespmem:s29+$0x20] =	vst v39;
	v59 =	vld.idx.msk [tilespmem:v40+s26+$0x0], $0xffff;
	v60 =	vor.u32 v8, v29;
	v29 =	vadd.s32 v16, v32  }
0x3a4: {  	s16 =	simm.s32 $0x6;
	v42 =	vor.u32 v10, v42;
	s0 =	sor.u32 s2, s0;
	v36 =	vld.idx.msk [tilespmem:v36+s26+$0x0], $0xffff;
	[tilespmem:s24+$0x410] =	vst v37;
	v43 =	vor.u32 v31, v29  }
0x3a5: {  	v61 =	vmov s16;
	v63 =	vadd.s32 v15, v12;
	[tilespmem:s0+$0x18C00] =	vst v28;
	v41 =	vld.idx.msk [tilespmem:v41+s26+$0x0], $0xffff;
	v28 =	vadd.s32 v20, v6  }
0x3a6: {  	v62 =	vshll.u32 v61, $0xA;
	v48 =	vor.u32 v14, v63;
	v34 =	vld.idx.msk [tilespmem:v34+s26+$0x0], $0xffff;
	[tilespmem:s23+$0x70] =	vst v33;
	v44 =	vor.u32 v5, v28  }
0x3a7: {  	v49 =	vadd.s32 v23, v4;
	v29 =	vshll.u32 v61, $0x7;
	v28 =	vand.u32 $0x6000, v62;
	v38 =	vld.idx.msk [tilespmem:v38+s26+$0x0], $0xffff;
	[tilespmem:s25+$0x50] =	vst v35  }
0x3a8: {  	v29 =	vand.u32 $0x380, v29;
	v50 =	vadd.s32 v11, v28;
	v35 =	vor.u32 v3, v49;
	v40 =	vld.idx.msk [tilespmem:v60+s26+$0x0], $0xffff;
	[tilespmem:s28+$0x440] =	vst v59  }
0x3a9: {  	v51 =	vadd.s32 v24, v7;
	v37 =	vor.u32 v29, v50;
	[tilespmem:s29+$0x30] =	vst v36;
	v39 =	vld.idx.msk [tilespmem:v43+s26+$0x0], $0xffff  }
0x3aa: {  	v52 =	vand.u32 $0x7F, v30;
	s2 =	sadd.s32 $0x18C00, s0;
	v53 =	vadd.s32 v25, v32;
	v36 =	vor.u32 v8, v51;
	v42 =	vld.idx.msk [tilespmem:v42+s26+$0x0], $0xffff;
	[tilespmem:s24+$0x420] =	vst v41  }
0x3ab: {  	v30 =	vshll.u32 v30, $0x3;
	v54 =	vadd.s32 v21, v9;
	v41 =	vor.u32 v31, v53;
	[tilespmem:s2+$0x10] =	vst v34;
	v44 =	vld.idx.msk [tilespmem:v44+s26+$0x0], $0xffff  }
0x3ac: {  	v30 =	vand.u32 $0xFFFFFC00, v30;
	v45 =	vor.u32 v10, v54;
	v55 =	vadd.s32 v18, v6;
	v33 =	vld.idx.msk [tilespmem:v48+s26+$0x0], $0xffff;
	[tilespmem:s23+$0x400] =	vst v38  }
0x3ad: {  	v30 =	vor.u32 v52, v30;
	v56 =	vadd.s32 v17, v12;
	v57 =	vor.u32 v5, v55;
	v35 =	vld.idx.msk [tilespmem:v35+s26+$0x0], $0xffff  }
0x3ae: {  	v47 =	vor.u32 v14, v56;
	v58 =	vadd.s32 v27, v4;
	v46 =	vld.idx.msk [tilespmem:v37+s26+$0x0], $0xffff;
	[tilespmem:s25+$0x60] =	vst v40  }
0x3af: {  	s17 =	simm.s32 $0x0;
	v59 =	vadd.s32 v13, v28;
	v60 =	vor.u32 v3, v58;
	v48 =	vld.idx.msk [tilespmem:v36+s26+$0x0], $0xffff;
	[tilespmem:s28+$0x450] =	vst v39  }
0x3b0: {  	s18 =	smul.u32 $0x6000, s17;
	v63 =	vadd.s32 v19, v12;
	v49 =	vor.u32 v29, v59;
	[tilespmem:s29+$0x40] =	vst v42;
	v34 =	vld.idx.msk [tilespmem:v41+s26+$0x0], $0xffff  }
0x3b1: {  	v32 =	vadd.s32 v30, v32;
	v61 =	vadd.s32 v26, v7;
	s0 =	simm.s32 $0x300;
	v39 =	vld.idx.msk [tilespmem:v45+s26+$0x0], $0xffff;
	[tilespmem:s24+$0x430] =	vst v44  }
0x3b2: {  	s11 =	sshra.s32 s18, $0x2;
	s6 =	sand.u32 $0x380, s0;
	v62 =	vadd.s32 v22, v9;
	v38 =	vor.u32 v8, v61;
	[tilespmem:s2+$0x20] =	vst v33;
	v37 =	vld.idx.msk [tilespmem:v57+s26+$0x0], $0xffff  }
0x3b3: {  	s5 =	simm.s32 $0x7;
	s11 =	sor.u32 s6, s11;
	v43 =	vor.u32 v14, v63;
	v33 =	vor.u32 v31, v32;
	v42 =	vld.idx.msk [tilespmem:v47+s26+$0x0], $0xffff;
	[tilespmem:s23+$0x410] =	vst v35  }
0x3b4: {  	v40 =	vor.u32 v10, v62;
	v31 =	vadd.s32 v16, v6;
	v32 =	vmov s5;
	[tilespmem:s11+$0x18C00] =	vst v46;
	v36 =	vld.idx.msk [tilespmem:v60+s26+$0x0], $0xffff  }
0x3b5: {  	s6 =	simm.s32 $0x8;
	v41 =	vadd.s32 v20, v4;
	v35 =	vor.u32 v5, v31;
	v31 =	vshll.u32 v32, $0x7;
	v44 =	vld.idx.msk [tilespmem:v49+s26+$0x0], $0xffff;
	[tilespmem:s25+$0x70] =	vst v48  }
.LBB2_13:
0x3b6: {  	v32 =	vshll.u32 v32, $0xA;
	v45 =	vadd.s32 v15, v28;
	v41 =	vor.u32 v3, v41  }
0x3b7: {  	p0 =	sne.s32 s6, $0x1F;
	v38 =	vld.idx.msk [tilespmem:v38+s26+$0x0], $0xffff;
	[tilespmem:s28+$0x460] =	vst v34;
	v46 =	vmovc v12;
	v12 =	vmovc v28;
	v47 =	vmov v5;
	v5 =	vmov v3;
	v3 =	vmov v8  }
0x3b8: {  	v28 =	vand.u32 $0x6000, v32;
	v32 =	vor.u32 v29, v45;
	[tilespmem:s29+$0x50] =	vst v39;
	v45 =	vadd.s32 v23, v7;
	v33 =	vld.idx.msk [tilespmem:v33+s26+$0x0], $0xffff  }
0x3b9: {  	v31 =	vand.u32 $0x380, v31;
	v34 =	vadd.s32 v11, v28;
	v39 =	vld.idx.msk [tilespmem:v40+s26+$0x0], $0xffff;
	v40 =	vor.u32 v3, v45;
	[tilespmem:s24+$0x440] =	vst v37  }
0x3ba: {  	v8 =	vmov v10;
	v37 =	vadd.s32 v24, v9;
	v34 =	vor.u32 v31, v34;
	[tilespmem:s2+$0x30] =	vst v42;
	v35 =	vld.idx.msk [tilespmem:v35+s26+$0x0], $0xffff  }
0x3bb: {  	s11 =	sadd.s32 $0x18C00, s11;
	v10 =	vmov v14;
	v37 =	vor.u32 v8, v37;
	v42 =	vld.idx.msk [tilespmem:v43+s26+$0x0], $0xffff;
	[tilespmem:s23+$0x420] =	vst v36;
	v36 =	vadd.s32 v25, v6  }
0x3bc: {  	v14 =	vmov v29;
	v43 =	vadd.s32 v21, v46;
	[tilespmem:s11+$0x10] =	vst v44;
	v41 =	vld.idx.msk [tilespmem:v41+s26+$0x0], $0xffff;
	v36 =	vor.u32 v47, v36  }
0x3bd: {  	v29 =	vmov v31;
	v43 =	vor.u32 v10, v43;
	v32 =	vld.idx.msk [tilespmem:v32+s26+$0x0], $0xffff;
	[tilespmem:s25+$0x400] =	vst v38;
	v38 =	vadd.s32 v18, v4  }
0x3be: {  	v31 =	vadd.s32 v17, v12;
	v44 =	vld.idx.msk [tilespmem:v40+s26+$0x0], $0xffff;
	v40 =	vor.u32 v5, v38;
	[tilespmem:s28+$0x470] =	vst v33;
	s28 =	smov.u32 s24;
	s24 =	smov.u32 s23;
	s23 =	smov.u32 s25  }
0x3bf: {  	v31 =	vor.u32 v14, v31;
	v33 =	vadd.s32 v27, v7;
	s25 =	smov.u32 s29;
	v45 =	vld.idx.msk [tilespmem:v34+s26+$0x0], $0xffff;
	[tilespmem:s29+$0x60] =	vst v39;
	s29 =	smov.u32 s2;
	s2 =	smov.u32 s11  }
0x3c0: {  	s11 =	sshrl.u32 s5, $0x3;
	v34 =	vadd.s32 v13, v28;
	v49 =	vor.u32 v3, v33;
	s5 =	smov.u32 s6;
	v48 =	vld.idx.msk [tilespmem:v37+s26+$0x0], $0xffff;
	[tilespmem:s28+$0x450] =	vst v35  }
0x3c1: {  	v33 =	vadd.s32 v26, v9;
	s11 =	smul.u32 $0x6000, s11;
	v50 =	vor.u32 v29, v34;
	[tilespmem:s29+$0x40] =	vst v42;
	v34 =	vld.idx.msk [tilespmem:v36+s26+$0x0], $0xffff  }
.Ltmp8:
0x3c2: {  	s0 =	sadd.s32 $0x80, s0;
	v38 =	vor.u32 v8, v33;
	v33 =	vadd.s32 v30, v6;
	v6 =	vmov v4;
	v39 =	vld.idx.msk [tilespmem:v43+s26+$0x0], $0xffff;
	[tilespmem:s24+$0x430] =	vst v41;
	(pc) =	sbr.rel @p0 .LBB2_13-.Ltmp8, $4  }
0x3c3: {  	s12 =	sand.u32 $0x380, s0;
	v4 =	vmov v7;
	v33 =	vor.u32 v47, v33;
	s11 =	sshra.s32 s11, $0x2;
	[tilespmem:s2+$0x20] =	vst v32;
	v32 =	vadd.s32 v22, v46;
	v37 =	vld.idx.msk [tilespmem:v40+s26+$0x0], $0xffff  }
0x3c4: {  	v7 =	vmov v9;
	s11 =	sor.u32 s12, s11;
	v42 =	vld.idx.msk [tilespmem:v31+s26+$0x0], $0xffff;
	v40 =	vor.u32 v10, v32;
	[tilespmem:s23+$0x410] =	vst v44;
	v31 =	vadd.s32 v16, v6  }
0x3c5: {  	v9 =	vmovc v46;
	v41 =	vadd.s32 v19, v12;
	v32 =	vmov s6;
	[tilespmem:s11+$0x18C00] =	vst v45;
	v36 =	vld.idx.msk [tilespmem:v49+s26+$0x0], $0xffff;
	v35 =	vor.u32 v5, v31  }
0x3c6: {  	v43 =	vor.u32 v14, v41;
	v41 =	vadd.s32 v20, v4;
	s6 =	sadd.s32 $0x1, s6;
	v31 =	vshll.u32 v32, $0x7;
	v44 =	vld.idx.msk [tilespmem:v50+s26+$0x0], $0xffff;
	[tilespmem:s25+$0x70] =	vst v48  }
0x3c7: {  	v32 =	vshll.u32 v32, $0xA  }
0x3c8: {  	v32 =	vand.u32 $0x6000, v32  }
0x3c9: {  	v31 =	vand.u32 $0x380, v31;
	v11 =	vadd.s32 v11, v32  }
0x3ca: {  	v11 =	vor.u32 v31, v11;
	_ =	sdelay $0x4  }
0x3cb: {  	s5 =	sshrl.u32 s5, $0x3;
	v13 =	vadd.s32 v13, v32;
	v11 =	vld.idx.msk [tilespmem:v11+s26+$0x0], $0xffff  }
0x3cc: {  	s5 =	smul.u32 $0x6000, s5;
	v13 =	vor.u32 v31, v13  }
0x3cd: {  	s0 =	sadd.s32 $0x80, s0  }
0x3ce: {  	s0 =	sand.u32 $0x380, s0;
	s5 =	sshra.s32 s5, $0x2  }
0x3cf: {  	s5 =	sor.u32 s0, s5  }
0x3d0: {  	v45 =	vadd.s32 v15, v28;
	[tilespmem:s5+$0x18C00] =	vst v11  }
0x3d1: {  	v15 =	vadd.s32 v15, v32;
	v11 =	vor.u32 v29, v45;
	v13 =	vld.idx.msk [tilespmem:v13+s26+$0x0], $0xffff  }
0x3d2: {  	v15 =	vor.u32 v31, v15;
	_ =	sdelay $0x1  }
0x3d3: {  	s18 =	sadd.s32 $0x18C00, s11  }
0x3d4: {  	[tilespmem:s18+$0x10] =	vst v44;
	s5 =	sadd.s32 $0x18C00, s5  }
0x3d5: {  	v63 =	vadd.s32 v17, v28;
	v11 =	vld.idx.msk [tilespmem:v11+s26+$0x0], $0xffff;
	[tilespmem:s5+$0x10] =	vst v13  }
0x3d6: {  	v17 =	vadd.s32 v17, v32;
	v13 =	vor.u32 v29, v63;
	v15 =	vld.idx.msk [tilespmem:v15+s26+$0x0], $0xffff  }
0x3d7: {  	v17 =	vor.u32 v31, v17;
	_ =	sdelay $0x2  }
0x3d8: {  	[tilespmem:s18+$0x20] =	vst v11  }
0x3d9: {  	v11 =	vld.idx.msk [tilespmem:v13+s26+$0x0], $0xffff;
	v13 =	vadd.s32 v19, v28;
	[tilespmem:s5+$0x20] =	vst v15  }
0x3da: {  	v13 =	vor.u32 v29, v13;
	v15 =	vld.idx.msk [tilespmem:v17+s26+$0x0], $0xffff;
	v17 =	vadd.s32 v19, v32  }
0x3db: {  	v17 =	vor.u32 v31, v17;
	_ =	sdelay $0x1  }
0x3dc: {  	[tilespmem:s2+$0x30] =	vst v42  }
0x3dd: {  	v48 =	vadd.s32 v21, v12;
	v19 =	vld.idx.msk [tilespmem:v43+s26+$0x0], $0xffff;
	[tilespmem:s18+$0x30] =	vst v11  }
0x3de: {  	v49 =	vadd.s32 v21, v28;
	v11 =	vor.u32 v14, v48;
	v13 =	vld.idx.msk [tilespmem:v13+s26+$0x0], $0xffff;
	[tilespmem:s5+$0x30] =	vst v15  }
0x3df: {  	v21 =	vadd.s32 v21, v32;
	v15 =	vor.u32 v29, v49;
	v17 =	vld.idx.msk [tilespmem:v17+s26+$0x0], $0xffff  }
0x3e0: {  	v21 =	vor.u32 v31, v21;
	_ =	sdelay $0x1  }
0x3e1: {  	[tilespmem:s2+$0x40] =	vst v19  }
0x3e2: {  	v19 =	vadd.s32 v22, v12;
	v11 =	vld.idx.msk [tilespmem:v11+s26+$0x0], $0xffff;
	[tilespmem:s18+$0x40] =	vst v13  }
0x3e3: {  	v13 =	vor.u32 v14, v19;
	v19 =	vadd.s32 v22, v28;
	v15 =	vld.idx.msk [tilespmem:v15+s26+$0x0], $0xffff;
	[tilespmem:s5+$0x40] =	vst v17  }
0x3e4: {  	v17 =	vor.u32 v29, v19;
	v19 =	vld.idx.msk [tilespmem:v21+s26+$0x0], $0xffff;
	v21 =	vadd.s32 v22, v32  }
0x3e5: {  	v21 =	vor.u32 v31, v21  }
0x3e6: {  	[tilespmem:s29+$0x50] =	vst v39  }
0x3e7: {  	v50 =	vadd.s32 v24, v9;
	v22 =	vld.idx.msk [tilespmem:v40+s26+$0x0], $0xffff;
	[tilespmem:s2+$0x50] =	vst v11  }
0x3e8: {  	v51 =	vadd.s32 v24, v12;
	v11 =	vor.u32 v10, v50;
	v13 =	vld.idx.msk [tilespmem:v13+s26+$0x0], $0xffff;
	[tilespmem:s18+$0x50] =	vst v15  }
0x3e9: {  	v52 =	vadd.s32 v24, v28;
	v15 =	vor.u32 v14, v51;
	v17 =	vld.idx.msk [tilespmem:v17+s26+$0x0], $0xffff;
	[tilespmem:s5+$0x50] =	vst v19  }
0x3ea: {  	[tilespmem:s28+$0x460] =	vst v34;
	v24 =	vadd.s32 v24, v32;
	v19 =	vor.u32 v29, v52;
	v21 =	vld.idx.msk [tilespmem:v21+s26+$0x0], $0xffff  }
0x3eb: {  	[tilespmem:s24+$0x440] =	vst v37;
	v24 =	vor.u32 v31, v24  }
0x3ec: {  	v53 =	vld.idx.msk [tilespmem:v38+s26+$0x0], $0xffff;
	[tilespmem:s29+$0x60] =	vst v22  }
0x3ed: {  	v22 =	vadd.s32 v26, v9;
	v11 =	vld.idx.msk [tilespmem:v11+s26+$0x0], $0xffff;
	[tilespmem:s2+$0x60] =	vst v13  }
0x3ee: {  	v13 =	vor.u32 v10, v22;
	v22 =	vadd.s32 v26, v12;
	v15 =	vld.idx.msk [tilespmem:v15+s26+$0x0], $0xffff;
	[tilespmem:s18+$0x60] =	vst v17  }
0x3ef: {  	v17 =	vor.u32 v14, v22;
	v22 =	vadd.s32 v26, v28;
	v19 =	vld.idx.msk [tilespmem:v19+s26+$0x0], $0xffff;
	[tilespmem:s5+$0x60] =	vst v21  }
0x3f0: {  	[tilespmem:s23+$0x420] =	vst v36;
	v21 =	vor.u32 v29, v22;
	v22 =	vld.idx.msk [tilespmem:v24+s26+$0x0], $0xffff;
	v24 =	vadd.s32 v26, v32  }
0x3f1: {  	v55 =	vadd.s32 v23, v7;
	v35 =	vld.idx.msk [tilespmem:v35+s26+$0x0], $0xffff;
	[tilespmem:s25+$0x400] =	vst v53;
	v24 =	vor.u32 v31, v24  }
0x3f2: {  	[tilespmem:s29+$0x70] =	vst v11;
	v11 =	vor.u32 v8, v55;
	v26 =	vld.idx.msk [tilespmem:v33+s26+$0x0], $0xffff  }
0x3f3: {  	v54 =	vor.u32 v3, v41;
	v56 =	vadd.s32 v23, v9;
	v13 =	vld.idx.msk [tilespmem:v13+s26+$0x0], $0xffff;
	[tilespmem:s2+$0x70] =	vst v15  }
0x3f4: {  	v57 =	vadd.s32 v23, v12;
	v15 =	vor.u32 v10, v56;
	v17 =	vld.idx.msk [tilespmem:v17+s26+$0x0], $0xffff;
	[tilespmem:s18+$0x70] =	vst v19  }
0x3f5: {  	v58 =	vadd.s32 v23, v28;
	v19 =	vor.u32 v14, v57;
	v21 =	vld.idx.msk [tilespmem:v21+s26+$0x0], $0xffff;
	[tilespmem:s5+$0x70] =	vst v22  }
0x3f6: {  	v23 =	vadd.s32 v23, v32;
	[tilespmem:s24+$0x450] =	vst v35;
	v22 =	vor.u32 v29, v58;
	v24 =	vld.idx.msk [tilespmem:v24+s26+$0x0], $0xffff  }
0x3f7: {  	v59 =	vadd.s32 v27, v7;
	v23 =	vor.u32 v31, v23;
	v11 =	vld.idx.msk [tilespmem:v11+s26+$0x0], $0xffff;
	[tilespmem:s28+$0x470] =	vst v26  }
0x3f8: {  	v33 =	vld.idx.msk [tilespmem:v54+s26+$0x0], $0xffff;
	v26 =	vadd.s32 v25, v6;
	[tilespmem:s29+$0x400] =	vst v13;
	v13 =	vor.u32 v8, v59  }
0x3f9: {  	v60 =	vadd.s32 v27, v9;
	v26 =	vor.u32 v5, v26;
	v15 =	vld.idx.msk [tilespmem:v15+s26+$0x0], $0xffff;
	[tilespmem:s2+$0x400] =	vst v17  }
0x3fa: {  	v61 =	vadd.s32 v27, v12;
	v17 =	vor.u32 v10, v60;
	v19 =	vld.idx.msk [tilespmem:v19+s26+$0x0], $0xffff;
	[tilespmem:s18+$0x400] =	vst v21  }
0x3fb: {  	v62 =	vadd.s32 v27, v28;
	v21 =	vor.u32 v14, v61;
	v22 =	vld.idx.msk [tilespmem:v22+s26+$0x0], $0xffff;
	[tilespmem:s5+$0x400] =	vst v24  }
0x3fc: {  	v27 =	vadd.s32 v27, v32;
	[tilespmem:s25+$0x410] =	vst v11;
	v24 =	vor.u32 v29, v62;
	v23 =	vld.idx.msk [tilespmem:v23+s26+$0x0], $0xffff  }
0x3fd: {  	v63 =	vadd.s32 v18, v4;
	[tilespmem:s23+$0x430] =	vst v33;
	v11 =	vor.u32 v31, v27;
	v13 =	vld.idx.msk [tilespmem:v13+s26+$0x0], $0xffff  }
0x3fe: {  	v36 =	vadd.s32 v20, v7;
	v27 =	vor.u32 v3, v63;
	v26 =	vld.idx.msk [tilespmem:v26+s26+$0x0], $0xffff;
	[tilespmem:s29+$0x410] =	vst v15  }
0x3ff: {  	v37 =	vadd.s32 v20, v9;
	v15 =	vor.u32 v8, v36;
	v17 =	vld.idx.msk [tilespmem:v17+s26+$0x0], $0xffff;
	[tilespmem:s2+$0x410] =	vst v19  }
0x400: {  	v38 =	vadd.s32 v20, v12;
	v19 =	vor.u32 v10, v37;
	v21 =	vld.idx.msk [tilespmem:v21+s26+$0x0], $0xffff;
	[tilespmem:s18+$0x410] =	vst v22  }
0x401: {  	v39 =	vadd.s32 v20, v28;
	v22 =	vor.u32 v14, v38;
	v24 =	vld.idx.msk [tilespmem:v24+s26+$0x0], $0xffff;
	[tilespmem:s5+$0x410] =	vst v23  }
0x402: {  	v20 =	vadd.s32 v20, v32;
	[tilespmem:s25+$0x420] =	vst v13;
	v23 =	vor.u32 v29, v39;
	v11 =	vld.idx.msk [tilespmem:v11+s26+$0x0], $0xffff  }
0x403: {  	v6 =	vadd.s32 v30, v6;
	v13 =	vor.u32 v31, v20;
	[tilespmem:s24+$0x460] =	vst v26;
	v26 =	vld.idx.msk [tilespmem:v27+s26+$0x0], $0xffff  }
0x404: {  	v5 =	vor.u32 v5, v6;
	v6 =	vld.idx.msk [tilespmem:v15+s26+$0x0], $0xffff;
	v15 =	vadd.s32 v18, v7;
	[tilespmem:s29+$0x420] =	vst v17  }
0x405: {  	v15 =	vor.u32 v8, v15;
	v17 =	vld.idx.msk [tilespmem:v19+s26+$0x0], $0xffff;
	v19 =	vadd.s32 v18, v9;
	[tilespmem:s2+$0x420] =	vst v21  }
0x406: {  	v19 =	vor.u32 v10, v19;
	v21 =	vadd.s32 v18, v12;
	v20 =	vld.idx.msk [tilespmem:v22+s26+$0x0], $0xffff;
	[tilespmem:s18+$0x420] =	vst v24  }
0x407: {  	v21 =	vor.u32 v14, v21;
	v22 =	vld.idx.msk [tilespmem:v23+s26+$0x0], $0xffff;
	v23 =	vadd.s32 v18, v28;
	[tilespmem:s5+$0x420] =	vst v11  }
0x408: {  	[tilespmem:s23+$0x440] =	vst v26;
	v18 =	vadd.s32 v18, v32;
	v11 =	vor.u32 v29, v23;
	v13 =	vld.idx.msk [tilespmem:v13+s26+$0x0], $0xffff  }
0x409: {  	v5 =	vld.idx.msk [tilespmem:v5+s26+$0x0], $0xffff;
	[tilespmem:s25+$0x430] =	vst v6;
	v23 =	vadd.s32 v16, v4;
	v6 =	vor.u32 v31, v18  }
0x40a: {  	v15 =	vld.idx.msk [tilespmem:v15+s26+$0x0], $0xffff;
	[tilespmem:s29+$0x430] =	vst v17;
	v18 =	vor.u32 v3, v23;
	v23 =	vadd.s32 v16, v7  }
0x40b: {  	v19 =	vld.idx.msk [tilespmem:v19+s26+$0x0], $0xffff;
	v17 =	vor.u32 v8, v23;
	v23 =	vadd.s32 v16, v9;
	[tilespmem:s2+$0x430] =	vst v20  }
0x40c: {  	v20 =	vor.u32 v10, v23;
	v21 =	vld.idx.msk [tilespmem:v21+s26+$0x0], $0xffff;
	v23 =	vadd.s32 v16, v12;
	[tilespmem:s18+$0x430] =	vst v22  }
0x40d: {  	v22 =	vor.u32 v14, v23;
	v23 =	vadd.s32 v16, v28;
	v11 =	vld.idx.msk [tilespmem:v11+s26+$0x0], $0xffff;
	[tilespmem:s5+$0x430] =	vst v13  }
0x40e: {  	[tilespmem:s24+$0x470] =	vst v5;
	v5 =	vor.u32 v29, v23;
	v13 =	vadd.s32 v16, v32;
	v6 =	vld.idx.msk [tilespmem:v6+s26+$0x0], $0xffff  }
0x40f: {  	[tilespmem:s25+$0x440] =	vst v15;
	v16 =	vld.idx.msk [tilespmem:v18+s26+$0x0], $0xffff;
	v18 =	vadd.s32 v25, v4;
	v13 =	vor.u32 v31, v13  }
0x410: {  	[tilespmem:s29+$0x440] =	vst v19;
	v15 =	vor.u32 v3, v18;
	v17 =	vld.idx.msk [tilespmem:v17+s26+$0x0], $0xffff;
	v18 =	vadd.s32 v25, v7  }
0x411: {  	v18 =	vor.u32 v8, v18;
	v19 =	vld.idx.msk [tilespmem:v20+s26+$0x0], $0xffff;
	v20 =	vadd.s32 v25, v9;
	[tilespmem:s2+$0x440] =	vst v21  }
0x412: {  	v20 =	vor.u32 v10, v20;
	v21 =	vld.idx.msk [tilespmem:v22+s26+$0x0], $0xffff;
	v22 =	vadd.s32 v25, v12;
	[tilespmem:s18+$0x440] =	vst v11  }
0x413: {  	v11 =	vor.u32 v14, v22;
	v22 =	vadd.s32 v25, v28;
	v5 =	vld.idx.msk [tilespmem:v5+s26+$0x0], $0xffff;
	[tilespmem:s5+$0x440] =	vst v6  }
0x414: {  	[tilespmem:s23+$0x450] =	vst v16;
	v16 =	vadd.s32 v25, v32;
	v6 =	vor.u32 v29, v22;
	v13 =	vld.idx.msk [tilespmem:v13+s26+$0x0], $0xffff  }
0x415: {  	v4 =	vadd.s32 v30, v4;
	v15 =	vld.idx.msk [tilespmem:v15+s26+$0x0], $0xffff;
	[tilespmem:s25+$0x450] =	vst v17;
	v16 =	vor.u32 v31, v16  }
0x416: {  	v3 =	vor.u32 v3, v4;
	v7 =	vadd.s32 v30, v7;
	v4 =	vld.idx.msk [tilespmem:v18+s26+$0x0], $0xffff;
	[tilespmem:s29+$0x450] =	vst v19  }
0x417: {  	v7 =	vor.u32 v8, v7;
	v9 =	vadd.s32 v30, v9;
	v8 =	vld.idx.msk [tilespmem:v20+s26+$0x0], $0xffff;
	[tilespmem:s2+$0x450] =	vst v21  }
0x418: {  	v9 =	vor.u32 v10, v9;
	v10 =	vld.idx.msk [tilespmem:v11+s26+$0x0], $0xffff;
	v11 =	vadd.s32 v30, v12;
	[tilespmem:s18+$0x450] =	vst v5  }
0x419: {  	v5 =	vor.u32 v14, v11;
	v11 =	vadd.s32 v30, v28;
	v6 =	vld.idx.msk [tilespmem:v6+s26+$0x0], $0xffff;
	[tilespmem:s5+$0x450] =	vst v13  }
0x41a: {  	[tilespmem:s23+$0x460] =	vst v15;
	v11 =	vor.u32 v29, v11;
	v13 =	vadd.s32 v30, v32;
	v12 =	vld.idx.msk [tilespmem:v16+s26+$0x0], $0xffff  }
0x41b: {  	v3 =	vld.idx.msk [tilespmem:v3+s26+$0x0], $0xffff;
	[tilespmem:s25+$0x460] =	vst v4;
	v4 =	vor.u32 v31, v13  }
0x41c: {  	v7 =	vld.idx.msk [tilespmem:v7+s26+$0x0], $0xffff;
	[tilespmem:s29+$0x460] =	vst v8  }
0x41d: {  	v8 =	vld.idx.msk [tilespmem:v9+s26+$0x0], $0xffff;
	[tilespmem:s2+$0x460] =	vst v10  }
0x41e: {  	v5 =	vld.idx.msk [tilespmem:v5+s26+$0x0], $0xffff;
	[tilespmem:s18+$0x460] =	vst v6  }
0x41f: {  	v6 =	vld.idx.msk [tilespmem:v11+s26+$0x0], $0xffff;
	[tilespmem:s5+$0x460] =	vst v12  }
0x420: {  	[tilespmem:s23+$0x470] =	vst v3;
	v3 =	vld.idx.msk [tilespmem:v4+s26+$0x0], $0xffff  }
0x421: {  	[tilespmem:s25+$0x470] =	vst v7  }
0x422: {  	[tilespmem:s29+$0x470] =	vst v8  }
0x423: {  	[tilespmem:s2+$0x470] =	vst v5  }
0x424: {  	[tilespmem:s18+$0x470] =	vst v6  }
0x425: {  	[tilespmem:s5+$0x470] =	vst v3  }
0x426: {  	v3 =	vld [tilespmem:$0x1C00];
	_ =	sdelay $0x3  }
0x427: {  	s6 =	simm.s32 $0x0;
	v4 =	vld [tilespmem:$0x1C80]  }
0x428: {  	v8 =	vmov s6;
	v5 =	vld [tilespmem:$0x1D00];
	v6 =	vshll.u32 v3, $0x3  }
0x429: {  	v9 =	vshll.u32 v8, $0xA;
	v7 =	vld [tilespmem:$0x1D80];
	v3 =	vand.u32 $0x7F, v3;
	v6 =	vand.u32 $0xFFFFFC00, v6  }
0x42a: {  	v32 =	vand.u32 $0x6000, v9;
	v19 =	vld [tilespmem:$0x1E00];
	v11 =	vor.u32 v3, v6;
	v3 =	vshll.u32 v8, $0x7  }
0x42b: {  	v20 =	vld [tilespmem:$0x1E80];
	v31 =	vand.u32 $0x380, v3;
	v3 =	vadd.s32 v11, v32  }
0x42c: {  	v23 =	vld [tilespmem:$0x1F80];
	v3 =	vor.u32 v31, v3  }
0x42d: {  	v17 =	vld [tilespmem:$0x2000]  }
0x42e: {  	v16 =	vld [tilespmem:$0x2080];
	v6 =	vshll.u32 v4, $0x3  }
0x42f: {  	v10 =	vld [tilespmem:$0x2100];
	v4 =	vand.u32 $0x7F, v4;
	v6 =	vand.u32 $0xFFFFFC00, v6  }
0x430: {  	v9 =	vld [tilespmem:$0x2180];
	v14 =	vor.u32 v4, v6  }
0x431: {  	s11 =	simm.s32 $0x0;
	v4 =	vadd.s32 v14, v32;
	v3 =	vld.idx.msk [tilespmem:v3+s26+$0x0], $0xffff  }
0x432: {  	s2 =	smul.u32 $0x6000, s11;
	v13 =	vld [tilespmem:$0x2200];
	v4 =	vor.u32 v31, v4  }
0x433: {  	v12 =	vld [tilespmem:$0x2280]  }
0x434: {  	s0 =	sand.u32 $0x380, s6;
	s2 =	sshra.s32 s2, $0x2;
	v24 =	vld [tilespmem:$0x2300];
	v6 =	vshll.u32 v5, $0x3  }
0x435: {  	s12 =	simm.s32 $0x1;
	s0 =	sor.u32 s0, s2;
	v30 =	vld [tilespmem:$0x2380];
	v5 =	vand.u32 $0x7F, v5;
	v6 =	vand.u32 $0xFFFFFC00, v6  }
0x436: {  	v8 =	vld [tilespmem:$0x1F00];
	v15 =	vor.u32 v5, v6;
	v5 =	vmov s12;
	[tilespmem:s0+$0x19400] =	vst v3  }
0x437: {  	v18 =	vadd.s32 v15, v32;
	v3 =	vld.idx.msk [tilespmem:v4+s26+$0x0], $0xffff;
	v4 =	vshll.u32 v5, $0xA  }
0x438: {  	v5 =	vshll.u32 v5, $0x7;
	v6 =	vand.u32 $0x6000, v4;
	v4 =	vor.u32 v31, v18  }
0x439: {  	v5 =	vand.u32 $0x380, v5;
	v18 =	vadd.s32 v11, v6  }
0x43a: {  	v21 =	vshll.u32 v7, $0x3;
	v22 =	vor.u32 v5, v18  }
0x43b: {  	s6 =	sadd.s32 $0x19400, s0;
	v7 =	vand.u32 $0x7F, v7;
	v18 =	vand.u32 $0xFFFFFC00, v21  }
0x43c: {  	v18 =	vor.u32 v7, v18;
	[tilespmem:s6+$0x10] =	vst v3  }
0x43d: {  	v3 =	vld.idx.msk [tilespmem:v4+s26+$0x0], $0xffff;
	v4 =	vadd.s32 v18, v32  }
0x43e: {  	v4 =	vor.u32 v31, v4  }
0x43f: {  	s13 =	simm.s32 $0x0;
	v21 =	vadd.s32 v14, v6;
	v7 =	vld.idx.msk [tilespmem:v22+s26+$0x0], $0xffff  }
0x440: {  	s2 =	smul.u32 $0x6000, s13;
	v21 =	vor.u32 v5, v21;
	v22 =	vshll.u32 v19, $0x3  }
0x441: {  	s16 =	simm.s32 $0x80;
	v19 =	vand.u32 $0x7F, v19;
	v22 =	vand.u32 $0xFFFFFC00, v22  }
0x442: {  	s5 =	sand.u32 $0x380, s16;
	s2 =	sshra.s32 s2, $0x2;
	v19 =	vor.u32 v19, v22;
	[tilespmem:s6+$0x20] =	vst v3  }
0x443: {  	s17 =	simm.s32 $0x2;
	s2 =	sor.u32 s5, s2;
	v3 =	vadd.s32 v19, v32;
	v22 =	vld.idx.msk [tilespmem:v4+s26+$0x0], $0xffff  }
0x444: {  	v25 =	vand.u32 $0x7F, v20;
	v4 =	vmov s17;
	[tilespmem:s2+$0x19400] =	vst v7;
	v7 =	vor.u32 v31, v3  }
0x445: {  	v26 =	vadd.s32 v15, v6;
	v3 =	vshll.u32 v20, $0x3;
	v20 =	vld.idx.msk [tilespmem:v21+s26+$0x0], $0xffff;
	v21 =	vshll.u32 v4, $0xA  }
0x446: {  	v26 =	vor.u32 v5, v26;
	v27 =	vshll.u32 v4, $0x7;
	v4 =	vand.u32 $0x6000, v21  }
0x447: {  	v21 =	vand.u32 $0xFFFFFC00, v3;
	v3 =	vand.u32 $0x380, v27;
	v27 =	vadd.s32 v11, v4  }
0x448: {  	v21 =	vor.u32 v25, v21;
	v25 =	vor.u32 v3, v27;
	[tilespmem:s6+$0x30] =	vst v22  }
0x449: {  	s28 =	sadd.s32 $0x19400, s2;
	v22 =	vadd.s32 v21, v32;
	v7 =	vld.idx.msk [tilespmem:v7+s26+$0x0], $0xffff  }
0x44a: {  	[tilespmem:s28+$0x10] =	vst v20;
	v20 =	vor.u32 v31, v22  }
0x44b: {  	v22 =	vadd.s32 v18, v6;
	v26 =	vld.idx.msk [tilespmem:v26+s26+$0x0], $0xffff  }
0x44c: {  	v27 =	vshll.u32 v8, $0x3;
	v28 =	vor.u32 v5, v22  }
0x44d: {  	s18 =	simm.s32 $0x0;
	v8 =	vand.u32 $0x7F, v8;
	v22 =	vand.u32 $0xFFFFFC00, v27;
	v27 =	vld.idx.msk [tilespmem:v25+s26+$0x0], $0xffff;
	v25 =	vadd.s32 v14, v4  }
0x44e: {  	s5 =	smul.u32 $0x6000, s18;
	v22 =	vor.u32 v8, v22;
	v8 =	vor.u32 v3, v25;
	[tilespmem:s6+$0x40] =	vst v7  }
0x44f: {  	s23 =	simm.s32 $0x100;
	v7 =	vadd.s32 v22, v32;
	v20 =	vld.idx.msk [tilespmem:v20+s26+$0x0], $0xffff  }
0x450: {  	s11 =	sand.u32 $0x380, s23;
	s5 =	sshra.s32 s5, $0x2;
	s12 =	simm.s32 $0x3;
	v25 =	vand.u32 $0x7F, v23;
	v23 =	vshll.u32 v23, $0x3;
	[tilespmem:s28+$0x20] =	vst v26;
	v26 =	vor.u32 v31, v7  }
0x451: {  	s13 =	sor.u32 s11, s5;
	v29 =	vadd.s32 v19, v6;
	v7 =	vand.u32 $0xFFFFFC00, v23;
	v23 =	vld.idx.msk [tilespmem:v28+s26+$0x0], $0xffff;
	v28 =	vmov s12  }
0x452: {  	v25 =	vor.u32 v25, v7;
	[tilespmem:s13+$0x19400] =	vst v27;
	v27 =	vor.u32 v5, v29;
	v7 =	vshll.u32 v28, $0xA  }
0x453: {  	v28 =	vshll.u32 v28, $0x7;
	v29 =	vld.idx.msk [tilespmem:v8+s26+$0x0], $0xffff;
	v8 =	vadd.s32 v15, v4;
	v7 =	vand.u32 $0x6000, v7  }
0x454: {  	v40 =	vor.u32 v3, v8;
	[tilespmem:s6+$0x50] =	vst v20;
	v8 =	vand.u32 $0x380, v28;
	v20 =	vadd.s32 v11, v7  }
0x455: {  	s16 =	simm.s32 $0x4;
	v28 =	vld.idx.msk [tilespmem:v26+s26+$0x0], $0xffff;
	v20 =	vor.u32 v8, v20;
	v26 =	vadd.s32 v25, v32  }
0x456: {  	v45 =	vmov s16;
	v44 =	vand.u32 $0x7F, v9;
	[tilespmem:s28+$0x30] =	vst v23;
	v23 =	vor.u32 v31, v26  }
0x457: {  	s5 =	sadd.s32 $0x19400, s13;
	v42 =	vadd.s32 v18, v4;
	v41 =	vadd.s32 v21, v6;
	v26 =	vshll.u32 v17, $0x3;
	v27 =	vld.idx.msk [tilespmem:v27+s26+$0x0], $0xffff  }
0x458: {  	v17 =	vand.u32 $0x7F, v17;
	v26 =	vand.u32 $0xFFFFFC00, v26;
	[tilespmem:s5+$0x10] =	vst v29;
	v29 =	vor.u32 v5, v41  }
0x459: {  	v46 =	vshll.u32 v9, $0x3;
	v34 =	vor.u32 v3, v42;
	v26 =	vor.u32 v17, v26;
	v33 =	vld.idx.msk [tilespmem:v40+s26+$0x0], $0xffff  }
0x45a: {  	s24 =	simm.s32 $0x0;
	v17 =	vand.u32 $0x7F, v16;
	v16 =	vshll.u32 v16, $0x3;
	v20 =	vld.idx.msk [tilespmem:v20+s26+$0x0], $0xffff;
	[tilespmem:s6+$0x60] =	vst v28;
	v28 =	vadd.s32 v14, v7  }
0x45b: {  	s11 =	smul.u32 $0x6000, s24;
	v16 =	vand.u32 $0xFFFFFC00, v16;
	v43 =	vadd.s32 v26, v32;
	v35 =	vld.idx.msk [tilespmem:v23+s26+$0x0], $0xffff;
	v28 =	vor.u32 v8, v28  }
0x45c: {  	s25 =	simm.s32 $0x180;
	v52 =	vand.u32 $0x7F, v13;
	v23 =	vor.u32 v17, v16;
	v17 =	vor.u32 v31, v43;
	[tilespmem:s28+$0x40] =	vst v27  }
0x45d: {  	s11 =	sshra.s32 s11, $0x2;
	s12 =	sand.u32 $0x380, s25;
	v16 =	vshll.u32 v10, $0x3;
	v27 =	vand.u32 $0x7F, v10;
	v10 =	vld.idx.msk [tilespmem:v29+s26+$0x0], $0xffff;
	v29 =	vadd.s32 v22, v6  }
0x45e: {  	v13 =	vshll.u32 v13, $0x3;
	v9 =	vadd.s32 v19, v4;
	s23 =	sor.u32 s12, s11;
	[tilespmem:s5+$0x20] =	vst v33;
	v29 =	vor.u32 v5, v29  }
0x45f: {  	v58 =	vshll.u32 v12, $0x3;
	v47 =	vor.u32 v3, v9;
	v9 =	vshll.u32 v45, $0xA;
	v34 =	vld.idx.msk [tilespmem:v34+s26+$0x0], $0xffff;
	[tilespmem:s23+$0x19400] =	vst v20  }
0x460: {  	v12 =	vand.u32 $0x7F, v12;
	v9 =	vand.u32 $0x6000, v9;
	v48 =	vadd.s32 v15, v7;
	v28 =	vld.idx.msk [tilespmem:v28+s26+$0x0], $0xffff;
	[tilespmem:s6+$0x70] =	vst v35  }
0x461: {  	v49 =	vadd.s32 v23, v32;
	v33 =	vor.u32 v8, v48;
	v20 =	vshll.u32 v45, $0x7;
	v17 =	vld.idx.msk [tilespmem:v17+s26+$0x0], $0xffff  }
0x462: {  	v35 =	vor.u32 v31, v49;
	[tilespmem:s28+$0x50] =	vst v10;
	v10 =	vand.u32 $0x380, v20;
	v20 =	vadd.s32 v11, v9  }
0x463: {  	v51 =	vadd.s32 v25, v6;
	v16 =	vand.u32 $0xFFFFFC00, v16;
	v29 =	vld.idx.msk [tilespmem:v29+s26+$0x0], $0xffff;
	v50 =	vor.u32 v10, v20  }
0x464: {  	v54 =	vadd.s32 v18, v7;
	v27 =	vor.u32 v27, v16;
	v16 =	vor.u32 v5, v51;
	s6 =	sadd.s32 $0x19400, s23;
	[tilespmem:s5+$0x30] =	vst v34  }
0x465: {  	v37 =	vand.u32 $0xFFFFFC00, v46;
	v55 =	vor.u32 v8, v54;
	v53 =	vld.idx.msk [tilespmem:v47+s26+$0x0], $0xffff;
	[tilespmem:s6+$0x10] =	vst v28;
	v28 =	vadd.s32 v21, v4  }
0x466: {  	v13 =	vand.u32 $0xFFFFFC00, v13;
	v46 =	vadd.s32 v23, v6;
	v33 =	vld.idx.msk [tilespmem:v33+s26+$0x0], $0xffff;
	v28 =	vor.u32 v3, v28;
	[tilespmem:s0+$0x19800] =	vst v17  }
0x467: {  	v56 =	vadd.s32 v27, v32;
	v48 =	vadd.s32 v25, v4;
	v17 =	vor.u32 v52, v13;
	v13 =	vld.idx.msk [tilespmem:v35+s26+$0x0], $0xffff  }
0x468: {  	v38 =	vand.u32 $0xFFFFFC00, v58;
	s17 =	simm.s32 $0x0;
	v35 =	vor.u32 v31, v56;
	v57 =	vld.idx.msk [tilespmem:v50+s26+$0x0], $0xffff;
	[tilespmem:s28+$0x60] =	vst v29;
	v29 =	vadd.s32 v14, v9  }
0x469: {  	s11 =	smul.u32 $0x6000, s17;
	v49 =	vand.u32 $0x7F, v24;
	v59 =	vld.idx.msk [tilespmem:v16+s26+$0x0], $0xffff;
	v29 =	vor.u32 v10, v29;
	v16 =	vadd.s32 v26, v6  }
0x46a: {  	s25 =	simm.s32 $0x200;
	v20 =	vor.u32 v44, v37;
	v44 =	vadd.s32 v15, v9;
	[tilespmem:s5+$0x40] =	vst v53;
	v60 =	vor.u32 v5, v16  }
0x46b: {  	s16 =	sand.u32 $0x380, s25;
	s25 =	sadd.s32 $0x19800, s0;
	s11 =	sshra.s32 s11, $0x2;
	v24 =	vshll.u32 v24, $0x3;
	v16 =	vor.u32 v12, v38;
	v12 =	vadd.s32 v22, v4;
	v28 =	vld.idx.msk [tilespmem:v28+s26+$0x0], $0xffff;
	[tilespmem:s6+$0x20] =	vst v33  }
0x46c: {  	s18 =	simm.s32 $0x5;
	s24 =	sor.u32 s16, s11;
	v24 =	vand.u32 $0xFFFFFC00, v24;
	v61 =	vor.u32 v3, v12;
	v33 =	vld.idx.msk [tilespmem:v55+s26+$0x0], $0xffff;
	[tilespmem:s25+$0x10] =	vst v13;
	v13 =	vadd.s32 v19, v7  }
0x46d: {  	v12 =	vmov s18;
	[tilespmem:s24+$0x19400] =	vst v57;
	v35 =	vld.idx.msk [tilespmem:v35+s26+$0x0], $0xffff;
	v63 =	vor.u32 v8, v13;
	v13 =	vadd.s32 v20, v32  }
0x46e: {  	v62 =	vshll.u32 v12, $0x7;
	v12 =	vshll.u32 v12, $0xA;
	v29 =	vld.idx.msk [tilespmem:v29+s26+$0x0], $0xffff;
	[tilespmem:s28+$0x70] =	vst v59;
	v45 =	vor.u32 v31, v13  }
0x46f: {  	v24 =	vor.u32 v49, v24;
	v39 =	vor.u32 v10, v44;
	v12 =	vand.u32 $0x6000, v12;
	v36 =	vld.idx.msk [tilespmem:v60+s26+$0x0], $0xffff  }
0x470: {  	v47 =	vor.u32 v5, v46;
	v13 =	vand.u32 $0x380, v62;
	[tilespmem:s5+$0x50] =	vst v28;
	v28 =	vadd.s32 v11, v12  }
0x471: {  	v49 =	vadd.s32 v23, v4;
	v34 =	vld.idx.msk [tilespmem:v61+s26+$0x0], $0xffff;
	v28 =	vor.u32 v13, v28;
	[tilespmem:s6+$0x30] =	vst v33  }
0x472: {  	s0 =	sadd.s32 $0x19400, s24;
	v50 =	vadd.s32 v21, v7;
	v33 =	vor.u32 v3, v48;
	v38 =	vld.idx.msk [tilespmem:v63+s26+$0x0], $0xffff;
	[tilespmem:s25+$0x20] =	vst v35  }
0x473: {  	v51 =	vadd.s32 v17, v32;
	v35 =	vor.u32 v8, v50;
	[tilespmem:s0+$0x10] =	vst v29;
	v29 =	vld.idx.msk [tilespmem:v45+s26+$0x0], $0xffff  }
0x474: {  	v52 =	vadd.s32 v18, v9;
	v40 =	vor.u32 v31, v51;
	v39 =	vld.idx.msk [tilespmem:v39+s26+$0x0], $0xffff;
	[tilespmem:s2+$0x19800] =	vst v36  }
0x475: {  	v51 =	vadd.s32 v25, v7;
	v53 =	vadd.s32 v27, v6;
	v36 =	vor.u32 v10, v52;
	v37 =	vld.idx.msk [tilespmem:v47+s26+$0x0], $0xffff  }
0x476: {  	s16 =	simm.s32 $0x0;
	v41 =	vor.u32 v5, v53;
	v54 =	vadd.s32 v14, v12;
	v28 =	vld.idx.msk [tilespmem:v28+s26+$0x0], $0xffff;
	[tilespmem:s5+$0x60] =	vst v34  }
0x477: {  	s11 =	smul.u32 $0x6000, s16;
	v55 =	vadd.s32 v26, v4;
	v34 =	vor.u32 v13, v54;
	v33 =	vld.idx.msk [tilespmem:v33+s26+$0x0], $0xffff;
	[tilespmem:s6+$0x40] =	vst v38  }
0x478: {  	s18 =	simm.s32 $0x280;
	v38 =	vor.u32 v3, v55;
	v35 =	vld.idx.msk [tilespmem:v35+s26+$0x0], $0xffff;
	[tilespmem:s25+$0x30] =	vst v29;
	v29 =	vadd.s32 v22, v7  }
0x479: {  	s11 =	sshra.s32 s11, $0x2;
	s16 =	sand.u32 $0x380, s18;
	s2 =	sadd.s32 $0x19800, s2;
	[tilespmem:s0+$0x20] =	vst v39;
	v56 =	vld.idx.msk [tilespmem:v40+s26+$0x0], $0xffff;
	v57 =	vor.u32 v8, v29;
	v29 =	vadd.s32 v16, v32  }
0x47a: {  	s17 =	simm.s32 $0x6;
	s29 =	sor.u32 s16, s11;
	v59 =	vadd.s32 v19, v9;
	v36 =	vld.idx.msk [tilespmem:v36+s26+$0x0], $0xffff;
	[tilespmem:s2+$0x10] =	vst v37;
	v60 =	vor.u32 v31, v29  }
0x47b: {  	v58 =	vmov s17;
	v42 =	vor.u32 v10, v59;
	[tilespmem:s29+$0x19400] =	vst v28;
	v41 =	vld.idx.msk [tilespmem:v41+s26+$0x0], $0xffff;
	v28 =	vadd.s32 v20, v6  }
0x47c: {  	v62 =	vadd.s32 v15, v12;
	v61 =	vshll.u32 v58, $0xA;
	v34 =	vld.idx.msk [tilespmem:v34+s26+$0x0], $0xffff;
	[tilespmem:s5+$0x70] =	vst v33;
	v63 =	vor.u32 v5, v28  }
0x47d: {  	v48 =	vor.u32 v13, v62;
	v29 =	vshll.u32 v58, $0x7;
	v28 =	vand.u32 $0x6000, v61;
	v38 =	vld.idx.msk [tilespmem:v38+s26+$0x0], $0xffff;
	[tilespmem:s6+$0x50] =	vst v35  }
0x47e: {  	v29 =	vand.u32 $0x380, v29;
	v50 =	vadd.s32 v11, v28;
	v35 =	vor.u32 v3, v49;
	v40 =	vld.idx.msk [tilespmem:v57+s26+$0x0], $0xffff;
	[tilespmem:s25+$0x40] =	vst v56  }
0x47f: {  	v53 =	vadd.s32 v24, v32;
	v37 =	vor.u32 v29, v50;
	[tilespmem:s0+$0x30] =	vst v36;
	v39 =	vld.idx.msk [tilespmem:v60+s26+$0x0], $0xffff  }
0x480: {  	v59 =	vadd.s32 v27, v4;
	s5 =	sadd.s32 $0x19400, s29;
	v36 =	vor.u32 v8, v51;
	v42 =	vld.idx.msk [tilespmem:v42+s26+$0x0], $0xffff;
	[tilespmem:s2+$0x20] =	vst v41  }
0x481: {  	v54 =	vadd.s32 v21, v9;
	v41 =	vor.u32 v31, v53;
	[tilespmem:s5+$0x10] =	vst v34;
	v44 =	vld.idx.msk [tilespmem:v63+s26+$0x0], $0xffff  }
0x482: {  	v55 =	vor.u32 v10, v54;
	v56 =	vadd.s32 v17, v6;
	v33 =	vld.idx.msk [tilespmem:v48+s26+$0x0], $0xffff;
	[tilespmem:s13+$0x19800] =	vst v38  }
0x483: {  	v62 =	vadd.s32 v22, v9;
	v57 =	vadd.s32 v18, v12;
	v46 =	vor.u32 v5, v56;
	v58 =	vld.idx.msk [tilespmem:v35+s26+$0x0], $0xffff  }
0x484: {  	v52 =	vand.u32 $0x7F, v30;
	v30 =	vshll.u32 v30, $0x3;
	v38 =	vor.u32 v13, v57;
	v37 =	vld.idx.msk [tilespmem:v37+s26+$0x0], $0xffff;
	[tilespmem:s6+$0x60] =	vst v40  }
0x485: {  	s16 =	simm.s32 $0x0;
	v30 =	vand.u32 $0xFFFFFC00, v30;
	v60 =	vadd.s32 v14, v28;
	v48 =	vor.u32 v3, v59;
	v47 =	vld.idx.msk [tilespmem:v36+s26+$0x0], $0xffff;
	[tilespmem:s25+$0x50] =	vst v39  }
0x486: {  	s17 =	smul.u32 $0x6000, s16;
	v30 =	vor.u32 v52, v30;
	v49 =	vor.u32 v29, v60;
	[tilespmem:s0+$0x40] =	vst v42;
	v34 =	vld.idx.msk [tilespmem:v41+s26+$0x0], $0xffff  }
0x487: {  	s11 =	simm.s32 $0x300;
	v32 =	vadd.s32 v30, v32;
	v61 =	vadd.s32 v26, v7;
	v39 =	vld.idx.msk [tilespmem:v55+s26+$0x0], $0xffff;
	[tilespmem:s2+$0x30] =	vst v44  }
0x488: {  	s18 =	sand.u32 $0x380, s11;
	s28 =	sadd.s32 $0x19800, s13;
	s17 =	sshra.s32 s17, $0x2;
	v63 =	vadd.s32 v19, v12;
	v35 =	vor.u32 v8, v61;
	[tilespmem:s5+$0x20] =	vst v33;
	v36 =	vld.idx.msk [tilespmem:v46+s26+$0x0], $0xffff  }
0x489: {  	s12 =	simm.s32 $0x7;
	s13 =	sor.u32 s18, s17;
	v43 =	vor.u32 v13, v63;
	v33 =	vor.u32 v31, v32;
	v42 =	vld.idx.msk [tilespmem:v38+s26+$0x0], $0xffff;
	[tilespmem:s28+$0x10] =	vst v58  }
0x48a: {  	v40 =	vor.u32 v10, v62;
	v31 =	vadd.s32 v16, v6;
	v32 =	vmov s12;
	[tilespmem:s13+$0x19400] =	vst v37;
	v38 =	vld.idx.msk [tilespmem:v48+s26+$0x0], $0xffff  }
0x48b: {  	s16 =	simm.s32 $0x8;
	v41 =	vadd.s32 v20, v4;
	v37 =	vor.u32 v5, v31;
	v31 =	vshll.u32 v32, $0x7;
	v44 =	vld.idx.msk [tilespmem:v49+s26+$0x0], $0xffff;
	[tilespmem:s6+$0x70] =	vst v47  }
.LBB2_15:
0x48c: {  	v32 =	vshll.u32 v32, $0xA;
	v45 =	vadd.s32 v15, v28;
	v41 =	vor.u32 v3, v41  }
0x48d: {  	p0 =	sne.s32 s16, $0x1F;
	v35 =	vld.idx.msk [tilespmem:v35+s26+$0x0], $0xffff;
	[tilespmem:s25+$0x60] =	vst v34;
	v46 =	vmovc v12;
	v12 =	vmovc v28;
	v47 =	vmov v5;
	v5 =	vmov v3;
	v3 =	vmov v8  }
0x48e: {  	v28 =	vand.u32 $0x6000, v32;
	v32 =	vor.u32 v29, v45;
	[tilespmem:s0+$0x50] =	vst v39;
	v45 =	vadd.s32 v23, v7;
	v33 =	vld.idx.msk [tilespmem:v33+s26+$0x0], $0xffff  }
0x48f: {  	v31 =	vand.u32 $0x380, v31;
	v34 =	vadd.s32 v11, v28;
	v39 =	vld.idx.msk [tilespmem:v40+s26+$0x0], $0xffff;
	v40 =	vor.u32 v3, v45;
	[tilespmem:s2+$0x40] =	vst v36  }
0x490: {  	v8 =	vmov v10;
	v36 =	vadd.s32 v25, v9;
	v34 =	vor.u32 v31, v34;
	[tilespmem:s5+$0x30] =	vst v42;
	v37 =	vld.idx.msk [tilespmem:v37+s26+$0x0], $0xffff  }
0x491: {  	s6 =	sadd.s32 $0x19400, s13;
	v10 =	vmov v13;
	v36 =	vor.u32 v8, v36;
	v42 =	vld.idx.msk [tilespmem:v43+s26+$0x0], $0xffff;
	[tilespmem:s28+$0x20] =	vst v38;
	v38 =	vadd.s32 v24, v6  }
0x492: {  	v13 =	vmov v29;
	v43 =	vadd.s32 v21, v46;
	[tilespmem:s6+$0x10] =	vst v44;
	v41 =	vld.idx.msk [tilespmem:v41+s26+$0x0], $0xffff;
	v38 =	vor.u32 v47, v38  }
0x493: {  	v29 =	vmov v31;
	v43 =	vor.u32 v10, v43;
	v32 =	vld.idx.msk [tilespmem:v32+s26+$0x0], $0xffff;
	[tilespmem:s23+$0x19800] =	vst v35;
	v35 =	vadd.s32 v17, v4  }
0x494: {  	v31 =	vadd.s32 v18, v12;
	v44 =	vld.idx.msk [tilespmem:v40+s26+$0x0], $0xffff;
	v40 =	vor.u32 v5, v35;
	[tilespmem:s25+$0x70] =	vst v33;
	s25 =	smov.u32 s2;
	s2 =	smov.u32 s28  }
0x495: {  	v31 =	vor.u32 v13, v31;
	v33 =	vadd.s32 v27, v7;
	v45 =	vld.idx.msk [tilespmem:v34+s26+$0x0], $0xffff;
	[tilespmem:s0+$0x60] =	vst v39  }
0x496: {  	s17 =	sshrl.u32 s12, $0x3;
	s12 =	smov.u32 s16;
	v34 =	vadd.s32 v14, v28;
	v49 =	vor.u32 v3, v33;
	v48 =	vld.idx.msk [tilespmem:v36+s26+$0x0], $0xffff;
	[tilespmem:s25+$0x50] =	vst v37  }
0x497: {  	s17 =	smul.u32 $0x6000, s17;
	v33 =	vadd.s32 v26, v9;
	v50 =	vor.u32 v29, v34;
	[tilespmem:s5+$0x40] =	vst v42;
	v34 =	vld.idx.msk [tilespmem:v38+s26+$0x0], $0xffff  }
.Ltmp9:
0x498: {  	s11 =	sadd.s32 $0x80, s11;
	v35 =	vor.u32 v8, v33;
	v33 =	vadd.s32 v30, v6;
	v6 =	vmov v4;
	v39 =	vld.idx.msk [tilespmem:v43+s26+$0x0], $0xffff;
	[tilespmem:s2+$0x30] =	vst v41;
	(pc) =	sbr.rel @p0 .LBB2_15-.Ltmp9, $4  }
0x499: {  	s18 =	sand.u32 $0x380, s11;
	s17 =	sshra.s32 s17, $0x2;
	s28 =	sadd.s32 $0x19800, s23;
	v4 =	vmov v7;
	v33 =	vor.u32 v47, v33;
	[tilespmem:s6+$0x20] =	vst v32;
	v32 =	vadd.s32 v22, v46;
	v36 =	vld.idx.msk [tilespmem:v40+s26+$0x0], $0xffff  }
0x49a: {  	s17 =	sor.u32 s18, s17;
	s23 =	smov.u32 s24;
	s24 =	smov.u32 s29;
	v7 =	vmov v9;
	v42 =	vld.idx.msk [tilespmem:v31+s26+$0x0], $0xffff;
	v40 =	vor.u32 v10, v32;
	[tilespmem:s28+$0x10] =	vst v44;
	v31 =	vadd.s32 v16, v6  }
0x49b: {  	s29 =	smov.u32 s13;
	s13 =	smov.u32 s17;
	v9 =	vmovc v46;
	v41 =	vadd.s32 v19, v12;
	v32 =	vmov s16;
	[tilespmem:s17+$0x19400] =	vst v45;
	v38 =	vld.idx.msk [tilespmem:v49+s26+$0x0], $0xffff;
	v37 =	vor.u32 v5, v31  }
0x49c: {  	v43 =	vor.u32 v13, v41;
	v41 =	vadd.s32 v20, v4;
	s16 =	sadd.s32 $0x1, s16;
	v31 =	vshll.u32 v32, $0x7;
	v44 =	vld.idx.msk [tilespmem:v50+s26+$0x0], $0xffff;
	[tilespmem:s0+$0x70] =	vst v48;
	s0 =	smov.u32 s5;
	s5 =	smov.u32 s6  }
0x49d: {  	v32 =	vshll.u32 v32, $0xA  }
0x49e: {  	v32 =	vand.u32 $0x6000, v32  }
0x49f: {  	v31 =	vand.u32 $0x380, v31;
	v11 =	vadd.s32 v11, v32  }
0x4a0: {  	v11 =	vor.u32 v31, v11;
	_ =	sdelay $0x4  }
0x4a1: {  	s6 =	sshrl.u32 s12, $0x3;
	v14 =	vadd.s32 v14, v32;
	v11 =	vld.idx.msk [tilespmem:v11+s26+$0x0], $0xffff  }
0x4a2: {  	s6 =	smul.u32 $0x6000, s6;
	v14 =	vor.u32 v31, v14  }
0x4a3: {  	s11 =	sadd.s32 $0x80, s11  }
0x4a4: {  	s11 =	sand.u32 $0x380, s11;
	s6 =	sshra.s32 s6, $0x2  }
0x4a5: {  	s6 =	sor.u32 s11, s6  }
0x4a6: {  	v45 =	vadd.s32 v15, v28;
	[tilespmem:s6+$0x19400] =	vst v11  }
0x4a7: {  	v15 =	vadd.s32 v15, v32;
	v11 =	vor.u32 v29, v45;
	v14 =	vld.idx.msk [tilespmem:v14+s26+$0x0], $0xffff  }
0x4a8: {  	v15 =	vor.u32 v31, v15;
	_ =	sdelay $0x1  }
0x4a9: {  	s17 =	sadd.s32 $0x19400, s13  }
0x4aa: {  	[tilespmem:s17+$0x10] =	vst v44;
	s11 =	sadd.s32 $0x19400, s6  }
0x4ab: {  	v58 =	vadd.s32 v18, v28;
	v11 =	vld.idx.msk [tilespmem:v11+s26+$0x0], $0xffff;
	[tilespmem:s11+$0x10] =	vst v14  }
0x4ac: {  	v18 =	vadd.s32 v18, v32;
	v14 =	vor.u32 v29, v58;
	v15 =	vld.idx.msk [tilespmem:v15+s26+$0x0], $0xffff  }
0x4ad: {  	v18 =	vor.u32 v31, v18;
	_ =	sdelay $0x2  }
0x4ae: {  	[tilespmem:s17+$0x20] =	vst v11  }
0x4af: {  	v11 =	vld.idx.msk [tilespmem:v14+s26+$0x0], $0xffff;
	v14 =	vadd.s32 v19, v28;
	[tilespmem:s11+$0x20] =	vst v15  }
0x4b0: {  	v14 =	vor.u32 v29, v14;
	v15 =	vld.idx.msk [tilespmem:v18+s26+$0x0], $0xffff;
	v18 =	vadd.s32 v19, v32  }
0x4b1: {  	v18 =	vor.u32 v31, v18;
	_ =	sdelay $0x1  }
0x4b2: {  	[tilespmem:s5+$0x30] =	vst v42  }
0x4b3: {  	v59 =	vadd.s32 v21, v12;
	v19 =	vld.idx.msk [tilespmem:v43+s26+$0x0], $0xffff;
	[tilespmem:s17+$0x30] =	vst v11  }
0x4b4: {  	v60 =	vadd.s32 v21, v28;
	v11 =	vor.u32 v13, v59;
	v14 =	vld.idx.msk [tilespmem:v14+s26+$0x0], $0xffff;
	[tilespmem:s11+$0x30] =	vst v15  }
0x4b5: {  	v21 =	vadd.s32 v21, v32;
	v15 =	vor.u32 v29, v60;
	v18 =	vld.idx.msk [tilespmem:v18+s26+$0x0], $0xffff  }
0x4b6: {  	v21 =	vor.u32 v31, v21;
	_ =	sdelay $0x1  }
0x4b7: {  	[tilespmem:s5+$0x40] =	vst v19  }
0x4b8: {  	v19 =	vadd.s32 v22, v12;
	v11 =	vld.idx.msk [tilespmem:v11+s26+$0x0], $0xffff;
	[tilespmem:s17+$0x40] =	vst v14  }
0x4b9: {  	v14 =	vor.u32 v13, v19;
	v19 =	vadd.s32 v22, v28;
	v15 =	vld.idx.msk [tilespmem:v15+s26+$0x0], $0xffff;
	[tilespmem:s11+$0x40] =	vst v18  }
0x4ba: {  	v18 =	vor.u32 v29, v19;
	v19 =	vld.idx.msk [tilespmem:v21+s26+$0x0], $0xffff;
	v21 =	vadd.s32 v22, v32  }
0x4bb: {  	v21 =	vor.u32 v31, v21  }
0x4bc: {  	[tilespmem:s0+$0x50] =	vst v39  }
0x4bd: {  	v61 =	vadd.s32 v25, v9;
	v22 =	vld.idx.msk [tilespmem:v40+s26+$0x0], $0xffff;
	[tilespmem:s5+$0x50] =	vst v11  }
0x4be: {  	v62 =	vadd.s32 v25, v12;
	v11 =	vor.u32 v10, v61;
	v14 =	vld.idx.msk [tilespmem:v14+s26+$0x0], $0xffff;
	[tilespmem:s17+$0x50] =	vst v15  }
0x4bf: {  	v63 =	vadd.s32 v25, v28;
	v15 =	vor.u32 v13, v62;
	v18 =	vld.idx.msk [tilespmem:v18+s26+$0x0], $0xffff;
	[tilespmem:s11+$0x50] =	vst v19  }
0x4c0: {  	[tilespmem:s25+$0x60] =	vst v34;
	v25 =	vadd.s32 v25, v32;
	v19 =	vor.u32 v29, v63;
	v21 =	vld.idx.msk [tilespmem:v21+s26+$0x0], $0xffff  }
0x4c1: {  	[tilespmem:s2+$0x40] =	vst v36;
	v25 =	vor.u32 v31, v25  }
0x4c2: {  	v36 =	vld.idx.msk [tilespmem:v35+s26+$0x0], $0xffff;
	[tilespmem:s0+$0x60] =	vst v22  }
0x4c3: {  	v39 =	vor.u32 v3, v41;
	v22 =	vadd.s32 v26, v9;
	v11 =	vld.idx.msk [tilespmem:v11+s26+$0x0], $0xffff;
	[tilespmem:s5+$0x60] =	vst v14  }
0x4c4: {  	v14 =	vor.u32 v10, v22;
	v22 =	vadd.s32 v26, v12;
	v15 =	vld.idx.msk [tilespmem:v15+s26+$0x0], $0xffff;
	[tilespmem:s17+$0x60] =	vst v18  }
0x4c5: {  	v18 =	vor.u32 v13, v22;
	v22 =	vadd.s32 v26, v28;
	v19 =	vld.idx.msk [tilespmem:v19+s26+$0x0], $0xffff;
	[tilespmem:s11+$0x60] =	vst v21  }
0x4c6: {  	[tilespmem:s28+$0x20] =	vst v38;
	v21 =	vor.u32 v29, v22;
	v22 =	vld.idx.msk [tilespmem:v25+s26+$0x0], $0xffff;
	v25 =	vadd.s32 v26, v32  }
0x4c7: {  	v41 =	vld.idx.msk [tilespmem:v37+s26+$0x0], $0xffff;
	[tilespmem:s23+$0x19800] =	vst v36;
	v40 =	vadd.s32 v23, v7;
	v25 =	vor.u32 v31, v25  }
0x4c8: {  	[tilespmem:s0+$0x70] =	vst v11;
	v11 =	vor.u32 v8, v40;
	v26 =	vld.idx.msk [tilespmem:v33+s26+$0x0], $0xffff  }
0x4c9: {  	v42 =	vadd.s32 v23, v9;
	v14 =	vld.idx.msk [tilespmem:v14+s26+$0x0], $0xffff;
	[tilespmem:s5+$0x70] =	vst v15  }
0x4ca: {  	v43 =	vadd.s32 v23, v12;
	v15 =	vor.u32 v10, v42;
	v18 =	vld.idx.msk [tilespmem:v18+s26+$0x0], $0xffff;
	[tilespmem:s17+$0x70] =	vst v19  }
0x4cb: {  	v44 =	vadd.s32 v23, v28;
	v19 =	vor.u32 v13, v43;
	v21 =	vld.idx.msk [tilespmem:v21+s26+$0x0], $0xffff;
	[tilespmem:s11+$0x70] =	vst v22  }
0x4cc: {  	[tilespmem:s2+$0x50] =	vst v41;
	v23 =	vadd.s32 v23, v32;
	v22 =	vor.u32 v29, v44;
	v25 =	vld.idx.msk [tilespmem:v25+s26+$0x0], $0xffff  }
0x4cd: {  	v45 =	vadd.s32 v27, v7;
	v23 =	vor.u32 v31, v23;
	v11 =	vld.idx.msk [tilespmem:v11+s26+$0x0], $0xffff;
	[tilespmem:s25+$0x70] =	vst v26  }
0x4ce: {  	v33 =	vld.idx.msk [tilespmem:v39+s26+$0x0], $0xffff;
	v26 =	vadd.s32 v24, v6;
	[tilespmem:s24+$0x19800] =	vst v14;
	v14 =	vor.u32 v8, v45  }
0x4cf: {  	v46 =	vadd.s32 v27, v9;
	v26 =	vor.u32 v5, v26;
	v15 =	vld.idx.msk [tilespmem:v15+s26+$0x0], $0xffff;
	[tilespmem:s29+$0x19800] =	vst v18  }
0x4d0: {  	v47 =	vadd.s32 v27, v12;
	v18 =	vor.u32 v10, v46;
	v19 =	vld.idx.msk [tilespmem:v19+s26+$0x0], $0xffff;
	[tilespmem:s13+$0x19800] =	vst v21  }
0x4d1: {  	v48 =	vadd.s32 v27, v28;
	s18 =	sadd.s32 $0x19800, s23;
	v21 =	vor.u32 v13, v47;
	v22 =	vld.idx.msk [tilespmem:v22+s26+$0x0], $0xffff;
	[tilespmem:s6+$0x19800] =	vst v25  }
0x4d2: {  	v27 =	vadd.s32 v27, v32;
	[tilespmem:s18+$0x10] =	vst v11;
	v25 =	vor.u32 v29, v48;
	v23 =	vld.idx.msk [tilespmem:v23+s26+$0x0], $0xffff  }
0x4d3: {  	v49 =	vadd.s32 v17, v4;
	s23 =	sadd.s32 $0x19800, s24;
	[tilespmem:s28+$0x30] =	vst v33;
	v11 =	vor.u32 v31, v27;
	v14 =	vld.idx.msk [tilespmem:v14+s26+$0x0], $0xffff  }
0x4d4: {  	v50 =	vadd.s32 v20, v7;
	s24 =	sadd.s32 $0x19800, s29;
	v27 =	vor.u32 v3, v49;
	v26 =	vld.idx.msk [tilespmem:v26+s26+$0x0], $0xffff;
	[tilespmem:s23+$0x10] =	vst v15  }
0x4d5: {  	v51 =	vadd.s32 v20, v9;
	s25 =	sadd.s32 $0x19800, s13;
	v15 =	vor.u32 v8, v50;
	v18 =	vld.idx.msk [tilespmem:v18+s26+$0x0], $0xffff;
	[tilespmem:s24+$0x10] =	vst v19  }
0x4d6: {  	v52 =	vadd.s32 v20, v12;
	s6 =	sadd.s32 $0x19800, s6;
	v19 =	vor.u32 v10, v51;
	v21 =	vld.idx.msk [tilespmem:v21+s26+$0x0], $0xffff;
	[tilespmem:s25+$0x10] =	vst v22  }
0x4d7: {  	v53 =	vadd.s32 v20, v28;
	v22 =	vor.u32 v13, v52;
	v25 =	vld.idx.msk [tilespmem:v25+s26+$0x0], $0xffff;
	[tilespmem:s6+$0x10] =	vst v23  }
0x4d8: {  	v20 =	vadd.s32 v20, v32;
	[tilespmem:s18+$0x20] =	vst v14;
	v23 =	vor.u32 v29, v53;
	v11 =	vld.idx.msk [tilespmem:v11+s26+$0x0], $0xffff  }
0x4d9: {  	v6 =	vadd.s32 v30, v6;
	v14 =	vor.u32 v31, v20;
	[tilespmem:s2+$0x60] =	vst v26;
	v26 =	vld.idx.msk [tilespmem:v27+s26+$0x0], $0xffff  }
0x4da: {  	v5 =	vor.u32 v5, v6;
	v6 =	vld.idx.msk [tilespmem:v15+s26+$0x0], $0xffff;
	v15 =	vadd.s32 v17, v7;
	[tilespmem:s23+$0x20] =	vst v18  }
0x4db: {  	v15 =	vor.u32 v8, v15;
	v18 =	vld.idx.msk [tilespmem:v19+s26+$0x0], $0xffff;
	v19 =	vadd.s32 v17, v9;
	[tilespmem:s24+$0x20] =	vst v21  }
0x4dc: {  	v19 =	vor.u32 v10, v19;
	v21 =	vadd.s32 v17, v12;
	v20 =	vld.idx.msk [tilespmem:v22+s26+$0x0], $0xffff;
	[tilespmem:s25+$0x20] =	vst v25  }
0x4dd: {  	v21 =	vor.u32 v13, v21;
	v22 =	vld.idx.msk [tilespmem:v23+s26+$0x0], $0xffff;
	v23 =	vadd.s32 v17, v28;
	[tilespmem:s6+$0x20] =	vst v11  }
0x4de: {  	[tilespmem:s28+$0x40] =	vst v26;
	v17 =	vadd.s32 v17, v32;
	v11 =	vor.u32 v29, v23;
	v14 =	vld.idx.msk [tilespmem:v14+s26+$0x0], $0xffff  }
0x4df: {  	v5 =	vld.idx.msk [tilespmem:v5+s26+$0x0], $0xffff;
	[tilespmem:s18+$0x30] =	vst v6;
	v23 =	vadd.s32 v16, v4;
	v6 =	vor.u32 v31, v17  }
0x4e0: {  	v15 =	vld.idx.msk [tilespmem:v15+s26+$0x0], $0xffff;
	[tilespmem:s23+$0x30] =	vst v18;
	v17 =	vor.u32 v3, v23;
	v23 =	vadd.s32 v16, v7  }
0x4e1: {  	v19 =	vld.idx.msk [tilespmem:v19+s26+$0x0], $0xffff;
	v18 =	vor.u32 v8, v23;
	v23 =	vadd.s32 v16, v9;
	[tilespmem:s24+$0x30] =	vst v20  }
0x4e2: {  	v20 =	vor.u32 v10, v23;
	v21 =	vld.idx.msk [tilespmem:v21+s26+$0x0], $0xffff;
	v23 =	vadd.s32 v16, v12;
	[tilespmem:s25+$0x30] =	vst v22  }
0x4e3: {  	v22 =	vor.u32 v13, v23;
	v23 =	vadd.s32 v16, v28;
	v11 =	vld.idx.msk [tilespmem:v11+s26+$0x0], $0xffff;
	[tilespmem:s6+$0x30] =	vst v14  }
0x4e4: {  	[tilespmem:s2+$0x70] =	vst v5;
	v5 =	vor.u32 v29, v23;
	v14 =	vadd.s32 v16, v32;
	v6 =	vld.idx.msk [tilespmem:v6+s26+$0x0], $0xffff  }
0x4e5: {  	[tilespmem:s18+$0x40] =	vst v15;
	v16 =	vld.idx.msk [tilespmem:v17+s26+$0x0], $0xffff;
	v17 =	vadd.s32 v24, v4;
	v14 =	vor.u32 v31, v14  }
0x4e6: {  	[tilespmem:s23+$0x40] =	vst v19;
	v15 =	vor.u32 v3, v17;
	v17 =	vld.idx.msk [tilespmem:v18+s26+$0x0], $0xffff;
	v18 =	vadd.s32 v24, v7  }
0x4e7: {  	v18 =	vor.u32 v8, v18;
	v19 =	vld.idx.msk [tilespmem:v20+s26+$0x0], $0xffff;
	v20 =	vadd.s32 v24, v9;
	[tilespmem:s24+$0x40] =	vst v21  }
0x4e8: {  	v20 =	vor.u32 v10, v20;
	v21 =	vld.idx.msk [tilespmem:v22+s26+$0x0], $0xffff;
	v22 =	vadd.s32 v24, v12;
	[tilespmem:s25+$0x40] =	vst v11  }
0x4e9: {  	v11 =	vor.u32 v13, v22;
	v22 =	vadd.s32 v24, v28;
	v5 =	vld.idx.msk [tilespmem:v5+s26+$0x0], $0xffff;
	[tilespmem:s6+$0x40] =	vst v6  }
0x4ea: {  	[tilespmem:s28+$0x50] =	vst v16;
	v16 =	vadd.s32 v24, v32;
	v6 =	vor.u32 v29, v22;
	v14 =	vld.idx.msk [tilespmem:v14+s26+$0x0], $0xffff  }
0x4eb: {  	v4 =	vadd.s32 v30, v4;
	v15 =	vld.idx.msk [tilespmem:v15+s26+$0x0], $0xffff;
	[tilespmem:s18+$0x50] =	vst v17;
	v16 =	vor.u32 v31, v16  }
0x4ec: {  	v3 =	vor.u32 v3, v4;
	v7 =	vadd.s32 v30, v7;
	v4 =	vld.idx.msk [tilespmem:v18+s26+$0x0], $0xffff;
	[tilespmem:s23+$0x50] =	vst v19  }
0x4ed: {  	v7 =	vor.u32 v8, v7;
	v9 =	vadd.s32 v30, v9;
	v8 =	vld.idx.msk [tilespmem:v20+s26+$0x0], $0xffff;
	[tilespmem:s24+$0x50] =	vst v21  }
0x4ee: {  	v9 =	vor.u32 v10, v9;
	v10 =	vld.idx.msk [tilespmem:v11+s26+$0x0], $0xffff;
	v11 =	vadd.s32 v30, v12;
	[tilespmem:s25+$0x50] =	vst v5  }
0x4ef: {  	v5 =	vor.u32 v13, v11;
	v11 =	vadd.s32 v30, v28;
	v6 =	vld.idx.msk [tilespmem:v6+s26+$0x0], $0xffff;
	[tilespmem:s6+$0x50] =	vst v14  }
0x4f0: {  	v13 =	vadd.s32 v30, v32;
	[tilespmem:s28+$0x60] =	vst v15;
	v11 =	vor.u32 v29, v11;
	v12 =	vld.idx.msk [tilespmem:v16+s26+$0x0], $0xffff  }
0x4f1: {  	v3 =	vld.idx.msk [tilespmem:v3+s26+$0x0], $0xffff;
	[tilespmem:s18+$0x60] =	vst v4;
	v4 =	vor.u32 v31, v13  }
0x4f2: {  	v7 =	vld.idx.msk [tilespmem:v7+s26+$0x0], $0xffff;
	[tilespmem:s23+$0x60] =	vst v8  }
0x4f3: {  	v8 =	vld.idx.msk [tilespmem:v9+s26+$0x0], $0xffff;
	[tilespmem:s24+$0x60] =	vst v10  }
0x4f4: {  	v5 =	vld.idx.msk [tilespmem:v5+s26+$0x0], $0xffff;
	[tilespmem:s25+$0x60] =	vst v6  }
0x4f5: {  	v6 =	vld.idx.msk [tilespmem:v11+s26+$0x0], $0xffff;
	[tilespmem:s6+$0x60] =	vst v12  }
0x4f6: {  	[tilespmem:s28+$0x70] =	vst v3;
	v3 =	vld.idx.msk [tilespmem:v4+s26+$0x0], $0xffff  }
0x4f7: {  	[tilespmem:s18+$0x70] =	vst v7  }
0x4f8: {  	[tilespmem:s23+$0x70] =	vst v8  }
0x4f9: {  	[tilespmem:s24+$0x70] =	vst v5  }
0x4fa: {  	[tilespmem:s25+$0x70] =	vst v6  }
0x4fb: {  	[tilespmem:s6+$0x70] =	vst v3  }
0x4fc: {  	v3 =	vld [tilespmem:$0x2400];
	_ =	sdelay $0x3  }
0x4fd: {  	s11 =	simm.s32 $0x0;
	v4 =	vld [tilespmem:$0x2480]  }
0x4fe: {  	v8 =	vmov s11;
	v5 =	vld [tilespmem:$0x2500];
	v7 =	vshll.u32 v3, $0x3  }
0x4ff: {  	v9 =	vshll.u32 v8, $0xA;
	v6 =	vld [tilespmem:$0x2580];
	v3 =	vand.u32 $0x7F, v3;
	v7 =	vand.u32 $0xFFFFFC00, v7  }
0x500: {  	v32 =	vand.u32 $0x6000, v9;
	v19 =	vld [tilespmem:$0x2600];
	v11 =	vor.u32 v3, v7;
	v3 =	vshll.u32 v8, $0x7  }
0x501: {  	v20 =	vld [tilespmem:$0x2680];
	v31 =	vand.u32 $0x380, v3;
	v3 =	vadd.s32 v11, v32  }
0x502: {  	v22 =	vld [tilespmem:$0x2700];
	v3 =	vor.u32 v31, v3  }
0x503: {  	v25 =	vld [tilespmem:$0x2780]  }
0x504: {  	v17 =	vld [tilespmem:$0x2800];
	v7 =	vshll.u32 v4, $0x3  }
0x505: {  	v16 =	vld [tilespmem:$0x2880];
	v4 =	vand.u32 $0x7F, v4;
	v7 =	vand.u32 $0xFFFFFC00, v7  }
0x506: {  	v10 =	vld [tilespmem:$0x2900];
	v14 =	vor.u32 v4, v7  }
0x507: {  	s12 =	simm.s32 $0x0;
	v4 =	vadd.s32 v14, v32;
	v3 =	vld.idx.msk [tilespmem:v3+s26+$0x0], $0xffff  }
0x508: {  	s2 =	smul.u32 $0x6000, s12;
	v9 =	vld [tilespmem:$0x2980];
	v4 =	vor.u32 v31, v4  }
0x509: {  	v13 =	vld [tilespmem:$0x2A00]  }
0x50a: {  	s0 =	sand.u32 $0x380, s11;
	s2 =	sshra.s32 s2, $0x2;
	v12 =	vld [tilespmem:$0x2A80];
	v7 =	vshll.u32 v5, $0x3  }
0x50b: {  	s13 =	simm.s32 $0x1;
	s0 =	sor.u32 s0, s2;
	v24 =	vld [tilespmem:$0x2B00];
	v5 =	vand.u32 $0x7F, v5;
	v7 =	vand.u32 $0xFFFFFC00, v7  }
0x50c: {  	v30 =	vld [tilespmem:$0x2B80];
	v15 =	vor.u32 v5, v7;
	v5 =	vmov s13;
	[tilespmem:s0+$0x19C00] =	vst v3  }
0x50d: {  	v7 =	vadd.s32 v15, v32;
	v3 =	vld.idx.msk [tilespmem:v4+s26+$0x0], $0xffff;
	v4 =	vshll.u32 v5, $0xA  }
0x50e: {  	v5 =	vshll.u32 v5, $0x7;
	v8 =	vand.u32 $0x6000, v4;
	v4 =	vor.u32 v31, v7  }
0x50f: {  	v7 =	vand.u32 $0x380, v5;
	v5 =	vadd.s32 v11, v8  }
0x510: {  	v18 =	vshll.u32 v6, $0x3;
	v5 =	vor.u32 v7, v5  }
0x511: {  	s2 =	sadd.s32 $0x19C00, s0;
	v6 =	vand.u32 $0x7F, v6;
	v18 =	vand.u32 $0xFFFFFC00, v18  }
0x512: {  	v18 =	vor.u32 v6, v18;
	[tilespmem:s2+$0x10] =	vst v3  }
0x513: {  	v3 =	vld.idx.msk [tilespmem:v4+s26+$0x0], $0xffff;
	v4 =	vadd.s32 v18, v32  }
0x514: {  	v4 =	vor.u32 v31, v4  }
0x515: {  	s16 =	simm.s32 $0x0;
	v6 =	vadd.s32 v14, v8;
	v5 =	vld.idx.msk [tilespmem:v5+s26+$0x0], $0xffff  }
0x516: {  	s5 =	smul.u32 $0x6000, s16;
	v21 =	vshll.u32 v19, $0x3;
	v6 =	vor.u32 v7, v6  }
0x517: {  	s17 =	simm.s32 $0x80;
	v19 =	vand.u32 $0x7F, v19;
	v21 =	vand.u32 $0xFFFFFC00, v21  }
0x518: {  	s5 =	sshra.s32 s5, $0x2;
	s6 =	sand.u32 $0x380, s17;
	v19 =	vor.u32 v19, v21;
	[tilespmem:s2+$0x20] =	vst v3  }
0x519: {  	s18 =	simm.s32 $0x2;
	s5 =	sor.u32 s6, s5;
	v3 =	vadd.s32 v19, v32;
	v23 =	vld.idx.msk [tilespmem:v4+s26+$0x0], $0xffff  }
0x51a: {  	v21 =	vand.u32 $0x7F, v20;
	v4 =	vmov s18;
	[tilespmem:s5+$0x19C00] =	vst v5;
	v5 =	vor.u32 v31, v3  }
0x51b: {  	v26 =	vadd.s32 v15, v8;
	v3 =	vshll.u32 v20, $0x3;
	v20 =	vshll.u32 v4, $0xA;
	v6 =	vld.idx.msk [tilespmem:v6+s26+$0x0], $0xffff  }
0x51c: {  	v27 =	vshll.u32 v4, $0x7;
	v4 =	vand.u32 $0x6000, v20;
	v20 =	vor.u32 v7, v26  }
0x51d: {  	v26 =	vand.u32 $0xFFFFFC00, v3;
	v3 =	vand.u32 $0x380, v27;
	v27 =	vadd.s32 v11, v4  }
0x51e: {  	v21 =	vor.u32 v21, v26;
	v26 =	vor.u32 v3, v27;
	[tilespmem:s2+$0x30] =	vst v23  }
0x51f: {  	s28 =	sadd.s32 $0x19C00, s5;
	v23 =	vadd.s32 v21, v32;
	v5 =	vld.idx.msk [tilespmem:v5+s26+$0x0], $0xffff  }
0x520: {  	[tilespmem:s28+$0x10] =	vst v6;
	v6 =	vor.u32 v31, v23  }
0x521: {  	v23 =	vadd.s32 v18, v8;
	v20 =	vld.idx.msk [tilespmem:v20+s26+$0x0], $0xffff  }
0x522: {  	v27 =	vshll.u32 v22, $0x3;
	v28 =	vor.u32 v7, v23  }
0x523: {  	s23 =	simm.s32 $0x0;
	v22 =	vand.u32 $0x7F, v22;
	v23 =	vand.u32 $0xFFFFFC00, v27;
	v27 =	vadd.s32 v14, v4;
	v26 =	vld.idx.msk [tilespmem:v26+s26+$0x0], $0xffff  }
0x524: {  	s6 =	smul.u32 $0x6000, s23;
	v23 =	vor.u32 v22, v23;
	v22 =	vor.u32 v3, v27;
	[tilespmem:s2+$0x40] =	vst v5  }
0x525: {  	s24 =	simm.s32 $0x100;
	v5 =	vadd.s32 v23, v32;
	v6 =	vld.idx.msk [tilespmem:v6+s26+$0x0], $0xffff  }
0x526: {  	s11 =	sand.u32 $0x380, s24;
	s25 =	simm.s32 $0x3;
	s6 =	sshra.s32 s6, $0x2;
	v27 =	vand.u32 $0x7F, v25;
	v25 =	vshll.u32 v25, $0x3;
	[tilespmem:s28+$0x20] =	vst v20;
	v20 =	vor.u32 v31, v5  }
0x527: {  	v29 =	vmov s25;
	s13 =	sor.u32 s11, s6;
	v54 =	vadd.s32 v19, v8;
	v5 =	vand.u32 $0xFFFFFC00, v25;
	v28 =	vld.idx.msk [tilespmem:v28+s26+$0x0], $0xffff  }
0x528: {  	v25 =	vor.u32 v27, v5;
	[tilespmem:s13+$0x19C00] =	vst v26;
	v26 =	vor.u32 v7, v54;
	v5 =	vshll.u32 v29, $0xA  }
0x529: {  	v27 =	vshll.u32 v29, $0x7;
	v29 =	vadd.s32 v15, v4;
	v22 =	vld.idx.msk [tilespmem:v22+s26+$0x0], $0xffff;
	v5 =	vand.u32 $0x6000, v5  }
0x52a: {  	v29 =	vor.u32 v3, v29;
	[tilespmem:s2+$0x50] =	vst v6;
	v6 =	vand.u32 $0x380, v27;
	v27 =	vadd.s32 v11, v5  }
0x52b: {  	v55 =	vadd.s32 v25, v32;
	v20 =	vld.idx.msk [tilespmem:v20+s26+$0x0], $0xffff;
	v27 =	vor.u32 v6, v27  }
0x52c: {  	s16 =	simm.s32 $0x4;
	[tilespmem:s28+$0x30] =	vst v28;
	v28 =	vor.u32 v31, v55  }
0x52d: {  	v43 =	vmov s16;
	v56 =	vshll.u32 v17, $0x3;
	s24 =	sadd.s32 $0x19C00, s13;
	v57 =	vld.idx.msk [tilespmem:v26+s26+$0x0], $0xffff;
	v26 =	vadd.s32 v21, v8  }
0x52e: {  	v17 =	vand.u32 $0x7F, v17;
	v33 =	vand.u32 $0xFFFFFC00, v56;
	[tilespmem:s24+$0x10] =	vst v22;
	v58 =	vor.u32 v7, v26  }
0x52f: {  	v22 =	vadd.s32 v18, v4;
	v26 =	vor.u32 v17, v33;
	v17 =	vand.u32 $0x7F, v16;
	v29 =	vld.idx.msk [tilespmem:v29+s26+$0x0], $0xffff  }
0x530: {  	s11 =	simm.s32 $0x0;
	v16 =	vshll.u32 v16, $0x3;
	v59 =	vor.u32 v3, v22;
	v27 =	vld.idx.msk [tilespmem:v27+s26+$0x0], $0xffff;
	[tilespmem:s2+$0x60] =	vst v20;
	v20 =	vadd.s32 v14, v5  }
0x531: {  	s6 =	smul.u32 $0x6000, s11;
	v16 =	vand.u32 $0xFFFFFC00, v16;
	v60 =	vadd.s32 v26, v32;
	v28 =	vld.idx.msk [tilespmem:v28+s26+$0x0], $0xffff;
	v20 =	vor.u32 v6, v20  }
0x532: {  	s12 =	simm.s32 $0x180;
	v61 =	vand.u32 $0x7F, v10;
	v22 =	vor.u32 v17, v16;
	v17 =	vor.u32 v31, v60;
	[tilespmem:s28+$0x40] =	vst v57  }
0x533: {  	v63 =	vand.u32 $0x7F, v9;
	s11 =	sand.u32 $0x380, s12;
	s6 =	sshra.s32 s6, $0x2;
	v62 =	vadd.s32 v23, v8;
	v16 =	vshll.u32 v10, $0x3;
	v10 =	vld.idx.msk [tilespmem:v58+s26+$0x0], $0xffff  }
0x534: {  	v44 =	vshll.u32 v9, $0x3;
	s23 =	sor.u32 s11, s6;
	v9 =	vadd.s32 v19, v4;
	[tilespmem:s24+$0x20] =	vst v29;
	v29 =	vor.u32 v7, v62  }
0x535: {  	v45 =	vor.u32 v3, v9;
	v9 =	vshll.u32 v43, $0xA;
	v33 =	vld.idx.msk [tilespmem:v59+s26+$0x0], $0xffff;
	[tilespmem:s23+$0x19C00] =	vst v27  }
0x536: {  	v49 =	vand.u32 $0x7F, v13;
	v9 =	vand.u32 $0x6000, v9;
	v38 =	vld.idx.msk [tilespmem:v20+s26+$0x0], $0xffff;
	[tilespmem:s2+$0x70] =	vst v28;
	v20 =	vadd.s32 v15, v5  }
0x537: {  	v27 =	vshll.u32 v43, $0x7;
	v17 =	vld.idx.msk [tilespmem:v17+s26+$0x0], $0xffff;
	v28 =	vor.u32 v6, v20;
	v20 =	vadd.s32 v22, v32  }
0x538: {  	[tilespmem:s28+$0x50] =	vst v10;
	v10 =	vand.u32 $0x380, v27;
	v27 =	vadd.s32 v11, v9;
	v46 =	vor.u32 v31, v20  }
0x539: {  	v48 =	vadd.s32 v25, v8;
	v16 =	vand.u32 $0xFFFFFC00, v16;
	v29 =	vld.idx.msk [tilespmem:v29+s26+$0x0], $0xffff;
	v47 =	vor.u32 v10, v27  }
0x53a: {  	v13 =	vshll.u32 v13, $0x3;
	s6 =	sadd.s32 $0x19C00, s23;
	v27 =	vor.u32 v61, v16;
	[tilespmem:s24+$0x30] =	vst v33;
	v16 =	vor.u32 v7, v48  }
0x53b: {  	v13 =	vand.u32 $0xFFFFFC00, v13;
	v51 =	vadd.s32 v21, v4;
	v52 =	vadd.s32 v18, v5;
	v50 =	vld.idx.msk [tilespmem:v45+s26+$0x0], $0xffff;
	[tilespmem:s6+$0x10] =	vst v38  }
0x53c: {  	v36 =	vor.u32 v3, v51;
	v53 =	vor.u32 v6, v52;
	v55 =	vshll.u32 v12, $0x3;
	v28 =	vld.idx.msk [tilespmem:v28+s26+$0x0], $0xffff;
	[tilespmem:s0+$0x1A000] =	vst v17  }
0x53d: {  	v52 =	vadd.s32 v26, v4;
	v54 =	vadd.s32 v27, v32;
	v17 =	vor.u32 v49, v13;
	v13 =	vld.idx.msk [tilespmem:v46+s26+$0x0], $0xffff  }
0x53e: {  	s17 =	simm.s32 $0x0;
	v12 =	vand.u32 $0x7F, v12;
	v35 =	vor.u32 v31, v54;
	v37 =	vld.idx.msk [tilespmem:v47+s26+$0x0], $0xffff;
	[tilespmem:s28+$0x60] =	vst v29;
	v29 =	vadd.s32 v14, v9  }
0x53f: {  	s2 =	smul.u32 $0x6000, s17;
	v38 =	vand.u32 $0xFFFFFC00, v55;
	v56 =	vld.idx.msk [tilespmem:v16+s26+$0x0], $0xffff;
	v29 =	vor.u32 v10, v29;
	v16 =	vadd.s32 v26, v8  }
0x540: {  	s16 =	simm.s32 $0x200;
	s18 =	simm.s32 $0x5;
	[tilespmem:s24+$0x40] =	vst v50;
	v57 =	vor.u32 v7, v16;
	v16 =	vor.u32 v12, v38;
	v12 =	vadd.s32 v23, v4  }
0x541: {  	s25 =	sadd.s32 $0x1A000, s0;
	s12 =	sand.u32 $0x380, s16;
	v20 =	vand.u32 $0xFFFFFC00, v44;
	s2 =	sshra.s32 s2, $0x2;
	v36 =	vld.idx.msk [tilespmem:v36+s26+$0x0], $0xffff;
	[tilespmem:s6+$0x20] =	vst v28;
	v58 =	vor.u32 v3, v12;
	v12 =	vmov s18  }
0x542: {  	v20 =	vor.u32 v63, v20;
	s2 =	sor.u32 s12, s2;
	v28 =	vld.idx.msk [tilespmem:v53+s26+$0x0], $0xffff;
	[tilespmem:s25+$0x10] =	vst v13;
	v13 =	vadd.s32 v19, v5;
	v59 =	vshll.u32 v12, $0x7  }
0x543: {  	v12 =	vshll.u32 v12, $0xA;
	[tilespmem:s2+$0x19C00] =	vst v37;
	v35 =	vld.idx.msk [tilespmem:v35+s26+$0x0], $0xffff;
	v60 =	vor.u32 v6, v13;
	v13 =	vadd.s32 v20, v32  }
0x544: {  	v61 =	vadd.s32 v15, v9;
	v12 =	vand.u32 $0x6000, v12;
	v29 =	vld.idx.msk [tilespmem:v29+s26+$0x0], $0xffff;
	v62 =	vor.u32 v31, v13  }
0x545: {  	v39 =	vor.u32 v10, v61;
	[tilespmem:s28+$0x70] =	vst v56;
	v13 =	vand.u32 $0x380, v59;
	v44 =	vadd.s32 v11, v12  }
0x546: {  	v63 =	vadd.s32 v22, v8;
	v34 =	vld.idx.msk [tilespmem:v57+s26+$0x0], $0xffff;
	[tilespmem:s24+$0x50] =	vst v36;
	v36 =	vor.u32 v13, v44  }
0x547: {  	v45 =	vor.u32 v7, v63;
	v46 =	vand.u32 $0x7F, v24;
	v33 =	vld.idx.msk [tilespmem:v58+s26+$0x0], $0xffff;
	[tilespmem:s6+$0x30] =	vst v28;
	v28 =	vadd.s32 v25, v4  }
0x548: {  	s0 =	sadd.s32 $0x19C00, s2;
	v24 =	vshll.u32 v24, $0x3;
	v47 =	vadd.s32 v21, v5;
	v38 =	vld.idx.msk [tilespmem:v60+s26+$0x0], $0xffff;
	v28 =	vor.u32 v3, v28;
	[tilespmem:s25+$0x20] =	vst v35  }
0x549: {  	v48 =	vadd.s32 v17, v32;
	v24 =	vand.u32 $0xFFFFFC00, v24;
	v35 =	vor.u32 v6, v47;
	[tilespmem:s0+$0x10] =	vst v29;
	v29 =	vld.idx.msk [tilespmem:v62+s26+$0x0], $0xffff  }
0x54a: {  	v49 =	vadd.s32 v18, v9;
	v40 =	vor.u32 v31, v48;
	v24 =	vor.u32 v46, v24;
	v39 =	vld.idx.msk [tilespmem:v39+s26+$0x0], $0xffff  }
0x54b: {  	s17 =	simm.s32 $0x0;
	v51 =	vadd.s32 v14, v12;
	[tilespmem:s5+$0x1A000] =	vst v34;
	v34 =	vor.u32 v10, v49;
	v36 =	vld.idx.msk [tilespmem:v36+s26+$0x0], $0xffff  }
0x54c: {  	s11 =	smul.u32 $0x6000, s17;
	v50 =	vadd.s32 v27, v8;
	v37 =	vld.idx.msk [tilespmem:v45+s26+$0x0], $0xffff;
	[tilespmem:s24+$0x60] =	vst v33;
	v33 =	vor.u32 v13, v51  }
0x54d: {  	s16 =	simm.s32 $0x280;
	v41 =	vor.u32 v7, v50;
	v56 =	vadd.s32 v19, v9;
	v28 =	vld.idx.msk [tilespmem:v28+s26+$0x0], $0xffff;
	[tilespmem:s6+$0x40] =	vst v38  }
0x54e: {  	s16 =	sand.u32 $0x380, s16;
	s11 =	sshra.s32 s11, $0x2;
	v38 =	vor.u32 v3, v52;
	v35 =	vld.idx.msk [tilespmem:v35+s26+$0x0], $0xffff;
	[tilespmem:s25+$0x30] =	vst v29;
	v29 =	vadd.s32 v23, v5  }
0x54f: {  	s28 =	sor.u32 s16, s11;
	[tilespmem:s0+$0x20] =	vst v39;
	v53 =	vld.idx.msk [tilespmem:v40+s26+$0x0], $0xffff;
	v54 =	vor.u32 v6, v29;
	v29 =	vadd.s32 v16, v32  }
0x550: {  	s29 =	sadd.s32 $0x1A000, s5;
	s18 =	simm.s32 $0x6;
	v61 =	vadd.s32 v15, v12;
	[tilespmem:s28+$0x19C00] =	vst v36;
	v34 =	vld.idx.msk [tilespmem:v34+s26+$0x0], $0xffff;
	v57 =	vor.u32 v31, v29  }
0x551: {  	v55 =	vmov s18;
	v59 =	vor.u32 v10, v56;
	v60 =	vadd.s32 v20, v8;
	[tilespmem:s29+$0x10] =	vst v37;
	v33 =	vld.idx.msk [tilespmem:v33+s26+$0x0], $0xffff  }
0x552: {  	v42 =	vor.u32 v7, v60;
	v37 =	vor.u32 v13, v61;
	v58 =	vld.idx.msk [tilespmem:v41+s26+$0x0], $0xffff;
	[tilespmem:s24+$0x70] =	vst v28;
	v28 =	vshll.u32 v55, $0xA  }
0x553: {  	v62 =	vadd.s32 v22, v4;
	v29 =	vshll.u32 v55, $0x7;
	v38 =	vld.idx.msk [tilespmem:v38+s26+$0x0], $0xffff;
	v28 =	vand.u32 $0x6000, v28;
	[tilespmem:s6+$0x50] =	vst v35  }
0x554: {  	v29 =	vand.u32 $0x380, v29;
	v35 =	vor.u32 v3, v62;
	v63 =	vadd.s32 v11, v28;
	v40 =	vld.idx.msk [tilespmem:v54+s26+$0x0], $0xffff;
	[tilespmem:s25+$0x40] =	vst v53  }
0x555: {  	v49 =	vadd.s32 v25, v5;
	s5 =	sadd.s32 $0x19C00, s28;
	v48 =	vor.u32 v29, v63;
	[tilespmem:s0+$0x30] =	vst v34;
	v43 =	vld.idx.msk [tilespmem:v57+s26+$0x0], $0xffff  }
0x556: {  	v50 =	vand.u32 $0x7F, v30;
	v51 =	vadd.s32 v24, v32;
	v34 =	vor.u32 v6, v49;
	[tilespmem:s5+$0x10] =	vst v33;
	v41 =	vld.idx.msk [tilespmem:v59+s26+$0x0], $0xffff  }
0x557: {  	v30 =	vshll.u32 v30, $0x3;
	v52 =	vadd.s32 v21, v9;
	v36 =	vor.u32 v31, v51;
	[tilespmem:s29+$0x20] =	vst v58;
	v53 =	vld.idx.msk [tilespmem:v37+s26+$0x0], $0xffff  }
0x558: {  	v30 =	vand.u32 $0xFFFFFC00, v30;
	v55 =	vadd.s32 v18, v12;
	v33 =	vor.u32 v10, v52;
	v42 =	vld.idx.msk [tilespmem:v42+s26+$0x0], $0xffff;
	[tilespmem:s13+$0x1A000] =	vst v38  }
0x559: {  	v30 =	vor.u32 v50, v30;
	v47 =	vor.u32 v13, v55;
	v54 =	vadd.s32 v17, v8;
	v35 =	vld.idx.msk [tilespmem:v35+s26+$0x0], $0xffff  }
0x55a: {  	v56 =	vor.u32 v7, v54;
	v57 =	vadd.s32 v27, v4;
	[tilespmem:s6+$0x60] =	vst v40;
	v46 =	vld.idx.msk [tilespmem:v48+s26+$0x0], $0xffff  }
0x55b: {  	s16 =	simm.s32 $0x0;
	v58 =	vadd.s32 v14, v28;
	v59 =	vor.u32 v3, v57;
	v48 =	vld.idx.msk [tilespmem:v34+s26+$0x0], $0xffff;
	[tilespmem:s25+$0x50] =	vst v43  }
0x55c: {  	s17 =	smul.u32 $0x6000, s16;
	v32 =	vadd.s32 v30, v32;
	v60 =	vor.u32 v29, v58;
	[tilespmem:s0+$0x40] =	vst v41;
	v36 =	vld.idx.msk [tilespmem:v36+s26+$0x0], $0xffff  }
0x55d: {  	s11 =	simm.s32 $0x300;
	v61 =	vadd.s32 v26, v5;
	v62 =	vadd.s32 v23, v9;
	[tilespmem:s5+$0x20] =	vst v53;
	v37 =	vld.idx.msk [tilespmem:v33+s26+$0x0], $0xffff  }
0x55e: {  	s18 =	sand.u32 $0x380, s11;
	s17 =	sshra.s32 s17, $0x2;
	s24 =	sadd.s32 $0x1A000, s13;
	v63 =	vadd.s32 v19, v12;
	v34 =	vor.u32 v6, v61;
	[tilespmem:s29+$0x30] =	vst v42;
	v42 =	vld.idx.msk [tilespmem:v47+s26+$0x0], $0xffff  }
0x55f: {  	s12 =	simm.s32 $0x7;
	v38 =	vor.u32 v31, v32;
	s13 =	sor.u32 s18, s17;
	v31 =	vadd.s32 v16, v8;
	v39 =	vld.idx.msk [tilespmem:v56+s26+$0x0], $0xffff;
	[tilespmem:s24+$0x10] =	vst v35  }
0x560: {  	v32 =	vmov s12;
	v40 =	vor.u32 v7, v31;
	v41 =	vor.u32 v10, v62;
	[tilespmem:s13+$0x19C00] =	vst v46;
	v33 =	vld.idx.msk [tilespmem:v59+s26+$0x0], $0xffff  }
0x561: {  	s16 =	simm.s32 $0x8;
	v31 =	vshll.u32 v32, $0x7;
	v43 =	vor.u32 v13, v63;
	v35 =	vadd.s32 v20, v4;
	[tilespmem:s6+$0x70] =	vst v48;
	v44 =	vld.idx.msk [tilespmem:v60+s26+$0x0], $0xffff  }
.LBB2_17:
0x562: {  	v32 =	vshll.u32 v32, $0xA;
	v45 =	vadd.s32 v15, v28;
	v35 =	vor.u32 v3, v35  }
0x563: {  	p0 =	sne.s32 s16, $0x1F;
	v34 =	vld.idx.msk [tilespmem:v34+s26+$0x0], $0xffff;
	[tilespmem:s25+$0x60] =	vst v36;
	v46 =	vmovc v12;
	v12 =	vmovc v28;
	v47 =	vmov v7;
	v7 =	vmov v3;
	v3 =	vmov v6  }
0x564: {  	v28 =	vand.u32 $0x6000, v32;
	v32 =	vor.u32 v29, v45;
	[tilespmem:s0+$0x50] =	vst v37;
	v45 =	vadd.s32 v22, v5;
	v36 =	vld.idx.msk [tilespmem:v38+s26+$0x0], $0xffff  }
0x565: {  	v31 =	vand.u32 $0x380, v31;
	v37 =	vadd.s32 v11, v28;
	v38 =	vld.idx.msk [tilespmem:v41+s26+$0x0], $0xffff;
	v41 =	vor.u32 v3, v45;
	[tilespmem:s29+$0x40] =	vst v39  }
0x566: {  	v6 =	vmov v10;
	v39 =	vadd.s32 v25, v9;
	v37 =	vor.u32 v31, v37;
	[tilespmem:s5+$0x30] =	vst v42;
	v40 =	vld.idx.msk [tilespmem:v40+s26+$0x0], $0xffff  }
0x567: {  	s6 =	sadd.s32 $0x19C00, s13;
	v10 =	vmov v13;
	v39 =	vor.u32 v6, v39;
	v42 =	vld.idx.msk [tilespmem:v43+s26+$0x0], $0xffff;
	[tilespmem:s24+$0x20] =	vst v33;
	v33 =	vadd.s32 v24, v8  }
0x568: {  	v13 =	vmov v29;
	v43 =	vadd.s32 v21, v46;
	[tilespmem:s6+$0x10] =	vst v44;
	v35 =	vld.idx.msk [tilespmem:v35+s26+$0x0], $0xffff;
	v33 =	vor.u32 v47, v33  }
0x569: {  	v29 =	vmov v31;
	v43 =	vor.u32 v10, v43;
	v32 =	vld.idx.msk [tilespmem:v32+s26+$0x0], $0xffff;
	[tilespmem:s23+$0x1A000] =	vst v34;
	v34 =	vadd.s32 v17, v4  }
0x56a: {  	v31 =	vadd.s32 v18, v12;
	v44 =	vld.idx.msk [tilespmem:v41+s26+$0x0], $0xffff;
	v41 =	vor.u32 v7, v34;
	[tilespmem:s25+$0x70] =	vst v36;
	s25 =	smov.u32 s29;
	s29 =	smov.u32 s24  }
0x56b: {  	v31 =	vor.u32 v13, v31;
	v34 =	vadd.s32 v27, v5;
	v45 =	vld.idx.msk [tilespmem:v37+s26+$0x0], $0xffff;
	[tilespmem:s0+$0x60] =	vst v38  }
0x56c: {  	s17 =	sshrl.u32 s12, $0x3;
	s12 =	smov.u32 s16;
	v36 =	vadd.s32 v14, v28;
	v49 =	vor.u32 v3, v34;
	v48 =	vld.idx.msk [tilespmem:v39+s26+$0x0], $0xffff;
	[tilespmem:s25+$0x50] =	vst v40  }
0x56d: {  	s17 =	smul.u32 $0x6000, s17;
	v50 =	vor.u32 v29, v36;
	v34 =	vadd.s32 v26, v9;
	[tilespmem:s5+$0x40] =	vst v42;
	v36 =	vld.idx.msk [tilespmem:v33+s26+$0x0], $0xffff  }
.Ltmp10:
0x56e: {  	s11 =	sadd.s32 $0x80, s11;
	v34 =	vor.u32 v6, v34;
	v33 =	vadd.s32 v30, v8;
	v8 =	vmov v4;
	v37 =	vld.idx.msk [tilespmem:v43+s26+$0x0], $0xffff;
	[tilespmem:s29+$0x30] =	vst v35;
	(pc) =	sbr.rel @p0 .LBB2_17-.Ltmp10, $4  }
0x56f: {  	s18 =	sand.u32 $0x380, s11;
	s17 =	sshra.s32 s17, $0x2;
	s24 =	sadd.s32 $0x1A000, s23;
	v4 =	vmov v5;
	v38 =	vor.u32 v47, v33;
	[tilespmem:s6+$0x20] =	vst v32;
	v32 =	vadd.s32 v23, v46;
	v39 =	vld.idx.msk [tilespmem:v41+s26+$0x0], $0xffff  }
0x570: {  	s17 =	sor.u32 s18, s17;
	s23 =	smov.u32 s2;
	s2 =	smov.u32 s28;
	v5 =	vmov v9;
	v42 =	vld.idx.msk [tilespmem:v31+s26+$0x0], $0xffff;
	v41 =	vor.u32 v10, v32;
	[tilespmem:s24+$0x10] =	vst v44;
	v31 =	vadd.s32 v16, v8  }
0x571: {  	s28 =	smov.u32 s13;
	s13 =	smov.u32 s17;
	v9 =	vmovc v46;
	v35 =	vadd.s32 v19, v12;
	v32 =	vmov s16;
	[tilespmem:s17+$0x19C00] =	vst v45;
	v33 =	vld.idx.msk [tilespmem:v49+s26+$0x0], $0xffff;
	v40 =	vor.u32 v7, v31  }
0x572: {  	v43 =	vor.u32 v13, v35;
	v35 =	vadd.s32 v20, v4;
	s16 =	sadd.s32 $0x1, s16;
	v31 =	vshll.u32 v32, $0x7;
	v44 =	vld.idx.msk [tilespmem:v50+s26+$0x0], $0xffff;
	[tilespmem:s0+$0x70] =	vst v48;
	s0 =	smov.u32 s5;
	s5 =	smov.u32 s6  }
0x573: {  	v32 =	vshll.u32 v32, $0xA  }
0x574: {  	v32 =	vand.u32 $0x6000, v32  }
0x575: {  	v31 =	vand.u32 $0x380, v31;
	v11 =	vadd.s32 v11, v32  }
0x576: {  	v11 =	vor.u32 v31, v11;
	_ =	sdelay $0x4  }
0x577: {  	s6 =	sshrl.u32 s12, $0x3;
	v14 =	vadd.s32 v14, v32;
	v11 =	vld.idx.msk [tilespmem:v11+s26+$0x0], $0xffff  }
0x578: {  	s6 =	smul.u32 $0x6000, s6;
	v14 =	vor.u32 v31, v14  }
0x579: {  	s11 =	sadd.s32 $0x80, s11  }
0x57a: {  	s11 =	sand.u32 $0x380, s11;
	s6 =	sshra.s32 s6, $0x2  }
0x57b: {  	s6 =	sor.u32 s11, s6  }
0x57c: {  	v45 =	vadd.s32 v15, v28;
	[tilespmem:s6+$0x19C00] =	vst v11  }
0x57d: {  	v53 =	vor.u32 v29, v45;
	v54 =	vadd.s32 v15, v32;
	v14 =	vld.idx.msk [tilespmem:v14+s26+$0x0], $0xffff  }
0x57e: {  	v15 =	vor.u32 v31, v54;
	_ =	sdelay $0x1  }
0x57f: {  	s18 =	sadd.s32 $0x19C00, s13  }
0x580: {  	[tilespmem:s18+$0x10] =	vst v44;
	s11 =	sadd.s32 $0x19C00, s6  }
0x581: {  	v55 =	vadd.s32 v18, v28;
	v11 =	vld.idx.msk [tilespmem:v53+s26+$0x0], $0xffff;
	[tilespmem:s11+$0x10] =	vst v14  }
0x582: {  	v56 =	vor.u32 v29, v55;
	v57 =	vadd.s32 v18, v32;
	v15 =	vld.idx.msk [tilespmem:v15+s26+$0x0], $0xffff  }
0x583: {  	v18 =	vor.u32 v31, v57;
	_ =	sdelay $0x2  }
0x584: {  	[tilespmem:s18+$0x20] =	vst v11  }
0x585: {  	v58 =	vadd.s32 v19, v28;
	v11 =	vld.idx.msk [tilespmem:v56+s26+$0x0], $0xffff;
	[tilespmem:s11+$0x20] =	vst v15  }
0x586: {  	v59 =	vadd.s32 v19, v32;
	v14 =	vor.u32 v29, v58;
	v15 =	vld.idx.msk [tilespmem:v18+s26+$0x0], $0xffff  }
0x587: {  	v18 =	vor.u32 v31, v59;
	_ =	sdelay $0x1  }
0x588: {  	[tilespmem:s5+$0x30] =	vst v42  }
0x589: {  	v61 =	vadd.s32 v21, v12;
	v60 =	vld.idx.msk [tilespmem:v43+s26+$0x0], $0xffff;
	[tilespmem:s18+$0x30] =	vst v11  }
0x58a: {  	v63 =	vadd.s32 v21, v28;
	v62 =	vor.u32 v13, v61;
	v14 =	vld.idx.msk [tilespmem:v14+s26+$0x0], $0xffff;
	[tilespmem:s11+$0x30] =	vst v15  }
0x58b: {  	v45 =	vor.u32 v29, v63;
	v46 =	vadd.s32 v21, v32;
	v18 =	vld.idx.msk [tilespmem:v18+s26+$0x0], $0xffff  }
0x58c: {  	v21 =	vor.u32 v31, v46;
	_ =	sdelay $0x1  }
0x58d: {  	[tilespmem:s5+$0x40] =	vst v60  }
0x58e: {  	v47 =	vadd.s32 v23, v12;
	v11 =	vld.idx.msk [tilespmem:v62+s26+$0x0], $0xffff;
	[tilespmem:s18+$0x40] =	vst v14  }
0x58f: {  	v49 =	vadd.s32 v23, v28;
	v48 =	vor.u32 v13, v47;
	v15 =	vld.idx.msk [tilespmem:v45+s26+$0x0], $0xffff;
	[tilespmem:s11+$0x40] =	vst v18  }
0x590: {  	v50 =	vor.u32 v29, v49;
	v52 =	vadd.s32 v23, v32;
	v51 =	vld.idx.msk [tilespmem:v21+s26+$0x0], $0xffff  }
0x591: {  	[tilespmem:s0+$0x50] =	vst v37;
	v21 =	vor.u32 v31, v52  }
0x592: {  	v54 =	vadd.s32 v25, v9;
	v53 =	vld.idx.msk [tilespmem:v41+s26+$0x0], $0xffff  }
0x593: {  	v55 =	vor.u32 v10, v54;
	[tilespmem:s5+$0x50] =	vst v11  }
0x594: {  	v56 =	vadd.s32 v25, v12;
	v14 =	vld.idx.msk [tilespmem:v48+s26+$0x0], $0xffff;
	[tilespmem:s18+$0x50] =	vst v15  }
0x595: {  	v58 =	vadd.s32 v25, v28;
	v57 =	vor.u32 v13, v56;
	v18 =	vld.idx.msk [tilespmem:v50+s26+$0x0], $0xffff;
	[tilespmem:s11+$0x50] =	vst v51  }
0x596: {  	[tilespmem:s29+$0x40] =	vst v39;
	v60 =	vadd.s32 v25, v32;
	v59 =	vor.u32 v29, v58;
	v21 =	vld.idx.msk [tilespmem:v21+s26+$0x0], $0xffff  }
0x597: {  	v61 =	vld.idx.msk [tilespmem:v40+s26+$0x0], $0xffff;
	[tilespmem:s0+$0x60] =	vst v53;
	v25 =	vor.u32 v31, v60;
	v62 =	vadd.s32 v24, v8  }
0x598: {  	[tilespmem:s25+$0x60] =	vst v36;
	v63 =	vadd.s32 v26, v9;
	v37 =	vor.u32 v7, v62;
	v11 =	vld.idx.msk [tilespmem:v55+s26+$0x0], $0xffff  }
0x599: {  	v38 =	vld.idx.msk [tilespmem:v38+s26+$0x0], $0xffff;
	v39 =	vor.u32 v10, v63;
	[tilespmem:s5+$0x60] =	vst v14  }
0x59a: {  	v40 =	vadd.s32 v26, v12;
	v15 =	vld.idx.msk [tilespmem:v57+s26+$0x0], $0xffff;
	[tilespmem:s18+$0x60] =	vst v18  }
0x59b: {  	v42 =	vadd.s32 v26, v28;
	v41 =	vor.u32 v13, v40;
	v19 =	vld.idx.msk [tilespmem:v59+s26+$0x0], $0xffff;
	[tilespmem:s11+$0x60] =	vst v21  }
0x59c: {  	v43 =	vor.u32 v29, v42;
	[tilespmem:s29+$0x50] =	vst v61;
	v45 =	vadd.s32 v26, v32;
	v44 =	vld.idx.msk [tilespmem:v25+s26+$0x0], $0xffff  }
0x59d: {  	v47 =	vadd.s32 v30, v8;
	v46 =	vld.idx.msk [tilespmem:v37+s26+$0x0], $0xffff;
	[tilespmem:s0+$0x70] =	vst v11;
	v25 =	vor.u32 v31, v45  }
0x59e: {  	[tilespmem:s25+$0x70] =	vst v38;
	v14 =	vld.idx.msk [tilespmem:v39+s26+$0x0], $0xffff;
	v50 =	vor.u32 v7, v47;
	v52 =	vadd.s32 v22, v9  }
0x59f: {  	v49 =	vadd.s32 v22, v5;
	v48 =	vld.idx.msk [tilespmem:v34+s26+$0x0], $0xffff;
	[tilespmem:s5+$0x70] =	vst v15;
	v15 =	vor.u32 v10, v52  }
0x5a0: {  	v53 =	vadd.s32 v22, v12;
	v18 =	vld.idx.msk [tilespmem:v41+s26+$0x0], $0xffff;
	v51 =	vor.u32 v6, v49;
	[tilespmem:s18+$0x70] =	vst v19  }
0x5a1: {  	v54 =	vadd.s32 v22, v28;
	v19 =	vor.u32 v13, v53;
	v21 =	vld.idx.msk [tilespmem:v43+s26+$0x0], $0xffff;
	[tilespmem:s11+$0x70] =	vst v44  }
0x5a2: {  	v23 =	vor.u32 v29, v54;
	v55 =	vadd.s32 v22, v32;
	[tilespmem:s29+$0x60] =	vst v46;
	v25 =	vld.idx.msk [tilespmem:v25+s26+$0x0], $0xffff  }
0x5a3: {  	v56 =	vor.u32 v31, v55;
	[tilespmem:s2+$0x1A000] =	vst v14;
	v7 =	vld.idx.msk [tilespmem:v50+s26+$0x0], $0xffff  }
0x5a4: {  	[tilespmem:s23+$0x1A000] =	vst v48;
	v59 =	vadd.s32 v27, v9;
	v15 =	vld.idx.msk [tilespmem:v15+s26+$0x0], $0xffff  }
0x5a5: {  	v57 =	vadd.s32 v27, v5;
	v60 =	vor.u32 v10, v59;
	[tilespmem:s28+$0x1A000] =	vst v18;
	v8 =	vld.idx.msk [tilespmem:v51+s26+$0x0], $0xffff  }
0x5a6: {  	v61 =	vadd.s32 v27, v12;
	v58 =	vor.u32 v6, v57;
	v19 =	vld.idx.msk [tilespmem:v19+s26+$0x0], $0xffff;
	[tilespmem:s13+$0x1A000] =	vst v21  }
0x5a7: {  	v62 =	vor.u32 v13, v61;
	v34 =	vadd.s32 v27, v28;
	v63 =	vld.idx.msk [tilespmem:v23+s26+$0x0], $0xffff;
	[tilespmem:s6+$0x1A000] =	vst v25  }
0x5a8: {  	s25 =	sadd.s32 $0x1A000, s2;
	v37 =	vadd.s32 v27, v32;
	v36 =	vor.u32 v29, v34;
	[tilespmem:s29+$0x70] =	vst v7;
	v11 =	vld.idx.msk [tilespmem:v56+s26+$0x0], $0xffff  }
0x5a9: {  	v38 =	vor.u32 v31, v37;
	s23 =	sadd.s32 $0x1A000, s23;
	[tilespmem:s25+$0x10] =	vst v15  }
0x5aa: {  	v42 =	vadd.s32 v20, v9;
	v39 =	vor.u32 v3, v35;
	s28 =	sadd.s32 $0x1A000, s28;
	v18 =	vld.idx.msk [tilespmem:v60+s26+$0x0], $0xffff;
	[tilespmem:s23+$0x10] =	vst v8  }
0x5ab: {  	v40 =	vadd.s32 v20, v5;
	s29 =	sadd.s32 $0x1A000, s13;
	v43 =	vor.u32 v10, v42;
	v14 =	vld.idx.msk [tilespmem:v58+s26+$0x0], $0xffff;
	[tilespmem:s28+$0x10] =	vst v19  }
0x5ac: {  	v41 =	vor.u32 v6, v40;
	v44 =	vadd.s32 v20, v12;
	v21 =	vld.idx.msk [tilespmem:v62+s26+$0x0], $0xffff;
	[tilespmem:s29+$0x10] =	vst v63;
	s6 =	sadd.s32 $0x1A000, s6  }
0x5ad: {  	v46 =	vadd.s32 v20, v28;
	v45 =	vor.u32 v13, v44;
	v7 =	vld.idx.msk [tilespmem:v36+s26+$0x0], $0xffff;
	[tilespmem:s6+$0x10] =	vst v11  }
0x5ae: {  	[tilespmem:s24+$0x20] =	vst v33;
	v48 =	vadd.s32 v20, v32;
	v47 =	vor.u32 v29, v46;
	v8 =	vld.idx.msk [tilespmem:v38+s26+$0x0], $0xffff  }
0x5af: {  	v50 =	vor.u32 v31, v48;
	v49 =	vadd.s32 v17, v4;
	v23 =	vld.idx.msk [tilespmem:v39+s26+$0x0], $0xffff;
	[tilespmem:s25+$0x20] =	vst v18  }
0x5b0: {  	v54 =	vadd.s32 v17, v9;
	v51 =	vor.u32 v3, v49;
	v19 =	vld.idx.msk [tilespmem:v43+s26+$0x0], $0xffff;
	[tilespmem:s23+$0x20] =	vst v14  }
0x5b1: {  	v55 =	vor.u32 v10, v54;
	v52 =	vadd.s32 v17, v5;
	v15 =	vld.idx.msk [tilespmem:v41+s26+$0x0], $0xffff;
	[tilespmem:s28+$0x20] =	vst v21  }
0x5b2: {  	v53 =	vor.u32 v6, v52;
	v56 =	vadd.s32 v17, v12;
	v22 =	vld.idx.msk [tilespmem:v45+s26+$0x0], $0xffff;
	[tilespmem:s29+$0x20] =	vst v7  }
0x5b3: {  	v58 =	vadd.s32 v17, v28;
	v57 =	vor.u32 v13, v56;
	v11 =	vld.idx.msk [tilespmem:v47+s26+$0x0], $0xffff;
	[tilespmem:s6+$0x20] =	vst v8  }
0x5b4: {  	v60 =	vadd.s32 v17, v32;
	v59 =	vor.u32 v29, v58;
	[tilespmem:s24+$0x30] =	vst v23;
	v14 =	vld.idx.msk [tilespmem:v50+s26+$0x0], $0xffff  }
0x5b5: {  	v61 =	vadd.s32 v16, v4;
	v62 =	vor.u32 v31, v60;
	v20 =	vld.idx.msk [tilespmem:v51+s26+$0x0], $0xffff;
	[tilespmem:s25+$0x30] =	vst v19  }
0x5b6: {  	v27 =	vadd.s32 v16, v9;
	v63 =	vor.u32 v3, v61;
	v21 =	vld.idx.msk [tilespmem:v55+s26+$0x0], $0xffff;
	[tilespmem:s23+$0x30] =	vst v15  }
0x5b7: {  	v33 =	vor.u32 v10, v27;
	v25 =	vadd.s32 v16, v5;
	v18 =	vld.idx.msk [tilespmem:v53+s26+$0x0], $0xffff;
	[tilespmem:s28+$0x30] =	vst v22  }
0x5b8: {  	v34 =	vadd.s32 v16, v12;
	v26 =	vor.u32 v6, v25;
	v7 =	vld.idx.msk [tilespmem:v57+s26+$0x0], $0xffff;
	[tilespmem:s29+$0x30] =	vst v11  }
0x5b9: {  	v35 =	vor.u32 v13, v34;
	v36 =	vadd.s32 v16, v28;
	v8 =	vld.idx.msk [tilespmem:v59+s26+$0x0], $0xffff;
	[tilespmem:s6+$0x30] =	vst v14  }
0x5ba: {  	v37 =	vor.u32 v29, v36;
	[tilespmem:s24+$0x40] =	vst v20;
	v38 =	vadd.s32 v16, v32;
	v15 =	vld.idx.msk [tilespmem:v62+s26+$0x0], $0xffff  }
0x5bb: {  	v39 =	vadd.s32 v24, v4;
	v17 =	vld.idx.msk [tilespmem:v63+s26+$0x0], $0xffff;
	v16 =	vor.u32 v31, v38;
	[tilespmem:s25+$0x40] =	vst v21  }
0x5bc: {  	v42 =	vadd.s32 v24, v9;
	v40 =	vor.u32 v3, v39;
	v21 =	vld.idx.msk [tilespmem:v33+s26+$0x0], $0xffff;
	[tilespmem:s23+$0x40] =	vst v18  }
0x5bd: {  	v43 =	vor.u32 v10, v42;
	v41 =	vadd.s32 v24, v5;
	v19 =	vld.idx.msk [tilespmem:v26+s26+$0x0], $0xffff;
	[tilespmem:s28+$0x40] =	vst v7  }
0x5be: {  	v44 =	vadd.s32 v24, v12;
	v20 =	vor.u32 v6, v41;
	v11 =	vld.idx.msk [tilespmem:v35+s26+$0x0], $0xffff;
	[tilespmem:s29+$0x40] =	vst v8  }
0x5bf: {  	v46 =	vadd.s32 v24, v28;
	v45 =	vor.u32 v13, v44;
	v14 =	vld.idx.msk [tilespmem:v37+s26+$0x0], $0xffff;
	[tilespmem:s6+$0x40] =	vst v15  }
0x5c0: {  	v48 =	vadd.s32 v24, v32;
	v47 =	vor.u32 v29, v46;
	[tilespmem:s24+$0x50] =	vst v17;
	v16 =	vld.idx.msk [tilespmem:v16+s26+$0x0], $0xffff  }
0x5c1: {  	v49 =	vadd.s32 v30, v4;
	v17 =	vor.u32 v31, v48;
	v18 =	vld.idx.msk [tilespmem:v40+s26+$0x0], $0xffff;
	[tilespmem:s25+$0x50] =	vst v21  }
0x5c2: {  	v3 =	vor.u32 v3, v49;
	v53 =	vadd.s32 v30, v9;
	v52 =	vld.idx.msk [tilespmem:v43+s26+$0x0], $0xffff;
	[tilespmem:s23+$0x50] =	vst v19  }
0x5c3: {  	v51 =	vadd.s32 v30, v5;
	v7 =	vor.u32 v10, v53;
	v50 =	vld.idx.msk [tilespmem:v20+s26+$0x0], $0xffff;
	[tilespmem:s28+$0x50] =	vst v11  }
0x5c4: {  	v54 =	vadd.s32 v30, v12;
	v5 =	vor.u32 v6, v51;
	v8 =	vld.idx.msk [tilespmem:v45+s26+$0x0], $0xffff;
	[tilespmem:s29+$0x50] =	vst v14  }
0x5c5: {  	v56 =	vadd.s32 v30, v28;
	v9 =	vor.u32 v13, v54;
	v55 =	vld.idx.msk [tilespmem:v47+s26+$0x0], $0xffff;
	[tilespmem:s6+$0x50] =	vst v16  }
0x5c6: {  	v58 =	vadd.s32 v30, v32;
	[tilespmem:s24+$0x60] =	vst v18;
	v11 =	vor.u32 v29, v56;
	v57 =	vld.idx.msk [tilespmem:v17+s26+$0x0], $0xffff  }
0x5c7: {  	v59 =	vor.u32 v31, v58;
	v3 =	vld.idx.msk [tilespmem:v3+s26+$0x0], $0xffff;
	[tilespmem:s25+$0x60] =	vst v52  }
0x5c8: {  	v6 =	vld.idx.msk [tilespmem:v7+s26+$0x0], $0xffff;
	[tilespmem:s23+$0x60] =	vst v50  }
0x5c9: {  	v5 =	vld.idx.msk [tilespmem:v5+s26+$0x0], $0xffff;
	[tilespmem:s28+$0x60] =	vst v8  }
0x5ca: {  	v60 =	vld.idx.msk [tilespmem:v9+s26+$0x0], $0xffff;
	[tilespmem:s29+$0x60] =	vst v55  }
0x5cb: {  	v61 =	vld.idx.msk [tilespmem:v11+s26+$0x0], $0xffff;
	[tilespmem:s6+$0x60] =	vst v57  }
0x5cc: {  	[tilespmem:s24+$0x70] =	vst v3;
	v3 =	vld.idx.msk [tilespmem:v59+s26+$0x0], $0xffff  }
0x5cd: {  	[tilespmem:s25+$0x70] =	vst v6  }
0x5ce: {  	[tilespmem:s23+$0x70] =	vst v5  }
0x5cf: {  	[tilespmem:s28+$0x70] =	vst v60  }
0x5d0: {  	[tilespmem:s29+$0x70] =	vst v61  }
0x5d1: {  	[tilespmem:s6+$0x70] =	vst v3  }
0x5d2: {  	v3 =	vld [tilespmem:s22+$0x80];
	_ =	sdelay $0x4  }
0x5d3: {  	v62 =	vshrl.u32 v3, $0x3  }
0x5d4: {  	v4 =	vmul.u32 $0x30, v62  }
0x5d5: {  	v3 =	vand.u32 $0x7, v3  }
0x5d6: {  	v3 =	vor.u32 v3, v4  }
0x5d7: {  	v4 =	vperm.xlane v3, v0;
	_ =	sdelay $0x1  }
0x5d8: {  	v4 =	vadd.s32 v1, v4;
	_ =	sdelay $0x3  }
0x5d9: {  	s12 =	simm.s32 $0x18C00;
	v3 =	vperm.xlane v3, v2  }
0x5da: {  	[hbm4b:s3+s4] =	stream.indirect_vreg.scatter [tilespmem:s12], [sflag:$0x4], $0x80, v4, vm0, $0xb8;
	[tilespmem:$0x1EC00] =	vst v63  }
0x5db: {  	s13 =	simm.s32 $0x19400;
	v3 =	vadd.s32 v1, v3  }
0x5dc: {  	[hbm4b:s9+s4] =	stream.indirect_vreg.scatter [tilespmem:s13], [sflag:$0x4], $0x80, v4, vm0, $0xb8;
	[tilespmem:$0x1EC00] =	vst v63  }
0x5dd: {  	s16 =	simm.s32 $0x19C00  }
0x5de: {  	[hbm4b:s10+s4] =	stream.indirect_vreg.scatter [tilespmem:s16], [sflag:$0x4], $0x80, v4, vm0, $0xb8;
	[tilespmem:$0x1EC00] =	vst v63  }
0x5df: {  	s17 =	simm.s32 $0x1A400  }
0x5e0: {  	[hbm4b:s3+s4] =	stream.indirect_vreg.scatter [tilespmem:s17], [sflag:$0x4], $0x80, v3, vm0, $0xb8;
	[tilespmem:$0x1EC00] =	vst v63  }
0x5e1: {  	s18 =	simm.s32 $0x1AC00  }
0x5e2: {  	[hbm4b:s9+s4] =	stream.indirect_vreg.scatter [tilespmem:s18], [sflag:$0x4], $0x80, v3, vm0, $0xb8;
	[tilespmem:$0x1EC00] =	vst v63  }
0x5e3: {  	s23 =	simm.s32 $0x1B400  }
0x5e4: {  	[hbm4b:s10+s4] =	stream.indirect_vreg.scatter [tilespmem:s23], [sflag:$0x4], $0x80, v3, vm0, $0xb8;
	[tilespmem:$0x1EC00] =	vst v63  }
0x5e5: {  	v3 =	vld [tilespmem:s22+$0x90];
	_ =	sdelay $0x4  }
0x5e6: {  	v63 =	vshrl.u32 v3, $0x3  }
0x5e7: {  	v4 =	vmul.u32 $0x30, v63  }
0x5e8: {  	v3 =	vand.u32 $0x7, v3  }
0x5e9: {  	v3 =	vor.u32 v3, v4  }
0x5ea: {  	v4 =	vperm.xlane v3, v0;
	_ =	sdelay $0x1  }
0x5eb: {  	v4 =	vadd.s32 v1, v4;
	_ =	sdelay $0x3  }
0x5ec: {  	s24 =	simm.s32 $0x1BC00;
	v3 =	vperm.xlane v3, v2  }
0x5ed: {  	[hbm4b:s3+s4] =	stream.indirect_vreg.scatter [tilespmem:s24], [sflag:$0x4], $0x80, v4, vm0, $0xb8;
	[tilespmem:$0x1EC00] =	vst v63  }
0x5ee: {  	s25 =	simm.s32 $0x1C400;
	v3 =	vadd.s32 v1, v3  }
0x5ef: {  	[hbm4b:s9+s4] =	stream.indirect_vreg.scatter [tilespmem:s25], [sflag:$0x4], $0x80, v4, vm0, $0xb8;
	[tilespmem:$0x1EC00] =	vst v63  }
0x5f0: {  	s28 =	simm.s32 $0x1CC00  }
0x5f1: {  	[hbm4b:s10+s4] =	stream.indirect_vreg.scatter [tilespmem:s28], [sflag:$0x4], $0x80, v4, vm0, $0xb8;
	[tilespmem:$0x1EC00] =	vst v63  }
0x5f2: {  	p0 =	seq.s32 s21, $0x11;
	s29 =	simm.s32 $0x1D400  }
0x5f3: {  	[hbm4b:s3+s4] =	stream.indirect_vreg.scatter [tilespmem:s29], [sflag:$0x4], $0x80, v3, vm0, $0xb8;
	[tilespmem:$0x1EC00] =	vst v63  }
.Ltmp11:
0x5f4: {  	_ = 	snop;
	(pc) =	sbr.rel @p0 .LBB2_20-.Ltmp11, $4  }
0x5f5: {  	_ = 	snop  }
0x5f6: {  	[hbm4b:s9+s4] =	stream.indirect_vreg.scatter [tilespmem:s19], [sflag:$0x4], $0x80, v3, vm0, $0xb8;
	[tilespmem:$0x1EC00] =	vst v63  }
0x5f7: {  	_ = 	snop  }
0x5f8: {  	[hbm4b:s10+s4] =	stream.indirect_vreg.scatter [tilespmem:s20], [sflag:$0x4], $0x80, v3, vm0, $0xb8;
	[tilespmem:$0x1EC00] =	vst v63  }
0x5f9: {  	v3 =	vld [tilespmem:s22+$0x180];
	_ =	sdelay $0x4  }
0x5fa: {  	v4 =	vshrl.u32 v3, $0x3  }
0x5fb: {  	v4 =	vmul.u32 $0x30, v4  }
0x5fc: {  	v3 =	vand.u32 $0x7, v3  }
0x5fd: {  	v3 =	vor.u32 v3, v4  }
0x5fe: {  	v4 =	vperm.xlane v3, v0;
	_ =	sdelay $0x1  }
0x5ff: {  	v4 =	vadd.s32 v1, v4;
	_ =	sdelay $0x3  }
0x600: {  	v3 =	vperm.xlane v3, v2  }
0x601: {  	[tilespmem:s26], [sflag:$0x2] =	stream.indirect_vreg.gather [hbm4b:s1+s4], $0x80, v4, vm0, $0xb8;
	[tilespmem:$0x1EC00] =	vst v63  }
0x602: {  	s0 =	simm.s32 $0xB400;
	v3 =	vadd.s32 v1, v3  }
0x603: {  	[tilespmem:s0], [sflag:$0x2] =	stream.indirect_vreg.gather [hbm4b:s7+s4], $0x80, v4, vm0, $0xb8;
	[tilespmem:$0x1EC00] =	vst v63  }
0x604: {  	s13 =	simm.s32 $0xBC00  }
0x605: {  	[tilespmem:s13], [sflag:$0x2] =	stream.indirect_vreg.gather [hbm4b:s8+s4], $0x80, v4, vm0, $0xb8;
	[tilespmem:$0x1EC00] =	vst v63  }
0x606: {  	s16 =	simm.s32 $0xCC00  }
0x607: {  	[tilespmem:s16], [sflag:$0x2] =	stream.indirect_vreg.gather [hbm4b:s1+s4], $0x80, v3, vm0, $0xb8;
	[tilespmem:$0x1EC00] =	vst v63  }
0x608: {  	s17 =	simm.s32 $0xD400  }
0x609: {  	[tilespmem:s17], [sflag:$0x2] =	stream.indirect_vreg.gather [hbm4b:s7+s4], $0x80, v3, vm0, $0xb8;
	[tilespmem:$0x1EC00] =	vst v63  }
0x60a: {  	s18 =	simm.s32 $0xDC00  }
0x60b: {  	[tilespmem:s18], [sflag:$0x2] =	stream.indirect_vreg.gather [hbm4b:s8+s4], $0x80, v3, vm0, $0xb8;
	[tilespmem:$0x1EC00] =	vst v63  }
0x60c: {  	v3 =	vld [tilespmem:s22+$0x190];
	_ =	sdelay $0x4  }
0x60d: {  	v63 =	vshrl.u32 v3, $0x3  }
0x60e: {  	v4 =	vmul.u32 $0x30, v63  }
0x60f: {  	v3 =	vand.u32 $0x7, v3  }
0x610: {  	v3 =	vor.u32 v3, v4  }
0x611: {  	v4 =	vperm.xlane v3, v0;
	_ =	sdelay $0x1  }
0x612: {  	v4 =	vadd.s32 v1, v4;
	_ =	sdelay $0x3  }
0x613: {  	s22 =	simm.s32 $0xEC00;
	v3 =	vperm.xlane v3, v2  }
0x614: {  	[tilespmem:s22], [sflag:$0x2] =	stream.indirect_vreg.gather [hbm4b:s1+s4], $0x80, v4, vm0, $0xb8;
	[tilespmem:$0x1EC00] =	vst v63  }
0x615: {  	s23 =	simm.s32 $0xF400;
	v3 =	vadd.s32 v1, v3  }
0x616: {  	[tilespmem:s23], [sflag:$0x2] =	stream.indirect_vreg.gather [hbm4b:s7+s4], $0x80, v4, vm0, $0xb8;
	[tilespmem:$0x1EC00] =	vst v63  }
0x617: {  	s24 =	simm.s32 $0xFC00  }
0x618: {  	[tilespmem:s24], [sflag:$0x2] =	stream.indirect_vreg.gather [hbm4b:s8+s4], $0x80, v4, vm0, $0xb8;
	[tilespmem:$0x1EC00] =	vst v63  }
0x619: {  	s25 =	simm.s32 $0x10C00  }
0x61a: {  	[tilespmem:s25], [sflag:$0x2] =	stream.indirect_vreg.gather [hbm4b:s1+s4], $0x80, v3, vm0, $0xb8;
	[tilespmem:$0x1EC00] =	vst v63  }
.Ltmp12:
0x61b: {  	_ = 	snop;
	(pc) =	sbr.rel .LBB2_2-.Ltmp12, $4  }
0x61c: {  	s28 =	simm.s32 $0x11400  }
0x61d: {  	[tilespmem:s28], [sflag:$0x2] =	stream.indirect_vreg.gather [hbm4b:s7+s4], $0x80, v3, vm0, $0xb8;
	[tilespmem:$0x1EC00] =	vst v63  }
0x61e: {  	s29 =	simm.s32 $0x11C00;
	s21 =	sadd.s32 $0x1, s21  }
0x61f: {  	[tilespmem:s29], [sflag:$0x2] =	stream.indirect_vreg.gather [hbm4b:s8+s4], $0x80, v3, vm0, $0xb8;
	[tilespmem:$0x1EC00] =	vst v63  }
.LBB2_21:
0x620: {  	_ =	sfence.sel $0x180000  }
0x621: {  	[bflag:$0x0] =	sbarrier.arrive $0xFFFF  }
0x622: {  	_ =	strace $0x90000047  }
0x623: {  	s0 =	stileid.u32;
	[bflag:$0x2] =	sbarrier.arrive $0xFFFF  }
0x624: {  	p0 =	sne.s32 s0, $0x0;
	s0 =	rddreg [dreg:$0x3]  }
0x625: {  	s0 =	sadd.s32 @!p0 $0x100000, s0  }
0x626: {  	[sflag:s0] =	ssyncadd.tile.s32 @!p0 $0x1;
	_ =	shalt  }
.Lfunc_end2:
_tile_overlayer_lowered:
.L_overlay_start_2:
0x627: {  	(tag) =	ssettag $0x2  }
0x628: {  	s0 =	rddreg [dreg:$0x0];
	s2 =	stileid.u32  }
0x629: {  	s1 =	rddreg [dreg:$0x1];
	p0 =	sne.s32 s2, $0x0  }
0x62a: {  	s3 =	rddreg [dreg:$0x2];
	[bflag:$0x3] =	sbarrier.arrive $0xFFFF;
	s2 =	simm.s32 @!p0 $0x1C05  }
0x62b: {  	[timem:s3], [sflag:s2] =	dma.local @!p0 [hbm:s0], s1  }
0x62c: {  	s0 =	simm.s32 @!p0 $0x5  }
0x62d: {  	_ =	swait.ge @!p0 [sflag:s0], s1  }
0x62e: {  	s1 =	ssub.s32 @!p0 $0x0, s1;
	[sflag:s0] =	ssyncset.done @!p0 $0x0  }
0x62f: {  	[sflag:s0] =	ssyncadd.s32 @!p0 s1  }
0x630: {  	[bflag:$0x3] =	sbarrier.arrive $0xFFFF  }
0x631: {  	_ =	shalt  }

</sc_bundles>
